<compile_context>
chip_gen: v7x
topology: tpu7x:2x2x1
jax: 0.10.2.dev20260603
libtpu: 0.0.44.dev20260713+nightly
codegen_flags: <defaults>
</compile_context>

<pallas_src>
import jax
import jax.numpy as jnp
from jax import lax
from jax.experimental import pallas as pl
from jax.experimental.pallas import tpu as pltpu
from jax.experimental.pallas import tpu_sc as plsc

N, C, H, W = 32, 768, 32, 32
HW = H * W
R = N * C
K = 205
ALPHA = 0.6
NC, NS = 2, 16
NW = NC * NS
RPW = R // NW
GPW = RPW // 16
GELEMS = 16 * HW

_PFXMASK = {16: 0xFF000000, 8: 0xFFFF0000, 0: 0xFFFFFF00}

_U = 8
_RU = 8
_SU = 8


def _u2f(u):
    bits = jnp.where(u >= jnp.uint32(0x80000000),
                     u ^ jnp.uint32(0x80000000), ~u)
    return plsc.bitcast(bits, jnp.float32)


def _treesum(vals):
    while len(vals) > 1:
        vals = [a + b for a, b in zip(vals[::2], vals[1::2])] + (
            [vals[-1]] if len(vals) % 2 else [])
    return vals[0]


def _body(x_hbm, out_hbm, xb0, xb1, ub, ha, hb, ob, sem0, sem1):
    wid = lax.axis_index("s") * NC + lax.axis_index("c")
    iota = lax.iota(jnp.int32, 16)
    iota_hw = iota * HW
    ones_i = jnp.ones((16,), jnp.int32)
    zero_i = jnp.zeros((16,), jnp.int32)
    zero_f = jnp.zeros((16,), jnp.float32)
    zero_u = jnp.zeros((16,), jnp.uint32)
    kvec = jnp.full((16,), K, jnp.int32)

    def clr(i, c):
        ha[pl.ds(i * 16, 16)] = zero_i
        hb[pl.ds(i * 16, 16)] = zero_i
        return c
    lax.fori_loop(0, 256, clr, 0)

    def off(g):
        return (wid * GPW + g) * GELEMS

    def copy(g, xb, sem):
        return pltpu.make_async_copy(x_hbm.at[pl.ds(off(g), GELEMS)], xb, sem)

    def scan_hist(h_ref, rem, desc, clear):
        def sbody(i, carry):
            cum, sel, base = carry
            bs = [(255 - (i * _SU + t)) if desc else (i * _SU + t)
                  for t in range(_SU)]
            hs = [h_ref[pl.ds(b * 16, 16)] for b in bs]
            if clear:
                for b in bs:
                    h_ref[pl.ds(b * 16, 16)] = zero_i
            for b, h in zip(bs, hs):
                m = cum < rem
                sel = jnp.where(m, b, sel)
                base = jnp.where(m, cum, base)
                cum = cum + h
            return cum, sel, base
        _, sel, base = lax.fori_loop(0, 256 // _SU, sbody,
                                     (zero_i, zero_i, zero_i))
        return sel.astype(jnp.uint32), base

    skew_const = iota_hw ^ iota

    def work(g, xb):
        def skew_idx(j):
            return skew_const ^ j

        @plsc.parallel_loop(0, HW, step=_U, carry=jnp.int32(0))
        def _p1(i, c):
            js = [i + t for t in range(_U)]
            xs = [plsc.load_gather(xb, [skew_idx(j)]) for j in js]
            ts = [plsc.bitcast(x, jnp.int32) for x in xs]
            ms = [(t >> 31) | jnp.int32(-0x80000000) for t in ts]
            us = [plsc.bitcast(t ^ m, jnp.uint32) for t, m in zip(ts, ms)]
            ds = [(u >> 24).astype(jnp.int32) for u in us]
            idxs = [d * 16 + iota for d in ds]
            for j, u in zip(js, us):
                ub[pl.ds(j * 16, 16)] = u
            for idx in idxs:
                plsc.addupdate_scatter(ha, [idx], ones_i)
            return c

        sel, base = scan_hist(ha, kvec, desc=True, clear=False)
        pfx_hi = sel << 24
        rem_hi = kvec - base
        sel, base = scan_hist(ha, kvec, desc=False, clear=True)
        pfx_lo = sel << 24
        rem_lo = kvec - base

        for shift in (16, 8):
            maskc = jnp.uint32(_PFXMASK[shift])
            @plsc.parallel_loop(0, HW, step=_RU, carry=jnp.int32(0))
            def _refine(i, c, maskc=maskc, shift=shift,
                        pfx_hi=pfx_hi, pfx_lo=pfx_lo):
                js = [i + t for t in range(_RU)]
                us = [ub[pl.ds(j * 16, 16)] for j in js]
                ws = [u & maskc for u in us]
                mhi = [w == pfx_hi for w in ws]
                mlo = [w == pfx_lo for w in ws]
                ds = [((u >> shift) & jnp.uint32(0xFF)).astype(jnp.int32)
                      for u in us]
                idxs = [d * 16 + iota for d in ds]
                for idx, mh, ml in zip(idxs, mhi, mlo):
                    plsc.addupdate_scatter(ha, [idx], ones_i, mask=mh)
                    plsc.addupdate_scatter(hb, [idx], ones_i, mask=ml)
                return c
            sel, base = scan_hist(ha, rem_hi, desc=True, clear=True)
            pfx_hi = pfx_hi | (sel << shift)
            rem_hi = rem_hi - base
            sel, base = scan_hist(hb, rem_lo, desc=False, clear=True)
            pfx_lo = pfx_lo | (sel << shift)
            rem_lo = rem_lo - base

        thi = pfx_hi | jnp.uint32(0xFF)
        tlo = pfx_lo

        @plsc.parallel_loop(0, HW, step=_U, carry=(zero_f, zero_f))
        def fin(i, carry):
            sgt, slt = carry
            js = [i + t for t in range(_U)]
            us = [ub[pl.ds(j * 16, 16)] for j in js]
            xs = [plsc.load_gather(xb, [skew_idx(j)]) for j in js]
            gts = [u > thi for u in us]
            lts = [u < tlo for u in us]
            cg = [jnp.where(m, x, zero_f) for m, x in zip(gts, xs)]
            cl = [jnp.where(m, x, zero_f) for m, x in zip(lts, xs)]
            return sgt + _treesum(cg), slt + _treesum(cl)
        sgt, slt = fin

        topsum = sgt + rem_hi.astype(jnp.float32) * _u2f(pfx_hi | jnp.uint32(0x80))
        botsum = slt + rem_lo.astype(jnp.float32) * _u2f(pfx_lo | jnp.uint32(0x80))
        res = topsum * jnp.float32(1.0 / K) + botsum * jnp.float32(ALPHA / K)
        ob[pl.ds(g * 16, 16)] = res

    copy(0, xb0, sem0).start()
    copy(1, xb1, sem1).start()

    def pair(i, c):
        g0 = i * 2
        copy(g0, xb0, sem0).wait()
        work(g0, xb0)

        @pl.when(i < GPW // 2 - 1)
        def _():
            copy(g0 + 2, xb0, sem0).start()

        g1 = g0 + 1
        copy(g1, xb1, sem1).wait()
        work(g1, xb1)

        @pl.when(i < GPW // 2 - 1)
        def _():
            copy(g1 + 2, xb1, sem1).start()
        return c

    lax.fori_loop(0, GPW // 2, pair, 0)
    pltpu.sync_copy(ob, out_hbm.at[pl.ds(wid * RPW, RPW)])


def _make(interpret=False):
    return pl.kernel(
        _body,
        out_type=jax.ShapeDtypeStruct((R,), jnp.float32),
        mesh=plsc.VectorSubcoreMesh(core_axis_name="c", subcore_axis_name="s",
                                    num_cores=NC, num_subcores=NS),
        scratch_types=[
            pltpu.VMEM((GELEMS,), jnp.float32),
            pltpu.VMEM((GELEMS,), jnp.float32),
            pltpu.VMEM((GELEMS,), jnp.uint32),
            pltpu.VMEM((256 * 16,), jnp.int32),
            pltpu.VMEM((256 * 16,), jnp.int32),
            pltpu.VMEM((RPW,), jnp.float32),
            pltpu.SemaphoreType.DMA,
            pltpu.SemaphoreType.DMA,
        ],
        compiler_params=pltpu.CompilerParams(needs_layout_passes=False),
        interpret=interpret,
    )


_wildcat = _make()


@jax.jit
def kernel(x):
    out = _wildcat(x.reshape(R * HW))
    return out.reshape(N, C)

# --- scband reference (transcript-rebuilt; emitter-appended) ---
"""Pipeline reference for scband-wild-cat-pooling-58420145160604 (READ-ONLY COPY).

The authoritative reference and input builder live on the scoring server;
editing this copy changes nothing except your own understanding.
"""

import jax, jax.numpy as jnp
import numpy as np

KMAX = 0.2
KMIN = 0.2
ALPHA = 0.6

def setup_inputs(seed: int = 0) -> dict:
    key = jax.random.key(seed)
    x = jax.random.normal(key, (32, 768, 32, 32), dtype=jnp.float32)
    return {"x": x}

def reference(x):
    N, C, H, W = x.shape
    activs = x.reshape(N, C, H * W)
    # sort descending along last dim
    activs = -jnp.sort(-activs, axis=-1)
    hw = H * W
    kmax = int(round(hw * KMAX)) if KMAX < 1 else int(KMAX)
    zkmax = jax.lax.dynamic_slice_in_dim(activs, 0, kmax, axis=-1)
    scmax = zkmax.sum(-1) / kmax
    kmin = int(round(hw * KMIN)) if KMIN < 1 else int(KMIN)
    zkmin = jax.lax.dynamic_slice_in_dim(activs, hw - kmin, kmin, axis=-1)
    scmin = zkmin.sum(-1) / kmin
    return scmax + ALPHA * scmin

if __name__ == "__main__":
    import jax
    _d = setup_inputs()
    print(jax.jit(kernel)(*tuple(_d.values())))

</pallas_src>

<mosaic_0001>
#map = affine_map<(d0, d1) -> (0)>
module attributes {stable_mosaic.version = 14 : i64} {
  func.func @_body(%arg0: i32, %arg1: i32, %arg2: memref<25165824xf32, #tpu.memory_space<hbm>>, %arg3: memref<24576xf32, #tpu.memory_space<hbm>>, %arg4: memref<16384xf32, #tpu.memory_space<vmem>>, %arg5: memref<16384xf32, #tpu.memory_space<vmem>>, %arg6: memref<16384xi32, #tpu.memory_space<vmem>>, %arg7: memref<4096xi32, #tpu.memory_space<vmem>>, %arg8: memref<4096xi32, #tpu.memory_space<vmem>>, %arg9: memref<768xf32, #tpu.memory_space<vmem>>, %arg10: memref<!tpu.dma_semaphore, #tpu.memory_space<semaphore_mem>>, %arg11: memref<!tpu.dma_semaphore, #tpu.memory_space<semaphore_mem>>) attributes {dimension_semantics = [#tpu.dimension_semantics<core_parallel>, #tpu.dimension_semantics<subcore_parallel>], iteration_bounds = array<i64: 2, 16>, scalar_prefetch = 0 : i64, scratch_operands = 8 : i64, tpu.core_type = #tpu.core_type<sc_vector_subcore>, window_params = [{transform_indices = #map}, {transform_indices = #map}]} {
    %mul3A = arith.constant 2 : i32
    %mul3A_0 = arith.muli %arg1, %mul3A : i32
    %add3A = arith.addi %mul3A_0, %arg0 : i32
    %iota3A = tpu.iota {dimensions = array<i32: 0>} : vector<16xi32>
    %mul3A_1 = arith.constant 1024 : i32
    %mul3A_2 = vector.broadcast %mul3A_1 : i32 to vector<16xi32>
    %mul3A_3 = arith.muli %iota3A, %mul3A_2 : vector<16xi32>
    %broadcast_in_dim3A = arith.constant 1 : i32
    %broadcast_in_dim3A_4 = vector.broadcast %broadcast_in_dim3A : i32 to vector<16xi32>
    %broadcast_in_dim3A_5 = arith.constant 0 : i32
    %broadcast_in_dim3A_6 = vector.broadcast %broadcast_in_dim3A_5 : i32 to vector<16xi32>
    %broadcast_in_dim3A_7 = arith.constant 0.000000e+00 : f32
    %broadcast_in_dim3A_8 = vector.broadcast %broadcast_in_dim3A_7 : f32 to vector<16xf32>
    %broadcast_in_dim3A_9 = arith.constant 0 : i32
    %broadcast_in_dim3A_10 = vector.broadcast %broadcast_in_dim3A_9 : i32 to vector<16xi32>
    %broadcast_in_dim3A_11 = arith.constant 205 : i32
    %broadcast_in_dim3A_12 = vector.broadcast %broadcast_in_dim3A_11 : i32 to vector<16xi32>
    %scan3A = arith.constant 0 : i32
    %scan3A_13 = arith.constant 0 : i32
    %scan3A_14 = arith.constant 256 : i32
    %scan3A_15 = arith.addi %scan3A_13, %scan3A_14 : i32
    %scan3A_16 = arith.constant 1 : i32
    scf.for %scan3A_41 = %scan3A_13 to %scan3A_15 step %scan3A_16  : i32 {
      %mul3A_42 = arith.constant 16 : i32
      %mul3A_43 = arith.muli %scan3A_41, %mul3A_42 : i32
      %swap3A = arith.index_cast %mul3A_43 : i32 to index
      %swap3A_44 = tpu.vector_load %arg7[%swap3A] {strides = array<i32>} : memref<4096xi32, #tpu.memory_space<vmem>>, vector<16xi32>,
      tpu.vector_store %arg7[%swap3A], %broadcast_in_dim3A_6 {strides = array<i32>} : memref<4096xi32, #tpu.memory_space<vmem>>, vector<16xi32>,
      %mul3A_45 = arith.constant 16 : i32
      %mul3A_46 = arith.muli %scan3A_41, %mul3A_45 : i32
      %swap3A_47 = arith.index_cast %mul3A_46 : i32 to index
      %swap3A_48 = tpu.vector_load %arg8[%swap3A_47] {strides = array<i32>} : memref<4096xi32, #tpu.memory_space<vmem>>, vector<16xi32>,
      tpu.vector_store %arg8[%swap3A_47], %broadcast_in_dim3A_6 {strides = array<i32>} : memref<4096xi32, #tpu.memory_space<vmem>>, vector<16xi32>,
    }
    %scan3A_17 = arith.constant 256 : i32
    %xor3A = arith.xori %mul3A_3, %iota3A : vector<16xi32>
    %mul3A_18 = arith.constant 48 : i32
    %mul3A_19 = arith.muli %add3A, %mul3A_18 : i32
    %add3A_20 = arith.constant 0 : i32
    %add3A_21 = arith.addi %mul3A_19, %add3A_20 : i32
    %mul3A_22 = arith.constant 16384 : i32
    %mul3A_23 = arith.muli %add3A_21, %mul3A_22 : i32
    %dma_start3A = tpu.memref_slice %arg2[%mul3A_23] : memref<25165824xf32, #tpu.memory_space<hbm>> -> memref<16384xf32, #tpu.memory_space<hbm>>
    %dma_start3A_24 = tpu.memref_slice %arg2[%mul3A_23] : memref<25165824xf32, #tpu.memory_space<hbm>> -> memref<16384xf32, #tpu.memory_space<hbm>>
    tpu.enqueue_dma source(%dma_start3A_24 : memref<16384xf32, #tpu.memory_space<hbm>>) target(%arg4 : memref<16384xf32, #tpu.memory_space<vmem>>) target_semaphore(%arg10 : memref<!tpu.dma_semaphore, #tpu.memory_space<semaphore_mem>>)
    %mul3A_25 = arith.constant 48 : i32
    %mul3A_26 = arith.muli %add3A, %mul3A_25 : i32
    %add3A_27 = arith.constant 1 : i32
    %add3A_28 = arith.addi %mul3A_26, %add3A_27 : i32
    %mul3A_29 = arith.constant 16384 : i32
    %mul3A_30 = arith.muli %add3A_28, %mul3A_29 : i32
    %dma_start3A_31 = tpu.memref_slice %arg2[%mul3A_30] : memref<25165824xf32, #tpu.memory_space<hbm>> -> memref<16384xf32, #tpu.memory_space<hbm>>
    %dma_start3A_32 = tpu.memref_slice %arg2[%mul3A_30] : memref<25165824xf32, #tpu.memory_space<hbm>> -> memref<16384xf32, #tpu.memory_space<hbm>>
    tpu.enqueue_dma source(%dma_start3A_32 : memref<16384xf32, #tpu.memory_space<hbm>>) target(%arg5 : memref<16384xf32, #tpu.memory_space<vmem>>) target_semaphore(%arg11 : memref<!tpu.dma_semaphore, #tpu.memory_space<semaphore_mem>>)
    %scan3A_33 = arith.constant 0 : i32
    %scan3A_34 = arith.constant 0 : i32
    %scan3A_35 = arith.constant 24 : i32
    %scan3A_36 = arith.addi %scan3A_34, %scan3A_35 : i32
    %scan3A_37 = arith.constant 1 : i32
    scf.for %scan3A_41 = %scan3A_34 to %scan3A_36 step %scan3A_37  : i32 {
      %mul3A_42 = arith.constant 2 : i32
      %mul3A_43 = arith.muli %scan3A_41, %mul3A_42 : i32
      %mul3A_44 = arith.constant 48 : i32
      %mul3A_45 = arith.muli %add3A, %mul3A_44 : i32
      %add3A_46 = arith.addi %mul3A_45, %mul3A_43 : i32
      %mul3A_47 = arith.constant 16384 : i32
      %mul3A_48 = arith.muli %add3A_46, %mul3A_47 : i32
      %dma_wait3A = tpu.memref_slice %arg2[%mul3A_48] : memref<25165824xf32, #tpu.memory_space<hbm>> -> memref<16384xf32, #tpu.memory_space<hbm>>
      %dma_wait3A_49 = tpu.memref_slice %arg2[%mul3A_48] : memref<25165824xf32, #tpu.memory_space<hbm>> -> memref<16384xf32, #tpu.memory_space<hbm>>
      tpu.wait_dma2 semaphore(%arg10 : memref<!tpu.dma_semaphore, #tpu.memory_space<semaphore_mem>>) src(%dma_wait3A_49 : memref<16384xf32, #tpu.memory_space<hbm>>) dst(%arg4 : memref<16384xf32, #tpu.memory_space<vmem>>)
      %parallel_loop3A = arith.constant 0 : i32
      %parallel_loop3A_50 = arith.constant 1024 : i32
      %parallel_loop3A_51 = arith.constant 8 : i32
      %parallel_loop3A_52 = arith.constant 0 : i32
      %parallel_loop3A_53 = scf.for %parallel_loop3A_319 = %parallel_loop3A to %parallel_loop3A_50 step %parallel_loop3A_51 iter_args(%parallel_loop3A_320 = %parallel_loop3A_52) -> (i32)  : i32 {
        %parallel_loop3A_321 = arith.constant 0 : i32
        %parallel_loop3A_322 = arith.addi %parallel_loop3A_319, %parallel_loop3A_321 : i32
        %parallel_loop3A_323 = arith.constant 1 : i32
        %parallel_loop3A_324 = arith.addi %parallel_loop3A_319, %parallel_loop3A_323 : i32
        %parallel_loop3A_325 = arith.constant 2 : i32
        %parallel_loop3A_326 = arith.addi %parallel_loop3A_319, %parallel_loop3A_325 : i32
        %parallel_loop3A_327 = arith.constant 3 : i32
        %parallel_loop3A_328 = arith.addi %parallel_loop3A_319, %parallel_loop3A_327 : i32
        %parallel_loop3A_329 = arith.constant 4 : i32
        %parallel_loop3A_330 = arith.addi %parallel_loop3A_319, %parallel_loop3A_329 : i32
        %parallel_loop3A_331 = arith.constant 5 : i32
        %parallel_loop3A_332 = arith.addi %parallel_loop3A_319, %parallel_loop3A_331 : i32
        %parallel_loop3A_333 = arith.constant 6 : i32
        %parallel_loop3A_334 = arith.addi %parallel_loop3A_319, %parallel_loop3A_333 : i32
        %parallel_loop3A_335 = arith.constant 7 : i32
        %parallel_loop3A_336 = arith.addi %parallel_loop3A_319, %parallel_loop3A_335 : i32
        %parallel_loop3A_337 = vector.broadcast %parallel_loop3A_322 : i32 to vector<16xi32>
        %parallel_loop3A_338 = arith.xori %xor3A, %parallel_loop3A_337 : vector<16xi32>
        %parallel_loop3A_339 = tpu.vector_load_idx %arg4[%parallel_loop3A_338] : memref<16384xf32, #tpu.memory_space<vmem>>[vector<16xi32>], vector<16xf32>,
        %parallel_loop3A_340 = vector.broadcast %parallel_loop3A_324 : i32 to vector<16xi32>
        %parallel_loop3A_341 = arith.xori %xor3A, %parallel_loop3A_340 : vector<16xi32>
        %parallel_loop3A_342 = tpu.vector_load_idx %arg4[%parallel_loop3A_341] : memref<16384xf32, #tpu.memory_space<vmem>>[vector<16xi32>], vector<16xf32>,
        %parallel_loop3A_343 = vector.broadcast %parallel_loop3A_326 : i32 to vector<16xi32>
        %parallel_loop3A_344 = arith.xori %xor3A, %parallel_loop3A_343 : vector<16xi32>
        %parallel_loop3A_345 = tpu.vector_load_idx %arg4[%parallel_loop3A_344] : memref<16384xf32, #tpu.memory_space<vmem>>[vector<16xi32>], vector<16xf32>,
        %parallel_loop3A_346 = vector.broadcast %parallel_loop3A_328 : i32 to vector<16xi32>
        %parallel_loop3A_347 = arith.xori %xor3A, %parallel_loop3A_346 : vector<16xi32>
        %parallel_loop3A_348 = tpu.vector_load_idx %arg4[%parallel_loop3A_347] : memref<16384xf32, #tpu.memory_space<vmem>>[vector<16xi32>], vector<16xf32>,
        %parallel_loop3A_349 = vector.broadcast %parallel_loop3A_330 : i32 to vector<16xi32>
        %parallel_loop3A_350 = arith.xori %xor3A, %parallel_loop3A_349 : vector<16xi32>
        %parallel_loop3A_351 = tpu.vector_load_idx %arg4[%parallel_loop3A_350] : memref<16384xf32, #tpu.memory_space<vmem>>[vector<16xi32>], vector<16xf32>,
        %parallel_loop3A_352 = vector.broadcast %parallel_loop3A_332 : i32 to vector<16xi32>
        %parallel_loop3A_353 = arith.xori %xor3A, %parallel_loop3A_352 : vector<16xi32>
        %parallel_loop3A_354 = tpu.vector_load_idx %arg4[%parallel_loop3A_353] : memref<16384xf32, #tpu.memory_space<vmem>>[vector<16xi32>], vector<16xf32>,
        %parallel_loop3A_355 = vector.broadcast %parallel_loop3A_334 : i32 to vector<16xi32>
        %parallel_loop3A_356 = arith.xori %xor3A, %parallel_loop3A_355 : vector<16xi32>
        %parallel_loop3A_357 = tpu.vector_load_idx %arg4[%parallel_loop3A_356] : memref<16384xf32, #tpu.memory_space<vmem>>[vector<16xi32>], vector<16xf32>,
        %parallel_loop3A_358 = vector.broadcast %parallel_loop3A_336 : i32 to vector<16xi32>
        %parallel_loop3A_359 = arith.xori %xor3A, %parallel_loop3A_358 : vector<16xi32>
        %parallel_loop3A_360 = tpu.vector_load_idx %arg4[%parallel_loop3A_359] : memref<16384xf32, #tpu.memory_space<vmem>>[vector<16xi32>], vector<16xf32>,
        %parallel_loop3A_361 = vector.bitcast %parallel_loop3A_339 : vector<16xf32> to vector<16xi32>
        %parallel_loop3A_362 = vector.bitcast %parallel_loop3A_342 : vector<16xf32> to vector<16xi32>
        %parallel_loop3A_363 = vector.bitcast %parallel_loop3A_345 : vector<16xf32> to vector<16xi32>
        %parallel_loop3A_364 = vector.bitcast %parallel_loop3A_348 : vector<16xf32> to vector<16xi32>
        %parallel_loop3A_365 = vector.bitcast %parallel_loop3A_351 : vector<16xf32> to vector<16xi32>
        %parallel_loop3A_366 = vector.bitcast %parallel_loop3A_354 : vector<16xf32> to vector<16xi32>
        %parallel_loop3A_367 = vector.bitcast %parallel_loop3A_357 : vector<16xf32> to vector<16xi32>
        %parallel_loop3A_368 = vector.bitcast %parallel_loop3A_360 : vector<16xf32> to vector<16xi32>
        %parallel_loop3A_369 = arith.constant 31 : i32
        %parallel_loop3A_370 = vector.broadcast %parallel_loop3A_369 : i32 to vector<16xi32>
        %parallel_loop3A_371 = arith.shrsi %parallel_loop3A_361, %parallel_loop3A_370 : vector<16xi32>
        %parallel_loop3A_372 = arith.constant -2147483648 : i32
        %parallel_loop3A_373 = vector.broadcast %parallel_loop3A_372 : i32 to vector<16xi32>
        %parallel_loop3A_374 = arith.ori %parallel_loop3A_371, %parallel_loop3A_373 : vector<16xi32>
        %parallel_loop3A_375 = arith.constant 31 : i32
        %parallel_loop3A_376 = vector.broadcast %parallel_loop3A_375 : i32 to vector<16xi32>
        %parallel_loop3A_377 = arith.shrsi %parallel_loop3A_362, %parallel_loop3A_376 : vector<16xi32>
        %parallel_loop3A_378 = arith.constant -2147483648 : i32
        %parallel_loop3A_379 = vector.broadcast %parallel_loop3A_378 : i32 to vector<16xi32>
        %parallel_loop3A_380 = arith.ori %parallel_loop3A_377, %parallel_loop3A_379 : vector<16xi32>
        %parallel_loop3A_381 = arith.constant 31 : i32
        %parallel_loop3A_382 = vector.broadcast %parallel_loop3A_381 : i32 to vector<16xi32>
        %parallel_loop3A_383 = arith.shrsi %parallel_loop3A_363, %parallel_loop3A_382 : vector<16xi32>
        %parallel_loop3A_384 = arith.constant -2147483648 : i32
        %parallel_loop3A_385 = vector.broadcast %parallel_loop3A_384 : i32 to vector<16xi32>
        %parallel_loop3A_386 = arith.ori %parallel_loop3A_383, %parallel_loop3A_385 : vector<16xi32>
        %parallel_loop3A_387 = arith.constant 31 : i32
        %parallel_loop3A_388 = vector.broadcast %parallel_loop3A_387 : i32 to vector<16xi32>
        %parallel_loop3A_389 = arith.shrsi %parallel_loop3A_364, %parallel_loop3A_388 : vector<16xi32>
        %parallel_loop3A_390 = arith.constant -2147483648 : i32
        %parallel_loop3A_391 = vector.broadcast %parallel_loop3A_390 : i32 to vector<16xi32>
        %parallel_loop3A_392 = arith.ori %parallel_loop3A_389, %parallel_loop3A_391 : vector<16xi32>
        %parallel_loop3A_393 = arith.constant 31 : i32
        %parallel_loop3A_394 = vector.broadcast %parallel_loop3A_393 : i32 to vector<16xi32>
        %parallel_loop3A_395 = arith.shrsi %parallel_loop3A_365, %parallel_loop3A_394 : vector<16xi32>
        %parallel_loop3A_396 = arith.constant -2147483648 : i32
        %parallel_loop3A_397 = vector.broadcast %parallel_loop3A_396 : i32 to vector<16xi32>
        %parallel_loop3A_398 = arith.ori %parallel_loop3A_395, %parallel_loop3A_397 : vector<16xi32>
        %parallel_loop3A_399 = arith.constant 31 : i32
        %parallel_loop3A_400 = vector.broadcast %parallel_loop3A_399 : i32 to vector<16xi32>
        %parallel_loop3A_401 = arith.shrsi %parallel_loop3A_366, %parallel_loop3A_400 : vector<16xi32>
        %parallel_loop3A_402 = arith.constant -2147483648 : i32
        %parallel_loop3A_403 = vector.broadcast %parallel_loop3A_402 : i32 to vector<16xi32>
        %parallel_loop3A_404 = arith.ori %parallel_loop3A_401, %parallel_loop3A_403 : vector<16xi32>
        %parallel_loop3A_405 = arith.constant 31 : i32
        %parallel_loop3A_406 = vector.broadcast %parallel_loop3A_405 : i32 to vector<16xi32>
        %parallel_loop3A_407 = arith.shrsi %parallel_loop3A_367, %parallel_loop3A_406 : vector<16xi32>
        %parallel_loop3A_408 = arith.constant -2147483648 : i32
        %parallel_loop3A_409 = vector.broadcast %parallel_loop3A_408 : i32 to vector<16xi32>
        %parallel_loop3A_410 = arith.ori %parallel_loop3A_407, %parallel_loop3A_409 : vector<16xi32>
        %parallel_loop3A_411 = arith.constant 31 : i32
        %parallel_loop3A_412 = vector.broadcast %parallel_loop3A_411 : i32 to vector<16xi32>
        %parallel_loop3A_413 = arith.shrsi %parallel_loop3A_368, %parallel_loop3A_412 : vector<16xi32>
        %parallel_loop3A_414 = arith.constant -2147483648 : i32
        %parallel_loop3A_415 = vector.broadcast %parallel_loop3A_414 : i32 to vector<16xi32>
        %parallel_loop3A_416 = arith.ori %parallel_loop3A_413, %parallel_loop3A_415 : vector<16xi32>
        %parallel_loop3A_417 = arith.xori %parallel_loop3A_361, %parallel_loop3A_374 : vector<16xi32>
        %parallel_loop3A_418 = vector.bitcast %parallel_loop3A_417 : vector<16xi32> to vector<16xi32>
        %parallel_loop3A_419 = arith.xori %parallel_loop3A_362, %parallel_loop3A_380 : vector<16xi32>
        %parallel_loop3A_420 = vector.bitcast %parallel_loop3A_419 : vector<16xi32> to vector<16xi32>
        %parallel_loop3A_421 = arith.xori %parallel_loop3A_363, %parallel_loop3A_386 : vector<16xi32>
        %parallel_loop3A_422 = vector.bitcast %parallel_loop3A_421 : vector<16xi32> to vector<16xi32>
        %parallel_loop3A_423 = arith.xori %parallel_loop3A_364, %parallel_loop3A_392 : vector<16xi32>
        %parallel_loop3A_424 = vector.bitcast %parallel_loop3A_423 : vector<16xi32> to vector<16xi32>
        %parallel_loop3A_425 = arith.xori %parallel_loop3A_365, %parallel_loop3A_398 : vector<16xi32>
        %parallel_loop3A_426 = vector.bitcast %parallel_loop3A_425 : vector<16xi32> to vector<16xi32>
        %parallel_loop3A_427 = arith.xori %parallel_loop3A_366, %parallel_loop3A_404 : vector<16xi32>
        %parallel_loop3A_428 = vector.bitcast %parallel_loop3A_427 : vector<16xi32> to vector<16xi32>
        %parallel_loop3A_429 = arith.xori %parallel_loop3A_367, %parallel_loop3A_410 : vector<16xi32>
        %parallel_loop3A_430 = vector.bitcast %parallel_loop3A_429 : vector<16xi32> to vector<16xi32>
        %parallel_loop3A_431 = arith.xori %parallel_loop3A_368, %parallel_loop3A_416 : vector<16xi32>
        %parallel_loop3A_432 = vector.bitcast %parallel_loop3A_431 : vector<16xi32> to vector<16xi32>
        %parallel_loop3A_433 = arith.constant 24 : i32
        %parallel_loop3A_434 = vector.broadcast %parallel_loop3A_433 : i32 to vector<16xi32>
        %parallel_loop3A_435 = arith.shrui %parallel_loop3A_418, %parallel_loop3A_434 : vector<16xi32>
        %parallel_loop3A_436 = arith.constant 24 : i32
        %parallel_loop3A_437 = vector.broadcast %parallel_loop3A_436 : i32 to vector<16xi32>
        %parallel_loop3A_438 = arith.shrui %parallel_loop3A_420, %parallel_loop3A_437 : vector<16xi32>
        %parallel_loop3A_439 = arith.constant 24 : i32
        %parallel_loop3A_440 = vector.broadcast %parallel_loop3A_439 : i32 to vector<16xi32>
        %parallel_loop3A_441 = arith.shrui %parallel_loop3A_422, %parallel_loop3A_440 : vector<16xi32>
        %parallel_loop3A_442 = arith.constant 24 : i32
        %parallel_loop3A_443 = vector.broadcast %parallel_loop3A_442 : i32 to vector<16xi32>
        %parallel_loop3A_444 = arith.shrui %parallel_loop3A_424, %parallel_loop3A_443 : vector<16xi32>
        %parallel_loop3A_445 = arith.constant 24 : i32
        %parallel_loop3A_446 = vector.broadcast %parallel_loop3A_445 : i32 to vector<16xi32>
        %parallel_loop3A_447 = arith.shrui %parallel_loop3A_426, %parallel_loop3A_446 : vector<16xi32>
        %parallel_loop3A_448 = arith.constant 24 : i32
        %parallel_loop3A_449 = vector.broadcast %parallel_loop3A_448 : i32 to vector<16xi32>
        %parallel_loop3A_450 = arith.shrui %parallel_loop3A_428, %parallel_loop3A_449 : vector<16xi32>
        %parallel_loop3A_451 = arith.constant 24 : i32
        %parallel_loop3A_452 = vector.broadcast %parallel_loop3A_451 : i32 to vector<16xi32>
        %parallel_loop3A_453 = arith.shrui %parallel_loop3A_430, %parallel_loop3A_452 : vector<16xi32>
        %parallel_loop3A_454 = arith.constant 24 : i32
        %parallel_loop3A_455 = vector.broadcast %parallel_loop3A_454 : i32 to vector<16xi32>
        %parallel_loop3A_456 = arith.shrui %parallel_loop3A_432, %parallel_loop3A_455 : vector<16xi32>
        %parallel_loop3A_457 = arith.constant 16 : i32
        %parallel_loop3A_458 = vector.broadcast %parallel_loop3A_457 : i32 to vector<16xi32>
        %parallel_loop3A_459 = arith.muli %parallel_loop3A_435, %parallel_loop3A_458 : vector<16xi32>
        %parallel_loop3A_460 = arith.addi %parallel_loop3A_459, %iota3A : vector<16xi32>
        %parallel_loop3A_461 = arith.constant 16 : i32
        %parallel_loop3A_462 = vector.broadcast %parallel_loop3A_461 : i32 to vector<16xi32>
        %parallel_loop3A_463 = arith.muli %parallel_loop3A_438, %parallel_loop3A_462 : vector<16xi32>
        %parallel_loop3A_464 = arith.addi %parallel_loop3A_463, %iota3A : vector<16xi32>
        %parallel_loop3A_465 = arith.constant 16 : i32
        %parallel_loop3A_466 = vector.broadcast %parallel_loop3A_465 : i32 to vector<16xi32>
        %parallel_loop3A_467 = arith.muli %parallel_loop3A_441, %parallel_loop3A_466 : vector<16xi32>
        %parallel_loop3A_468 = arith.addi %parallel_loop3A_467, %iota3A : vector<16xi32>
        %parallel_loop3A_469 = arith.constant 16 : i32
        %parallel_loop3A_470 = vector.broadcast %parallel_loop3A_469 : i32 to vector<16xi32>
        %parallel_loop3A_471 = arith.muli %parallel_loop3A_444, %parallel_loop3A_470 : vector<16xi32>
        %parallel_loop3A_472 = arith.addi %parallel_loop3A_471, %iota3A : vector<16xi32>
        %parallel_loop3A_473 = arith.constant 16 : i32
        %parallel_loop3A_474 = vector.broadcast %parallel_loop3A_473 : i32 to vector<16xi32>
        %parallel_loop3A_475 = arith.muli %parallel_loop3A_447, %parallel_loop3A_474 : vector<16xi32>
        %parallel_loop3A_476 = arith.addi %parallel_loop3A_475, %iota3A : vector<16xi32>
        %parallel_loop3A_477 = arith.constant 16 : i32
        %parallel_loop3A_478 = vector.broadcast %parallel_loop3A_477 : i32 to vector<16xi32>
        %parallel_loop3A_479 = arith.muli %parallel_loop3A_450, %parallel_loop3A_478 : vector<16xi32>
        %parallel_loop3A_480 = arith.addi %parallel_loop3A_479, %iota3A : vector<16xi32>
        %parallel_loop3A_481 = arith.constant 16 : i32
        %parallel_loop3A_482 = vector.broadcast %parallel_loop3A_481 : i32 to vector<16xi32>
        %parallel_loop3A_483 = arith.muli %parallel_loop3A_453, %parallel_loop3A_482 : vector<16xi32>
        %parallel_loop3A_484 = arith.addi %parallel_loop3A_483, %iota3A : vector<16xi32>
        %parallel_loop3A_485 = arith.constant 16 : i32
        %parallel_loop3A_486 = vector.broadcast %parallel_loop3A_485 : i32 to vector<16xi32>
        %parallel_loop3A_487 = arith.muli %parallel_loop3A_456, %parallel_loop3A_486 : vector<16xi32>
        %parallel_loop3A_488 = arith.addi %parallel_loop3A_487, %iota3A : vector<16xi32>
        %parallel_loop3A_489 = arith.constant 16 : i32
        %parallel_loop3A_490 = arith.muli %parallel_loop3A_322, %parallel_loop3A_489 : i32
        %parallel_loop3A_491 = arith.index_cast %parallel_loop3A_490 : i32 to index
        %parallel_loop3A_492 = tpu.vector_load %arg6[%parallel_loop3A_491] {strides = array<i32>} : memref<16384xi32, #tpu.memory_space<vmem>>, vector<16xi32>,
        tpu.vector_store %arg6[%parallel_loop3A_491], %parallel_loop3A_418 {strides = array<i32>} : memref<16384xi32, #tpu.memory_space<vmem>>, vector<16xi32>,
        %parallel_loop3A_493 = arith.constant 16 : i32
        %parallel_loop3A_494 = arith.muli %parallel_loop3A_324, %parallel_loop3A_493 : i32
        %parallel_loop3A_495 = arith.index_cast %parallel_loop3A_494 : i32 to index
        %parallel_loop3A_496 = tpu.vector_load %arg6[%parallel_loop3A_495] {strides = array<i32>} : memref<16384xi32, #tpu.memory_space<vmem>>, vector<16xi32>,
        tpu.vector_store %arg6[%parallel_loop3A_495], %parallel_loop3A_420 {strides = array<i32>} : memref<16384xi32, #tpu.memory_space<vmem>>, vector<16xi32>,
        %parallel_loop3A_497 = arith.constant 16 : i32
        %parallel_loop3A_498 = arith.muli %parallel_loop3A_326, %parallel_loop3A_497 : i32
        %parallel_loop3A_499 = arith.index_cast %parallel_loop3A_498 : i32 to index
        %parallel_loop3A_500 = tpu.vector_load %arg6[%parallel_loop3A_499] {strides = array<i32>} : memref<16384xi32, #tpu.memory_space<vmem>>, vector<16xi32>,
        tpu.vector_store %arg6[%parallel_loop3A_499], %parallel_loop3A_422 {strides = array<i32>} : memref<16384xi32, #tpu.memory_space<vmem>>, vector<16xi32>,
        %parallel_loop3A_501 = arith.constant 16 : i32
        %parallel_loop3A_502 = arith.muli %parallel_loop3A_328, %parallel_loop3A_501 : i32
        %parallel_loop3A_503 = arith.index_cast %parallel_loop3A_502 : i32 to index
        %parallel_loop3A_504 = tpu.vector_load %arg6[%parallel_loop3A_503] {strides = array<i32>} : memref<16384xi32, #tpu.memory_space<vmem>>, vector<16xi32>,
        tpu.vector_store %arg6[%parallel_loop3A_503], %parallel_loop3A_424 {strides = array<i32>} : memref<16384xi32, #tpu.memory_space<vmem>>, vector<16xi32>,
        %parallel_loop3A_505 = arith.constant 16 : i32
        %parallel_loop3A_506 = arith.muli %parallel_loop3A_330, %parallel_loop3A_505 : i32
        %parallel_loop3A_507 = arith.index_cast %parallel_loop3A_506 : i32 to index
        %parallel_loop3A_508 = tpu.vector_load %arg6[%parallel_loop3A_507] {strides = array<i32>} : memref<16384xi32, #tpu.memory_space<vmem>>, vector<16xi32>,
        tpu.vector_store %arg6[%parallel_loop3A_507], %parallel_loop3A_426 {strides = array<i32>} : memref<16384xi32, #tpu.memory_space<vmem>>, vector<16xi32>,
        %parallel_loop3A_509 = arith.constant 16 : i32
        %parallel_loop3A_510 = arith.muli %parallel_loop3A_332, %parallel_loop3A_509 : i32
        %parallel_loop3A_511 = arith.index_cast %parallel_loop3A_510 : i32 to index
        %parallel_loop3A_512 = tpu.vector_load %arg6[%parallel_loop3A_511] {strides = array<i32>} : memref<16384xi32, #tpu.memory_space<vmem>>, vector<16xi32>,
        tpu.vector_store %arg6[%parallel_loop3A_511], %parallel_loop3A_428 {strides = array<i32>} : memref<16384xi32, #tpu.memory_space<vmem>>, vector<16xi32>,
        %parallel_loop3A_513 = arith.constant 16 : i32
        %parallel_loop3A_514 = arith.muli %parallel_loop3A_334, %parallel_loop3A_513 : i32
        %parallel_loop3A_515 = arith.index_cast %parallel_loop3A_514 : i32 to index
        %parallel_loop3A_516 = tpu.vector_load %arg6[%parallel_loop3A_515] {strides = array<i32>} : memref<16384xi32, #tpu.memory_space<vmem>>, vector<16xi32>,
        tpu.vector_store %arg6[%parallel_loop3A_515], %parallel_loop3A_430 {strides = array<i32>} : memref<16384xi32, #tpu.memory_space<vmem>>, vector<16xi32>,
        %parallel_loop3A_517 = arith.constant 16 : i32
        %parallel_loop3A_518 = arith.muli %parallel_loop3A_336, %parallel_loop3A_517 : i32
        %parallel_loop3A_519 = arith.index_cast %parallel_loop3A_518 : i32 to index
        %parallel_loop3A_520 = tpu.vector_load %arg6[%parallel_loop3A_519] {strides = array<i32>} : memref<16384xi32, #tpu.memory_space<vmem>>, vector<16xi32>,
        tpu.vector_store %arg6[%parallel_loop3A_519], %parallel_loop3A_432 {strides = array<i32>} : memref<16384xi32, #tpu.memory_space<vmem>>, vector<16xi32>,
        tpu.vector_store_idx %arg7[%parallel_loop3A_460], %broadcast_in_dim3A_4 {add = true} : memref<4096xi32, #tpu.memory_space<vmem>>[vector<16xi32>], vector<16xi32>,
        tpu.vector_store_idx %arg7[%parallel_loop3A_464], %broadcast_in_dim3A_4 {add = true} : memref<4096xi32, #tpu.memory_space<vmem>>[vector<16xi32>], vector<16xi32>,
        tpu.vector_store_idx %arg7[%parallel_loop3A_468], %broadcast_in_dim3A_4 {add = true} : memref<4096xi32, #tpu.memory_space<vmem>>[vector<16xi32>], vector<16xi32>,
        tpu.vector_store_idx %arg7[%parallel_loop3A_472], %broadcast_in_dim3A_4 {add = true} : memref<4096xi32, #tpu.memory_space<vmem>>[vector<16xi32>], vector<16xi32>,
        tpu.vector_store_idx %arg7[%parallel_loop3A_476], %broadcast_in_dim3A_4 {add = true} : memref<4096xi32, #tpu.memory_space<vmem>>[vector<16xi32>], vector<16xi32>,
        tpu.vector_store_idx %arg7[%parallel_loop3A_480], %broadcast_in_dim3A_4 {add = true} : memref<4096xi32, #tpu.memory_space<vmem>>[vector<16xi32>], vector<16xi32>,
        tpu.vector_store_idx %arg7[%parallel_loop3A_484], %broadcast_in_dim3A_4 {add = true} : memref<4096xi32, #tpu.memory_space<vmem>>[vector<16xi32>], vector<16xi32>,
        tpu.vector_store_idx %arg7[%parallel_loop3A_488], %broadcast_in_dim3A_4 {add = true} : memref<4096xi32, #tpu.memory_space<vmem>>[vector<16xi32>], vector<16xi32>,
        scf.yield %parallel_loop3A_320 : i32
      } {sc.loop_unroll_factor = 1 : i64, sc.parallel_access}
      %scan3A_54 = arith.constant 0 : i32
      %scan3A_55 = arith.constant 32 : i32
      %scan3A_56 = arith.addi %scan3A_54, %scan3A_55 : i32
      %scan3A_57 = arith.constant 1 : i32
      %scan3A_58:3 = scf.for %scan3A_319 = %scan3A_54 to %scan3A_56 step %scan3A_57 iter_args(%scan3A_320 = %broadcast_in_dim3A_6, %scan3A_321 = %broadcast_in_dim3A_6, %scan3A_322 = %broadcast_in_dim3A_6) -> (vector<16xi32>, vector<16xi32>, vector<16xi32>)  : i32 {
        %mul3A_323 = arith.constant 8 : i32
        %mul3A_324 = arith.muli %scan3A_319, %mul3A_323 : i32
        %add3A_325 = arith.constant 0 : i32
        %add3A_326 = arith.addi %mul3A_324, %add3A_325 : i32
        %sub3A_327 = arith.constant 255 : i32
        %sub3A_328 = arith.subi %sub3A_327, %add3A_326 : i32
        %mul3A_329 = arith.constant 8 : i32
        %mul3A_330 = arith.muli %scan3A_319, %mul3A_329 : i32
        %add3A_331 = arith.constant 1 : i32
        %add3A_332 = arith.addi %mul3A_330, %add3A_331 : i32
        %sub3A_333 = arith.constant 255 : i32
        %sub3A_334 = arith.subi %sub3A_333, %add3A_332 : i32
        %mul3A_335 = arith.constant 8 : i32
        %mul3A_336 = arith.muli %scan3A_319, %mul3A_335 : i32
        %add3A_337 = arith.constant 2 : i32
        %add3A_338 = arith.addi %mul3A_336, %add3A_337 : i32
        %sub3A_339 = arith.constant 255 : i32
        %sub3A_340 = arith.subi %sub3A_339, %add3A_338 : i32
        %mul3A_341 = arith.constant 8 : i32
        %mul3A_342 = arith.muli %scan3A_319, %mul3A_341 : i32
        %add3A_343 = arith.constant 3 : i32
        %add3A_344 = arith.addi %mul3A_342, %add3A_343 : i32
        %sub3A_345 = arith.constant 255 : i32
        %sub3A_346 = arith.subi %sub3A_345, %add3A_344 : i32
        %mul3A_347 = arith.constant 8 : i32
        %mul3A_348 = arith.muli %scan3A_319, %mul3A_347 : i32
        %add3A_349 = arith.constant 4 : i32
        %add3A_350 = arith.addi %mul3A_348, %add3A_349 : i32
        %sub3A_351 = arith.constant 255 : i32
        %sub3A_352 = arith.subi %sub3A_351, %add3A_350 : i32
        %mul3A_353 = arith.constant 8 : i32
        %mul3A_354 = arith.muli %scan3A_319, %mul3A_353 : i32
        %add3A_355 = arith.constant 5 : i32
        %add3A_356 = arith.addi %mul3A_354, %add3A_355 : i32
        %sub3A_357 = arith.constant 255 : i32
        %sub3A_358 = arith.subi %sub3A_357, %add3A_356 : i32
        %mul3A_359 = arith.constant 8 : i32
        %mul3A_360 = arith.muli %scan3A_319, %mul3A_359 : i32
        %add3A_361 = arith.constant 6 : i32
        %add3A_362 = arith.addi %mul3A_360, %add3A_361 : i32
        %sub3A_363 = arith.constant 255 : i32
        %sub3A_364 = arith.subi %sub3A_363, %add3A_362 : i32
        %mul3A_365 = arith.constant 8 : i32
        %mul3A_366 = arith.muli %scan3A_319, %mul3A_365 : i32
        %add3A_367 = arith.constant 7 : i32
        %add3A_368 = arith.addi %mul3A_366, %add3A_367 : i32
        %sub3A_369 = arith.constant 255 : i32
        %sub3A_370 = arith.subi %sub3A_369, %add3A_368 : i32
        %mul3A_371 = arith.constant 16 : i32
        %mul3A_372 = arith.muli %sub3A_328, %mul3A_371 : i32
        %get3A = arith.index_cast %mul3A_372 : i32 to index
        %get3A_373 = tpu.vector_load %arg7[%get3A] {strides = array<i32>} : memref<4096xi32, #tpu.memory_space<vmem>>, vector<16xi32>,
        %mul3A_374 = arith.constant 16 : i32
        %mul3A_375 = arith.muli %sub3A_334, %mul3A_374 : i32
        %get3A_376 = arith.index_cast %mul3A_375 : i32 to index
        %get3A_377 = tpu.vector_load %arg7[%get3A_376] {strides = array<i32>} : memref<4096xi32, #tpu.memory_space<vmem>>, vector<16xi32>,
        %mul3A_378 = arith.constant 16 : i32
        %mul3A_379 = arith.muli %sub3A_340, %mul3A_378 : i32
        %get3A_380 = arith.index_cast %mul3A_379 : i32 to index
        %get3A_381 = tpu.vector_load %arg7[%get3A_380] {strides = array<i32>} : memref<4096xi32, #tpu.memory_space<vmem>>, vector<16xi32>,
        %mul3A_382 = arith.constant 16 : i32
        %mul3A_383 = arith.muli %sub3A_346, %mul3A_382 : i32
        %get3A_384 = arith.index_cast %mul3A_383 : i32 to index
        %get3A_385 = tpu.vector_load %arg7[%get3A_384] {strides = array<i32>} : memref<4096xi32, #tpu.memory_space<vmem>>, vector<16xi32>,
        %mul3A_386 = arith.constant 16 : i32
        %mul3A_387 = arith.muli %sub3A_352, %mul3A_386 : i32
        %get3A_388 = arith.index_cast %mul3A_387 : i32 to index
        %get3A_389 = tpu.vector_load %arg7[%get3A_388] {strides = array<i32>} : memref<4096xi32, #tpu.memory_space<vmem>>, vector<16xi32>,
        %mul3A_390 = arith.constant 16 : i32
        %mul3A_391 = arith.muli %sub3A_358, %mul3A_390 : i32
        %get3A_392 = arith.index_cast %mul3A_391 : i32 to index
        %get3A_393 = tpu.vector_load %arg7[%get3A_392] {strides = array<i32>} : memref<4096xi32, #tpu.memory_space<vmem>>, vector<16xi32>,
        %mul3A_394 = arith.constant 16 : i32
        %mul3A_395 = arith.muli %sub3A_364, %mul3A_394 : i32
        %get3A_396 = arith.index_cast %mul3A_395 : i32 to index
        %get3A_397 = tpu.vector_load %arg7[%get3A_396] {strides = array<i32>} : memref<4096xi32, #tpu.memory_space<vmem>>, vector<16xi32>,
        %mul3A_398 = arith.constant 16 : i32
        %mul3A_399 = arith.muli %sub3A_370, %mul3A_398 : i32
        %get3A_400 = arith.index_cast %mul3A_399 : i32 to index
        %get3A_401 = tpu.vector_load %arg7[%get3A_400] {strides = array<i32>} : memref<4096xi32, #tpu.memory_space<vmem>>, vector<16xi32>,
        %lt3A_402 = arith.cmpi slt, %scan3A_320, %broadcast_in_dim3A_12 : vector<16xi32>
        %broadcast_in_dim3A_403 = vector.broadcast %sub3A_328 : i32 to vector<16xi32>
        %select_n3A_404 = arith.select %lt3A_402, %broadcast_in_dim3A_403, %scan3A_321 : vector<16xi1>, vector<16xi32>
        %select_n3A_405 = arith.select %lt3A_402, %scan3A_320, %scan3A_322 : vector<16xi1>, vector<16xi32>
        %add3A_406 = arith.addi %scan3A_320, %get3A_373 : vector<16xi32>
        %lt3A_407 = arith.cmpi slt, %add3A_406, %broadcast_in_dim3A_12 : vector<16xi32>
        %broadcast_in_dim3A_408 = vector.broadcast %sub3A_334 : i32 to vector<16xi32>
        %select_n3A_409 = arith.select %lt3A_407, %broadcast_in_dim3A_408, %select_n3A_404 : vector<16xi1>, vector<16xi32>
        %select_n3A_410 = arith.select %lt3A_407, %add3A_406, %select_n3A_405 : vector<16xi1>, vector<16xi32>
        %add3A_411 = arith.addi %add3A_406, %get3A_377 : vector<16xi32>
        %lt3A_412 = arith.cmpi slt, %add3A_411, %broadcast_in_dim3A_12 : vector<16xi32>
        %broadcast_in_dim3A_413 = vector.broadcast %sub3A_340 : i32 to vector<16xi32>
        %select_n3A_414 = arith.select %lt3A_412, %broadcast_in_dim3A_413, %select_n3A_409 : vector<16xi1>, vector<16xi32>
        %select_n3A_415 = arith.select %lt3A_412, %add3A_411, %select_n3A_410 : vector<16xi1>, vector<16xi32>
        %add3A_416 = arith.addi %add3A_411, %get3A_381 : vector<16xi32>
        %lt3A_417 = arith.cmpi slt, %add3A_416, %broadcast_in_dim3A_12 : vector<16xi32>
        %broadcast_in_dim3A_418 = vector.broadcast %sub3A_346 : i32 to vector<16xi32>
        %select_n3A_419 = arith.select %lt3A_417, %broadcast_in_dim3A_418, %select_n3A_414 : vector<16xi1>, vector<16xi32>
        %select_n3A_420 = arith.select %lt3A_417, %add3A_416, %select_n3A_415 : vector<16xi1>, vector<16xi32>
        %add3A_421 = arith.addi %add3A_416, %get3A_385 : vector<16xi32>
        %lt3A_422 = arith.cmpi slt, %add3A_421, %broadcast_in_dim3A_12 : vector<16xi32>
        %broadcast_in_dim3A_423 = vector.broadcast %sub3A_352 : i32 to vector<16xi32>
        %select_n3A_424 = arith.select %lt3A_422, %broadcast_in_dim3A_423, %select_n3A_419 : vector<16xi1>, vector<16xi32>
        %select_n3A_425 = arith.select %lt3A_422, %add3A_421, %select_n3A_420 : vector<16xi1>, vector<16xi32>
        %add3A_426 = arith.addi %add3A_421, %get3A_389 : vector<16xi32>
        %lt3A_427 = arith.cmpi slt, %add3A_426, %broadcast_in_dim3A_12 : vector<16xi32>
        %broadcast_in_dim3A_428 = vector.broadcast %sub3A_358 : i32 to vector<16xi32>
        %select_n3A_429 = arith.select %lt3A_427, %broadcast_in_dim3A_428, %select_n3A_424 : vector<16xi1>, vector<16xi32>
        %select_n3A_430 = arith.select %lt3A_427, %add3A_426, %select_n3A_425 : vector<16xi1>, vector<16xi32>
        %add3A_431 = arith.addi %add3A_426, %get3A_393 : vector<16xi32>
        %lt3A_432 = arith.cmpi slt, %add3A_431, %broadcast_in_dim3A_12 : vector<16xi32>
        %broadcast_in_dim3A_433 = vector.broadcast %sub3A_364 : i32 to vector<16xi32>
        %select_n3A_434 = arith.select %lt3A_432, %broadcast_in_dim3A_433, %select_n3A_429 : vector<16xi1>, vector<16xi32>
        %select_n3A_435 = arith.select %lt3A_432, %add3A_431, %select_n3A_430 : vector<16xi1>, vector<16xi32>
        %add3A_436 = arith.addi %add3A_431, %get3A_397 : vector<16xi32>
        %lt3A_437 = arith.cmpi slt, %add3A_436, %broadcast_in_dim3A_12 : vector<16xi32>
        %broadcast_in_dim3A_438 = vector.broadcast %sub3A_370 : i32 to vector<16xi32>
        %select_n3A_439 = arith.select %lt3A_437, %broadcast_in_dim3A_438, %select_n3A_434 : vector<16xi1>, vector<16xi32>
        %select_n3A_440 = arith.select %lt3A_437, %add3A_436, %select_n3A_435 : vector<16xi1>, vector<16xi32>
        %add3A_441 = arith.addi %add3A_436, %get3A_401 : vector<16xi32>
        scf.yield %add3A_441, %select_n3A_439, %select_n3A_440 : vector<16xi32>, vector<16xi32>, vector<16xi32>
      }
      %scan3A_59 = arith.constant 32 : i32
      %shift_left3A = arith.constant 24 : i32
      %shift_left3A_60 = vector.broadcast %shift_left3A : i32 to vector<16xi32>
      %shift_left3A_61 = arith.shli %scan3A_58#1, %shift_left3A_60 : vector<16xi32>
      %sub3A = arith.subi %broadcast_in_dim3A_12, %scan3A_58#2 : vector<16xi32>
      %scan3A_62 = arith.constant 0 : i32
      %scan3A_63 = arith.constant 32 : i32
      %scan3A_64 = arith.addi %scan3A_62, %scan3A_63 : i32
      %scan3A_65 = arith.constant 1 : i32
      %scan3A_66:3 = scf.for %scan3A_319 = %scan3A_62 to %scan3A_64 step %scan3A_65 iter_args(%scan3A_320 = %broadcast_in_dim3A_6, %scan3A_321 = %broadcast_in_dim3A_6, %scan3A_322 = %broadcast_in_dim3A_6) -> (vector<16xi32>, vector<16xi32>, vector<16xi32>)  : i32 {
        %mul3A_323 = arith.constant 8 : i32
        %mul3A_324 = arith.muli %scan3A_319, %mul3A_323 : i32
        %add3A_325 = arith.constant 0 : i32
        %add3A_326 = arith.addi %mul3A_324, %add3A_325 : i32
        %mul3A_327 = arith.constant 8 : i32
        %mul3A_328 = arith.muli %scan3A_319, %mul3A_327 : i32
        %add3A_329 = arith.constant 1 : i32
        %add3A_330 = arith.addi %mul3A_328, %add3A_329 : i32
        %mul3A_331 = arith.constant 8 : i32
        %mul3A_332 = arith.muli %scan3A_319, %mul3A_331 : i32
        %add3A_333 = arith.constant 2 : i32
        %add3A_334 = arith.addi %mul3A_332, %add3A_333 : i32
        %mul3A_335 = arith.constant 8 : i32
        %mul3A_336 = arith.muli %scan3A_319, %mul3A_335 : i32
        %add3A_337 = arith.constant 3 : i32
        %add3A_338 = arith.addi %mul3A_336, %add3A_337 : i32
        %mul3A_339 = arith.constant 8 : i32
        %mul3A_340 = arith.muli %scan3A_319, %mul3A_339 : i32
        %add3A_341 = arith.constant 4 : i32
        %add3A_342 = arith.addi %mul3A_340, %add3A_341 : i32
        %mul3A_343 = arith.constant 8 : i32
        %mul3A_344 = arith.muli %scan3A_319, %mul3A_343 : i32
        %add3A_345 = arith.constant 5 : i32
        %add3A_346 = arith.addi %mul3A_344, %add3A_345 : i32
        %mul3A_347 = arith.constant 8 : i32
        %mul3A_348 = arith.muli %scan3A_319, %mul3A_347 : i32
        %add3A_349 = arith.constant 6 : i32
        %add3A_350 = arith.addi %mul3A_348, %add3A_349 : i32
        %mul3A_351 = arith.constant 8 : i32
        %mul3A_352 = arith.muli %scan3A_319, %mul3A_351 : i32
        %add3A_353 = arith.constant 7 : i32
        %add3A_354 = arith.addi %mul3A_352, %add3A_353 : i32
        %mul3A_355 = arith.constant 16 : i32
        %mul3A_356 = arith.muli %add3A_326, %mul3A_355 : i32
        %get3A = arith.index_cast %mul3A_356 : i32 to index
        %get3A_357 = tpu.vector_load %arg7[%get3A] {strides = array<i32>} : memref<4096xi32, #tpu.memory_space<vmem>>, vector<16xi32>,
        %mul3A_358 = arith.constant 16 : i32
        %mul3A_359 = arith.muli %add3A_330, %mul3A_358 : i32
        %get3A_360 = arith.index_cast %mul3A_359 : i32 to index
        %get3A_361 = tpu.vector_load %arg7[%get3A_360] {strides = array<i32>} : memref<4096xi32, #tpu.memory_space<vmem>>, vector<16xi32>,
        %mul3A_362 = arith.constant 16 : i32
        %mul3A_363 = arith.muli %add3A_334, %mul3A_362 : i32
        %get3A_364 = arith.index_cast %mul3A_363 : i32 to index
        %get3A_365 = tpu.vector_load %arg7[%get3A_364] {strides = array<i32>} : memref<4096xi32, #tpu.memory_space<vmem>>, vector<16xi32>,
        %mul3A_366 = arith.constant 16 : i32
        %mul3A_367 = arith.muli %add3A_338, %mul3A_366 : i32
        %get3A_368 = arith.index_cast %mul3A_367 : i32 to index
        %get3A_369 = tpu.vector_load %arg7[%get3A_368] {strides = array<i32>} : memref<4096xi32, #tpu.memory_space<vmem>>, vector<16xi32>,
        %mul3A_370 = arith.constant 16 : i32
        %mul3A_371 = arith.muli %add3A_342, %mul3A_370 : i32
        %get3A_372 = arith.index_cast %mul3A_371 : i32 to index
        %get3A_373 = tpu.vector_load %arg7[%get3A_372] {strides = array<i32>} : memref<4096xi32, #tpu.memory_space<vmem>>, vector<16xi32>,
        %mul3A_374 = arith.constant 16 : i32
        %mul3A_375 = arith.muli %add3A_346, %mul3A_374 : i32
        %get3A_376 = arith.index_cast %mul3A_375 : i32 to index
        %get3A_377 = tpu.vector_load %arg7[%get3A_376] {strides = array<i32>} : memref<4096xi32, #tpu.memory_space<vmem>>, vector<16xi32>,
        %mul3A_378 = arith.constant 16 : i32
        %mul3A_379 = arith.muli %add3A_350, %mul3A_378 : i32
        %get3A_380 = arith.index_cast %mul3A_379 : i32 to index
        %get3A_381 = tpu.vector_load %arg7[%get3A_380] {strides = array<i32>} : memref<4096xi32, #tpu.memory_space<vmem>>, vector<16xi32>,
        %mul3A_382 = arith.constant 16 : i32
        %mul3A_383 = arith.muli %add3A_354, %mul3A_382 : i32
        %get3A_384 = arith.index_cast %mul3A_383 : i32 to index
        %get3A_385 = tpu.vector_load %arg7[%get3A_384] {strides = array<i32>} : memref<4096xi32, #tpu.memory_space<vmem>>, vector<16xi32>,
        %mul3A_386 = arith.constant 16 : i32
        %mul3A_387 = arith.muli %add3A_326, %mul3A_386 : i32
        %swap3A_388 = arith.index_cast %mul3A_387 : i32 to index
        %swap3A_389 = tpu.vector_load %arg7[%swap3A_388] {strides = array<i32>} : memref<4096xi32, #tpu.memory_space<vmem>>, vector<16xi32>,
        tpu.vector_store %arg7[%swap3A_388], %broadcast_in_dim3A_6 {strides = array<i32>} : memref<4096xi32, #tpu.memory_space<vmem>>, vector<16xi32>,
        %mul3A_390 = arith.constant 16 : i32
        %mul3A_391 = arith.muli %add3A_330, %mul3A_390 : i32
        %swap3A_392 = arith.index_cast %mul3A_391 : i32 to index
        %swap3A_393 = tpu.vector_load %arg7[%swap3A_392] {strides = array<i32>} : memref<4096xi32, #tpu.memory_space<vmem>>, vector<16xi32>,
        tpu.vector_store %arg7[%swap3A_392], %broadcast_in_dim3A_6 {strides = array<i32>} : memref<4096xi32, #tpu.memory_space<vmem>>, vector<16xi32>,
        %mul3A_394 = arith.constant 16 : i32
        %mul3A_395 = arith.muli %add3A_334, %mul3A_394 : i32
        %swap3A_396 = arith.index_cast %mul3A_395 : i32 to index
        %swap3A_397 = tpu.vector_load %arg7[%swap3A_396] {strides = array<i32>} : memref<4096xi32, #tpu.memory_space<vmem>>, vector<16xi32>,
        tpu.vector_store %arg7[%swap3A_396], %broadcast_in_dim3A_6 {strides = array<i32>} : memref<4096xi32, #tpu.memory_space<vmem>>, vector<16xi32>,
        %mul3A_398 = arith.constant 16 : i32
        %mul3A_399 = arith.muli %add3A_338, %mul3A_398 : i32
        %swap3A_400 = arith.index_cast %mul3A_399 : i32 to index
        %swap3A_401 = tpu.vector_load %arg7[%swap3A_400] {strides = array<i32>} : memref<4096xi32, #tpu.memory_space<vmem>>, vector<16xi32>,
        tpu.vector_store %arg7[%swap3A_400], %broadcast_in_dim3A_6 {strides = array<i32>} : memref<4096xi32, #tpu.memory_space<vmem>>, vector<16xi32>,
        %mul3A_402 = arith.constant 16 : i32
        %mul3A_403 = arith.muli %add3A_342, %mul3A_402 : i32
        %swap3A_404 = arith.index_cast %mul3A_403 : i32 to index
        %swap3A_405 = tpu.vector_load %arg7[%swap3A_404] {strides = array<i32>} : memref<4096xi32, #tpu.memory_space<vmem>>, vector<16xi32>,
        tpu.vector_store %arg7[%swap3A_404], %broadcast_in_dim3A_6 {strides = array<i32>} : memref<4096xi32, #tpu.memory_space<vmem>>, vector<16xi32>,
        %mul3A_406 = arith.constant 16 : i32
        %mul3A_407 = arith.muli %add3A_346, %mul3A_406 : i32
        %swap3A_408 = arith.index_cast %mul3A_407 : i32 to index
        %swap3A_409 = tpu.vector_load %arg7[%swap3A_408] {strides = array<i32>} : memref<4096xi32, #tpu.memory_space<vmem>>, vector<16xi32>,
        tpu.vector_store %arg7[%swap3A_408], %broadcast_in_dim3A_6 {strides = array<i32>} : memref<4096xi32, #tpu.memory_space<vmem>>, vector<16xi32>,
        %mul3A_410 = arith.constant 16 : i32
        %mul3A_411 = arith.muli %add3A_350, %mul3A_410 : i32
        %swap3A_412 = arith.index_cast %mul3A_411 : i32 to index
        %swap3A_413 = tpu.vector_load %arg7[%swap3A_412] {strides = array<i32>} : memref<4096xi32, #tpu.memory_space<vmem>>, vector<16xi32>,
        tpu.vector_store %arg7[%swap3A_412], %broadcast_in_dim3A_6 {strides = array<i32>} : memref<4096xi32, #tpu.memory_space<vmem>>, vector<16xi32>,
        %mul3A_414 = arith.constant 16 : i32
        %mul3A_415 = arith.muli %add3A_354, %mul3A_414 : i32
        %swap3A_416 = arith.index_cast %mul3A_415 : i32 to index
        %swap3A_417 = tpu.vector_load %arg7[%swap3A_416] {strides = array<i32>} : memref<4096xi32, #tpu.memory_space<vmem>>, vector<16xi32>,
        tpu.vector_store %arg7[%swap3A_416], %broadcast_in_dim3A_6 {strides = array<i32>} : memref<4096xi32, #tpu.memory_space<vmem>>, vector<16xi32>,
        %lt3A_418 = arith.cmpi slt, %scan3A_320, %broadcast_in_dim3A_12 : vector<16xi32>
        %broadcast_in_dim3A_419 = vector.broadcast %add3A_326 : i32 to vector<16xi32>
        %select_n3A_420 = arith.select %lt3A_418, %broadcast_in_dim3A_419, %scan3A_321 : vector<16xi1>, vector<16xi32>
        %select_n3A_421 = arith.select %lt3A_418, %scan3A_320, %scan3A_322 : vector<16xi1>, vector<16xi32>
        %add3A_422 = arith.addi %scan3A_320, %get3A_357 : vector<16xi32>
        %lt3A_423 = arith.cmpi slt, %add3A_422, %broadcast_in_dim3A_12 : vector<16xi32>
        %broadcast_in_dim3A_424 = vector.broadcast %add3A_330 : i32 to vector<16xi32>
        %select_n3A_425 = arith.select %lt3A_423, %broadcast_in_dim3A_424, %select_n3A_420 : vector<16xi1>, vector<16xi32>
        %select_n3A_426 = arith.select %lt3A_423, %add3A_422, %select_n3A_421 : vector<16xi1>, vector<16xi32>
        %add3A_427 = arith.addi %add3A_422, %get3A_361 : vector<16xi32>
        %lt3A_428 = arith.cmpi slt, %add3A_427, %broadcast_in_dim3A_12 : vector<16xi32>
        %broadcast_in_dim3A_429 = vector.broadcast %add3A_334 : i32 to vector<16xi32>
        %select_n3A_430 = arith.select %lt3A_428, %broadcast_in_dim3A_429, %select_n3A_425 : vector<16xi1>, vector<16xi32>
        %select_n3A_431 = arith.select %lt3A_428, %add3A_427, %select_n3A_426 : vector<16xi1>, vector<16xi32>
        %add3A_432 = arith.addi %add3A_427, %get3A_365 : vector<16xi32>
        %lt3A_433 = arith.cmpi slt, %add3A_432, %broadcast_in_dim3A_12 : vector<16xi32>
        %broadcast_in_dim3A_434 = vector.broadcast %add3A_338 : i32 to vector<16xi32>
        %select_n3A_435 = arith.select %lt3A_433, %broadcast_in_dim3A_434, %select_n3A_430 : vector<16xi1>, vector<16xi32>
        %select_n3A_436 = arith.select %lt3A_433, %add3A_432, %select_n3A_431 : vector<16xi1>, vector<16xi32>
        %add3A_437 = arith.addi %add3A_432, %get3A_369 : vector<16xi32>
        %lt3A_438 = arith.cmpi slt, %add3A_437, %broadcast_in_dim3A_12 : vector<16xi32>
        %broadcast_in_dim3A_439 = vector.broadcast %add3A_342 : i32 to vector<16xi32>
        %select_n3A_440 = arith.select %lt3A_438, %broadcast_in_dim3A_439, %select_n3A_435 : vector<16xi1>, vector<16xi32>
        %select_n3A_441 = arith.select %lt3A_438, %add3A_437, %select_n3A_436 : vector<16xi1>, vector<16xi32>
        %add3A_442 = arith.addi %add3A_437, %get3A_373 : vector<16xi32>
        %lt3A_443 = arith.cmpi slt, %add3A_442, %broadcast_in_dim3A_12 : vector<16xi32>
        %broadcast_in_dim3A_444 = vector.broadcast %add3A_346 : i32 to vector<16xi32>
        %select_n3A_445 = arith.select %lt3A_443, %broadcast_in_dim3A_444, %select_n3A_440 : vector<16xi1>, vector<16xi32>
        %select_n3A_446 = arith.select %lt3A_443, %add3A_442, %select_n3A_441 : vector<16xi1>, vector<16xi32>
        %add3A_447 = arith.addi %add3A_442, %get3A_377 : vector<16xi32>
        %lt3A_448 = arith.cmpi slt, %add3A_447, %broadcast_in_dim3A_12 : vector<16xi32>
        %broadcast_in_dim3A_449 = vector.broadcast %add3A_350 : i32 to vector<16xi32>
        %select_n3A_450 = arith.select %lt3A_448, %broadcast_in_dim3A_449, %select_n3A_445 : vector<16xi1>, vector<16xi32>
        %select_n3A_451 = arith.select %lt3A_448, %add3A_447, %select_n3A_446 : vector<16xi1>, vector<16xi32>
        %add3A_452 = arith.addi %add3A_447, %get3A_381 : vector<16xi32>
        %lt3A_453 = arith.cmpi slt, %add3A_452, %broadcast_in_dim3A_12 : vector<16xi32>
        %broadcast_in_dim3A_454 = vector.broadcast %add3A_354 : i32 to vector<16xi32>
        %select_n3A_455 = arith.select %lt3A_453, %broadcast_in_dim3A_454, %select_n3A_450 : vector<16xi1>, vector<16xi32>
        %select_n3A_456 = arith.select %lt3A_453, %add3A_452, %select_n3A_451 : vector<16xi1>, vector<16xi32>
        %add3A_457 = arith.addi %add3A_452, %get3A_385 : vector<16xi32>
        scf.yield %add3A_457, %select_n3A_455, %select_n3A_456 : vector<16xi32>, vector<16xi32>, vector<16xi32>
      }
      %scan3A_67 = arith.constant 32 : i32
      %shift_left3A_68 = arith.constant 24 : i32
      %shift_left3A_69 = vector.broadcast %shift_left3A_68 : i32 to vector<16xi32>
      %shift_left3A_70 = arith.shli %scan3A_66#1, %shift_left3A_69 : vector<16xi32>
      %sub3A_71 = arith.subi %broadcast_in_dim3A_12, %scan3A_66#2 : vector<16xi32>
      %parallel_loop3A_72 = arith.constant 0 : i32
      %parallel_loop3A_73 = arith.constant 1024 : i32
      %parallel_loop3A_74 = arith.constant 8 : i32
      %parallel_loop3A_75 = arith.constant -16777216 : i32
      %parallel_loop3A_76 = arith.constant 0 : i32
      %parallel_loop3A_77 = scf.for %parallel_loop3A_319 = %parallel_loop3A_72 to %parallel_loop3A_73 step %parallel_loop3A_74 iter_args(%parallel_loop3A_320 = %parallel_loop3A_76) -> (i32)  : i32 {
        %parallel_loop3A_321 = arith.constant 0 : i32
        %parallel_loop3A_322 = arith.addi %parallel_loop3A_319, %parallel_loop3A_321 : i32
        %parallel_loop3A_323 = arith.constant 1 : i32
        %parallel_loop3A_324 = arith.addi %parallel_loop3A_319, %parallel_loop3A_323 : i32
        %parallel_loop3A_325 = arith.constant 2 : i32
        %parallel_loop3A_326 = arith.addi %parallel_loop3A_319, %parallel_loop3A_325 : i32
        %parallel_loop3A_327 = arith.constant 3 : i32
        %parallel_loop3A_328 = arith.addi %parallel_loop3A_319, %parallel_loop3A_327 : i32
        %parallel_loop3A_329 = arith.constant 4 : i32
        %parallel_loop3A_330 = arith.addi %parallel_loop3A_319, %parallel_loop3A_329 : i32
        %parallel_loop3A_331 = arith.constant 5 : i32
        %parallel_loop3A_332 = arith.addi %parallel_loop3A_319, %parallel_loop3A_331 : i32
        %parallel_loop3A_333 = arith.constant 6 : i32
        %parallel_loop3A_334 = arith.addi %parallel_loop3A_319, %parallel_loop3A_333 : i32
        %parallel_loop3A_335 = arith.constant 7 : i32
        %parallel_loop3A_336 = arith.addi %parallel_loop3A_319, %parallel_loop3A_335 : i32
        %parallel_loop3A_337 = arith.constant 16 : i32
        %parallel_loop3A_338 = arith.muli %parallel_loop3A_322, %parallel_loop3A_337 : i32
        %parallel_loop3A_339 = arith.index_cast %parallel_loop3A_338 : i32 to index
        %parallel_loop3A_340 = tpu.vector_load %arg6[%parallel_loop3A_339] {strides = array<i32>} : memref<16384xi32, #tpu.memory_space<vmem>>, vector<16xi32>,
        %parallel_loop3A_341 = arith.constant 16 : i32
        %parallel_loop3A_342 = arith.muli %parallel_loop3A_324, %parallel_loop3A_341 : i32
        %parallel_loop3A_343 = arith.index_cast %parallel_loop3A_342 : i32 to index
        %parallel_loop3A_344 = tpu.vector_load %arg6[%parallel_loop3A_343] {strides = array<i32>} : memref<16384xi32, #tpu.memory_space<vmem>>, vector<16xi32>,
        %parallel_loop3A_345 = arith.constant 16 : i32
        %parallel_loop3A_346 = arith.muli %parallel_loop3A_326, %parallel_loop3A_345 : i32
        %parallel_loop3A_347 = arith.index_cast %parallel_loop3A_346 : i32 to index
        %parallel_loop3A_348 = tpu.vector_load %arg6[%parallel_loop3A_347] {strides = array<i32>} : memref<16384xi32, #tpu.memory_space<vmem>>, vector<16xi32>,
        %parallel_loop3A_349 = arith.constant 16 : i32
        %parallel_loop3A_350 = arith.muli %parallel_loop3A_328, %parallel_loop3A_349 : i32
        %parallel_loop3A_351 = arith.index_cast %parallel_loop3A_350 : i32 to index
        %parallel_loop3A_352 = tpu.vector_load %arg6[%parallel_loop3A_351] {strides = array<i32>} : memref<16384xi32, #tpu.memory_space<vmem>>, vector<16xi32>,
        %parallel_loop3A_353 = arith.constant 16 : i32
        %parallel_loop3A_354 = arith.muli %parallel_loop3A_330, %parallel_loop3A_353 : i32
        %parallel_loop3A_355 = arith.index_cast %parallel_loop3A_354 : i32 to index
        %parallel_loop3A_356 = tpu.vector_load %arg6[%parallel_loop3A_355] {strides = array<i32>} : memref<16384xi32, #tpu.memory_space<vmem>>, vector<16xi32>,
        %parallel_loop3A_357 = arith.constant 16 : i32
        %parallel_loop3A_358 = arith.muli %parallel_loop3A_332, %parallel_loop3A_357 : i32
        %parallel_loop3A_359 = arith.index_cast %parallel_loop3A_358 : i32 to index
        %parallel_loop3A_360 = tpu.vector_load %arg6[%parallel_loop3A_359] {strides = array<i32>} : memref<16384xi32, #tpu.memory_space<vmem>>, vector<16xi32>,
        %parallel_loop3A_361 = arith.constant 16 : i32
        %parallel_loop3A_362 = arith.muli %parallel_loop3A_334, %parallel_loop3A_361 : i32
        %parallel_loop3A_363 = arith.index_cast %parallel_loop3A_362 : i32 to index
        %parallel_loop3A_364 = tpu.vector_load %arg6[%parallel_loop3A_363] {strides = array<i32>} : memref<16384xi32, #tpu.memory_space<vmem>>, vector<16xi32>,
        %parallel_loop3A_365 = arith.constant 16 : i32
        %parallel_loop3A_366 = arith.muli %parallel_loop3A_336, %parallel_loop3A_365 : i32
        %parallel_loop3A_367 = arith.index_cast %parallel_loop3A_366 : i32 to index
        %parallel_loop3A_368 = tpu.vector_load %arg6[%parallel_loop3A_367] {strides = array<i32>} : memref<16384xi32, #tpu.memory_space<vmem>>, vector<16xi32>,
        %parallel_loop3A_369 = vector.broadcast %parallel_loop3A_75 : i32 to vector<16xi32>
        %parallel_loop3A_370 = arith.andi %parallel_loop3A_340, %parallel_loop3A_369 : vector<16xi32>
        %parallel_loop3A_371 = vector.broadcast %parallel_loop3A_75 : i32 to vector<16xi32>
        %parallel_loop3A_372 = arith.andi %parallel_loop3A_344, %parallel_loop3A_371 : vector<16xi32>
        %parallel_loop3A_373 = vector.broadcast %parallel_loop3A_75 : i32 to vector<16xi32>
        %parallel_loop3A_374 = arith.andi %parallel_loop3A_348, %parallel_loop3A_373 : vector<16xi32>
        %parallel_loop3A_375 = vector.broadcast %parallel_loop3A_75 : i32 to vector<16xi32>
        %parallel_loop3A_376 = arith.andi %parallel_loop3A_352, %parallel_loop3A_375 : vector<16xi32>
        %parallel_loop3A_377 = vector.broadcast %parallel_loop3A_75 : i32 to vector<16xi32>
        %parallel_loop3A_378 = arith.andi %parallel_loop3A_356, %parallel_loop3A_377 : vector<16xi32>
        %parallel_loop3A_379 = vector.broadcast %parallel_loop3A_75 : i32 to vector<16xi32>
        %parallel_loop3A_380 = arith.andi %parallel_loop3A_360, %parallel_loop3A_379 : vector<16xi32>
        %parallel_loop3A_381 = vector.broadcast %parallel_loop3A_75 : i32 to vector<16xi32>
        %parallel_loop3A_382 = arith.andi %parallel_loop3A_364, %parallel_loop3A_381 : vector<16xi32>
        %parallel_loop3A_383 = vector.broadcast %parallel_loop3A_75 : i32 to vector<16xi32>
        %parallel_loop3A_384 = arith.andi %parallel_loop3A_368, %parallel_loop3A_383 : vector<16xi32>
        %parallel_loop3A_385 = arith.cmpi eq, %parallel_loop3A_370, %shift_left3A_61 : vector<16xi32>
        %parallel_loop3A_386 = arith.cmpi eq, %parallel_loop3A_372, %shift_left3A_61 : vector<16xi32>
        %parallel_loop3A_387 = arith.cmpi eq, %parallel_loop3A_374, %shift_left3A_61 : vector<16xi32>
        %parallel_loop3A_388 = arith.cmpi eq, %parallel_loop3A_376, %shift_left3A_61 : vector<16xi32>
        %parallel_loop3A_389 = arith.cmpi eq, %parallel_loop3A_378, %shift_left3A_61 : vector<16xi32>
        %parallel_loop3A_390 = arith.cmpi eq, %parallel_loop3A_380, %shift_left3A_61 : vector<16xi32>
        %parallel_loop3A_391 = arith.cmpi eq, %parallel_loop3A_382, %shift_left3A_61 : vector<16xi32>
        %parallel_loop3A_392 = arith.cmpi eq, %parallel_loop3A_384, %shift_left3A_61 : vector<16xi32>
        %parallel_loop3A_393 = arith.cmpi eq, %parallel_loop3A_370, %shift_left3A_70 : vector<16xi32>
        %parallel_loop3A_394 = arith.cmpi eq, %parallel_loop3A_372, %shift_left3A_70 : vector<16xi32>
        %parallel_loop3A_395 = arith.cmpi eq, %parallel_loop3A_374, %shift_left3A_70 : vector<16xi32>
        %parallel_loop3A_396 = arith.cmpi eq, %parallel_loop3A_376, %shift_left3A_70 : vector<16xi32>
        %parallel_loop3A_397 = arith.cmpi eq, %parallel_loop3A_378, %shift_left3A_70 : vector<16xi32>
        %parallel_loop3A_398 = arith.cmpi eq, %parallel_loop3A_380, %shift_left3A_70 : vector<16xi32>
        %parallel_loop3A_399 = arith.cmpi eq, %parallel_loop3A_382, %shift_left3A_70 : vector<16xi32>
        %parallel_loop3A_400 = arith.cmpi eq, %parallel_loop3A_384, %shift_left3A_70 : vector<16xi32>
        %parallel_loop3A_401 = arith.constant 16 : i32
        %parallel_loop3A_402 = vector.broadcast %parallel_loop3A_401 : i32 to vector<16xi32>
        %parallel_loop3A_403 = arith.shrui %parallel_loop3A_340, %parallel_loop3A_402 : vector<16xi32>
        %parallel_loop3A_404 = arith.constant 255 : i32
        %parallel_loop3A_405 = vector.broadcast %parallel_loop3A_404 : i32 to vector<16xi32>
        %parallel_loop3A_406 = arith.andi %parallel_loop3A_403, %parallel_loop3A_405 : vector<16xi32>
        %parallel_loop3A_407 = arith.constant 16 : i32
        %parallel_loop3A_408 = vector.broadcast %parallel_loop3A_407 : i32 to vector<16xi32>
        %parallel_loop3A_409 = arith.shrui %parallel_loop3A_344, %parallel_loop3A_408 : vector<16xi32>
        %parallel_loop3A_410 = arith.constant 255 : i32
        %parallel_loop3A_411 = vector.broadcast %parallel_loop3A_410 : i32 to vector<16xi32>
        %parallel_loop3A_412 = arith.andi %parallel_loop3A_409, %parallel_loop3A_411 : vector<16xi32>
        %parallel_loop3A_413 = arith.constant 16 : i32
        %parallel_loop3A_414 = vector.broadcast %parallel_loop3A_413 : i32 to vector<16xi32>
        %parallel_loop3A_415 = arith.shrui %parallel_loop3A_348, %parallel_loop3A_414 : vector<16xi32>
        %parallel_loop3A_416 = arith.constant 255 : i32
        %parallel_loop3A_417 = vector.broadcast %parallel_loop3A_416 : i32 to vector<16xi32>
        %parallel_loop3A_418 = arith.andi %parallel_loop3A_415, %parallel_loop3A_417 : vector<16xi32>
        %parallel_loop3A_419 = arith.constant 16 : i32
        %parallel_loop3A_420 = vector.broadcast %parallel_loop3A_419 : i32 to vector<16xi32>
        %parallel_loop3A_421 = arith.shrui %parallel_loop3A_352, %parallel_loop3A_420 : vector<16xi32>
        %parallel_loop3A_422 = arith.constant 255 : i32
        %parallel_loop3A_423 = vector.broadcast %parallel_loop3A_422 : i32 to vector<16xi32>
        %parallel_loop3A_424 = arith.andi %parallel_loop3A_421, %parallel_loop3A_423 : vector<16xi32>
        %parallel_loop3A_425 = arith.constant 16 : i32
        %parallel_loop3A_426 = vector.broadcast %parallel_loop3A_425 : i32 to vector<16xi32>
        %parallel_loop3A_427 = arith.shrui %parallel_loop3A_356, %parallel_loop3A_426 : vector<16xi32>
        %parallel_loop3A_428 = arith.constant 255 : i32
        %parallel_loop3A_429 = vector.broadcast %parallel_loop3A_428 : i32 to vector<16xi32>
        %parallel_loop3A_430 = arith.andi %parallel_loop3A_427, %parallel_loop3A_429 : vector<16xi32>
        %parallel_loop3A_431 = arith.constant 16 : i32
        %parallel_loop3A_432 = vector.broadcast %parallel_loop3A_431 : i32 to vector<16xi32>
        %parallel_loop3A_433 = arith.shrui %parallel_loop3A_360, %parallel_loop3A_432 : vector<16xi32>
        %parallel_loop3A_434 = arith.constant 255 : i32
        %parallel_loop3A_435 = vector.broadcast %parallel_loop3A_434 : i32 to vector<16xi32>
        %parallel_loop3A_436 = arith.andi %parallel_loop3A_433, %parallel_loop3A_435 : vector<16xi32>
        %parallel_loop3A_437 = arith.constant 16 : i32
        %parallel_loop3A_438 = vector.broadcast %parallel_loop3A_437 : i32 to vector<16xi32>
        %parallel_loop3A_439 = arith.shrui %parallel_loop3A_364, %parallel_loop3A_438 : vector<16xi32>
        %parallel_loop3A_440 = arith.constant 255 : i32
        %parallel_loop3A_441 = vector.broadcast %parallel_loop3A_440 : i32 to vector<16xi32>
        %parallel_loop3A_442 = arith.andi %parallel_loop3A_439, %parallel_loop3A_441 : vector<16xi32>
        %parallel_loop3A_443 = arith.constant 16 : i32
        %parallel_loop3A_444 = vector.broadcast %parallel_loop3A_443 : i32 to vector<16xi32>
        %parallel_loop3A_445 = arith.shrui %parallel_loop3A_368, %parallel_loop3A_444 : vector<16xi32>
        %parallel_loop3A_446 = arith.constant 255 : i32
        %parallel_loop3A_447 = vector.broadcast %parallel_loop3A_446 : i32 to vector<16xi32>
        %parallel_loop3A_448 = arith.andi %parallel_loop3A_445, %parallel_loop3A_447 : vector<16xi32>
        %parallel_loop3A_449 = arith.constant 16 : i32
        %parallel_loop3A_450 = vector.broadcast %parallel_loop3A_449 : i32 to vector<16xi32>
        %parallel_loop3A_451 = arith.muli %parallel_loop3A_406, %parallel_loop3A_450 : vector<16xi32>
        %parallel_loop3A_452 = arith.addi %parallel_loop3A_451, %iota3A : vector<16xi32>
        %parallel_loop3A_453 = arith.constant 16 : i32
        %parallel_loop3A_454 = vector.broadcast %parallel_loop3A_453 : i32 to vector<16xi32>
        %parallel_loop3A_455 = arith.muli %parallel_loop3A_412, %parallel_loop3A_454 : vector<16xi32>
        %parallel_loop3A_456 = arith.addi %parallel_loop3A_455, %iota3A : vector<16xi32>
        %parallel_loop3A_457 = arith.constant 16 : i32
        %parallel_loop3A_458 = vector.broadcast %parallel_loop3A_457 : i32 to vector<16xi32>
        %parallel_loop3A_459 = arith.muli %parallel_loop3A_418, %parallel_loop3A_458 : vector<16xi32>
        %parallel_loop3A_460 = arith.addi %parallel_loop3A_459, %iota3A : vector<16xi32>
        %parallel_loop3A_461 = arith.constant 16 : i32
        %parallel_loop3A_462 = vector.broadcast %parallel_loop3A_461 : i32 to vector<16xi32>
        %parallel_loop3A_463 = arith.muli %parallel_loop3A_424, %parallel_loop3A_462 : vector<16xi32>
        %parallel_loop3A_464 = arith.addi %parallel_loop3A_463, %iota3A : vector<16xi32>
        %parallel_loop3A_465 = arith.constant 16 : i32
        %parallel_loop3A_466 = vector.broadcast %parallel_loop3A_465 : i32 to vector<16xi32>
        %parallel_loop3A_467 = arith.muli %parallel_loop3A_430, %parallel_loop3A_466 : vector<16xi32>
        %parallel_loop3A_468 = arith.addi %parallel_loop3A_467, %iota3A : vector<16xi32>
        %parallel_loop3A_469 = arith.constant 16 : i32
        %parallel_loop3A_470 = vector.broadcast %parallel_loop3A_469 : i32 to vector<16xi32>
        %parallel_loop3A_471 = arith.muli %parallel_loop3A_436, %parallel_loop3A_470 : vector<16xi32>
        %parallel_loop3A_472 = arith.addi %parallel_loop3A_471, %iota3A : vector<16xi32>
        %parallel_loop3A_473 = arith.constant 16 : i32
        %parallel_loop3A_474 = vector.broadcast %parallel_loop3A_473 : i32 to vector<16xi32>
        %parallel_loop3A_475 = arith.muli %parallel_loop3A_442, %parallel_loop3A_474 : vector<16xi32>
        %parallel_loop3A_476 = arith.addi %parallel_loop3A_475, %iota3A : vector<16xi32>
        %parallel_loop3A_477 = arith.constant 16 : i32
        %parallel_loop3A_478 = vector.broadcast %parallel_loop3A_477 : i32 to vector<16xi32>
        %parallel_loop3A_479 = arith.muli %parallel_loop3A_448, %parallel_loop3A_478 : vector<16xi32>
        %parallel_loop3A_480 = arith.addi %parallel_loop3A_479, %iota3A : vector<16xi32>
        tpu.vector_store_idx %arg7[%parallel_loop3A_452], %broadcast_in_dim3A_4 masked %parallel_loop3A_385 {add = true} : memref<4096xi32, #tpu.memory_space<vmem>>[vector<16xi32>], vector<16xi32>, vector<16xi1>
        tpu.vector_store_idx %arg8[%parallel_loop3A_452], %broadcast_in_dim3A_4 masked %parallel_loop3A_393 {add = true} : memref<4096xi32, #tpu.memory_space<vmem>>[vector<16xi32>], vector<16xi32>, vector<16xi1>
        tpu.vector_store_idx %arg7[%parallel_loop3A_456], %broadcast_in_dim3A_4 masked %parallel_loop3A_386 {add = true} : memref<4096xi32, #tpu.memory_space<vmem>>[vector<16xi32>], vector<16xi32>, vector<16xi1>
        tpu.vector_store_idx %arg8[%parallel_loop3A_456], %broadcast_in_dim3A_4 masked %parallel_loop3A_394 {add = true} : memref<4096xi32, #tpu.memory_space<vmem>>[vector<16xi32>], vector<16xi32>, vector<16xi1>
        tpu.vector_store_idx %arg7[%parallel_loop3A_460], %broadcast_in_dim3A_4 masked %parallel_loop3A_387 {add = true} : memref<4096xi32, #tpu.memory_space<vmem>>[vector<16xi32>], vector<16xi32>, vector<16xi1>
        tpu.vector_store_idx %arg8[%parallel_loop3A_460], %broadcast_in_dim3A_4 masked %parallel_loop3A_395 {add = true} : memref<4096xi32, #tpu.memory_space<vmem>>[vector<16xi32>], vector<16xi32>, vector<16xi1>
        tpu.vector_store_idx %arg7[%parallel_loop3A_464], %broadcast_in_dim3A_4 masked %parallel_loop3A_388 {add = true} : memref<4096xi32, #tpu.memory_space<vmem>>[vector<16xi32>], vector<16xi32>, vector<16xi1>
        tpu.vector_store_idx %arg8[%parallel_loop3A_464], %broadcast_in_dim3A_4 masked %parallel_loop3A_396 {add = true} : memref<4096xi32, #tpu.memory_space<vmem>>[vector<16xi32>], vector<16xi32>, vector<16xi1>
        tpu.vector_store_idx %arg7[%parallel_loop3A_468], %broadcast_in_dim3A_4 masked %parallel_loop3A_389 {add = true} : memref<4096xi32, #tpu.memory_space<vmem>>[vector<16xi32>], vector<16xi32>, vector<16xi1>
        tpu.vector_store_idx %arg8[%parallel_loop3A_468], %broadcast_in_dim3A_4 masked %parallel_loop3A_397 {add = true} : memref<4096xi32, #tpu.memory_space<vmem>>[vector<16xi32>], vector<16xi32>, vector<16xi1>
        tpu.vector_store_idx %arg7[%parallel_loop3A_472], %broadcast_in_dim3A_4 masked %parallel_loop3A_390 {add = true} : memref<4096xi32, #tpu.memory_space<vmem>>[vector<16xi32>], vector<16xi32>, vector<16xi1>
        tpu.vector_store_idx %arg8[%parallel_loop3A_472], %broadcast_in_dim3A_4 masked %parallel_loop3A_398 {add = true} : memref<4096xi32, #tpu.memory_space<vmem>>[vector<16xi32>], vector<16xi32>, vector<16xi1>
        tpu.vector_store_idx %arg7[%parallel_loop3A_476], %broadcast_in_dim3A_4 masked %parallel_loop3A_391 {add = true} : memref<4096xi32, #tpu.memory_space<vmem>>[vector<16xi32>], vector<16xi32>, vector<16xi1>
        tpu.vector_store_idx %arg8[%parallel_loop3A_476], %broadcast_in_dim3A_4 masked %parallel_loop3A_399 {add = true} : memref<4096xi32, #tpu.memory_space<vmem>>[vector<16xi32>], vector<16xi32>, vector<16xi1>
        tpu.vector_store_idx %arg7[%parallel_loop3A_480], %broadcast_in_dim3A_4 masked %parallel_loop3A_392 {add = true} : memref<4096xi32, #tpu.memory_space<vmem>>[vector<16xi32>], vector<16xi32>, vector<16xi1>
        tpu.vector_store_idx %arg8[%parallel_loop3A_480], %broadcast_in_dim3A_4 masked %parallel_loop3A_400 {add = true} : memref<4096xi32, #tpu.memory_space<vmem>>[vector<16xi32>], vector<16xi32>, vector<16xi1>
        scf.yield %parallel_loop3A_320 : i32
      } {sc.loop_unroll_factor = 1 : i64, sc.parallel_access}
      %scan3A_78 = arith.constant 0 : i32
      %scan3A_79 = arith.constant 32 : i32
      %scan3A_80 = arith.addi %scan3A_78, %scan3A_79 : i32
      %scan3A_81 = arith.constant 1 : i32
      %scan3A_82:3 = scf.for %scan3A_319 = %scan3A_78 to %scan3A_80 step %scan3A_81 iter_args(%scan3A_320 = %broadcast_in_dim3A_6, %scan3A_321 = %broadcast_in_dim3A_6, %scan3A_322 = %broadcast_in_dim3A_6) -> (vector<16xi32>, vector<16xi32>, vector<16xi32>)  : i32 {
        %mul3A_323 = arith.constant 8 : i32
        %mul3A_324 = arith.muli %scan3A_319, %mul3A_323 : i32
        %add3A_325 = arith.constant 0 : i32
        %add3A_326 = arith.addi %mul3A_324, %add3A_325 : i32
        %sub3A_327 = arith.constant 255 : i32
        %sub3A_328 = arith.subi %sub3A_327, %add3A_326 : i32
        %mul3A_329 = arith.constant 8 : i32
        %mul3A_330 = arith.muli %scan3A_319, %mul3A_329 : i32
        %add3A_331 = arith.constant 1 : i32
        %add3A_332 = arith.addi %mul3A_330, %add3A_331 : i32
        %sub3A_333 = arith.constant 255 : i32
        %sub3A_334 = arith.subi %sub3A_333, %add3A_332 : i32
        %mul3A_335 = arith.constant 8 : i32
        %mul3A_336 = arith.muli %scan3A_319, %mul3A_335 : i32
        %add3A_337 = arith.constant 2 : i32
        %add3A_338 = arith.addi %mul3A_336, %add3A_337 : i32
        %sub3A_339 = arith.constant 255 : i32
        %sub3A_340 = arith.subi %sub3A_339, %add3A_338 : i32
        %mul3A_341 = arith.constant 8 : i32
        %mul3A_342 = arith.muli %scan3A_319, %mul3A_341 : i32
        %add3A_343 = arith.constant 3 : i32
        %add3A_344 = arith.addi %mul3A_342, %add3A_343 : i32
        %sub3A_345 = arith.constant 255 : i32
        %sub3A_346 = arith.subi %sub3A_345, %add3A_344 : i32
        %mul3A_347 = arith.constant 8 : i32
        %mul3A_348 = arith.muli %scan3A_319, %mul3A_347 : i32
        %add3A_349 = arith.constant 4 : i32
        %add3A_350 = arith.addi %mul3A_348, %add3A_349 : i32
        %sub3A_351 = arith.constant 255 : i32
        %sub3A_352 = arith.subi %sub3A_351, %add3A_350 : i32
        %mul3A_353 = arith.constant 8 : i32
        %mul3A_354 = arith.muli %scan3A_319, %mul3A_353 : i32
        %add3A_355 = arith.constant 5 : i32
        %add3A_356 = arith.addi %mul3A_354, %add3A_355 : i32
        %sub3A_357 = arith.constant 255 : i32
        %sub3A_358 = arith.subi %sub3A_357, %add3A_356 : i32
        %mul3A_359 = arith.constant 8 : i32
        %mul3A_360 = arith.muli %scan3A_319, %mul3A_359 : i32
        %add3A_361 = arith.constant 6 : i32
        %add3A_362 = arith.addi %mul3A_360, %add3A_361 : i32
        %sub3A_363 = arith.constant 255 : i32
        %sub3A_364 = arith.subi %sub3A_363, %add3A_362 : i32
        %mul3A_365 = arith.constant 8 : i32
        %mul3A_366 = arith.muli %scan3A_319, %mul3A_365 : i32
        %add3A_367 = arith.constant 7 : i32
        %add3A_368 = arith.addi %mul3A_366, %add3A_367 : i32
        %sub3A_369 = arith.constant 255 : i32
        %sub3A_370 = arith.subi %sub3A_369, %add3A_368 : i32
        %mul3A_371 = arith.constant 16 : i32
        %mul3A_372 = arith.muli %sub3A_328, %mul3A_371 : i32
        %get3A = arith.index_cast %mul3A_372 : i32 to index
        %get3A_373 = tpu.vector_load %arg7[%get3A] {strides = array<i32>} : memref<4096xi32, #tpu.memory_space<vmem>>, vector<16xi32>,
        %mul3A_374 = arith.constant 16 : i32
        %mul3A_375 = arith.muli %sub3A_334, %mul3A_374 : i32
        %get3A_376 = arith.index_cast %mul3A_375 : i32 to index
        %get3A_377 = tpu.vector_load %arg7[%get3A_376] {strides = array<i32>} : memref<4096xi32, #tpu.memory_space<vmem>>, vector<16xi32>,
        %mul3A_378 = arith.constant 16 : i32
        %mul3A_379 = arith.muli %sub3A_340, %mul3A_378 : i32
        %get3A_380 = arith.index_cast %mul3A_379 : i32 to index
        %get3A_381 = tpu.vector_load %arg7[%get3A_380] {strides = array<i32>} : memref<4096xi32, #tpu.memory_space<vmem>>, vector<16xi32>,
        %mul3A_382 = arith.constant 16 : i32
        %mul3A_383 = arith.muli %sub3A_346, %mul3A_382 : i32
        %get3A_384 = arith.index_cast %mul3A_383 : i32 to index
        %get3A_385 = tpu.vector_load %arg7[%get3A_384] {strides = array<i32>} : memref<4096xi32, #tpu.memory_space<vmem>>, vector<16xi32>,
        %mul3A_386 = arith.constant 16 : i32
        %mul3A_387 = arith.muli %sub3A_352, %mul3A_386 : i32
        %get3A_388 = arith.index_cast %mul3A_387 : i32 to index
        %get3A_389 = tpu.vector_load %arg7[%get3A_388] {strides = array<i32>} : memref<4096xi32, #tpu.memory_space<vmem>>, vector<16xi32>,
        %mul3A_390 = arith.constant 16 : i32
        %mul3A_391 = arith.muli %sub3A_358, %mul3A_390 : i32
        %get3A_392 = arith.index_cast %mul3A_391 : i32 to index
        %get3A_393 = tpu.vector_load %arg7[%get3A_392] {strides = array<i32>} : memref<4096xi32, #tpu.memory_space<vmem>>, vector<16xi32>,
        %mul3A_394 = arith.constant 16 : i32
        %mul3A_395 = arith.muli %sub3A_364, %mul3A_394 : i32
        %get3A_396 = arith.index_cast %mul3A_395 : i32 to index
        %get3A_397 = tpu.vector_load %arg7[%get3A_396] {strides = array<i32>} : memref<4096xi32, #tpu.memory_space<vmem>>, vector<16xi32>,
        %mul3A_398 = arith.constant 16 : i32
        %mul3A_399 = arith.muli %sub3A_370, %mul3A_398 : i32
        %get3A_400 = arith.index_cast %mul3A_399 : i32 to index
        %get3A_401 = tpu.vector_load %arg7[%get3A_400] {strides = array<i32>} : memref<4096xi32, #tpu.memory_space<vmem>>, vector<16xi32>,
        %mul3A_402 = arith.constant 16 : i32
        %mul3A_403 = arith.muli %sub3A_328, %mul3A_402 : i32
        %swap3A_404 = arith.index_cast %mul3A_403 : i32 to index
        %swap3A_405 = tpu.vector_load %arg7[%swap3A_404] {strides = array<i32>} : memref<4096xi32, #tpu.memory_space<vmem>>, vector<16xi32>,
        tpu.vector_store %arg7[%swap3A_404], %broadcast_in_dim3A_6 {strides = array<i32>} : memref<4096xi32, #tpu.memory_space<vmem>>, vector<16xi32>,
        %mul3A_406 = arith.constant 16 : i32
        %mul3A_407 = arith.muli %sub3A_334, %mul3A_406 : i32
        %swap3A_408 = arith.index_cast %mul3A_407 : i32 to index
        %swap3A_409 = tpu.vector_load %arg7[%swap3A_408] {strides = array<i32>} : memref<4096xi32, #tpu.memory_space<vmem>>, vector<16xi32>,
        tpu.vector_store %arg7[%swap3A_408], %broadcast_in_dim3A_6 {strides = array<i32>} : memref<4096xi32, #tpu.memory_space<vmem>>, vector<16xi32>,
        %mul3A_410 = arith.constant 16 : i32
        %mul3A_411 = arith.muli %sub3A_340, %mul3A_410 : i32
        %swap3A_412 = arith.index_cast %mul3A_411 : i32 to index
        %swap3A_413 = tpu.vector_load %arg7[%swap3A_412] {strides = array<i32>} : memref<4096xi32, #tpu.memory_space<vmem>>, vector<16xi32>,
        tpu.vector_store %arg7[%swap3A_412], %broadcast_in_dim3A_6 {strides = array<i32>} : memref<4096xi32, #tpu.memory_space<vmem>>, vector<16xi32>,
        %mul3A_414 = arith.constant 16 : i32
        %mul3A_415 = arith.muli %sub3A_346, %mul3A_414 : i32
        %swap3A_416 = arith.index_cast %mul3A_415 : i32 to index
        %swap3A_417 = tpu.vector_load %arg7[%swap3A_416] {strides = array<i32>} : memref<4096xi32, #tpu.memory_space<vmem>>, vector<16xi32>,
        tpu.vector_store %arg7[%swap3A_416], %broadcast_in_dim3A_6 {strides = array<i32>} : memref<4096xi32, #tpu.memory_space<vmem>>, vector<16xi32>,
        %mul3A_418 = arith.constant 16 : i32
        %mul3A_419 = arith.muli %sub3A_352, %mul3A_418 : i32
        %swap3A_420 = arith.index_cast %mul3A_419 : i32 to index
        %swap3A_421 = tpu.vector_load %arg7[%swap3A_420] {strides = array<i32>} : memref<4096xi32, #tpu.memory_space<vmem>>, vector<16xi32>,
        tpu.vector_store %arg7[%swap3A_420], %broadcast_in_dim3A_6 {strides = array<i32>} : memref<4096xi32, #tpu.memory_space<vmem>>, vector<16xi32>,
        %mul3A_422 = arith.constant 16 : i32
        %mul3A_423 = arith.muli %sub3A_358, %mul3A_422 : i32
        %swap3A_424 = arith.index_cast %mul3A_423 : i32 to index
        %swap3A_425 = tpu.vector_load %arg7[%swap3A_424] {strides = array<i32>} : memref<4096xi32, #tpu.memory_space<vmem>>, vector<16xi32>,
        tpu.vector_store %arg7[%swap3A_424], %broadcast_in_dim3A_6 {strides = array<i32>} : memref<4096xi32, #tpu.memory_space<vmem>>, vector<16xi32>,
        %mul3A_426 = arith.constant 16 : i32
        %mul3A_427 = arith.muli %sub3A_364, %mul3A_426 : i32
        %swap3A_428 = arith.index_cast %mul3A_427 : i32 to index
        %swap3A_429 = tpu.vector_load %arg7[%swap3A_428] {strides = array<i32>} : memref<4096xi32, #tpu.memory_space<vmem>>, vector<16xi32>,
        tpu.vector_store %arg7[%swap3A_428], %broadcast_in_dim3A_6 {strides = array<i32>} : memref<4096xi32, #tpu.memory_space<vmem>>, vector<16xi32>,
        %mul3A_430 = arith.constant 16 : i32
        %mul3A_431 = arith.muli %sub3A_370, %mul3A_430 : i32
        %swap3A_432 = arith.index_cast %mul3A_431 : i32 to index
        %swap3A_433 = tpu.vector_load %arg7[%swap3A_432] {strides = array<i32>} : memref<4096xi32, #tpu.memory_space<vmem>>, vector<16xi32>,
        tpu.vector_store %arg7[%swap3A_432], %broadcast_in_dim3A_6 {strides = array<i32>} : memref<4096xi32, #tpu.memory_space<vmem>>, vector<16xi32>,
        %lt3A_434 = arith.cmpi slt, %scan3A_320, %sub3A : vector<16xi32>
        %broadcast_in_dim3A_435 = vector.broadcast %sub3A_328 : i32 to vector<16xi32>
        %select_n3A_436 = arith.select %lt3A_434, %broadcast_in_dim3A_435, %scan3A_321 : vector<16xi1>, vector<16xi32>
        %select_n3A_437 = arith.select %lt3A_434, %scan3A_320, %scan3A_322 : vector<16xi1>, vector<16xi32>
        %add3A_438 = arith.addi %scan3A_320, %get3A_373 : vector<16xi32>
        %lt3A_439 = arith.cmpi slt, %add3A_438, %sub3A : vector<16xi32>
        %broadcast_in_dim3A_440 = vector.broadcast %sub3A_334 : i32 to vector<16xi32>
        %select_n3A_441 = arith.select %lt3A_439, %broadcast_in_dim3A_440, %select_n3A_436 : vector<16xi1>, vector<16xi32>
        %select_n3A_442 = arith.select %lt3A_439, %add3A_438, %select_n3A_437 : vector<16xi1>, vector<16xi32>
        %add3A_443 = arith.addi %add3A_438, %get3A_377 : vector<16xi32>
        %lt3A_444 = arith.cmpi slt, %add3A_443, %sub3A : vector<16xi32>
        %broadcast_in_dim3A_445 = vector.broadcast %sub3A_340 : i32 to vector<16xi32>
        %select_n3A_446 = arith.select %lt3A_444, %broadcast_in_dim3A_445, %select_n3A_441 : vector<16xi1>, vector<16xi32>
        %select_n3A_447 = arith.select %lt3A_444, %add3A_443, %select_n3A_442 : vector<16xi1>, vector<16xi32>
        %add3A_448 = arith.addi %add3A_443, %get3A_381 : vector<16xi32>
        %lt3A_449 = arith.cmpi slt, %add3A_448, %sub3A : vector<16xi32>
        %broadcast_in_dim3A_450 = vector.broadcast %sub3A_346 : i32 to vector<16xi32>
        %select_n3A_451 = arith.select %lt3A_449, %broadcast_in_dim3A_450, %select_n3A_446 : vector<16xi1>, vector<16xi32>
        %select_n3A_452 = arith.select %lt3A_449, %add3A_448, %select_n3A_447 : vector<16xi1>, vector<16xi32>
        %add3A_453 = arith.addi %add3A_448, %get3A_385 : vector<16xi32>
        %lt3A_454 = arith.cmpi slt, %add3A_453, %sub3A : vector<16xi32>
        %broadcast_in_dim3A_455 = vector.broadcast %sub3A_352 : i32 to vector<16xi32>
        %select_n3A_456 = arith.select %lt3A_454, %broadcast_in_dim3A_455, %select_n3A_451 : vector<16xi1>, vector<16xi32>
        %select_n3A_457 = arith.select %lt3A_454, %add3A_453, %select_n3A_452 : vector<16xi1>, vector<16xi32>
        %add3A_458 = arith.addi %add3A_453, %get3A_389 : vector<16xi32>
        %lt3A_459 = arith.cmpi slt, %add3A_458, %sub3A : vector<16xi32>
        %broadcast_in_dim3A_460 = vector.broadcast %sub3A_358 : i32 to vector<16xi32>
        %select_n3A_461 = arith.select %lt3A_459, %broadcast_in_dim3A_460, %select_n3A_456 : vector<16xi1>, vector<16xi32>
        %select_n3A_462 = arith.select %lt3A_459, %add3A_458, %select_n3A_457 : vector<16xi1>, vector<16xi32>
        %add3A_463 = arith.addi %add3A_458, %get3A_393 : vector<16xi32>
        %lt3A_464 = arith.cmpi slt, %add3A_463, %sub3A : vector<16xi32>
        %broadcast_in_dim3A_465 = vector.broadcast %sub3A_364 : i32 to vector<16xi32>
        %select_n3A_466 = arith.select %lt3A_464, %broadcast_in_dim3A_465, %select_n3A_461 : vector<16xi1>, vector<16xi32>
        %select_n3A_467 = arith.select %lt3A_464, %add3A_463, %select_n3A_462 : vector<16xi1>, vector<16xi32>
        %add3A_468 = arith.addi %add3A_463, %get3A_397 : vector<16xi32>
        %lt3A_469 = arith.cmpi slt, %add3A_468, %sub3A : vector<16xi32>
        %broadcast_in_dim3A_470 = vector.broadcast %sub3A_370 : i32 to vector<16xi32>
        %select_n3A_471 = arith.select %lt3A_469, %broadcast_in_dim3A_470, %select_n3A_466 : vector<16xi1>, vector<16xi32>
        %select_n3A_472 = arith.select %lt3A_469, %add3A_468, %select_n3A_467 : vector<16xi1>, vector<16xi32>
        %add3A_473 = arith.addi %add3A_468, %get3A_401 : vector<16xi32>
        scf.yield %add3A_473, %select_n3A_471, %select_n3A_472 : vector<16xi32>, vector<16xi32>, vector<16xi32>
      }
      %scan3A_83 = arith.constant 32 : i32
      %shift_left3A_84 = arith.constant 16 : i32
      %shift_left3A_85 = vector.broadcast %shift_left3A_84 : i32 to vector<16xi32>
      %shift_left3A_86 = arith.shli %scan3A_82#1, %shift_left3A_85 : vector<16xi32>
      %or3A = arith.ori %shift_left3A_61, %shift_left3A_86 : vector<16xi32>
      %sub3A_87 = arith.subi %sub3A, %scan3A_82#2 : vector<16xi32>
      %scan3A_88 = arith.constant 0 : i32
      %scan3A_89 = arith.constant 32 : i32
      %scan3A_90 = arith.addi %scan3A_88, %scan3A_89 : i32
      %scan3A_91 = arith.constant 1 : i32
      %scan3A_92:3 = scf.for %scan3A_319 = %scan3A_88 to %scan3A_90 step %scan3A_91 iter_args(%scan3A_320 = %broadcast_in_dim3A_6, %scan3A_321 = %broadcast_in_dim3A_6, %scan3A_322 = %broadcast_in_dim3A_6) -> (vector<16xi32>, vector<16xi32>, vector<16xi32>)  : i32 {
        %mul3A_323 = arith.constant 8 : i32
        %mul3A_324 = arith.muli %scan3A_319, %mul3A_323 : i32
        %add3A_325 = arith.constant 0 : i32
        %add3A_326 = arith.addi %mul3A_324, %add3A_325 : i32
        %mul3A_327 = arith.constant 8 : i32
        %mul3A_328 = arith.muli %scan3A_319, %mul3A_327 : i32
        %add3A_329 = arith.constant 1 : i32
        %add3A_330 = arith.addi %mul3A_328, %add3A_329 : i32
        %mul3A_331 = arith.constant 8 : i32
        %mul3A_332 = arith.muli %scan3A_319, %mul3A_331 : i32
        %add3A_333 = arith.constant 2 : i32
        %add3A_334 = arith.addi %mul3A_332, %add3A_333 : i32
        %mul3A_335 = arith.constant 8 : i32
        %mul3A_336 = arith.muli %scan3A_319, %mul3A_335 : i32
        %add3A_337 = arith.constant 3 : i32
        %add3A_338 = arith.addi %mul3A_336, %add3A_337 : i32
        %mul3A_339 = arith.constant 8 : i32
        %mul3A_340 = arith.muli %scan3A_319, %mul3A_339 : i32
        %add3A_341 = arith.constant 4 : i32
        %add3A_342 = arith.addi %mul3A_340, %add3A_341 : i32
        %mul3A_343 = arith.constant 8 : i32
        %mul3A_344 = arith.muli %scan3A_319, %mul3A_343 : i32
        %add3A_345 = arith.constant 5 : i32
        %add3A_346 = arith.addi %mul3A_344, %add3A_345 : i32
        %mul3A_347 = arith.constant 8 : i32
        %mul3A_348 = arith.muli %scan3A_319, %mul3A_347 : i32
        %add3A_349 = arith.constant 6 : i32
        %add3A_350 = arith.addi %mul3A_348, %add3A_349 : i32
        %mul3A_351 = arith.constant 8 : i32
        %mul3A_352 = arith.muli %scan3A_319, %mul3A_351 : i32
        %add3A_353 = arith.constant 7 : i32
        %add3A_354 = arith.addi %mul3A_352, %add3A_353 : i32
        %mul3A_355 = arith.constant 16 : i32
        %mul3A_356 = arith.muli %add3A_326, %mul3A_355 : i32
        %get3A = arith.index_cast %mul3A_356 : i32 to index
        %get3A_357 = tpu.vector_load %arg8[%get3A] {strides = array<i32>} : memref<4096xi32, #tpu.memory_space<vmem>>, vector<16xi32>,
        %mul3A_358 = arith.constant 16 : i32
        %mul3A_359 = arith.muli %add3A_330, %mul3A_358 : i32
        %get3A_360 = arith.index_cast %mul3A_359 : i32 to index
        %get3A_361 = tpu.vector_load %arg8[%get3A_360] {strides = array<i32>} : memref<4096xi32, #tpu.memory_space<vmem>>, vector<16xi32>,
        %mul3A_362 = arith.constant 16 : i32
        %mul3A_363 = arith.muli %add3A_334, %mul3A_362 : i32
        %get3A_364 = arith.index_cast %mul3A_363 : i32 to index
        %get3A_365 = tpu.vector_load %arg8[%get3A_364] {strides = array<i32>} : memref<4096xi32, #tpu.memory_space<vmem>>, vector<16xi32>,
        %mul3A_366 = arith.constant 16 : i32
        %mul3A_367 = arith.muli %add3A_338, %mul3A_366 : i32
        %get3A_368 = arith.index_cast %mul3A_367 : i32 to index
        %get3A_369 = tpu.vector_load %arg8[%get3A_368] {strides = array<i32>} : memref<4096xi32, #tpu.memory_space<vmem>>, vector<16xi32>,
        %mul3A_370 = arith.constant 16 : i32
        %mul3A_371 = arith.muli %add3A_342, %mul3A_370 : i32
        %get3A_372 = arith.index_cast %mul3A_371 : i32 to index
        %get3A_373 = tpu.vector_load %arg8[%get3A_372] {strides = array<i32>} : memref<4096xi32, #tpu.memory_space<vmem>>, vector<16xi32>,
        %mul3A_374 = arith.constant 16 : i32
        %mul3A_375 = arith.muli %add3A_346, %mul3A_374 : i32
        %get3A_376 = arith.index_cast %mul3A_375 : i32 to index
        %get3A_377 = tpu.vector_load %arg8[%get3A_376] {strides = array<i32>} : memref<4096xi32, #tpu.memory_space<vmem>>, vector<16xi32>,
        %mul3A_378 = arith.constant 16 : i32
        %mul3A_379 = arith.muli %add3A_350, %mul3A_378 : i32
        %get3A_380 = arith.index_cast %mul3A_379 : i32 to index
        %get3A_381 = tpu.vector_load %arg8[%get3A_380] {strides = array<i32>} : memref<4096xi32, #tpu.memory_space<vmem>>, vector<16xi32>,
        %mul3A_382 = arith.constant 16 : i32
        %mul3A_383 = arith.muli %add3A_354, %mul3A_382 : i32
        %get3A_384 = arith.index_cast %mul3A_383 : i32 to index
        %get3A_385 = tpu.vector_load %arg8[%get3A_384] {strides = array<i32>} : memref<4096xi32, #tpu.memory_space<vmem>>, vector<16xi32>,
        %mul3A_386 = arith.constant 16 : i32
        %mul3A_387 = arith.muli %add3A_326, %mul3A_386 : i32
        %swap3A_388 = arith.index_cast %mul3A_387 : i32 to index
        %swap3A_389 = tpu.vector_load %arg8[%swap3A_388] {strides = array<i32>} : memref<4096xi32, #tpu.memory_space<vmem>>, vector<16xi32>,
        tpu.vector_store %arg8[%swap3A_388], %broadcast_in_dim3A_6 {strides = array<i32>} : memref<4096xi32, #tpu.memory_space<vmem>>, vector<16xi32>,
        %mul3A_390 = arith.constant 16 : i32
        %mul3A_391 = arith.muli %add3A_330, %mul3A_390 : i32
        %swap3A_392 = arith.index_cast %mul3A_391 : i32 to index
        %swap3A_393 = tpu.vector_load %arg8[%swap3A_392] {strides = array<i32>} : memref<4096xi32, #tpu.memory_space<vmem>>, vector<16xi32>,
        tpu.vector_store %arg8[%swap3A_392], %broadcast_in_dim3A_6 {strides = array<i32>} : memref<4096xi32, #tpu.memory_space<vmem>>, vector<16xi32>,
        %mul3A_394 = arith.constant 16 : i32
        %mul3A_395 = arith.muli %add3A_334, %mul3A_394 : i32
        %swap3A_396 = arith.index_cast %mul3A_395 : i32 to index
        %swap3A_397 = tpu.vector_load %arg8[%swap3A_396] {strides = array<i32>} : memref<4096xi32, #tpu.memory_space<vmem>>, vector<16xi32>,
        tpu.vector_store %arg8[%swap3A_396], %broadcast_in_dim3A_6 {strides = array<i32>} : memref<4096xi32, #tpu.memory_space<vmem>>, vector<16xi32>,
        %mul3A_398 = arith.constant 16 : i32
        %mul3A_399 = arith.muli %add3A_338, %mul3A_398 : i32
        %swap3A_400 = arith.index_cast %mul3A_399 : i32 to index
        %swap3A_401 = tpu.vector_load %arg8[%swap3A_400] {strides = array<i32>} : memref<4096xi32, #tpu.memory_space<vmem>>, vector<16xi32>,
        tpu.vector_store %arg8[%swap3A_400], %broadcast_in_dim3A_6 {strides = array<i32>} : memref<4096xi32, #tpu.memory_space<vmem>>, vector<16xi32>,
        %mul3A_402 = arith.constant 16 : i32
        %mul3A_403 = arith.muli %add3A_342, %mul3A_402 : i32
        %swap3A_404 = arith.index_cast %mul3A_403 : i32 to index
        %swap3A_405 = tpu.vector_load %arg8[%swap3A_404] {strides = array<i32>} : memref<4096xi32, #tpu.memory_space<vmem>>, vector<16xi32>,
        tpu.vector_store %arg8[%swap3A_404], %broadcast_in_dim3A_6 {strides = array<i32>} : memref<4096xi32, #tpu.memory_space<vmem>>, vector<16xi32>,
        %mul3A_406 = arith.constant 16 : i32
        %mul3A_407 = arith.muli %add3A_346, %mul3A_406 : i32
        %swap3A_408 = arith.index_cast %mul3A_407 : i32 to index
        %swap3A_409 = tpu.vector_load %arg8[%swap3A_408] {strides = array<i32>} : memref<4096xi32, #tpu.memory_space<vmem>>, vector<16xi32>,
        tpu.vector_store %arg8[%swap3A_408], %broadcast_in_dim3A_6 {strides = array<i32>} : memref<4096xi32, #tpu.memory_space<vmem>>, vector<16xi32>,
        %mul3A_410 = arith.constant 16 : i32
        %mul3A_411 = arith.muli %add3A_350, %mul3A_410 : i32
        %swap3A_412 = arith.index_cast %mul3A_411 : i32 to index
        %swap3A_413 = tpu.vector_load %arg8[%swap3A_412] {strides = array<i32>} : memref<4096xi32, #tpu.memory_space<vmem>>, vector<16xi32>,
        tpu.vector_store %arg8[%swap3A_412], %broadcast_in_dim3A_6 {strides = array<i32>} : memref<4096xi32, #tpu.memory_space<vmem>>, vector<16xi32>,
        %mul3A_414 = arith.constant 16 : i32
        %mul3A_415 = arith.muli %add3A_354, %mul3A_414 : i32
        %swap3A_416 = arith.index_cast %mul3A_415 : i32 to index
        %swap3A_417 = tpu.vector_load %arg8[%swap3A_416] {strides = array<i32>} : memref<4096xi32, #tpu.memory_space<vmem>>, vector<16xi32>,
        tpu.vector_store %arg8[%swap3A_416], %broadcast_in_dim3A_6 {strides = array<i32>} : memref<4096xi32, #tpu.memory_space<vmem>>, vector<16xi32>,
        %lt3A_418 = arith.cmpi slt, %scan3A_320, %sub3A_71 : vector<16xi32>
        %broadcast_in_dim3A_419 = vector.broadcast %add3A_326 : i32 to vector<16xi32>
        %select_n3A_420 = arith.select %lt3A_418, %broadcast_in_dim3A_419, %scan3A_321 : vector<16xi1>, vector<16xi32>
        %select_n3A_421 = arith.select %lt3A_418, %scan3A_320, %scan3A_322 : vector<16xi1>, vector<16xi32>
        %add3A_422 = arith.addi %scan3A_320, %get3A_357 : vector<16xi32>
        %lt3A_423 = arith.cmpi slt, %add3A_422, %sub3A_71 : vector<16xi32>
        %broadcast_in_dim3A_424 = vector.broadcast %add3A_330 : i32 to vector<16xi32>
        %select_n3A_425 = arith.select %lt3A_423, %broadcast_in_dim3A_424, %select_n3A_420 : vector<16xi1>, vector<16xi32>
        %select_n3A_426 = arith.select %lt3A_423, %add3A_422, %select_n3A_421 : vector<16xi1>, vector<16xi32>
        %add3A_427 = arith.addi %add3A_422, %get3A_361 : vector<16xi32>
        %lt3A_428 = arith.cmpi slt, %add3A_427, %sub3A_71 : vector<16xi32>
        %broadcast_in_dim3A_429 = vector.broadcast %add3A_334 : i32 to vector<16xi32>
        %select_n3A_430 = arith.select %lt3A_428, %broadcast_in_dim3A_429, %select_n3A_425 : vector<16xi1>, vector<16xi32>
        %select_n3A_431 = arith.select %lt3A_428, %add3A_427, %select_n3A_426 : vector<16xi1>, vector<16xi32>
        %add3A_432 = arith.addi %add3A_427, %get3A_365 : vector<16xi32>
        %lt3A_433 = arith.cmpi slt, %add3A_432, %sub3A_71 : vector<16xi32>
        %broadcast_in_dim3A_434 = vector.broadcast %add3A_338 : i32 to vector<16xi32>
        %select_n3A_435 = arith.select %lt3A_433, %broadcast_in_dim3A_434, %select_n3A_430 : vector<16xi1>, vector<16xi32>
        %select_n3A_436 = arith.select %lt3A_433, %add3A_432, %select_n3A_431 : vector<16xi1>, vector<16xi32>
        %add3A_437 = arith.addi %add3A_432, %get3A_369 : vector<16xi32>
        %lt3A_438 = arith.cmpi slt, %add3A_437, %sub3A_71 : vector<16xi32>
        %broadcast_in_dim3A_439 = vector.broadcast %add3A_342 : i32 to vector<16xi32>
        %select_n3A_440 = arith.select %lt3A_438, %broadcast_in_dim3A_439, %select_n3A_435 : vector<16xi1>, vector<16xi32>
        %select_n3A_441 = arith.select %lt3A_438, %add3A_437, %select_n3A_436 : vector<16xi1>, vector<16xi32>
        %add3A_442 = arith.addi %add3A_437, %get3A_373 : vector<16xi32>
        %lt3A_443 = arith.cmpi slt, %add3A_442, %sub3A_71 : vector<16xi32>
        %broadcast_in_dim3A_444 = vector.broadcast %add3A_346 : i32 to vector<16xi32>
        %select_n3A_445 = arith.select %lt3A_443, %broadcast_in_dim3A_444, %select_n3A_440 : vector<16xi1>, vector<16xi32>
        %select_n3A_446 = arith.select %lt3A_443, %add3A_442, %select_n3A_441 : vector<16xi1>, vector<16xi32>
        %add3A_447 = arith.addi %add3A_442, %get3A_377 : vector<16xi32>
        %lt3A_448 = arith.cmpi slt, %add3A_447, %sub3A_71 : vector<16xi32>
        %broadcast_in_dim3A_449 = vector.broadcast %add3A_350 : i32 to vector<16xi32>
        %select_n3A_450 = arith.select %lt3A_448, %broadcast_in_dim3A_449, %select_n3A_445 : vector<16xi1>, vector<16xi32>
        %select_n3A_451 = arith.select %lt3A_448, %add3A_447, %select_n3A_446 : vector<16xi1>, vector<16xi32>
        %add3A_452 = arith.addi %add3A_447, %get3A_381 : vector<16xi32>
        %lt3A_453 = arith.cmpi slt, %add3A_452, %sub3A_71 : vector<16xi32>
        %broadcast_in_dim3A_454 = vector.broadcast %add3A_354 : i32 to vector<16xi32>
        %select_n3A_455 = arith.select %lt3A_453, %broadcast_in_dim3A_454, %select_n3A_450 : vector<16xi1>, vector<16xi32>
        %select_n3A_456 = arith.select %lt3A_453, %add3A_452, %select_n3A_451 : vector<16xi1>, vector<16xi32>
        %add3A_457 = arith.addi %add3A_452, %get3A_385 : vector<16xi32>
        scf.yield %add3A_457, %select_n3A_455, %select_n3A_456 : vector<16xi32>, vector<16xi32>, vector<16xi32>
      }
      %scan3A_93 = arith.constant 32 : i32
      %shift_left3A_94 = arith.constant 16 : i32
      %shift_left3A_95 = vector.broadcast %shift_left3A_94 : i32 to vector<16xi32>
      %shift_left3A_96 = arith.shli %scan3A_92#1, %shift_left3A_95 : vector<16xi32>
      %or3A_97 = arith.ori %shift_left3A_70, %shift_left3A_96 : vector<16xi32>
      %sub3A_98 = arith.subi %sub3A_71, %scan3A_92#2 : vector<16xi32>
      %parallel_loop3A_99 = arith.constant 0 : i32
      %parallel_loop3A_100 = arith.constant 1024 : i32
      %parallel_loop3A_101 = arith.constant 8 : i32
      %parallel_loop3A_102 = arith.constant -65536 : i32
      %parallel_loop3A_103 = arith.constant 0 : i32
      %parallel_loop3A_104 = scf.for %parallel_loop3A_319 = %parallel_loop3A_99 to %parallel_loop3A_100 step %parallel_loop3A_101 iter_args(%parallel_loop3A_320 = %parallel_loop3A_103) -> (i32)  : i32 {
        %parallel_loop3A_321 = arith.constant 0 : i32
        %parallel_loop3A_322 = arith.addi %parallel_loop3A_319, %parallel_loop3A_321 : i32
        %parallel_loop3A_323 = arith.constant 1 : i32
        %parallel_loop3A_324 = arith.addi %parallel_loop3A_319, %parallel_loop3A_323 : i32
        %parallel_loop3A_325 = arith.constant 2 : i32
        %parallel_loop3A_326 = arith.addi %parallel_loop3A_319, %parallel_loop3A_325 : i32
        %parallel_loop3A_327 = arith.constant 3 : i32
        %parallel_loop3A_328 = arith.addi %parallel_loop3A_319, %parallel_loop3A_327 : i32
        %parallel_loop3A_329 = arith.constant 4 : i32
        %parallel_loop3A_330 = arith.addi %parallel_loop3A_319, %parallel_loop3A_329 : i32
        %parallel_loop3A_331 = arith.constant 5 : i32
        %parallel_loop3A_332 = arith.addi %parallel_loop3A_319, %parallel_loop3A_331 : i32
        %parallel_loop3A_333 = arith.constant 6 : i32
        %parallel_loop3A_334 = arith.addi %parallel_loop3A_319, %parallel_loop3A_333 : i32
        %parallel_loop3A_335 = arith.constant 7 : i32
        %parallel_loop3A_336 = arith.addi %parallel_loop3A_319, %parallel_loop3A_335 : i32
        %parallel_loop3A_337 = arith.constant 16 : i32
        %parallel_loop3A_338 = arith.muli %parallel_loop3A_322, %parallel_loop3A_337 : i32
        %parallel_loop3A_339 = arith.index_cast %parallel_loop3A_338 : i32 to index
        %parallel_loop3A_340 = tpu.vector_load %arg6[%parallel_loop3A_339] {strides = array<i32>} : memref<16384xi32, #tpu.memory_space<vmem>>, vector<16xi32>,
        %parallel_loop3A_341 = arith.constant 16 : i32
        %parallel_loop3A_342 = arith.muli %parallel_loop3A_324, %parallel_loop3A_341 : i32
        %parallel_loop3A_343 = arith.index_cast %parallel_loop3A_342 : i32 to index
        %parallel_loop3A_344 = tpu.vector_load %arg6[%parallel_loop3A_343] {strides = array<i32>} : memref<16384xi32, #tpu.memory_space<vmem>>, vector<16xi32>,
        %parallel_loop3A_345 = arith.constant 16 : i32
        %parallel_loop3A_346 = arith.muli %parallel_loop3A_326, %parallel_loop3A_345 : i32
        %parallel_loop3A_347 = arith.index_cast %parallel_loop3A_346 : i32 to index
        %parallel_loop3A_348 = tpu.vector_load %arg6[%parallel_loop3A_347] {strides = array<i32>} : memref<16384xi32, #tpu.memory_space<vmem>>, vector<16xi32>,
        %parallel_loop3A_349 = arith.constant 16 : i32
        %parallel_loop3A_350 = arith.muli %parallel_loop3A_328, %parallel_loop3A_349 : i32
        %parallel_loop3A_351 = arith.index_cast %parallel_loop3A_350 : i32 to index
        %parallel_loop3A_352 = tpu.vector_load %arg6[%parallel_loop3A_351] {strides = array<i32>} : memref<16384xi32, #tpu.memory_space<vmem>>, vector<16xi32>,
        %parallel_loop3A_353 = arith.constant 16 : i32
        %parallel_loop3A_354 = arith.muli %parallel_loop3A_330, %parallel_loop3A_353 : i32
        %parallel_loop3A_355 = arith.index_cast %parallel_loop3A_354 : i32 to index
        %parallel_loop3A_356 = tpu.vector_load %arg6[%parallel_loop3A_355] {strides = array<i32>} : memref<16384xi32, #tpu.memory_space<vmem>>, vector<16xi32>,
        %parallel_loop3A_357 = arith.constant 16 : i32
        %parallel_loop3A_358 = arith.muli %parallel_loop3A_332, %parallel_loop3A_357 : i32
        %parallel_loop3A_359 = arith.index_cast %parallel_loop3A_358 : i32 to index
        %parallel_loop3A_360 = tpu.vector_load %arg6[%parallel_loop3A_359] {strides = array<i32>} : memref<16384xi32, #tpu.memory_space<vmem>>, vector<16xi32>,
        %parallel_loop3A_361 = arith.constant 16 : i32
        %parallel_loop3A_362 = arith.muli %parallel_loop3A_334, %parallel_loop3A_361 : i32
        %parallel_loop3A_363 = arith.index_cast %parallel_loop3A_362 : i32 to index
        %parallel_loop3A_364 = tpu.vector_load %arg6[%parallel_loop3A_363] {strides = array<i32>} : memref<16384xi32, #tpu.memory_space<vmem>>, vector<16xi32>,
        %parallel_loop3A_365 = arith.constant 16 : i32
        %parallel_loop3A_366 = arith.muli %parallel_loop3A_336, %parallel_loop3A_365 : i32
        %parallel_loop3A_367 = arith.index_cast %parallel_loop3A_366 : i32 to index
        %parallel_loop3A_368 = tpu.vector_load %arg6[%parallel_loop3A_367] {strides = array<i32>} : memref<16384xi32, #tpu.memory_space<vmem>>, vector<16xi32>,
        %parallel_loop3A_369 = vector.broadcast %parallel_loop3A_102 : i32 to vector<16xi32>
        %parallel_loop3A_370 = arith.andi %parallel_loop3A_340, %parallel_loop3A_369 : vector<16xi32>
        %parallel_loop3A_371 = vector.broadcast %parallel_loop3A_102 : i32 to vector<16xi32>
        %parallel_loop3A_372 = arith.andi %parallel_loop3A_344, %parallel_loop3A_371 : vector<16xi32>
        %parallel_loop3A_373 = vector.broadcast %parallel_loop3A_102 : i32 to vector<16xi32>
        %parallel_loop3A_374 = arith.andi %parallel_loop3A_348, %parallel_loop3A_373 : vector<16xi32>
        %parallel_loop3A_375 = vector.broadcast %parallel_loop3A_102 : i32 to vector<16xi32>
        %parallel_loop3A_376 = arith.andi %parallel_loop3A_352, %parallel_loop3A_375 : vector<16xi32>
        %parallel_loop3A_377 = vector.broadcast %parallel_loop3A_102 : i32 to vector<16xi32>
        %parallel_loop3A_378 = arith.andi %parallel_loop3A_356, %parallel_loop3A_377 : vector<16xi32>
        %parallel_loop3A_379 = vector.broadcast %parallel_loop3A_102 : i32 to vector<16xi32>
        %parallel_loop3A_380 = arith.andi %parallel_loop3A_360, %parallel_loop3A_379 : vector<16xi32>
        %parallel_loop3A_381 = vector.broadcast %parallel_loop3A_102 : i32 to vector<16xi32>
        %parallel_loop3A_382 = arith.andi %parallel_loop3A_364, %parallel_loop3A_381 : vector<16xi32>
        %parallel_loop3A_383 = vector.broadcast %parallel_loop3A_102 : i32 to vector<16xi32>
        %parallel_loop3A_384 = arith.andi %parallel_loop3A_368, %parallel_loop3A_383 : vector<16xi32>
        %parallel_loop3A_385 = arith.cmpi eq, %parallel_loop3A_370, %or3A : vector<16xi32>
        %parallel_loop3A_386 = arith.cmpi eq, %parallel_loop3A_372, %or3A : vector<16xi32>
        %parallel_loop3A_387 = arith.cmpi eq, %parallel_loop3A_374, %or3A : vector<16xi32>
        %parallel_loop3A_388 = arith.cmpi eq, %parallel_loop3A_376, %or3A : vector<16xi32>
        %parallel_loop3A_389 = arith.cmpi eq, %parallel_loop3A_378, %or3A : vector<16xi32>
        %parallel_loop3A_390 = arith.cmpi eq, %parallel_loop3A_380, %or3A : vector<16xi32>
        %parallel_loop3A_391 = arith.cmpi eq, %parallel_loop3A_382, %or3A : vector<16xi32>
        %parallel_loop3A_392 = arith.cmpi eq, %parallel_loop3A_384, %or3A : vector<16xi32>
        %parallel_loop3A_393 = arith.cmpi eq, %parallel_loop3A_370, %or3A_97 : vector<16xi32>
        %parallel_loop3A_394 = arith.cmpi eq, %parallel_loop3A_372, %or3A_97 : vector<16xi32>
        %parallel_loop3A_395 = arith.cmpi eq, %parallel_loop3A_374, %or3A_97 : vector<16xi32>
        %parallel_loop3A_396 = arith.cmpi eq, %parallel_loop3A_376, %or3A_97 : vector<16xi32>
        %parallel_loop3A_397 = arith.cmpi eq, %parallel_loop3A_378, %or3A_97 : vector<16xi32>
        %parallel_loop3A_398 = arith.cmpi eq, %parallel_loop3A_380, %or3A_97 : vector<16xi32>
        %parallel_loop3A_399 = arith.cmpi eq, %parallel_loop3A_382, %or3A_97 : vector<16xi32>
        %parallel_loop3A_400 = arith.cmpi eq, %parallel_loop3A_384, %or3A_97 : vector<16xi32>
        %parallel_loop3A_401 = arith.constant 8 : i32
        %parallel_loop3A_402 = vector.broadcast %parallel_loop3A_401 : i32 to vector<16xi32>
        %parallel_loop3A_403 = arith.shrui %parallel_loop3A_340, %parallel_loop3A_402 : vector<16xi32>
        %parallel_loop3A_404 = arith.constant 255 : i32
        %parallel_loop3A_405 = vector.broadcast %parallel_loop3A_404 : i32 to vector<16xi32>
        %parallel_loop3A_406 = arith.andi %parallel_loop3A_403, %parallel_loop3A_405 : vector<16xi32>
        %parallel_loop3A_407 = arith.constant 8 : i32
        %parallel_loop3A_408 = vector.broadcast %parallel_loop3A_407 : i32 to vector<16xi32>
        %parallel_loop3A_409 = arith.shrui %parallel_loop3A_344, %parallel_loop3A_408 : vector<16xi32>
        %parallel_loop3A_410 = arith.constant 255 : i32
        %parallel_loop3A_411 = vector.broadcast %parallel_loop3A_410 : i32 to vector<16xi32>
        %parallel_loop3A_412 = arith.andi %parallel_loop3A_409, %parallel_loop3A_411 : vector<16xi32>
        %parallel_loop3A_413 = arith.constant 8 : i32
        %parallel_loop3A_414 = vector.broadcast %parallel_loop3A_413 : i32 to vector<16xi32>
        %parallel_loop3A_415 = arith.shrui %parallel_loop3A_348, %parallel_loop3A_414 : vector<16xi32>
        %parallel_loop3A_416 = arith.constant 255 : i32
        %parallel_loop3A_417 = vector.broadcast %parallel_loop3A_416 : i32 to vector<16xi32>
        %parallel_loop3A_418 = arith.andi %parallel_loop3A_415, %parallel_loop3A_417 : vector<16xi32>
        %parallel_loop3A_419 = arith.constant 8 : i32
        %parallel_loop3A_420 = vector.broadcast %parallel_loop3A_419 : i32 to vector<16xi32>
        %parallel_loop3A_421 = arith.shrui %parallel_loop3A_352, %parallel_loop3A_420 : vector<16xi32>
        %parallel_loop3A_422 = arith.constant 255 : i32
        %parallel_loop3A_423 = vector.broadcast %parallel_loop3A_422 : i32 to vector<16xi32>
        %parallel_loop3A_424 = arith.andi %parallel_loop3A_421, %parallel_loop3A_423 : vector<16xi32>
        %parallel_loop3A_425 = arith.constant 8 : i32
        %parallel_loop3A_426 = vector.broadcast %parallel_loop3A_425 : i32 to vector<16xi32>
        %parallel_loop3A_427 = arith.shrui %parallel_loop3A_356, %parallel_loop3A_426 : vector<16xi32>
        %parallel_loop3A_428 = arith.constant 255 : i32
        %parallel_loop3A_429 = vector.broadcast %parallel_loop3A_428 : i32 to vector<16xi32>
        %parallel_loop3A_430 = arith.andi %parallel_loop3A_427, %parallel_loop3A_429 : vector<16xi32>
        %parallel_loop3A_431 = arith.constant 8 : i32
        %parallel_loop3A_432 = vector.broadcast %parallel_loop3A_431 : i32 to vector<16xi32>
        %parallel_loop3A_433 = arith.shrui %parallel_loop3A_360, %parallel_loop3A_432 : vector<16xi32>
        %parallel_loop3A_434 = arith.constant 255 : i32
        %parallel_loop3A_435 = vector.broadcast %parallel_loop3A_434 : i32 to vector<16xi32>
        %parallel_loop3A_436 = arith.andi %parallel_loop3A_433, %parallel_loop3A_435 : vector<16xi32>
        %parallel_loop3A_437 = arith.constant 8 : i32
        %parallel_loop3A_438 = vector.broadcast %parallel_loop3A_437 : i32 to vector<16xi32>
        %parallel_loop3A_439 = arith.shrui %parallel_loop3A_364, %parallel_loop3A_438 : vector<16xi32>
        %parallel_loop3A_440 = arith.constant 255 : i32
        %parallel_loop3A_441 = vector.broadcast %parallel_loop3A_440 : i32 to vector<16xi32>
        %parallel_loop3A_442 = arith.andi %parallel_loop3A_439, %parallel_loop3A_441 : vector<16xi32>
        %parallel_loop3A_443 = arith.constant 8 : i32
        %parallel_loop3A_444 = vector.broadcast %parallel_loop3A_443 : i32 to vector<16xi32>
        %parallel_loop3A_445 = arith.shrui %parallel_loop3A_368, %parallel_loop3A_444 : vector<16xi32>
        %parallel_loop3A_446 = arith.constant 255 : i32
        %parallel_loop3A_447 = vector.broadcast %parallel_loop3A_446 : i32 to vector<16xi32>
        %parallel_loop3A_448 = arith.andi %parallel_loop3A_445, %parallel_loop3A_447 : vector<16xi32>
        %parallel_loop3A_449 = arith.constant 16 : i32
        %parallel_loop3A_450 = vector.broadcast %parallel_loop3A_449 : i32 to vector<16xi32>
        %parallel_loop3A_451 = arith.muli %parallel_loop3A_406, %parallel_loop3A_450 : vector<16xi32>
        %parallel_loop3A_452 = arith.addi %parallel_loop3A_451, %iota3A : vector<16xi32>
        %parallel_loop3A_453 = arith.constant 16 : i32
        %parallel_loop3A_454 = vector.broadcast %parallel_loop3A_453 : i32 to vector<16xi32>
        %parallel_loop3A_455 = arith.muli %parallel_loop3A_412, %parallel_loop3A_454 : vector<16xi32>
        %parallel_loop3A_456 = arith.addi %parallel_loop3A_455, %iota3A : vector<16xi32>
        %parallel_loop3A_457 = arith.constant 16 : i32
        %parallel_loop3A_458 = vector.broadcast %parallel_loop3A_457 : i32 to vector<16xi32>
        %parallel_loop3A_459 = arith.muli %parallel_loop3A_418, %parallel_loop3A_458 : vector<16xi32>
        %parallel_loop3A_460 = arith.addi %parallel_loop3A_459, %iota3A : vector<16xi32>
        %parallel_loop3A_461 = arith.constant 16 : i32
        %parallel_loop3A_462 = vector.broadcast %parallel_loop3A_461 : i32 to vector<16xi32>
        %parallel_loop3A_463 = arith.muli %parallel_loop3A_424, %parallel_loop3A_462 : vector<16xi32>
        %parallel_loop3A_464 = arith.addi %parallel_loop3A_463, %iota3A : vector<16xi32>
        %parallel_loop3A_465 = arith.constant 16 : i32
        %parallel_loop3A_466 = vector.broadcast %parallel_loop3A_465 : i32 to vector<16xi32>
        %parallel_loop3A_467 = arith.muli %parallel_loop3A_430, %parallel_loop3A_466 : vector<16xi32>
        %parallel_loop3A_468 = arith.addi %parallel_loop3A_467, %iota3A : vector<16xi32>
        %parallel_loop3A_469 = arith.constant 16 : i32
        %parallel_loop3A_470 = vector.broadcast %parallel_loop3A_469 : i32 to vector<16xi32>
        %parallel_loop3A_471 = arith.muli %parallel_loop3A_436, %parallel_loop3A_470 : vector<16xi32>
        %parallel_loop3A_472 = arith.addi %parallel_loop3A_471, %iota3A : vector<16xi32>
        %parallel_loop3A_473 = arith.constant 16 : i32
        %parallel_loop3A_474 = vector.broadcast %parallel_loop3A_473 : i32 to vector<16xi32>
        %parallel_loop3A_475 = arith.muli %parallel_loop3A_442, %parallel_loop3A_474 : vector<16xi32>
        %parallel_loop3A_476 = arith.addi %parallel_loop3A_475, %iota3A : vector<16xi32>
        %parallel_loop3A_477 = arith.constant 16 : i32
        %parallel_loop3A_478 = vector.broadcast %parallel_loop3A_477 : i32 to vector<16xi32>
        %parallel_loop3A_479 = arith.muli %parallel_loop3A_448, %parallel_loop3A_478 : vector<16xi32>
        %parallel_loop3A_480 = arith.addi %parallel_loop3A_479, %iota3A : vector<16xi32>
        tpu.vector_store_idx %arg7[%parallel_loop3A_452], %broadcast_in_dim3A_4 masked %parallel_loop3A_385 {add = true} : memref<4096xi32, #tpu.memory_space<vmem>>[vector<16xi32>], vector<16xi32>, vector<16xi1>
        tpu.vector_store_idx %arg8[%parallel_loop3A_452], %broadcast_in_dim3A_4 masked %parallel_loop3A_393 {add = true} : memref<4096xi32, #tpu.memory_space<vmem>>[vector<16xi32>], vector<16xi32>, vector<16xi1>
        tpu.vector_store_idx %arg7[%parallel_loop3A_456], %broadcast_in_dim3A_4 masked %parallel_loop3A_386 {add = true} : memref<4096xi32, #tpu.memory_space<vmem>>[vector<16xi32>], vector<16xi32>, vector<16xi1>
        tpu.vector_store_idx %arg8[%parallel_loop3A_456], %broadcast_in_dim3A_4 masked %parallel_loop3A_394 {add = true} : memref<4096xi32, #tpu.memory_space<vmem>>[vector<16xi32>], vector<16xi32>, vector<16xi1>
        tpu.vector_store_idx %arg7[%parallel_loop3A_460], %broadcast_in_dim3A_4 masked %parallel_loop3A_387 {add = true} : memref<4096xi32, #tpu.memory_space<vmem>>[vector<16xi32>], vector<16xi32>, vector<16xi1>
        tpu.vector_store_idx %arg8[%parallel_loop3A_460], %broadcast_in_dim3A_4 masked %parallel_loop3A_395 {add = true} : memref<4096xi32, #tpu.memory_space<vmem>>[vector<16xi32>], vector<16xi32>, vector<16xi1>
        tpu.vector_store_idx %arg7[%parallel_loop3A_464], %broadcast_in_dim3A_4 masked %parallel_loop3A_388 {add = true} : memref<4096xi32, #tpu.memory_space<vmem>>[vector<16xi32>], vector<16xi32>, vector<16xi1>
        tpu.vector_store_idx %arg8[%parallel_loop3A_464], %broadcast_in_dim3A_4 masked %parallel_loop3A_396 {add = true} : memref<4096xi32, #tpu.memory_space<vmem>>[vector<16xi32>], vector<16xi32>, vector<16xi1>
        tpu.vector_store_idx %arg7[%parallel_loop3A_468], %broadcast_in_dim3A_4 masked %parallel_loop3A_389 {add = true} : memref<4096xi32, #tpu.memory_space<vmem>>[vector<16xi32>], vector<16xi32>, vector<16xi1>
        tpu.vector_store_idx %arg8[%parallel_loop3A_468], %broadcast_in_dim3A_4 masked %parallel_loop3A_397 {add = true} : memref<4096xi32, #tpu.memory_space<vmem>>[vector<16xi32>], vector<16xi32>, vector<16xi1>
        tpu.vector_store_idx %arg7[%parallel_loop3A_472], %broadcast_in_dim3A_4 masked %parallel_loop3A_390 {add = true} : memref<4096xi32, #tpu.memory_space<vmem>>[vector<16xi32>], vector<16xi32>, vector<16xi1>
        tpu.vector_store_idx %arg8[%parallel_loop3A_472], %broadcast_in_dim3A_4 masked %parallel_loop3A_398 {add = true} : memref<4096xi32, #tpu.memory_space<vmem>>[vector<16xi32>], vector<16xi32>, vector<16xi1>
        tpu.vector_store_idx %arg7[%parallel_loop3A_476], %broadcast_in_dim3A_4 masked %parallel_loop3A_391 {add = true} : memref<4096xi32, #tpu.memory_space<vmem>>[vector<16xi32>], vector<16xi32>, vector<16xi1>
        tpu.vector_store_idx %arg8[%parallel_loop3A_476], %broadcast_in_dim3A_4 masked %parallel_loop3A_399 {add = true} : memref<4096xi32, #tpu.memory_space<vmem>>[vector<16xi32>], vector<16xi32>, vector<16xi1>
        tpu.vector_store_idx %arg7[%parallel_loop3A_480], %broadcast_in_dim3A_4 masked %parallel_loop3A_392 {add = true} : memref<4096xi32, #tpu.memory_space<vmem>>[vector<16xi32>], vector<16xi32>, vector<16xi1>
        tpu.vector_store_idx %arg8[%parallel_loop3A_480], %broadcast_in_dim3A_4 masked %parallel_loop3A_400 {add = true} : memref<4096xi32, #tpu.memory_space<vmem>>[vector<16xi32>], vector<16xi32>, vector<16xi1>
        scf.yield %parallel_loop3A_320 : i32
      } {sc.loop_unroll_factor = 1 : i64, sc.parallel_access}
      %scan3A_105 = arith.constant 0 : i32
      %scan3A_106 = arith.constant 32 : i32
      %scan3A_107 = arith.addi %scan3A_105, %scan3A_106 : i32
      %scan3A_108 = arith.constant 1 : i32
      %scan3A_109:3 = scf.for %scan3A_319 = %scan3A_105 to %scan3A_107 step %scan3A_108 iter_args(%scan3A_320 = %broadcast_in_dim3A_6, %scan3A_321 = %broadcast_in_dim3A_6, %scan3A_322 = %broadcast_in_dim3A_6) -> (vector<16xi32>, vector<16xi32>, vector<16xi32>)  : i32 {
        %mul3A_323 = arith.constant 8 : i32
        %mul3A_324 = arith.muli %scan3A_319, %mul3A_323 : i32
        %add3A_325 = arith.constant 0 : i32
        %add3A_326 = arith.addi %mul3A_324, %add3A_325 : i32
        %sub3A_327 = arith.constant 255 : i32
        %sub3A_328 = arith.subi %sub3A_327, %add3A_326 : i32
        %mul3A_329 = arith.constant 8 : i32
        %mul3A_330 = arith.muli %scan3A_319, %mul3A_329 : i32
        %add3A_331 = arith.constant 1 : i32
        %add3A_332 = arith.addi %mul3A_330, %add3A_331 : i32
        %sub3A_333 = arith.constant 255 : i32
        %sub3A_334 = arith.subi %sub3A_333, %add3A_332 : i32
        %mul3A_335 = arith.constant 8 : i32
        %mul3A_336 = arith.muli %scan3A_319, %mul3A_335 : i32
        %add3A_337 = arith.constant 2 : i32
        %add3A_338 = arith.addi %mul3A_336, %add3A_337 : i32
        %sub3A_339 = arith.constant 255 : i32
        %sub3A_340 = arith.subi %sub3A_339, %add3A_338 : i32
        %mul3A_341 = arith.constant 8 : i32
        %mul3A_342 = arith.muli %scan3A_319, %mul3A_341 : i32
        %add3A_343 = arith.constant 3 : i32
        %add3A_344 = arith.addi %mul3A_342, %add3A_343 : i32
        %sub3A_345 = arith.constant 255 : i32
        %sub3A_346 = arith.subi %sub3A_345, %add3A_344 : i32
        %mul3A_347 = arith.constant 8 : i32
        %mul3A_348 = arith.muli %scan3A_319, %mul3A_347 : i32
        %add3A_349 = arith.constant 4 : i32
        %add3A_350 = arith.addi %mul3A_348, %add3A_349 : i32
        %sub3A_351 = arith.constant 255 : i32
        %sub3A_352 = arith.subi %sub3A_351, %add3A_350 : i32
        %mul3A_353 = arith.constant 8 : i32
        %mul3A_354 = arith.muli %scan3A_319, %mul3A_353 : i32
        %add3A_355 = arith.constant 5 : i32
        %add3A_356 = arith.addi %mul3A_354, %add3A_355 : i32
        %sub3A_357 = arith.constant 255 : i32
        %sub3A_358 = arith.subi %sub3A_357, %add3A_356 : i32
        %mul3A_359 = arith.constant 8 : i32
        %mul3A_360 = arith.muli %scan3A_319, %mul3A_359 : i32
        %add3A_361 = arith.constant 6 : i32
        %add3A_362 = arith.addi %mul3A_360, %add3A_361 : i32
        %sub3A_363 = arith.constant 255 : i32
        %sub3A_364 = arith.subi %sub3A_363, %add3A_362 : i32
        %mul3A_365 = arith.constant 8 : i32
        %mul3A_366 = arith.muli %scan3A_319, %mul3A_365 : i32
        %add3A_367 = arith.constant 7 : i32
        %add3A_368 = arith.addi %mul3A_366, %add3A_367 : i32
        %sub3A_369 = arith.constant 255 : i32
        %sub3A_370 = arith.subi %sub3A_369, %add3A_368 : i32
        %mul3A_371 = arith.constant 16 : i32
        %mul3A_372 = arith.muli %sub3A_328, %mul3A_371 : i32
        %get3A = arith.index_cast %mul3A_372 : i32 to index
        %get3A_373 = tpu.vector_load %arg7[%get3A] {strides = array<i32>} : memref<4096xi32, #tpu.memory_space<vmem>>, vector<16xi32>,
        %mul3A_374 = arith.constant 16 : i32
        %mul3A_375 = arith.muli %sub3A_334, %mul3A_374 : i32
        %get3A_376 = arith.index_cast %mul3A_375 : i32 to index
        %get3A_377 = tpu.vector_load %arg7[%get3A_376] {strides = array<i32>} : memref<4096xi32, #tpu.memory_space<vmem>>, vector<16xi32>,
        %mul3A_378 = arith.constant 16 : i32
        %mul3A_379 = arith.muli %sub3A_340, %mul3A_378 : i32
        %get3A_380 = arith.index_cast %mul3A_379 : i32 to index
        %get3A_381 = tpu.vector_load %arg7[%get3A_380] {strides = array<i32>} : memref<4096xi32, #tpu.memory_space<vmem>>, vector<16xi32>,
        %mul3A_382 = arith.constant 16 : i32
        %mul3A_383 = arith.muli %sub3A_346, %mul3A_382 : i32
        %get3A_384 = arith.index_cast %mul3A_383 : i32 to index
        %get3A_385 = tpu.vector_load %arg7[%get3A_384] {strides = array<i32>} : memref<4096xi32, #tpu.memory_space<vmem>>, vector<16xi32>,
        %mul3A_386 = arith.constant 16 : i32
        %mul3A_387 = arith.muli %sub3A_352, %mul3A_386 : i32
        %get3A_388 = arith.index_cast %mul3A_387 : i32 to index
        %get3A_389 = tpu.vector_load %arg7[%get3A_388] {strides = array<i32>} : memref<4096xi32, #tpu.memory_space<vmem>>, vector<16xi32>,
        %mul3A_390 = arith.constant 16 : i32
        %mul3A_391 = arith.muli %sub3A_358, %mul3A_390 : i32
        %get3A_392 = arith.index_cast %mul3A_391 : i32 to index
        %get3A_393 = tpu.vector_load %arg7[%get3A_392] {strides = array<i32>} : memref<4096xi32, #tpu.memory_space<vmem>>, vector<16xi32>,
        %mul3A_394 = arith.constant 16 : i32
        %mul3A_395 = arith.muli %sub3A_364, %mul3A_394 : i32
        %get3A_396 = arith.index_cast %mul3A_395 : i32 to index
        %get3A_397 = tpu.vector_load %arg7[%get3A_396] {strides = array<i32>} : memref<4096xi32, #tpu.memory_space<vmem>>, vector<16xi32>,
        %mul3A_398 = arith.constant 16 : i32
        %mul3A_399 = arith.muli %sub3A_370, %mul3A_398 : i32
        %get3A_400 = arith.index_cast %mul3A_399 : i32 to index
        %get3A_401 = tpu.vector_load %arg7[%get3A_400] {strides = array<i32>} : memref<4096xi32, #tpu.memory_space<vmem>>, vector<16xi32>,
        %mul3A_402 = arith.constant 16 : i32
        %mul3A_403 = arith.muli %sub3A_328, %mul3A_402 : i32
        %swap3A_404 = arith.index_cast %mul3A_403 : i32 to index
        %swap3A_405 = tpu.vector_load %arg7[%swap3A_404] {strides = array<i32>} : memref<4096xi32, #tpu.memory_space<vmem>>, vector<16xi32>,
        tpu.vector_store %arg7[%swap3A_404], %broadcast_in_dim3A_6 {strides = array<i32>} : memref<4096xi32, #tpu.memory_space<vmem>>, vector<16xi32>,
        %mul3A_406 = arith.constant 16 : i32
        %mul3A_407 = arith.muli %sub3A_334, %mul3A_406 : i32
        %swap3A_408 = arith.index_cast %mul3A_407 : i32 to index
        %swap3A_409 = tpu.vector_load %arg7[%swap3A_408] {strides = array<i32>} : memref<4096xi32, #tpu.memory_space<vmem>>, vector<16xi32>,
        tpu.vector_store %arg7[%swap3A_408], %broadcast_in_dim3A_6 {strides = array<i32>} : memref<4096xi32, #tpu.memory_space<vmem>>, vector<16xi32>,
        %mul3A_410 = arith.constant 16 : i32
        %mul3A_411 = arith.muli %sub3A_340, %mul3A_410 : i32
        %swap3A_412 = arith.index_cast %mul3A_411 : i32 to index
        %swap3A_413 = tpu.vector_load %arg7[%swap3A_412] {strides = array<i32>} : memref<4096xi32, #tpu.memory_space<vmem>>, vector<16xi32>,
        tpu.vector_store %arg7[%swap3A_412], %broadcast_in_dim3A_6 {strides = array<i32>} : memref<4096xi32, #tpu.memory_space<vmem>>, vector<16xi32>,
        %mul3A_414 = arith.constant 16 : i32
        %mul3A_415 = arith.muli %sub3A_346, %mul3A_414 : i32
        %swap3A_416 = arith.index_cast %mul3A_415 : i32 to index
        %swap3A_417 = tpu.vector_load %arg7[%swap3A_416] {strides = array<i32>} : memref<4096xi32, #tpu.memory_space<vmem>>, vector<16xi32>,
        tpu.vector_store %arg7[%swap3A_416], %broadcast_in_dim3A_6 {strides = array<i32>} : memref<4096xi32, #tpu.memory_space<vmem>>, vector<16xi32>,
        %mul3A_418 = arith.constant 16 : i32
        %mul3A_419 = arith.muli %sub3A_352, %mul3A_418 : i32
        %swap3A_420 = arith.index_cast %mul3A_419 : i32 to index
        %swap3A_421 = tpu.vector_load %arg7[%swap3A_420] {strides = array<i32>} : memref<4096xi32, #tpu.memory_space<vmem>>, vector<16xi32>,
        tpu.vector_store %arg7[%swap3A_420], %broadcast_in_dim3A_6 {strides = array<i32>} : memref<4096xi32, #tpu.memory_space<vmem>>, vector<16xi32>,
        %mul3A_422 = arith.constant 16 : i32
        %mul3A_423 = arith.muli %sub3A_358, %mul3A_422 : i32
        %swap3A_424 = arith.index_cast %mul3A_423 : i32 to index
        %swap3A_425 = tpu.vector_load %arg7[%swap3A_424] {strides = array<i32>} : memref<4096xi32, #tpu.memory_space<vmem>>, vector<16xi32>,
        tpu.vector_store %arg7[%swap3A_424], %broadcast_in_dim3A_6 {strides = array<i32>} : memref<4096xi32, #tpu.memory_space<vmem>>, vector<16xi32>,
        %mul3A_426 = arith.constant 16 : i32
        %mul3A_427 = arith.muli %sub3A_364, %mul3A_426 : i32
        %swap3A_428 = arith.index_cast %mul3A_427 : i32 to index
        %swap3A_429 = tpu.vector_load %arg7[%swap3A_428] {strides = array<i32>} : memref<4096xi32, #tpu.memory_space<vmem>>, vector<16xi32>,
        tpu.vector_store %arg7[%swap3A_428], %broadcast_in_dim3A_6 {strides = array<i32>} : memref<4096xi32, #tpu.memory_space<vmem>>, vector<16xi32>,
        %mul3A_430 = arith.constant 16 : i32
        %mul3A_431 = arith.muli %sub3A_370, %mul3A_430 : i32
        %swap3A_432 = arith.index_cast %mul3A_431 : i32 to index
        %swap3A_433 = tpu.vector_load %arg7[%swap3A_432] {strides = array<i32>} : memref<4096xi32, #tpu.memory_space<vmem>>, vector<16xi32>,
        tpu.vector_store %arg7[%swap3A_432], %broadcast_in_dim3A_6 {strides = array<i32>} : memref<4096xi32, #tpu.memory_space<vmem>>, vector<16xi32>,
        %lt3A_434 = arith.cmpi slt, %scan3A_320, %sub3A_87 : vector<16xi32>
        %broadcast_in_dim3A_435 = vector.broadcast %sub3A_328 : i32 to vector<16xi32>
        %select_n3A_436 = arith.select %lt3A_434, %broadcast_in_dim3A_435, %scan3A_321 : vector<16xi1>, vector<16xi32>
        %select_n3A_437 = arith.select %lt3A_434, %scan3A_320, %scan3A_322 : vector<16xi1>, vector<16xi32>
        %add3A_438 = arith.addi %scan3A_320, %get3A_373 : vector<16xi32>
        %lt3A_439 = arith.cmpi slt, %add3A_438, %sub3A_87 : vector<16xi32>
        %broadcast_in_dim3A_440 = vector.broadcast %sub3A_334 : i32 to vector<16xi32>
        %select_n3A_441 = arith.select %lt3A_439, %broadcast_in_dim3A_440, %select_n3A_436 : vector<16xi1>, vector<16xi32>
        %select_n3A_442 = arith.select %lt3A_439, %add3A_438, %select_n3A_437 : vector<16xi1>, vector<16xi32>
        %add3A_443 = arith.addi %add3A_438, %get3A_377 : vector<16xi32>
        %lt3A_444 = arith.cmpi slt, %add3A_443, %sub3A_87 : vector<16xi32>
        %broadcast_in_dim3A_445 = vector.broadcast %sub3A_340 : i32 to vector<16xi32>
        %select_n3A_446 = arith.select %lt3A_444, %broadcast_in_dim3A_445, %select_n3A_441 : vector<16xi1>, vector<16xi32>
        %select_n3A_447 = arith.select %lt3A_444, %add3A_443, %select_n3A_442 : vector<16xi1>, vector<16xi32>
        %add3A_448 = arith.addi %add3A_443, %get3A_381 : vector<16xi32>
        %lt3A_449 = arith.cmpi slt, %add3A_448, %sub3A_87 : vector<16xi32>
        %broadcast_in_dim3A_450 = vector.broadcast %sub3A_346 : i32 to vector<16xi32>
        %select_n3A_451 = arith.select %lt3A_449, %broadcast_in_dim3A_450, %select_n3A_446 : vector<16xi1>, vector<16xi32>
        %select_n3A_452 = arith.select %lt3A_449, %add3A_448, %select_n3A_447 : vector<16xi1>, vector<16xi32>
        %add3A_453 = arith.addi %add3A_448, %get3A_385 : vector<16xi32>
        %lt3A_454 = arith.cmpi slt, %add3A_453, %sub3A_87 : vector<16xi32>
        %broadcast_in_dim3A_455 = vector.broadcast %sub3A_352 : i32 to vector<16xi32>
        %select_n3A_456 = arith.select %lt3A_454, %broadcast_in_dim3A_455, %select_n3A_451 : vector<16xi1>, vector<16xi32>
        %select_n3A_457 = arith.select %lt3A_454, %add3A_453, %select_n3A_452 : vector<16xi1>, vector<16xi32>
        %add3A_458 = arith.addi %add3A_453, %get3A_389 : vector<16xi32>
        %lt3A_459 = arith.cmpi slt, %add3A_458, %sub3A_87 : vector<16xi32>
        %broadcast_in_dim3A_460 = vector.broadcast %sub3A_358 : i32 to vector<16xi32>
        %select_n3A_461 = arith.select %lt3A_459, %broadcast_in_dim3A_460, %select_n3A_456 : vector<16xi1>, vector<16xi32>
        %select_n3A_462 = arith.select %lt3A_459, %add3A_458, %select_n3A_457 : vector<16xi1>, vector<16xi32>
        %add3A_463 = arith.addi %add3A_458, %get3A_393 : vector<16xi32>
        %lt3A_464 = arith.cmpi slt, %add3A_463, %sub3A_87 : vector<16xi32>
        %broadcast_in_dim3A_465 = vector.broadcast %sub3A_364 : i32 to vector<16xi32>
        %select_n3A_466 = arith.select %lt3A_464, %broadcast_in_dim3A_465, %select_n3A_461 : vector<16xi1>, vector<16xi32>
        %select_n3A_467 = arith.select %lt3A_464, %add3A_463, %select_n3A_462 : vector<16xi1>, vector<16xi32>
        %add3A_468 = arith.addi %add3A_463, %get3A_397 : vector<16xi32>
        %lt3A_469 = arith.cmpi slt, %add3A_468, %sub3A_87 : vector<16xi32>
        %broadcast_in_dim3A_470 = vector.broadcast %sub3A_370 : i32 to vector<16xi32>
        %select_n3A_471 = arith.select %lt3A_469, %broadcast_in_dim3A_470, %select_n3A_466 : vector<16xi1>, vector<16xi32>
        %select_n3A_472 = arith.select %lt3A_469, %add3A_468, %select_n3A_467 : vector<16xi1>, vector<16xi32>
        %add3A_473 = arith.addi %add3A_468, %get3A_401 : vector<16xi32>
        scf.yield %add3A_473, %select_n3A_471, %select_n3A_472 : vector<16xi32>, vector<16xi32>, vector<16xi32>
      }
      %scan3A_110 = arith.constant 32 : i32
      %shift_left3A_111 = arith.constant 8 : i32
      %shift_left3A_112 = vector.broadcast %shift_left3A_111 : i32 to vector<16xi32>
      %shift_left3A_113 = arith.shli %scan3A_109#1, %shift_left3A_112 : vector<16xi32>
      %or3A_114 = arith.ori %or3A, %shift_left3A_113 : vector<16xi32>
      %sub3A_115 = arith.subi %sub3A_87, %scan3A_109#2 : vector<16xi32>
      %scan3A_116 = arith.constant 0 : i32
      %scan3A_117 = arith.constant 32 : i32
      %scan3A_118 = arith.addi %scan3A_116, %scan3A_117 : i32
      %scan3A_119 = arith.constant 1 : i32
      %scan3A_120:3 = scf.for %scan3A_319 = %scan3A_116 to %scan3A_118 step %scan3A_119 iter_args(%scan3A_320 = %broadcast_in_dim3A_6, %scan3A_321 = %broadcast_in_dim3A_6, %scan3A_322 = %broadcast_in_dim3A_6) -> (vector<16xi32>, vector<16xi32>, vector<16xi32>)  : i32 {
        %mul3A_323 = arith.constant 8 : i32
        %mul3A_324 = arith.muli %scan3A_319, %mul3A_323 : i32
        %add3A_325 = arith.constant 0 : i32
        %add3A_326 = arith.addi %mul3A_324, %add3A_325 : i32
        %mul3A_327 = arith.constant 8 : i32
        %mul3A_328 = arith.muli %scan3A_319, %mul3A_327 : i32
        %add3A_329 = arith.constant 1 : i32
        %add3A_330 = arith.addi %mul3A_328, %add3A_329 : i32
        %mul3A_331 = arith.constant 8 : i32
        %mul3A_332 = arith.muli %scan3A_319, %mul3A_331 : i32
        %add3A_333 = arith.constant 2 : i32
        %add3A_334 = arith.addi %mul3A_332, %add3A_333 : i32
        %mul3A_335 = arith.constant 8 : i32
        %mul3A_336 = arith.muli %scan3A_319, %mul3A_335 : i32
        %add3A_337 = arith.constant 3 : i32
        %add3A_338 = arith.addi %mul3A_336, %add3A_337 : i32
        %mul3A_339 = arith.constant 8 : i32
        %mul3A_340 = arith.muli %scan3A_319, %mul3A_339 : i32
        %add3A_341 = arith.constant 4 : i32
        %add3A_342 = arith.addi %mul3A_340, %add3A_341 : i32
        %mul3A_343 = arith.constant 8 : i32
        %mul3A_344 = arith.muli %scan3A_319, %mul3A_343 : i32
        %add3A_345 = arith.constant 5 : i32
        %add3A_346 = arith.addi %mul3A_344, %add3A_345 : i32
        %mul3A_347 = arith.constant 8 : i32
        %mul3A_348 = arith.muli %scan3A_319, %mul3A_347 : i32
        %add3A_349 = arith.constant 6 : i32
        %add3A_350 = arith.addi %mul3A_348, %add3A_349 : i32
        %mul3A_351 = arith.constant 8 : i32
        %mul3A_352 = arith.muli %scan3A_319, %mul3A_351 : i32
        %add3A_353 = arith.constant 7 : i32
        %add3A_354 = arith.addi %mul3A_352, %add3A_353 : i32
        %mul3A_355 = arith.constant 16 : i32
        %mul3A_356 = arith.muli %add3A_326, %mul3A_355 : i32
        %get3A = arith.index_cast %mul3A_356 : i32 to index
        %get3A_357 = tpu.vector_load %arg8[%get3A] {strides = array<i32>} : memref<4096xi32, #tpu.memory_space<vmem>>, vector<16xi32>,
        %mul3A_358 = arith.constant 16 : i32
        %mul3A_359 = arith.muli %add3A_330, %mul3A_358 : i32
        %get3A_360 = arith.index_cast %mul3A_359 : i32 to index
        %get3A_361 = tpu.vector_load %arg8[%get3A_360] {strides = array<i32>} : memref<4096xi32, #tpu.memory_space<vmem>>, vector<16xi32>,
        %mul3A_362 = arith.constant 16 : i32
        %mul3A_363 = arith.muli %add3A_334, %mul3A_362 : i32
        %get3A_364 = arith.index_cast %mul3A_363 : i32 to index
        %get3A_365 = tpu.vector_load %arg8[%get3A_364] {strides = array<i32>} : memref<4096xi32, #tpu.memory_space<vmem>>, vector<16xi32>,
        %mul3A_366 = arith.constant 16 : i32
        %mul3A_367 = arith.muli %add3A_338, %mul3A_366 : i32
        %get3A_368 = arith.index_cast %mul3A_367 : i32 to index
        %get3A_369 = tpu.vector_load %arg8[%get3A_368] {strides = array<i32>} : memref<4096xi32, #tpu.memory_space<vmem>>, vector<16xi32>,
        %mul3A_370 = arith.constant 16 : i32
        %mul3A_371 = arith.muli %add3A_342, %mul3A_370 : i32
        %get3A_372 = arith.index_cast %mul3A_371 : i32 to index
        %get3A_373 = tpu.vector_load %arg8[%get3A_372] {strides = array<i32>} : memref<4096xi32, #tpu.memory_space<vmem>>, vector<16xi32>,
        %mul3A_374 = arith.constant 16 : i32
        %mul3A_375 = arith.muli %add3A_346, %mul3A_374 : i32
        %get3A_376 = arith.index_cast %mul3A_375 : i32 to index
        %get3A_377 = tpu.vector_load %arg8[%get3A_376] {strides = array<i32>} : memref<4096xi32, #tpu.memory_space<vmem>>, vector<16xi32>,
        %mul3A_378 = arith.constant 16 : i32
        %mul3A_379 = arith.muli %add3A_350, %mul3A_378 : i32
        %get3A_380 = arith.index_cast %mul3A_379 : i32 to index
        %get3A_381 = tpu.vector_load %arg8[%get3A_380] {strides = array<i32>} : memref<4096xi32, #tpu.memory_space<vmem>>, vector<16xi32>,
        %mul3A_382 = arith.constant 16 : i32
        %mul3A_383 = arith.muli %add3A_354, %mul3A_382 : i32
        %get3A_384 = arith.index_cast %mul3A_383 : i32 to index
        %get3A_385 = tpu.vector_load %arg8[%get3A_384] {strides = array<i32>} : memref<4096xi32, #tpu.memory_space<vmem>>, vector<16xi32>,
        %mul3A_386 = arith.constant 16 : i32
        %mul3A_387 = arith.muli %add3A_326, %mul3A_386 : i32
        %swap3A_388 = arith.index_cast %mul3A_387 : i32 to index
        %swap3A_389 = tpu.vector_load %arg8[%swap3A_388] {strides = array<i32>} : memref<4096xi32, #tpu.memory_space<vmem>>, vector<16xi32>,
        tpu.vector_store %arg8[%swap3A_388], %broadcast_in_dim3A_6 {strides = array<i32>} : memref<4096xi32, #tpu.memory_space<vmem>>, vector<16xi32>,
        %mul3A_390 = arith.constant 16 : i32
        %mul3A_391 = arith.muli %add3A_330, %mul3A_390 : i32
        %swap3A_392 = arith.index_cast %mul3A_391 : i32 to index
        %swap3A_393 = tpu.vector_load %arg8[%swap3A_392] {strides = array<i32>} : memref<4096xi32, #tpu.memory_space<vmem>>, vector<16xi32>,
        tpu.vector_store %arg8[%swap3A_392], %broadcast_in_dim3A_6 {strides = array<i32>} : memref<4096xi32, #tpu.memory_space<vmem>>, vector<16xi32>,
        %mul3A_394 = arith.constant 16 : i32
        %mul3A_395 = arith.muli %add3A_334, %mul3A_394 : i32
        %swap3A_396 = arith.index_cast %mul3A_395 : i32 to index
        %swap3A_397 = tpu.vector_load %arg8[%swap3A_396] {strides = array<i32>} : memref<4096xi32, #tpu.memory_space<vmem>>, vector<16xi32>,
        tpu.vector_store %arg8[%swap3A_396], %broadcast_in_dim3A_6 {strides = array<i32>} : memref<4096xi32, #tpu.memory_space<vmem>>, vector<16xi32>,
        %mul3A_398 = arith.constant 16 : i32
        %mul3A_399 = arith.muli %add3A_338, %mul3A_398 : i32
        %swap3A_400 = arith.index_cast %mul3A_399 : i32 to index
        %swap3A_401 = tpu.vector_load %arg8[%swap3A_400] {strides = array<i32>} : memref<4096xi32, #tpu.memory_space<vmem>>, vector<16xi32>,
        tpu.vector_store %arg8[%swap3A_400], %broadcast_in_dim3A_6 {strides = array<i32>} : memref<4096xi32, #tpu.memory_space<vmem>>, vector<16xi32>,
        %mul3A_402 = arith.constant 16 : i32
        %mul3A_403 = arith.muli %add3A_342, %mul3A_402 : i32
        %swap3A_404 = arith.index_cast %mul3A_403 : i32 to index
        %swap3A_405 = tpu.vector_load %arg8[%swap3A_404] {strides = array<i32>} : memref<4096xi32, #tpu.memory_space<vmem>>, vector<16xi32>,
        tpu.vector_store %arg8[%swap3A_404], %broadcast_in_dim3A_6 {strides = array<i32>} : memref<4096xi32, #tpu.memory_space<vmem>>, vector<16xi32>,
        %mul3A_406 = arith.constant 16 : i32
        %mul3A_407 = arith.muli %add3A_346, %mul3A_406 : i32
        %swap3A_408 = arith.index_cast %mul3A_407 : i32 to index
        %swap3A_409 = tpu.vector_load %arg8[%swap3A_408] {strides = array<i32>} : memref<4096xi32, #tpu.memory_space<vmem>>, vector<16xi32>,
        tpu.vector_store %arg8[%swap3A_408], %broadcast_in_dim3A_6 {strides = array<i32>} : memref<4096xi32, #tpu.memory_space<vmem>>, vector<16xi32>,
        %mul3A_410 = arith.constant 16 : i32
        %mul3A_411 = arith.muli %add3A_350, %mul3A_410 : i32
        %swap3A_412 = arith.index_cast %mul3A_411 : i32 to index
        %swap3A_413 = tpu.vector_load %arg8[%swap3A_412] {strides = array<i32>} : memref<4096xi32, #tpu.memory_space<vmem>>, vector<16xi32>,
        tpu.vector_store %arg8[%swap3A_412], %broadcast_in_dim3A_6 {strides = array<i32>} : memref<4096xi32, #tpu.memory_space<vmem>>, vector<16xi32>,
        %mul3A_414 = arith.constant 16 : i32
        %mul3A_415 = arith.muli %add3A_354, %mul3A_414 : i32
        %swap3A_416 = arith.index_cast %mul3A_415 : i32 to index
        %swap3A_417 = tpu.vector_load %arg8[%swap3A_416] {strides = array<i32>} : memref<4096xi32, #tpu.memory_space<vmem>>, vector<16xi32>,
        tpu.vector_store %arg8[%swap3A_416], %broadcast_in_dim3A_6 {strides = array<i32>} : memref<4096xi32, #tpu.memory_space<vmem>>, vector<16xi32>,
        %lt3A_418 = arith.cmpi slt, %scan3A_320, %sub3A_98 : vector<16xi32>
        %broadcast_in_dim3A_419 = vector.broadcast %add3A_326 : i32 to vector<16xi32>
        %select_n3A_420 = arith.select %lt3A_418, %broadcast_in_dim3A_419, %scan3A_321 : vector<16xi1>, vector<16xi32>
        %select_n3A_421 = arith.select %lt3A_418, %scan3A_320, %scan3A_322 : vector<16xi1>, vector<16xi32>
        %add3A_422 = arith.addi %scan3A_320, %get3A_357 : vector<16xi32>
        %lt3A_423 = arith.cmpi slt, %add3A_422, %sub3A_98 : vector<16xi32>
        %broadcast_in_dim3A_424 = vector.broadcast %add3A_330 : i32 to vector<16xi32>
        %select_n3A_425 = arith.select %lt3A_423, %broadcast_in_dim3A_424, %select_n3A_420 : vector<16xi1>, vector<16xi32>
        %select_n3A_426 = arith.select %lt3A_423, %add3A_422, %select_n3A_421 : vector<16xi1>, vector<16xi32>
        %add3A_427 = arith.addi %add3A_422, %get3A_361 : vector<16xi32>
        %lt3A_428 = arith.cmpi slt, %add3A_427, %sub3A_98 : vector<16xi32>
        %broadcast_in_dim3A_429 = vector.broadcast %add3A_334 : i32 to vector<16xi32>
        %select_n3A_430 = arith.select %lt3A_428, %broadcast_in_dim3A_429, %select_n3A_425 : vector<16xi1>, vector<16xi32>
        %select_n3A_431 = arith.select %lt3A_428, %add3A_427, %select_n3A_426 : vector<16xi1>, vector<16xi32>
        %add3A_432 = arith.addi %add3A_427, %get3A_365 : vector<16xi32>
        %lt3A_433 = arith.cmpi slt, %add3A_432, %sub3A_98 : vector<16xi32>
        %broadcast_in_dim3A_434 = vector.broadcast %add3A_338 : i32 to vector<16xi32>
        %select_n3A_435 = arith.select %lt3A_433, %broadcast_in_dim3A_434, %select_n3A_430 : vector<16xi1>, vector<16xi32>
        %select_n3A_436 = arith.select %lt3A_433, %add3A_432, %select_n3A_431 : vector<16xi1>, vector<16xi32>
        %add3A_437 = arith.addi %add3A_432, %get3A_369 : vector<16xi32>
        %lt3A_438 = arith.cmpi slt, %add3A_437, %sub3A_98 : vector<16xi32>
        %broadcast_in_dim3A_439 = vector.broadcast %add3A_342 : i32 to vector<16xi32>
        %select_n3A_440 = arith.select %lt3A_438, %broadcast_in_dim3A_439, %select_n3A_435 : vector<16xi1>, vector<16xi32>
        %select_n3A_441 = arith.select %lt3A_438, %add3A_437, %select_n3A_436 : vector<16xi1>, vector<16xi32>
        %add3A_442 = arith.addi %add3A_437, %get3A_373 : vector<16xi32>
        %lt3A_443 = arith.cmpi slt, %add3A_442, %sub3A_98 : vector<16xi32>
        %broadcast_in_dim3A_444 = vector.broadcast %add3A_346 : i32 to vector<16xi32>
        %select_n3A_445 = arith.select %lt3A_443, %broadcast_in_dim3A_444, %select_n3A_440 : vector<16xi1>, vector<16xi32>
        %select_n3A_446 = arith.select %lt3A_443, %add3A_442, %select_n3A_441 : vector<16xi1>, vector<16xi32>
        %add3A_447 = arith.addi %add3A_442, %get3A_377 : vector<16xi32>
        %lt3A_448 = arith.cmpi slt, %add3A_447, %sub3A_98 : vector<16xi32>
        %broadcast_in_dim3A_449 = vector.broadcast %add3A_350 : i32 to vector<16xi32>
        %select_n3A_450 = arith.select %lt3A_448, %broadcast_in_dim3A_449, %select_n3A_445 : vector<16xi1>, vector<16xi32>
        %select_n3A_451 = arith.select %lt3A_448, %add3A_447, %select_n3A_446 : vector<16xi1>, vector<16xi32>
        %add3A_452 = arith.addi %add3A_447, %get3A_381 : vector<16xi32>
        %lt3A_453 = arith.cmpi slt, %add3A_452, %sub3A_98 : vector<16xi32>
        %broadcast_in_dim3A_454 = vector.broadcast %add3A_354 : i32 to vector<16xi32>
        %select_n3A_455 = arith.select %lt3A_453, %broadcast_in_dim3A_454, %select_n3A_450 : vector<16xi1>, vector<16xi32>
        %select_n3A_456 = arith.select %lt3A_453, %add3A_452, %select_n3A_451 : vector<16xi1>, vector<16xi32>
        %add3A_457 = arith.addi %add3A_452, %get3A_385 : vector<16xi32>
        scf.yield %add3A_457, %select_n3A_455, %select_n3A_456 : vector<16xi32>, vector<16xi32>, vector<16xi32>
      }
      %scan3A_121 = arith.constant 32 : i32
      %shift_left3A_122 = arith.constant 8 : i32
      %shift_left3A_123 = vector.broadcast %shift_left3A_122 : i32 to vector<16xi32>
      %shift_left3A_124 = arith.shli %scan3A_120#1, %shift_left3A_123 : vector<16xi32>
      %or3A_125 = arith.ori %or3A_97, %shift_left3A_124 : vector<16xi32>
      %sub3A_126 = arith.subi %sub3A_98, %scan3A_120#2 : vector<16xi32>
      %or3A_127 = arith.constant 255 : i32
      %or3A_128 = vector.broadcast %or3A_127 : i32 to vector<16xi32>
      %or3A_129 = arith.ori %or3A_114, %or3A_128 : vector<16xi32>
      %parallel_loop3A_130 = arith.constant 0 : i32
      %parallel_loop3A_131 = arith.constant 1024 : i32
      %parallel_loop3A_132 = arith.constant 8 : i32
      %parallel_loop3A_133:2 = scf.for %parallel_loop3A_319 = %parallel_loop3A_130 to %parallel_loop3A_131 step %parallel_loop3A_132 iter_args(%parallel_loop3A_320 = %broadcast_in_dim3A_8, %parallel_loop3A_321 = %broadcast_in_dim3A_8) -> (vector<16xf32>, vector<16xf32>)  : i32 {
        %parallel_loop3A_322 = arith.constant 0 : i32
        %parallel_loop3A_323 = arith.addi %parallel_loop3A_319, %parallel_loop3A_322 : i32
        %parallel_loop3A_324 = arith.constant 1 : i32
        %parallel_loop3A_325 = arith.addi %parallel_loop3A_319, %parallel_loop3A_324 : i32
        %parallel_loop3A_326 = arith.constant 2 : i32
        %parallel_loop3A_327 = arith.addi %parallel_loop3A_319, %parallel_loop3A_326 : i32
        %parallel_loop3A_328 = arith.constant 3 : i32
        %parallel_loop3A_329 = arith.addi %parallel_loop3A_319, %parallel_loop3A_328 : i32
        %parallel_loop3A_330 = arith.constant 4 : i32
        %parallel_loop3A_331 = arith.addi %parallel_loop3A_319, %parallel_loop3A_330 : i32
        %parallel_loop3A_332 = arith.constant 5 : i32
        %parallel_loop3A_333 = arith.addi %parallel_loop3A_319, %parallel_loop3A_332 : i32
        %parallel_loop3A_334 = arith.constant 6 : i32
        %parallel_loop3A_335 = arith.addi %parallel_loop3A_319, %parallel_loop3A_334 : i32
        %parallel_loop3A_336 = arith.constant 7 : i32
        %parallel_loop3A_337 = arith.addi %parallel_loop3A_319, %parallel_loop3A_336 : i32
        %parallel_loop3A_338 = arith.constant 16 : i32
        %parallel_loop3A_339 = arith.muli %parallel_loop3A_323, %parallel_loop3A_338 : i32
        %parallel_loop3A_340 = arith.index_cast %parallel_loop3A_339 : i32 to index
        %parallel_loop3A_341 = tpu.vector_load %arg6[%parallel_loop3A_340] {strides = array<i32>} : memref<16384xi32, #tpu.memory_space<vmem>>, vector<16xi32>,
        %parallel_loop3A_342 = arith.constant 16 : i32
        %parallel_loop3A_343 = arith.muli %parallel_loop3A_325, %parallel_loop3A_342 : i32
        %parallel_loop3A_344 = arith.index_cast %parallel_loop3A_343 : i32 to index
        %parallel_loop3A_345 = tpu.vector_load %arg6[%parallel_loop3A_344] {strides = array<i32>} : memref<16384xi32, #tpu.memory_space<vmem>>, vector<16xi32>,
        %parallel_loop3A_346 = arith.constant 16 : i32
        %parallel_loop3A_347 = arith.muli %parallel_loop3A_327, %parallel_loop3A_346 : i32
        %parallel_loop3A_348 = arith.index_cast %parallel_loop3A_347 : i32 to index
        %parallel_loop3A_349 = tpu.vector_load %arg6[%parallel_loop3A_348] {strides = array<i32>} : memref<16384xi32, #tpu.memory_space<vmem>>, vector<16xi32>,
        %parallel_loop3A_350 = arith.constant 16 : i32
        %parallel_loop3A_351 = arith.muli %parallel_loop3A_329, %parallel_loop3A_350 : i32
        %parallel_loop3A_352 = arith.index_cast %parallel_loop3A_351 : i32 to index
        %parallel_loop3A_353 = tpu.vector_load %arg6[%parallel_loop3A_352] {strides = array<i32>} : memref<16384xi32, #tpu.memory_space<vmem>>, vector<16xi32>,
        %parallel_loop3A_354 = arith.constant 16 : i32
        %parallel_loop3A_355 = arith.muli %parallel_loop3A_331, %parallel_loop3A_354 : i32
        %parallel_loop3A_356 = arith.index_cast %parallel_loop3A_355 : i32 to index
        %parallel_loop3A_357 = tpu.vector_load %arg6[%parallel_loop3A_356] {strides = array<i32>} : memref<16384xi32, #tpu.memory_space<vmem>>, vector<16xi32>,
        %parallel_loop3A_358 = arith.constant 16 : i32
        %parallel_loop3A_359 = arith.muli %parallel_loop3A_333, %parallel_loop3A_358 : i32
        %parallel_loop3A_360 = arith.index_cast %parallel_loop3A_359 : i32 to index
        %parallel_loop3A_361 = tpu.vector_load %arg6[%parallel_loop3A_360] {strides = array<i32>} : memref<16384xi32, #tpu.memory_space<vmem>>, vector<16xi32>,
        %parallel_loop3A_362 = arith.constant 16 : i32
        %parallel_loop3A_363 = arith.muli %parallel_loop3A_335, %parallel_loop3A_362 : i32
        %parallel_loop3A_364 = arith.index_cast %parallel_loop3A_363 : i32 to index
        %parallel_loop3A_365 = tpu.vector_load %arg6[%parallel_loop3A_364] {strides = array<i32>} : memref<16384xi32, #tpu.memory_space<vmem>>, vector<16xi32>,
        %parallel_loop3A_366 = arith.constant 16 : i32
        %parallel_loop3A_367 = arith.muli %parallel_loop3A_337, %parallel_loop3A_366 : i32
        %parallel_loop3A_368 = arith.index_cast %parallel_loop3A_367 : i32 to index
        %parallel_loop3A_369 = tpu.vector_load %arg6[%parallel_loop3A_368] {strides = array<i32>} : memref<16384xi32, #tpu.memory_space<vmem>>, vector<16xi32>,
        %parallel_loop3A_370 = vector.broadcast %parallel_loop3A_323 : i32 to vector<16xi32>
        %parallel_loop3A_371 = arith.xori %xor3A, %parallel_loop3A_370 : vector<16xi32>
        %parallel_loop3A_372 = tpu.vector_load_idx %arg4[%parallel_loop3A_371] : memref<16384xf32, #tpu.memory_space<vmem>>[vector<16xi32>], vector<16xf32>,
        %parallel_loop3A_373 = vector.broadcast %parallel_loop3A_325 : i32 to vector<16xi32>
        %parallel_loop3A_374 = arith.xori %xor3A, %parallel_loop3A_373 : vector<16xi32>
        %parallel_loop3A_375 = tpu.vector_load_idx %arg4[%parallel_loop3A_374] : memref<16384xf32, #tpu.memory_space<vmem>>[vector<16xi32>], vector<16xf32>,
        %parallel_loop3A_376 = vector.broadcast %parallel_loop3A_327 : i32 to vector<16xi32>
        %parallel_loop3A_377 = arith.xori %xor3A, %parallel_loop3A_376 : vector<16xi32>
        %parallel_loop3A_378 = tpu.vector_load_idx %arg4[%parallel_loop3A_377] : memref<16384xf32, #tpu.memory_space<vmem>>[vector<16xi32>], vector<16xf32>,
        %parallel_loop3A_379 = vector.broadcast %parallel_loop3A_329 : i32 to vector<16xi32>
        %parallel_loop3A_380 = arith.xori %xor3A, %parallel_loop3A_379 : vector<16xi32>
        %parallel_loop3A_381 = tpu.vector_load_idx %arg4[%parallel_loop3A_380] : memref<16384xf32, #tpu.memory_space<vmem>>[vector<16xi32>], vector<16xf32>,
        %parallel_loop3A_382 = vector.broadcast %parallel_loop3A_331 : i32 to vector<16xi32>
        %parallel_loop3A_383 = arith.xori %xor3A, %parallel_loop3A_382 : vector<16xi32>
        %parallel_loop3A_384 = tpu.vector_load_idx %arg4[%parallel_loop3A_383] : memref<16384xf32, #tpu.memory_space<vmem>>[vector<16xi32>], vector<16xf32>,
        %parallel_loop3A_385 = vector.broadcast %parallel_loop3A_333 : i32 to vector<16xi32>
        %parallel_loop3A_386 = arith.xori %xor3A, %parallel_loop3A_385 : vector<16xi32>
        %parallel_loop3A_387 = tpu.vector_load_idx %arg4[%parallel_loop3A_386] : memref<16384xf32, #tpu.memory_space<vmem>>[vector<16xi32>], vector<16xf32>,
        %parallel_loop3A_388 = vector.broadcast %parallel_loop3A_335 : i32 to vector<16xi32>
        %parallel_loop3A_389 = arith.xori %xor3A, %parallel_loop3A_388 : vector<16xi32>
        %parallel_loop3A_390 = tpu.vector_load_idx %arg4[%parallel_loop3A_389] : memref<16384xf32, #tpu.memory_space<vmem>>[vector<16xi32>], vector<16xf32>,
        %parallel_loop3A_391 = vector.broadcast %parallel_loop3A_337 : i32 to vector<16xi32>
        %parallel_loop3A_392 = arith.xori %xor3A, %parallel_loop3A_391 : vector<16xi32>
        %parallel_loop3A_393 = tpu.vector_load_idx %arg4[%parallel_loop3A_392] : memref<16384xf32, #tpu.memory_space<vmem>>[vector<16xi32>], vector<16xf32>,
        %parallel_loop3A_394 = arith.cmpi ugt, %parallel_loop3A_341, %or3A_129 : vector<16xi32>
        %parallel_loop3A_395 = arith.cmpi ugt, %parallel_loop3A_345, %or3A_129 : vector<16xi32>
        %parallel_loop3A_396 = arith.cmpi ugt, %parallel_loop3A_349, %or3A_129 : vector<16xi32>
        %parallel_loop3A_397 = arith.cmpi ugt, %parallel_loop3A_353, %or3A_129 : vector<16xi32>
        %parallel_loop3A_398 = arith.cmpi ugt, %parallel_loop3A_357, %or3A_129 : vector<16xi32>
        %parallel_loop3A_399 = arith.cmpi ugt, %parallel_loop3A_361, %or3A_129 : vector<16xi32>
        %parallel_loop3A_400 = arith.cmpi ugt, %parallel_loop3A_365, %or3A_129 : vector<16xi32>
        %parallel_loop3A_401 = arith.cmpi ugt, %parallel_loop3A_369, %or3A_129 : vector<16xi32>
        %parallel_loop3A_402 = arith.cmpi ult, %parallel_loop3A_341, %or3A_125 : vector<16xi32>
        %parallel_loop3A_403 = arith.cmpi ult, %parallel_loop3A_345, %or3A_125 : vector<16xi32>
        %parallel_loop3A_404 = arith.cmpi ult, %parallel_loop3A_349, %or3A_125 : vector<16xi32>
        %parallel_loop3A_405 = arith.cmpi ult, %parallel_loop3A_353, %or3A_125 : vector<16xi32>
        %parallel_loop3A_406 = arith.cmpi ult, %parallel_loop3A_357, %or3A_125 : vector<16xi32>
        %parallel_loop3A_407 = arith.cmpi ult, %parallel_loop3A_361, %or3A_125 : vector<16xi32>
        %parallel_loop3A_408 = arith.cmpi ult, %parallel_loop3A_365, %or3A_125 : vector<16xi32>
        %parallel_loop3A_409 = arith.cmpi ult, %parallel_loop3A_369, %or3A_125 : vector<16xi32>
        %parallel_loop3A_410 = arith.select %parallel_loop3A_394, %parallel_loop3A_372, %broadcast_in_dim3A_8 : vector<16xi1>, vector<16xf32>
        %parallel_loop3A_411 = arith.select %parallel_loop3A_395, %parallel_loop3A_375, %broadcast_in_dim3A_8 : vector<16xi1>, vector<16xf32>
        %parallel_loop3A_412 = arith.select %parallel_loop3A_396, %parallel_loop3A_378, %broadcast_in_dim3A_8 : vector<16xi1>, vector<16xf32>
        %parallel_loop3A_413 = arith.select %parallel_loop3A_397, %parallel_loop3A_381, %broadcast_in_dim3A_8 : vector<16xi1>, vector<16xf32>
        %parallel_loop3A_414 = arith.select %parallel_loop3A_398, %parallel_loop3A_384, %broadcast_in_dim3A_8 : vector<16xi1>, vector<16xf32>
        %parallel_loop3A_415 = arith.select %parallel_loop3A_399, %parallel_loop3A_387, %broadcast_in_dim3A_8 : vector<16xi1>, vector<16xf32>
        %parallel_loop3A_416 = arith.select %parallel_loop3A_400, %parallel_loop3A_390, %broadcast_in_dim3A_8 : vector<16xi1>, vector<16xf32>
        %parallel_loop3A_417 = arith.select %parallel_loop3A_401, %parallel_loop3A_393, %broadcast_in_dim3A_8 : vector<16xi1>, vector<16xf32>
        %parallel_loop3A_418 = arith.select %parallel_loop3A_402, %parallel_loop3A_372, %broadcast_in_dim3A_8 : vector<16xi1>, vector<16xf32>
        %parallel_loop3A_419 = arith.select %parallel_loop3A_403, %parallel_loop3A_375, %broadcast_in_dim3A_8 : vector<16xi1>, vector<16xf32>
        %parallel_loop3A_420 = arith.select %parallel_loop3A_404, %parallel_loop3A_378, %broadcast_in_dim3A_8 : vector<16xi1>, vector<16xf32>
        %parallel_loop3A_421 = arith.select %parallel_loop3A_405, %parallel_loop3A_381, %broadcast_in_dim3A_8 : vector<16xi1>, vector<16xf32>
        %parallel_loop3A_422 = arith.select %parallel_loop3A_406, %parallel_loop3A_384, %broadcast_in_dim3A_8 : vector<16xi1>, vector<16xf32>
        %parallel_loop3A_423 = arith.select %parallel_loop3A_407, %parallel_loop3A_387, %broadcast_in_dim3A_8 : vector<16xi1>, vector<16xf32>
        %parallel_loop3A_424 = arith.select %parallel_loop3A_408, %parallel_loop3A_390, %broadcast_in_dim3A_8 : vector<16xi1>, vector<16xf32>
        %parallel_loop3A_425 = arith.select %parallel_loop3A_409, %parallel_loop3A_393, %broadcast_in_dim3A_8 : vector<16xi1>, vector<16xf32>
        %parallel_loop3A_426 = arith.addf %parallel_loop3A_410, %parallel_loop3A_411 : vector<16xf32>
        %parallel_loop3A_427 = arith.addf %parallel_loop3A_412, %parallel_loop3A_413 : vector<16xf32>
        %parallel_loop3A_428 = arith.addf %parallel_loop3A_414, %parallel_loop3A_415 : vector<16xf32>
        %parallel_loop3A_429 = arith.addf %parallel_loop3A_416, %parallel_loop3A_417 : vector<16xf32>
        %parallel_loop3A_430 = arith.addf %parallel_loop3A_426, %parallel_loop3A_427 : vector<16xf32>
        %parallel_loop3A_431 = arith.addf %parallel_loop3A_428, %parallel_loop3A_429 : vector<16xf32>
        %parallel_loop3A_432 = arith.addf %parallel_loop3A_430, %parallel_loop3A_431 : vector<16xf32>
        %parallel_loop3A_433 = arith.addf %parallel_loop3A_320, %parallel_loop3A_432 : vector<16xf32>
        %parallel_loop3A_434 = arith.addf %parallel_loop3A_418, %parallel_loop3A_419 : vector<16xf32>
        %parallel_loop3A_435 = arith.addf %parallel_loop3A_420, %parallel_loop3A_421 : vector<16xf32>
        %parallel_loop3A_436 = arith.addf %parallel_loop3A_422, %parallel_loop3A_423 : vector<16xf32>
        %parallel_loop3A_437 = arith.addf %parallel_loop3A_424, %parallel_loop3A_425 : vector<16xf32>
        %parallel_loop3A_438 = arith.addf %parallel_loop3A_434, %parallel_loop3A_435 : vector<16xf32>
        %parallel_loop3A_439 = arith.addf %parallel_loop3A_436, %parallel_loop3A_437 : vector<16xf32>
        %parallel_loop3A_440 = arith.addf %parallel_loop3A_438, %parallel_loop3A_439 : vector<16xf32>
        %parallel_loop3A_441 = arith.addf %parallel_loop3A_321, %parallel_loop3A_440 : vector<16xf32>
        scf.yield %parallel_loop3A_433, %parallel_loop3A_441 : vector<16xf32>, vector<16xf32>
      } {sc.loop_unroll_factor = 1 : i64, sc.parallel_access}
      %convert_element_type3A = arith.sitofp %sub3A_115 : vector<16xi32> to vector<16xf32>
      %or3A_134 = arith.constant 128 : i32
      %or3A_135 = vector.broadcast %or3A_134 : i32 to vector<16xi32>
      %or3A_136 = arith.ori %or3A_114, %or3A_135 : vector<16xi32>
      %ge3A = arith.constant -2147483648 : i32
      %ge3A_137 = vector.broadcast %ge3A : i32 to vector<16xi32>
      %ge3A_138 = arith.cmpi uge, %or3A_136, %ge3A_137 : vector<16xi32>
      %xor3A_139 = arith.constant -2147483648 : i32
      %xor3A_140 = vector.broadcast %xor3A_139 : i32 to vector<16xi32>
      %xor3A_141 = arith.xori %or3A_136, %xor3A_140 : vector<16xi32>
      %not3A = arith.constant dense<-1> : vector<16xi32>
      %not3A_142 = arith.xori %or3A_136, %not3A : vector<16xi32>
      %select_n3A = arith.select %ge3A_138, %xor3A_141, %not3A_142 : vector<16xi1>, vector<16xi32>
      %bitcast3A = vector.bitcast %select_n3A : vector<16xi32> to vector<16xf32>
      %mul3A_143 = arith.mulf %convert_element_type3A, %bitcast3A : vector<16xf32>
      %add3A_144 = arith.addf %parallel_loop3A_133#0, %mul3A_143 : vector<16xf32>
      %convert_element_type3A_145 = arith.sitofp %sub3A_126 : vector<16xi32> to vector<16xf32>
      %or3A_146 = arith.constant 128 : i32
      %or3A_147 = vector.broadcast %or3A_146 : i32 to vector<16xi32>
      %or3A_148 = arith.ori %or3A_125, %or3A_147 : vector<16xi32>
      %ge3A_149 = arith.constant -2147483648 : i32
      %ge3A_150 = vector.broadcast %ge3A_149 : i32 to vector<16xi32>
      %ge3A_151 = arith.cmpi uge, %or3A_148, %ge3A_150 : vector<16xi32>
      %xor3A_152 = arith.constant -2147483648 : i32
      %xor3A_153 = vector.broadcast %xor3A_152 : i32 to vector<16xi32>
      %xor3A_154 = arith.xori %or3A_148, %xor3A_153 : vector<16xi32>
      %not3A_155 = arith.constant dense<-1> : vector<16xi32>
      %not3A_156 = arith.xori %or3A_148, %not3A_155 : vector<16xi32>
      %select_n3A_157 = arith.select %ge3A_151, %xor3A_154, %not3A_156 : vector<16xi1>, vector<16xi32>
      %bitcast3A_158 = vector.bitcast %select_n3A_157 : vector<16xi32> to vector<16xf32>
      %mul3A_159 = arith.mulf %convert_element_type3A_145, %bitcast3A_158 : vector<16xf32>
      %add3A_160 = arith.addf %parallel_loop3A_133#1, %mul3A_159 : vector<16xf32>
      %mul3A_161 = arith.constant 0.00487804879 : f32
      %mul3A_162 = vector.broadcast %mul3A_161 : f32 to vector<16xf32>
      %mul3A_163 = arith.mulf %add3A_144, %mul3A_162 : vector<16xf32>
      %mul3A_164 = arith.constant 0.00292682927 : f32
      %mul3A_165 = vector.broadcast %mul3A_164 : f32 to vector<16xf32>
      %mul3A_166 = arith.mulf %add3A_160, %mul3A_165 : vector<16xf32>
      %add3A_167 = arith.addf %mul3A_163, %mul3A_166 : vector<16xf32>
      %mul3A_168 = arith.constant 16 : i32
      %mul3A_169 = arith.muli %mul3A_43, %mul3A_168 : i32
      %swap3A = arith.index_cast %mul3A_169 : i32 to index
      %swap3A_170 = tpu.vector_load %arg9[%swap3A] {strides = array<i32>} : memref<768xf32, #tpu.memory_space<vmem>>, vector<16xf32>,
      tpu.vector_store %arg9[%swap3A], %add3A_167 {strides = array<i32>} : memref<768xf32, #tpu.memory_space<vmem>>, vector<16xf32>,
      %lt3A = arith.constant 23 : i32
      %lt3A_171 = arith.cmpi slt, %scan3A_41, %lt3A : i32
      %convert_element_type3A_172 = arith.extui %lt3A_171 : i1 to i32
      %cond3A = arith.constant 0 : i32
      %cond3A_173 = arith.cmpi ne, %convert_element_type3A_172, %cond3A : i32
      scf.if %cond3A_173 {
        %add3A_319 = arith.constant 2 : i32
        %add3A_320 = arith.addi %mul3A_43, %add3A_319 : i32
        %mul3A_321 = arith.constant 48 : i32
        %mul3A_322 = arith.muli %add3A, %mul3A_321 : i32
        %add3A_323 = arith.addi %mul3A_322, %add3A_320 : i32
        %mul3A_324 = arith.constant 16384 : i32
        %mul3A_325 = arith.muli %add3A_323, %mul3A_324 : i32
        %dma_start3A_326 = tpu.memref_slice %arg2[%mul3A_325] : memref<25165824xf32, #tpu.memory_space<hbm>> -> memref<16384xf32, #tpu.memory_space<hbm>>
        %dma_start3A_327 = tpu.memref_slice %arg2[%mul3A_325] : memref<25165824xf32, #tpu.memory_space<hbm>> -> memref<16384xf32, #tpu.memory_space<hbm>>
        tpu.enqueue_dma source(%dma_start3A_327 : memref<16384xf32, #tpu.memory_space<hbm>>) target(%arg4 : memref<16384xf32, #tpu.memory_space<vmem>>) target_semaphore(%arg10 : memref<!tpu.dma_semaphore, #tpu.memory_space<semaphore_mem>>)
      } else {
      }
      %add3A_174 = arith.constant 1 : i32
      %add3A_175 = arith.addi %mul3A_43, %add3A_174 : i32
      %mul3A_176 = arith.constant 48 : i32
      %mul3A_177 = arith.muli %add3A, %mul3A_176 : i32
      %add3A_178 = arith.addi %mul3A_177, %add3A_175 : i32
      %mul3A_179 = arith.constant 16384 : i32
      %mul3A_180 = arith.muli %add3A_178, %mul3A_179 : i32
      %dma_wait3A_181 = tpu.memref_slice %arg2[%mul3A_180] : memref<25165824xf32, #tpu.memory_space<hbm>> -> memref<16384xf32, #tpu.memory_space<hbm>>
      %dma_wait3A_182 = tpu.memref_slice %arg2[%mul3A_180] : memref<25165824xf32, #tpu.memory_space<hbm>> -> memref<16384xf32, #tpu.memory_space<hbm>>
      tpu.wait_dma2 semaphore(%arg11 : memref<!tpu.dma_semaphore, #tpu.memory_space<semaphore_mem>>) src(%dma_wait3A_182 : memref<16384xf32, #tpu.memory_space<hbm>>) dst(%arg5 : memref<16384xf32, #tpu.memory_space<vmem>>)
      %parallel_loop3A_183 = arith.constant 0 : i32
      %parallel_loop3A_184 = arith.constant 1024 : i32
      %parallel_loop3A_185 = arith.constant 8 : i32
      %parallel_loop3A_186 = arith.constant 0 : i32
      %parallel_loop3A_187 = scf.for %parallel_loop3A_319 = %parallel_loop3A_183 to %parallel_loop3A_184 step %parallel_loop3A_185 iter_args(%parallel_loop3A_320 = %parallel_loop3A_186) -> (i32)  : i32 {
        %parallel_loop3A_321 = arith.constant 0 : i32
        %parallel_loop3A_322 = arith.addi %parallel_loop3A_319, %parallel_loop3A_321 : i32
        %parallel_loop3A_323 = arith.constant 1 : i32
        %parallel_loop3A_324 = arith.addi %parallel_loop3A_319, %parallel_loop3A_323 : i32
        %parallel_loop3A_325 = arith.constant 2 : i32
        %parallel_loop3A_326 = arith.addi %parallel_loop3A_319, %parallel_loop3A_325 : i32
        %parallel_loop3A_327 = arith.constant 3 : i32
        %parallel_loop3A_328 = arith.addi %parallel_loop3A_319, %parallel_loop3A_327 : i32
        %parallel_loop3A_329 = arith.constant 4 : i32
        %parallel_loop3A_330 = arith.addi %parallel_loop3A_319, %parallel_loop3A_329 : i32
        %parallel_loop3A_331 = arith.constant 5 : i32
        %parallel_loop3A_332 = arith.addi %parallel_loop3A_319, %parallel_loop3A_331 : i32
        %parallel_loop3A_333 = arith.constant 6 : i32
        %parallel_loop3A_334 = arith.addi %parallel_loop3A_319, %parallel_loop3A_333 : i32
        %parallel_loop3A_335 = arith.constant 7 : i32
        %parallel_loop3A_336 = arith.addi %parallel_loop3A_319, %parallel_loop3A_335 : i32
        %parallel_loop3A_337 = vector.broadcast %parallel_loop3A_322 : i32 to vector<16xi32>
        %parallel_loop3A_338 = arith.xori %xor3A, %parallel_loop3A_337 : vector<16xi32>
        %parallel_loop3A_339 = tpu.vector_load_idx %arg5[%parallel_loop3A_338] : memref<16384xf32, #tpu.memory_space<vmem>>[vector<16xi32>], vector<16xf32>,
        %parallel_loop3A_340 = vector.broadcast %parallel_loop3A_324 : i32 to vector<16xi32>
        %parallel_loop3A_341 = arith.xori %xor3A, %parallel_loop3A_340 : vector<16xi32>
        %parallel_loop3A_342 = tpu.vector_load_idx %arg5[%parallel_loop3A_341] : memref<16384xf32, #tpu.memory_space<vmem>>[vector<16xi32>], vector<16xf32>,
        %parallel_loop3A_343 = vector.broadcast %parallel_loop3A_326 : i32 to vector<16xi32>
        %parallel_loop3A_344 = arith.xori %xor3A, %parallel_loop3A_343 : vector<16xi32>
        %parallel_loop3A_345 = tpu.vector_load_idx %arg5[%parallel_loop3A_344] : memref<16384xf32, #tpu.memory_space<vmem>>[vector<16xi32>], vector<16xf32>,
        %parallel_loop3A_346 = vector.broadcast %parallel_loop3A_328 : i32 to vector<16xi32>
        %parallel_loop3A_347 = arith.xori %xor3A, %parallel_loop3A_346 : vector<16xi32>
        %parallel_loop3A_348 = tpu.vector_load_idx %arg5[%parallel_loop3A_347] : memref<16384xf32, #tpu.memory_space<vmem>>[vector<16xi32>], vector<16xf32>,
        %parallel_loop3A_349 = vector.broadcast %parallel_loop3A_330 : i32 to vector<16xi32>
        %parallel_loop3A_350 = arith.xori %xor3A, %parallel_loop3A_349 : vector<16xi32>
        %parallel_loop3A_351 = tpu.vector_load_idx %arg5[%parallel_loop3A_350] : memref<16384xf32, #tpu.memory_space<vmem>>[vector<16xi32>], vector<16xf32>,
        %parallel_loop3A_352 = vector.broadcast %parallel_loop3A_332 : i32 to vector<16xi32>
        %parallel_loop3A_353 = arith.xori %xor3A, %parallel_loop3A_352 : vector<16xi32>
        %parallel_loop3A_354 = tpu.vector_load_idx %arg5[%parallel_loop3A_353] : memref<16384xf32, #tpu.memory_space<vmem>>[vector<16xi32>], vector<16xf32>,
        %parallel_loop3A_355 = vector.broadcast %parallel_loop3A_334 : i32 to vector<16xi32>
        %parallel_loop3A_356 = arith.xori %xor3A, %parallel_loop3A_355 : vector<16xi32>
        %parallel_loop3A_357 = tpu.vector_load_idx %arg5[%parallel_loop3A_356] : memref<16384xf32, #tpu.memory_space<vmem>>[vector<16xi32>], vector<16xf32>,
        %parallel_loop3A_358 = vector.broadcast %parallel_loop3A_336 : i32 to vector<16xi32>
        %parallel_loop3A_359 = arith.xori %xor3A, %parallel_loop3A_358 : vector<16xi32>
        %parallel_loop3A_360 = tpu.vector_load_idx %arg5[%parallel_loop3A_359] : memref<16384xf32, #tpu.memory_space<vmem>>[vector<16xi32>], vector<16xf32>,
        %parallel_loop3A_361 = vector.bitcast %parallel_loop3A_339 : vector<16xf32> to vector<16xi32>
        %parallel_loop3A_362 = vector.bitcast %parallel_loop3A_342 : vector<16xf32> to vector<16xi32>
        %parallel_loop3A_363 = vector.bitcast %parallel_loop3A_345 : vector<16xf32> to vector<16xi32>
        %parallel_loop3A_364 = vector.bitcast %parallel_loop3A_348 : vector<16xf32> to vector<16xi32>
        %parallel_loop3A_365 = vector.bitcast %parallel_loop3A_351 : vector<16xf32> to vector<16xi32>
        %parallel_loop3A_366 = vector.bitcast %parallel_loop3A_354 : vector<16xf32> to vector<16xi32>
        %parallel_loop3A_367 = vector.bitcast %parallel_loop3A_357 : vector<16xf32> to vector<16xi32>
        %parallel_loop3A_368 = vector.bitcast %parallel_loop3A_360 : vector<16xf32> to vector<16xi32>
        %parallel_loop3A_369 = arith.constant 31 : i32
        %parallel_loop3A_370 = vector.broadcast %parallel_loop3A_369 : i32 to vector<16xi32>
        %parallel_loop3A_371 = arith.shrsi %parallel_loop3A_361, %parallel_loop3A_370 : vector<16xi32>
        %parallel_loop3A_372 = arith.constant -2147483648 : i32
        %parallel_loop3A_373 = vector.broadcast %parallel_loop3A_372 : i32 to vector<16xi32>
        %parallel_loop3A_374 = arith.ori %parallel_loop3A_371, %parallel_loop3A_373 : vector<16xi32>
        %parallel_loop3A_375 = arith.constant 31 : i32
        %parallel_loop3A_376 = vector.broadcast %parallel_loop3A_375 : i32 to vector<16xi32>
        %parallel_loop3A_377 = arith.shrsi %parallel_loop3A_362, %parallel_loop3A_376 : vector<16xi32>
        %parallel_loop3A_378 = arith.constant -2147483648 : i32
        %parallel_loop3A_379 = vector.broadcast %parallel_loop3A_378 : i32 to vector<16xi32>
        %parallel_loop3A_380 = arith.ori %parallel_loop3A_377, %parallel_loop3A_379 : vector<16xi32>
        %parallel_loop3A_381 = arith.constant 31 : i32
        %parallel_loop3A_382 = vector.broadcast %parallel_loop3A_381 : i32 to vector<16xi32>
        %parallel_loop3A_383 = arith.shrsi %parallel_loop3A_363, %parallel_loop3A_382 : vector<16xi32>
        %parallel_loop3A_384 = arith.constant -2147483648 : i32
        %parallel_loop3A_385 = vector.broadcast %parallel_loop3A_384 : i32 to vector<16xi32>
        %parallel_loop3A_386 = arith.ori %parallel_loop3A_383, %parallel_loop3A_385 : vector<16xi32>
        %parallel_loop3A_387 = arith.constant 31 : i32
        %parallel_loop3A_388 = vector.broadcast %parallel_loop3A_387 : i32 to vector<16xi32>
        %parallel_loop3A_389 = arith.shrsi %parallel_loop3A_364, %parallel_loop3A_388 : vector<16xi32>
        %parallel_loop3A_390 = arith.constant -2147483648 : i32
        %parallel_loop3A_391 = vector.broadcast %parallel_loop3A_390 : i32 to vector<16xi32>
        %parallel_loop3A_392 = arith.ori %parallel_loop3A_389, %parallel_loop3A_391 : vector<16xi32>
        %parallel_loop3A_393 = arith.constant 31 : i32
        %parallel_loop3A_394 = vector.broadcast %parallel_loop3A_393 : i32 to vector<16xi32>
        %parallel_loop3A_395 = arith.shrsi %parallel_loop3A_365, %parallel_loop3A_394 : vector<16xi32>
        %parallel_loop3A_396 = arith.constant -2147483648 : i32
        %parallel_loop3A_397 = vector.broadcast %parallel_loop3A_396 : i32 to vector<16xi32>
        %parallel_loop3A_398 = arith.ori %parallel_loop3A_395, %parallel_loop3A_397 : vector<16xi32>
        %parallel_loop3A_399 = arith.constant 31 : i32
        %parallel_loop3A_400 = vector.broadcast %parallel_loop3A_399 : i32 to vector<16xi32>
        %parallel_loop3A_401 = arith.shrsi %parallel_loop3A_366, %parallel_loop3A_400 : vector<16xi32>
        %parallel_loop3A_402 = arith.constant -2147483648 : i32
        %parallel_loop3A_403 = vector.broadcast %parallel_loop3A_402 : i32 to vector<16xi32>
        %parallel_loop3A_404 = arith.ori %parallel_loop3A_401, %parallel_loop3A_403 : vector<16xi32>
        %parallel_loop3A_405 = arith.constant 31 : i32
        %parallel_loop3A_406 = vector.broadcast %parallel_loop3A_405 : i32 to vector<16xi32>
        %parallel_loop3A_407 = arith.shrsi %parallel_loop3A_367, %parallel_loop3A_406 : vector<16xi32>
        %parallel_loop3A_408 = arith.constant -2147483648 : i32
        %parallel_loop3A_409 = vector.broadcast %parallel_loop3A_408 : i32 to vector<16xi32>
        %parallel_loop3A_410 = arith.ori %parallel_loop3A_407, %parallel_loop3A_409 : vector<16xi32>
        %parallel_loop3A_411 = arith.constant 31 : i32
        %parallel_loop3A_412 = vector.broadcast %parallel_loop3A_411 : i32 to vector<16xi32>
        %parallel_loop3A_413 = arith.shrsi %parallel_loop3A_368, %parallel_loop3A_412 : vector<16xi32>
        %parallel_loop3A_414 = arith.constant -2147483648 : i32
        %parallel_loop3A_415 = vector.broadcast %parallel_loop3A_414 : i32 to vector<16xi32>
        %parallel_loop3A_416 = arith.ori %parallel_loop3A_413, %parallel_loop3A_415 : vector<16xi32>
        %parallel_loop3A_417 = arith.xori %parallel_loop3A_361, %parallel_loop3A_374 : vector<16xi32>
        %parallel_loop3A_418 = vector.bitcast %parallel_loop3A_417 : vector<16xi32> to vector<16xi32>
        %parallel_loop3A_419 = arith.xori %parallel_loop3A_362, %parallel_loop3A_380 : vector<16xi32>
        %parallel_loop3A_420 = vector.bitcast %parallel_loop3A_419 : vector<16xi32> to vector<16xi32>
        %parallel_loop3A_421 = arith.xori %parallel_loop3A_363, %parallel_loop3A_386 : vector<16xi32>
        %parallel_loop3A_422 = vector.bitcast %parallel_loop3A_421 : vector<16xi32> to vector<16xi32>
        %parallel_loop3A_423 = arith.xori %parallel_loop3A_364, %parallel_loop3A_392 : vector<16xi32>
        %parallel_loop3A_424 = vector.bitcast %parallel_loop3A_423 : vector<16xi32> to vector<16xi32>
        %parallel_loop3A_425 = arith.xori %parallel_loop3A_365, %parallel_loop3A_398 : vector<16xi32>
        %parallel_loop3A_426 = vector.bitcast %parallel_loop3A_425 : vector<16xi32> to vector<16xi32>
        %parallel_loop3A_427 = arith.xori %parallel_loop3A_366, %parallel_loop3A_404 : vector<16xi32>
        %parallel_loop3A_428 = vector.bitcast %parallel_loop3A_427 : vector<16xi32> to vector<16xi32>
        %parallel_loop3A_429 = arith.xori %parallel_loop3A_367, %parallel_loop3A_410 : vector<16xi32>
        %parallel_loop3A_430 = vector.bitcast %parallel_loop3A_429 : vector<16xi32> to vector<16xi32>
        %parallel_loop3A_431 = arith.xori %parallel_loop3A_368, %parallel_loop3A_416 : vector<16xi32>
        %parallel_loop3A_432 = vector.bitcast %parallel_loop3A_431 : vector<16xi32> to vector<16xi32>
        %parallel_loop3A_433 = arith.constant 24 : i32
        %parallel_loop3A_434 = vector.broadcast %parallel_loop3A_433 : i32 to vector<16xi32>
        %parallel_loop3A_435 = arith.shrui %parallel_loop3A_418, %parallel_loop3A_434 : vector<16xi32>
        %parallel_loop3A_436 = arith.constant 24 : i32
        %parallel_loop3A_437 = vector.broadcast %parallel_loop3A_436 : i32 to vector<16xi32>
        %parallel_loop3A_438 = arith.shrui %parallel_loop3A_420, %parallel_loop3A_437 : vector<16xi32>
        %parallel_loop3A_439 = arith.constant 24 : i32
        %parallel_loop3A_440 = vector.broadcast %parallel_loop3A_439 : i32 to vector<16xi32>
        %parallel_loop3A_441 = arith.shrui %parallel_loop3A_422, %parallel_loop3A_440 : vector<16xi32>
        %parallel_loop3A_442 = arith.constant 24 : i32
        %parallel_loop3A_443 = vector.broadcast %parallel_loop3A_442 : i32 to vector<16xi32>
        %parallel_loop3A_444 = arith.shrui %parallel_loop3A_424, %parallel_loop3A_443 : vector<16xi32>
        %parallel_loop3A_445 = arith.constant 24 : i32
        %parallel_loop3A_446 = vector.broadcast %parallel_loop3A_445 : i32 to vector<16xi32>
        %parallel_loop3A_447 = arith.shrui %parallel_loop3A_426, %parallel_loop3A_446 : vector<16xi32>
        %parallel_loop3A_448 = arith.constant 24 : i32
        %parallel_loop3A_449 = vector.broadcast %parallel_loop3A_448 : i32 to vector<16xi32>
        %parallel_loop3A_450 = arith.shrui %parallel_loop3A_428, %parallel_loop3A_449 : vector<16xi32>
        %parallel_loop3A_451 = arith.constant 24 : i32
        %parallel_loop3A_452 = vector.broadcast %parallel_loop3A_451 : i32 to vector<16xi32>
        %parallel_loop3A_453 = arith.shrui %parallel_loop3A_430, %parallel_loop3A_452 : vector<16xi32>
        %parallel_loop3A_454 = arith.constant 24 : i32
        %parallel_loop3A_455 = vector.broadcast %parallel_loop3A_454 : i32 to vector<16xi32>
        %parallel_loop3A_456 = arith.shrui %parallel_loop3A_432, %parallel_loop3A_455 : vector<16xi32>
        %parallel_loop3A_457 = arith.constant 16 : i32
        %parallel_loop3A_458 = vector.broadcast %parallel_loop3A_457 : i32 to vector<16xi32>
        %parallel_loop3A_459 = arith.muli %parallel_loop3A_435, %parallel_loop3A_458 : vector<16xi32>
        %parallel_loop3A_460 = arith.addi %parallel_loop3A_459, %iota3A : vector<16xi32>
        %parallel_loop3A_461 = arith.constant 16 : i32
        %parallel_loop3A_462 = vector.broadcast %parallel_loop3A_461 : i32 to vector<16xi32>
        %parallel_loop3A_463 = arith.muli %parallel_loop3A_438, %parallel_loop3A_462 : vector<16xi32>
        %parallel_loop3A_464 = arith.addi %parallel_loop3A_463, %iota3A : vector<16xi32>
        %parallel_loop3A_465 = arith.constant 16 : i32
        %parallel_loop3A_466 = vector.broadcast %parallel_loop3A_465 : i32 to vector<16xi32>
        %parallel_loop3A_467 = arith.muli %parallel_loop3A_441, %parallel_loop3A_466 : vector<16xi32>
        %parallel_loop3A_468 = arith.addi %parallel_loop3A_467, %iota3A : vector<16xi32>
        %parallel_loop3A_469 = arith.constant 16 : i32
        %parallel_loop3A_470 = vector.broadcast %parallel_loop3A_469 : i32 to vector<16xi32>
        %parallel_loop3A_471 = arith.muli %parallel_loop3A_444, %parallel_loop3A_470 : vector<16xi32>
        %parallel_loop3A_472 = arith.addi %parallel_loop3A_471, %iota3A : vector<16xi32>
        %parallel_loop3A_473 = arith.constant 16 : i32
        %parallel_loop3A_474 = vector.broadcast %parallel_loop3A_473 : i32 to vector<16xi32>
        %parallel_loop3A_475 = arith.muli %parallel_loop3A_447, %parallel_loop3A_474 : vector<16xi32>
        %parallel_loop3A_476 = arith.addi %parallel_loop3A_475, %iota3A : vector<16xi32>
        %parallel_loop3A_477 = arith.constant 16 : i32
        %parallel_loop3A_478 = vector.broadcast %parallel_loop3A_477 : i32 to vector<16xi32>
        %parallel_loop3A_479 = arith.muli %parallel_loop3A_450, %parallel_loop3A_478 : vector<16xi32>
        %parallel_loop3A_480 = arith.addi %parallel_loop3A_479, %iota3A : vector<16xi32>
        %parallel_loop3A_481 = arith.constant 16 : i32
        %parallel_loop3A_482 = vector.broadcast %parallel_loop3A_481 : i32 to vector<16xi32>
        %parallel_loop3A_483 = arith.muli %parallel_loop3A_453, %parallel_loop3A_482 : vector<16xi32>
        %parallel_loop3A_484 = arith.addi %parallel_loop3A_483, %iota3A : vector<16xi32>
        %parallel_loop3A_485 = arith.constant 16 : i32
        %parallel_loop3A_486 = vector.broadcast %parallel_loop3A_485 : i32 to vector<16xi32>
        %parallel_loop3A_487 = arith.muli %parallel_loop3A_456, %parallel_loop3A_486 : vector<16xi32>
        %parallel_loop3A_488 = arith.addi %parallel_loop3A_487, %iota3A : vector<16xi32>
        %parallel_loop3A_489 = arith.constant 16 : i32
        %parallel_loop3A_490 = arith.muli %parallel_loop3A_322, %parallel_loop3A_489 : i32
        %parallel_loop3A_491 = arith.index_cast %parallel_loop3A_490 : i32 to index
        %parallel_loop3A_492 = tpu.vector_load %arg6[%parallel_loop3A_491] {strides = array<i32>} : memref<16384xi32, #tpu.memory_space<vmem>>, vector<16xi32>,
        tpu.vector_store %arg6[%parallel_loop3A_491], %parallel_loop3A_418 {strides = array<i32>} : memref<16384xi32, #tpu.memory_space<vmem>>, vector<16xi32>,
        %parallel_loop3A_493 = arith.constant 16 : i32
        %parallel_loop3A_494 = arith.muli %parallel_loop3A_324, %parallel_loop3A_493 : i32
        %parallel_loop3A_495 = arith.index_cast %parallel_loop3A_494 : i32 to index
        %parallel_loop3A_496 = tpu.vector_load %arg6[%parallel_loop3A_495] {strides = array<i32>} : memref<16384xi32, #tpu.memory_space<vmem>>, vector<16xi32>,
        tpu.vector_store %arg6[%parallel_loop3A_495], %parallel_loop3A_420 {strides = array<i32>} : memref<16384xi32, #tpu.memory_space<vmem>>, vector<16xi32>,
        %parallel_loop3A_497 = arith.constant 16 : i32
        %parallel_loop3A_498 = arith.muli %parallel_loop3A_326, %parallel_loop3A_497 : i32
        %parallel_loop3A_499 = arith.index_cast %parallel_loop3A_498 : i32 to index
        %parallel_loop3A_500 = tpu.vector_load %arg6[%parallel_loop3A_499] {strides = array<i32>} : memref<16384xi32, #tpu.memory_space<vmem>>, vector<16xi32>,
        tpu.vector_store %arg6[%parallel_loop3A_499], %parallel_loop3A_422 {strides = array<i32>} : memref<16384xi32, #tpu.memory_space<vmem>>, vector<16xi32>,
        %parallel_loop3A_501 = arith.constant 16 : i32
        %parallel_loop3A_502 = arith.muli %parallel_loop3A_328, %parallel_loop3A_501 : i32
        %parallel_loop3A_503 = arith.index_cast %parallel_loop3A_502 : i32 to index
        %parallel_loop3A_504 = tpu.vector_load %arg6[%parallel_loop3A_503] {strides = array<i32>} : memref<16384xi32, #tpu.memory_space<vmem>>, vector<16xi32>,
        tpu.vector_store %arg6[%parallel_loop3A_503], %parallel_loop3A_424 {strides = array<i32>} : memref<16384xi32, #tpu.memory_space<vmem>>, vector<16xi32>,
        %parallel_loop3A_505 = arith.constant 16 : i32
        %parallel_loop3A_506 = arith.muli %parallel_loop3A_330, %parallel_loop3A_505 : i32
        %parallel_loop3A_507 = arith.index_cast %parallel_loop3A_506 : i32 to index
        %parallel_loop3A_508 = tpu.vector_load %arg6[%parallel_loop3A_507] {strides = array<i32>} : memref<16384xi32, #tpu.memory_space<vmem>>, vector<16xi32>,
        tpu.vector_store %arg6[%parallel_loop3A_507], %parallel_loop3A_426 {strides = array<i32>} : memref<16384xi32, #tpu.memory_space<vmem>>, vector<16xi32>,
        %parallel_loop3A_509 = arith.constant 16 : i32
        %parallel_loop3A_510 = arith.muli %parallel_loop3A_332, %parallel_loop3A_509 : i32
        %parallel_loop3A_511 = arith.index_cast %parallel_loop3A_510 : i32 to index
        %parallel_loop3A_512 = tpu.vector_load %arg6[%parallel_loop3A_511] {strides = array<i32>} : memref<16384xi32, #tpu.memory_space<vmem>>, vector<16xi32>,
        tpu.vector_store %arg6[%parallel_loop3A_511], %parallel_loop3A_428 {strides = array<i32>} : memref<16384xi32, #tpu.memory_space<vmem>>, vector<16xi32>,
        %parallel_loop3A_513 = arith.constant 16 : i32
        %parallel_loop3A_514 = arith.muli %parallel_loop3A_334, %parallel_loop3A_513 : i32
        %parallel_loop3A_515 = arith.index_cast %parallel_loop3A_514 : i32 to index
        %parallel_loop3A_516 = tpu.vector_load %arg6[%parallel_loop3A_515] {strides = array<i32>} : memref<16384xi32, #tpu.memory_space<vmem>>, vector<16xi32>,
        tpu.vector_store %arg6[%parallel_loop3A_515], %parallel_loop3A_430 {strides = array<i32>} : memref<16384xi32, #tpu.memory_space<vmem>>, vector<16xi32>,
        %parallel_loop3A_517 = arith.constant 16 : i32
        %parallel_loop3A_518 = arith.muli %parallel_loop3A_336, %parallel_loop3A_517 : i32
        %parallel_loop3A_519 = arith.index_cast %parallel_loop3A_518 : i32 to index
        %parallel_loop3A_520 = tpu.vector_load %arg6[%parallel_loop3A_519] {strides = array<i32>} : memref<16384xi32, #tpu.memory_space<vmem>>, vector<16xi32>,
        tpu.vector_store %arg6[%parallel_loop3A_519], %parallel_loop3A_432 {strides = array<i32>} : memref<16384xi32, #tpu.memory_space<vmem>>, vector<16xi32>,
        tpu.vector_store_idx %arg7[%parallel_loop3A_460], %broadcast_in_dim3A_4 {add = true} : memref<4096xi32, #tpu.memory_space<vmem>>[vector<16xi32>], vector<16xi32>,
        tpu.vector_store_idx %arg7[%parallel_loop3A_464], %broadcast_in_dim3A_4 {add = true} : memref<4096xi32, #tpu.memory_space<vmem>>[vector<16xi32>], vector<16xi32>,
        tpu.vector_store_idx %arg7[%parallel_loop3A_468], %broadcast_in_dim3A_4 {add = true} : memref<4096xi32, #tpu.memory_space<vmem>>[vector<16xi32>], vector<16xi32>,
        tpu.vector_store_idx %arg7[%parallel_loop3A_472], %broadcast_in_dim3A_4 {add = true} : memref<4096xi32, #tpu.memory_space<vmem>>[vector<16xi32>], vector<16xi32>,
        tpu.vector_store_idx %arg7[%parallel_loop3A_476], %broadcast_in_dim3A_4 {add = true} : memref<4096xi32, #tpu.memory_space<vmem>>[vector<16xi32>], vector<16xi32>,
        tpu.vector_store_idx %arg7[%parallel_loop3A_480], %broadcast_in_dim3A_4 {add = true} : memref<4096xi32, #tpu.memory_space<vmem>>[vector<16xi32>], vector<16xi32>,
        tpu.vector_store_idx %arg7[%parallel_loop3A_484], %broadcast_in_dim3A_4 {add = true} : memref<4096xi32, #tpu.memory_space<vmem>>[vector<16xi32>], vector<16xi32>,
        tpu.vector_store_idx %arg7[%parallel_loop3A_488], %broadcast_in_dim3A_4 {add = true} : memref<4096xi32, #tpu.memory_space<vmem>>[vector<16xi32>], vector<16xi32>,
        scf.yield %parallel_loop3A_320 : i32
      } {sc.loop_unroll_factor = 1 : i64, sc.parallel_access}
      %scan3A_188 = arith.constant 0 : i32
      %scan3A_189 = arith.constant 32 : i32
      %scan3A_190 = arith.addi %scan3A_188, %scan3A_189 : i32
      %scan3A_191 = arith.constant 1 : i32
      %scan3A_192:3 = scf.for %scan3A_319 = %scan3A_188 to %scan3A_190 step %scan3A_191 iter_args(%scan3A_320 = %broadcast_in_dim3A_6, %scan3A_321 = %broadcast_in_dim3A_6, %scan3A_322 = %broadcast_in_dim3A_6) -> (vector<16xi32>, vector<16xi32>, vector<16xi32>)  : i32 {
        %mul3A_323 = arith.constant 8 : i32
        %mul3A_324 = arith.muli %scan3A_319, %mul3A_323 : i32
        %add3A_325 = arith.constant 0 : i32
        %add3A_326 = arith.addi %mul3A_324, %add3A_325 : i32
        %sub3A_327 = arith.constant 255 : i32
        %sub3A_328 = arith.subi %sub3A_327, %add3A_326 : i32
        %mul3A_329 = arith.constant 8 : i32
        %mul3A_330 = arith.muli %scan3A_319, %mul3A_329 : i32
        %add3A_331 = arith.constant 1 : i32
        %add3A_332 = arith.addi %mul3A_330, %add3A_331 : i32
        %sub3A_333 = arith.constant 255 : i32
        %sub3A_334 = arith.subi %sub3A_333, %add3A_332 : i32
        %mul3A_335 = arith.constant 8 : i32
        %mul3A_336 = arith.muli %scan3A_319, %mul3A_335 : i32
        %add3A_337 = arith.constant 2 : i32
        %add3A_338 = arith.addi %mul3A_336, %add3A_337 : i32
        %sub3A_339 = arith.constant 255 : i32
        %sub3A_340 = arith.subi %sub3A_339, %add3A_338 : i32
        %mul3A_341 = arith.constant 8 : i32
        %mul3A_342 = arith.muli %scan3A_319, %mul3A_341 : i32
        %add3A_343 = arith.constant 3 : i32
        %add3A_344 = arith.addi %mul3A_342, %add3A_343 : i32
        %sub3A_345 = arith.constant 255 : i32
        %sub3A_346 = arith.subi %sub3A_345, %add3A_344 : i32
        %mul3A_347 = arith.constant 8 : i32
        %mul3A_348 = arith.muli %scan3A_319, %mul3A_347 : i32
        %add3A_349 = arith.constant 4 : i32
        %add3A_350 = arith.addi %mul3A_348, %add3A_349 : i32
        %sub3A_351 = arith.constant 255 : i32
        %sub3A_352 = arith.subi %sub3A_351, %add3A_350 : i32
        %mul3A_353 = arith.constant 8 : i32
        %mul3A_354 = arith.muli %scan3A_319, %mul3A_353 : i32
        %add3A_355 = arith.constant 5 : i32
        %add3A_356 = arith.addi %mul3A_354, %add3A_355 : i32
        %sub3A_357 = arith.constant 255 : i32
        %sub3A_358 = arith.subi %sub3A_357, %add3A_356 : i32
        %mul3A_359 = arith.constant 8 : i32
        %mul3A_360 = arith.muli %scan3A_319, %mul3A_359 : i32
        %add3A_361 = arith.constant 6 : i32
        %add3A_362 = arith.addi %mul3A_360, %add3A_361 : i32
        %sub3A_363 = arith.constant 255 : i32
        %sub3A_364 = arith.subi %sub3A_363, %add3A_362 : i32
        %mul3A_365 = arith.constant 8 : i32
        %mul3A_366 = arith.muli %scan3A_319, %mul3A_365 : i32
        %add3A_367 = arith.constant 7 : i32
        %add3A_368 = arith.addi %mul3A_366, %add3A_367 : i32
        %sub3A_369 = arith.constant 255 : i32
        %sub3A_370 = arith.subi %sub3A_369, %add3A_368 : i32
        %mul3A_371 = arith.constant 16 : i32
        %mul3A_372 = arith.muli %sub3A_328, %mul3A_371 : i32
        %get3A = arith.index_cast %mul3A_372 : i32 to index
        %get3A_373 = tpu.vector_load %arg7[%get3A] {strides = array<i32>} : memref<4096xi32, #tpu.memory_space<vmem>>, vector<16xi32>,
        %mul3A_374 = arith.constant 16 : i32
        %mul3A_375 = arith.muli %sub3A_334, %mul3A_374 : i32
        %get3A_376 = arith.index_cast %mul3A_375 : i32 to index
        %get3A_377 = tpu.vector_load %arg7[%get3A_376] {strides = array<i32>} : memref<4096xi32, #tpu.memory_space<vmem>>, vector<16xi32>,
        %mul3A_378 = arith.constant 16 : i32
        %mul3A_379 = arith.muli %sub3A_340, %mul3A_378 : i32
        %get3A_380 = arith.index_cast %mul3A_379 : i32 to index
        %get3A_381 = tpu.vector_load %arg7[%get3A_380] {strides = array<i32>} : memref<4096xi32, #tpu.memory_space<vmem>>, vector<16xi32>,
        %mul3A_382 = arith.constant 16 : i32
        %mul3A_383 = arith.muli %sub3A_346, %mul3A_382 : i32
        %get3A_384 = arith.index_cast %mul3A_383 : i32 to index
        %get3A_385 = tpu.vector_load %arg7[%get3A_384] {strides = array<i32>} : memref<4096xi32, #tpu.memory_space<vmem>>, vector<16xi32>,
        %mul3A_386 = arith.constant 16 : i32
        %mul3A_387 = arith.muli %sub3A_352, %mul3A_386 : i32
        %get3A_388 = arith.index_cast %mul3A_387 : i32 to index
        %get3A_389 = tpu.vector_load %arg7[%get3A_388] {strides = array<i32>} : memref<4096xi32, #tpu.memory_space<vmem>>, vector<16xi32>,
        %mul3A_390 = arith.constant 16 : i32
        %mul3A_391 = arith.muli %sub3A_358, %mul3A_390 : i32
        %get3A_392 = arith.index_cast %mul3A_391 : i32 to index
        %get3A_393 = tpu.vector_load %arg7[%get3A_392] {strides = array<i32>} : memref<4096xi32, #tpu.memory_space<vmem>>, vector<16xi32>,
        %mul3A_394 = arith.constant 16 : i32
        %mul3A_395 = arith.muli %sub3A_364, %mul3A_394 : i32
        %get3A_396 = arith.index_cast %mul3A_395 : i32 to index
        %get3A_397 = tpu.vector_load %arg7[%get3A_396] {strides = array<i32>} : memref<4096xi32, #tpu.memory_space<vmem>>, vector<16xi32>,
        %mul3A_398 = arith.constant 16 : i32
        %mul3A_399 = arith.muli %sub3A_370, %mul3A_398 : i32
        %get3A_400 = arith.index_cast %mul3A_399 : i32 to index
        %get3A_401 = tpu.vector_load %arg7[%get3A_400] {strides = array<i32>} : memref<4096xi32, #tpu.memory_space<vmem>>, vector<16xi32>,
        %lt3A_402 = arith.cmpi slt, %scan3A_320, %broadcast_in_dim3A_12 : vector<16xi32>
        %broadcast_in_dim3A_403 = vector.broadcast %sub3A_328 : i32 to vector<16xi32>
        %select_n3A_404 = arith.select %lt3A_402, %broadcast_in_dim3A_403, %scan3A_321 : vector<16xi1>, vector<16xi32>
        %select_n3A_405 = arith.select %lt3A_402, %scan3A_320, %scan3A_322 : vector<16xi1>, vector<16xi32>
        %add3A_406 = arith.addi %scan3A_320, %get3A_373 : vector<16xi32>
        %lt3A_407 = arith.cmpi slt, %add3A_406, %broadcast_in_dim3A_12 : vector<16xi32>
        %broadcast_in_dim3A_408 = vector.broadcast %sub3A_334 : i32 to vector<16xi32>
        %select_n3A_409 = arith.select %lt3A_407, %broadcast_in_dim3A_408, %select_n3A_404 : vector<16xi1>, vector<16xi32>
        %select_n3A_410 = arith.select %lt3A_407, %add3A_406, %select_n3A_405 : vector<16xi1>, vector<16xi32>
        %add3A_411 = arith.addi %add3A_406, %get3A_377 : vector<16xi32>
        %lt3A_412 = arith.cmpi slt, %add3A_411, %broadcast_in_dim3A_12 : vector<16xi32>
        %broadcast_in_dim3A_413 = vector.broadcast %sub3A_340 : i32 to vector<16xi32>
        %select_n3A_414 = arith.select %lt3A_412, %broadcast_in_dim3A_413, %select_n3A_409 : vector<16xi1>, vector<16xi32>
        %select_n3A_415 = arith.select %lt3A_412, %add3A_411, %select_n3A_410 : vector<16xi1>, vector<16xi32>
        %add3A_416 = arith.addi %add3A_411, %get3A_381 : vector<16xi32>
        %lt3A_417 = arith.cmpi slt, %add3A_416, %broadcast_in_dim3A_12 : vector<16xi32>
        %broadcast_in_dim3A_418 = vector.broadcast %sub3A_346 : i32 to vector<16xi32>
        %select_n3A_419 = arith.select %lt3A_417, %broadcast_in_dim3A_418, %select_n3A_414 : vector<16xi1>, vector<16xi32>
        %select_n3A_420 = arith.select %lt3A_417, %add3A_416, %select_n3A_415 : vector<16xi1>, vector<16xi32>
        %add3A_421 = arith.addi %add3A_416, %get3A_385 : vector<16xi32>
        %lt3A_422 = arith.cmpi slt, %add3A_421, %broadcast_in_dim3A_12 : vector<16xi32>
        %broadcast_in_dim3A_423 = vector.broadcast %sub3A_352 : i32 to vector<16xi32>
        %select_n3A_424 = arith.select %lt3A_422, %broadcast_in_dim3A_423, %select_n3A_419 : vector<16xi1>, vector<16xi32>
        %select_n3A_425 = arith.select %lt3A_422, %add3A_421, %select_n3A_420 : vector<16xi1>, vector<16xi32>
        %add3A_426 = arith.addi %add3A_421, %get3A_389 : vector<16xi32>
        %lt3A_427 = arith.cmpi slt, %add3A_426, %broadcast_in_dim3A_12 : vector<16xi32>
        %broadcast_in_dim3A_428 = vector.broadcast %sub3A_358 : i32 to vector<16xi32>
        %select_n3A_429 = arith.select %lt3A_427, %broadcast_in_dim3A_428, %select_n3A_424 : vector<16xi1>, vector<16xi32>
        %select_n3A_430 = arith.select %lt3A_427, %add3A_426, %select_n3A_425 : vector<16xi1>, vector<16xi32>
        %add3A_431 = arith.addi %add3A_426, %get3A_393 : vector<16xi32>
        %lt3A_432 = arith.cmpi slt, %add3A_431, %broadcast_in_dim3A_12 : vector<16xi32>
        %broadcast_in_dim3A_433 = vector.broadcast %sub3A_364 : i32 to vector<16xi32>
        %select_n3A_434 = arith.select %lt3A_432, %broadcast_in_dim3A_433, %select_n3A_429 : vector<16xi1>, vector<16xi32>
        %select_n3A_435 = arith.select %lt3A_432, %add3A_431, %select_n3A_430 : vector<16xi1>, vector<16xi32>
        %add3A_436 = arith.addi %add3A_431, %get3A_397 : vector<16xi32>
        %lt3A_437 = arith.cmpi slt, %add3A_436, %broadcast_in_dim3A_12 : vector<16xi32>
        %broadcast_in_dim3A_438 = vector.broadcast %sub3A_370 : i32 to vector<16xi32>
        %select_n3A_439 = arith.select %lt3A_437, %broadcast_in_dim3A_438, %select_n3A_434 : vector<16xi1>, vector<16xi32>
        %select_n3A_440 = arith.select %lt3A_437, %add3A_436, %select_n3A_435 : vector<16xi1>, vector<16xi32>
        %add3A_441 = arith.addi %add3A_436, %get3A_401 : vector<16xi32>
        scf.yield %add3A_441, %select_n3A_439, %select_n3A_440 : vector<16xi32>, vector<16xi32>, vector<16xi32>
      }
      %scan3A_193 = arith.constant 32 : i32
      %shift_left3A_194 = arith.constant 24 : i32
      %shift_left3A_195 = vector.broadcast %shift_left3A_194 : i32 to vector<16xi32>
      %shift_left3A_196 = arith.shli %scan3A_192#1, %shift_left3A_195 : vector<16xi32>
      %sub3A_197 = arith.subi %broadcast_in_dim3A_12, %scan3A_192#2 : vector<16xi32>
      %scan3A_198 = arith.constant 0 : i32
      %scan3A_199 = arith.constant 32 : i32
      %scan3A_200 = arith.addi %scan3A_198, %scan3A_199 : i32
      %scan3A_201 = arith.constant 1 : i32
      %scan3A_202:3 = scf.for %scan3A_319 = %scan3A_198 to %scan3A_200 step %scan3A_201 iter_args(%scan3A_320 = %broadcast_in_dim3A_6, %scan3A_321 = %broadcast_in_dim3A_6, %scan3A_322 = %broadcast_in_dim3A_6) -> (vector<16xi32>, vector<16xi32>, vector<16xi32>)  : i32 {
        %mul3A_323 = arith.constant 8 : i32
        %mul3A_324 = arith.muli %scan3A_319, %mul3A_323 : i32
        %add3A_325 = arith.constant 0 : i32
        %add3A_326 = arith.addi %mul3A_324, %add3A_325 : i32
        %mul3A_327 = arith.constant 8 : i32
        %mul3A_328 = arith.muli %scan3A_319, %mul3A_327 : i32
        %add3A_329 = arith.constant 1 : i32
        %add3A_330 = arith.addi %mul3A_328, %add3A_329 : i32
        %mul3A_331 = arith.constant 8 : i32
        %mul3A_332 = arith.muli %scan3A_319, %mul3A_331 : i32
        %add3A_333 = arith.constant 2 : i32
        %add3A_334 = arith.addi %mul3A_332, %add3A_333 : i32
        %mul3A_335 = arith.constant 8 : i32
        %mul3A_336 = arith.muli %scan3A_319, %mul3A_335 : i32
        %add3A_337 = arith.constant 3 : i32
        %add3A_338 = arith.addi %mul3A_336, %add3A_337 : i32
        %mul3A_339 = arith.constant 8 : i32
        %mul3A_340 = arith.muli %scan3A_319, %mul3A_339 : i32
        %add3A_341 = arith.constant 4 : i32
        %add3A_342 = arith.addi %mul3A_340, %add3A_341 : i32
        %mul3A_343 = arith.constant 8 : i32
        %mul3A_344 = arith.muli %scan3A_319, %mul3A_343 : i32
        %add3A_345 = arith.constant 5 : i32
        %add3A_346 = arith.addi %mul3A_344, %add3A_345 : i32
        %mul3A_347 = arith.constant 8 : i32
        %mul3A_348 = arith.muli %scan3A_319, %mul3A_347 : i32
        %add3A_349 = arith.constant 6 : i32
        %add3A_350 = arith.addi %mul3A_348, %add3A_349 : i32
        %mul3A_351 = arith.constant 8 : i32
        %mul3A_352 = arith.muli %scan3A_319, %mul3A_351 : i32
        %add3A_353 = arith.constant 7 : i32
        %add3A_354 = arith.addi %mul3A_352, %add3A_353 : i32
        %mul3A_355 = arith.constant 16 : i32
        %mul3A_356 = arith.muli %add3A_326, %mul3A_355 : i32
        %get3A = arith.index_cast %mul3A_356 : i32 to index
        %get3A_357 = tpu.vector_load %arg7[%get3A] {strides = array<i32>} : memref<4096xi32, #tpu.memory_space<vmem>>, vector<16xi32>,
        %mul3A_358 = arith.constant 16 : i32
        %mul3A_359 = arith.muli %add3A_330, %mul3A_358 : i32
        %get3A_360 = arith.index_cast %mul3A_359 : i32 to index
        %get3A_361 = tpu.vector_load %arg7[%get3A_360] {strides = array<i32>} : memref<4096xi32, #tpu.memory_space<vmem>>, vector<16xi32>,
        %mul3A_362 = arith.constant 16 : i32
        %mul3A_363 = arith.muli %add3A_334, %mul3A_362 : i32
        %get3A_364 = arith.index_cast %mul3A_363 : i32 to index
        %get3A_365 = tpu.vector_load %arg7[%get3A_364] {strides = array<i32>} : memref<4096xi32, #tpu.memory_space<vmem>>, vector<16xi32>,
        %mul3A_366 = arith.constant 16 : i32
        %mul3A_367 = arith.muli %add3A_338, %mul3A_366 : i32
        %get3A_368 = arith.index_cast %mul3A_367 : i32 to index
        %get3A_369 = tpu.vector_load %arg7[%get3A_368] {strides = array<i32>} : memref<4096xi32, #tpu.memory_space<vmem>>, vector<16xi32>,
        %mul3A_370 = arith.constant 16 : i32
        %mul3A_371 = arith.muli %add3A_342, %mul3A_370 : i32
        %get3A_372 = arith.index_cast %mul3A_371 : i32 to index
        %get3A_373 = tpu.vector_load %arg7[%get3A_372] {strides = array<i32>} : memref<4096xi32, #tpu.memory_space<vmem>>, vector<16xi32>,
        %mul3A_374 = arith.constant 16 : i32
        %mul3A_375 = arith.muli %add3A_346, %mul3A_374 : i32
        %get3A_376 = arith.index_cast %mul3A_375 : i32 to index
        %get3A_377 = tpu.vector_load %arg7[%get3A_376] {strides = array<i32>} : memref<4096xi32, #tpu.memory_space<vmem>>, vector<16xi32>,
        %mul3A_378 = arith.constant 16 : i32
        %mul3A_379 = arith.muli %add3A_350, %mul3A_378 : i32
        %get3A_380 = arith.index_cast %mul3A_379 : i32 to index
        %get3A_381 = tpu.vector_load %arg7[%get3A_380] {strides = array<i32>} : memref<4096xi32, #tpu.memory_space<vmem>>, vector<16xi32>,
        %mul3A_382 = arith.constant 16 : i32
        %mul3A_383 = arith.muli %add3A_354, %mul3A_382 : i32
        %get3A_384 = arith.index_cast %mul3A_383 : i32 to index
        %get3A_385 = tpu.vector_load %arg7[%get3A_384] {strides = array<i32>} : memref<4096xi32, #tpu.memory_space<vmem>>, vector<16xi32>,
        %mul3A_386 = arith.constant 16 : i32
        %mul3A_387 = arith.muli %add3A_326, %mul3A_386 : i32
        %swap3A_388 = arith.index_cast %mul3A_387 : i32 to index
        %swap3A_389 = tpu.vector_load %arg7[%swap3A_388] {strides = array<i32>} : memref<4096xi32, #tpu.memory_space<vmem>>, vector<16xi32>,
        tpu.vector_store %arg7[%swap3A_388], %broadcast_in_dim3A_6 {strides = array<i32>} : memref<4096xi32, #tpu.memory_space<vmem>>, vector<16xi32>,
        %mul3A_390 = arith.constant 16 : i32
        %mul3A_391 = arith.muli %add3A_330, %mul3A_390 : i32
        %swap3A_392 = arith.index_cast %mul3A_391 : i32 to index
        %swap3A_393 = tpu.vector_load %arg7[%swap3A_392] {strides = array<i32>} : memref<4096xi32, #tpu.memory_space<vmem>>, vector<16xi32>,
        tpu.vector_store %arg7[%swap3A_392], %broadcast_in_dim3A_6 {strides = array<i32>} : memref<4096xi32, #tpu.memory_space<vmem>>, vector<16xi32>,
        %mul3A_394 = arith.constant 16 : i32
        %mul3A_395 = arith.muli %add3A_334, %mul3A_394 : i32
        %swap3A_396 = arith.index_cast %mul3A_395 : i32 to index
        %swap3A_397 = tpu.vector_load %arg7[%swap3A_396] {strides = array<i32>} : memref<4096xi32, #tpu.memory_space<vmem>>, vector<16xi32>,
        tpu.vector_store %arg7[%swap3A_396], %broadcast_in_dim3A_6 {strides = array<i32>} : memref<4096xi32, #tpu.memory_space<vmem>>, vector<16xi32>,
        %mul3A_398 = arith.constant 16 : i32
        %mul3A_399 = arith.muli %add3A_338, %mul3A_398 : i32
        %swap3A_400 = arith.index_cast %mul3A_399 : i32 to index
        %swap3A_401 = tpu.vector_load %arg7[%swap3A_400] {strides = array<i32>} : memref<4096xi32, #tpu.memory_space<vmem>>, vector<16xi32>,
        tpu.vector_store %arg7[%swap3A_400], %broadcast_in_dim3A_6 {strides = array<i32>} : memref<4096xi32, #tpu.memory_space<vmem>>, vector<16xi32>,
        %mul3A_402 = arith.constant 16 : i32
        %mul3A_403 = arith.muli %add3A_342, %mul3A_402 : i32
        %swap3A_404 = arith.index_cast %mul3A_403 : i32 to index
        %swap3A_405 = tpu.vector_load %arg7[%swap3A_404] {strides = array<i32>} : memref<4096xi32, #tpu.memory_space<vmem>>, vector<16xi32>,
        tpu.vector_store %arg7[%swap3A_404], %broadcast_in_dim3A_6 {strides = array<i32>} : memref<4096xi32, #tpu.memory_space<vmem>>, vector<16xi32>,
        %mul3A_406 = arith.constant 16 : i32
        %mul3A_407 = arith.muli %add3A_346, %mul3A_406 : i32
        %swap3A_408 = arith.index_cast %mul3A_407 : i32 to index
        %swap3A_409 = tpu.vector_load %arg7[%swap3A_408] {strides = array<i32>} : memref<4096xi32, #tpu.memory_space<vmem>>, vector<16xi32>,
        tpu.vector_store %arg7[%swap3A_408], %broadcast_in_dim3A_6 {strides = array<i32>} : memref<4096xi32, #tpu.memory_space<vmem>>, vector<16xi32>,
        %mul3A_410 = arith.constant 16 : i32
        %mul3A_411 = arith.muli %add3A_350, %mul3A_410 : i32
        %swap3A_412 = arith.index_cast %mul3A_411 : i32 to index
        %swap3A_413 = tpu.vector_load %arg7[%swap3A_412] {strides = array<i32>} : memref<4096xi32, #tpu.memory_space<vmem>>, vector<16xi32>,
        tpu.vector_store %arg7[%swap3A_412], %broadcast_in_dim3A_6 {strides = array<i32>} : memref<4096xi32, #tpu.memory_space<vmem>>, vector<16xi32>,
        %mul3A_414 = arith.constant 16 : i32
        %mul3A_415 = arith.muli %add3A_354, %mul3A_414 : i32
        %swap3A_416 = arith.index_cast %mul3A_415 : i32 to index
        %swap3A_417 = tpu.vector_load %arg7[%swap3A_416] {strides = array<i32>} : memref<4096xi32, #tpu.memory_space<vmem>>, vector<16xi32>,
        tpu.vector_store %arg7[%swap3A_416], %broadcast_in_dim3A_6 {strides = array<i32>} : memref<4096xi32, #tpu.memory_space<vmem>>, vector<16xi32>,
        %lt3A_418 = arith.cmpi slt, %scan3A_320, %broadcast_in_dim3A_12 : vector<16xi32>
        %broadcast_in_dim3A_419 = vector.broadcast %add3A_326 : i32 to vector<16xi32>
        %select_n3A_420 = arith.select %lt3A_418, %broadcast_in_dim3A_419, %scan3A_321 : vector<16xi1>, vector<16xi32>
        %select_n3A_421 = arith.select %lt3A_418, %scan3A_320, %scan3A_322 : vector<16xi1>, vector<16xi32>
        %add3A_422 = arith.addi %scan3A_320, %get3A_357 : vector<16xi32>
        %lt3A_423 = arith.cmpi slt, %add3A_422, %broadcast_in_dim3A_12 : vector<16xi32>
        %broadcast_in_dim3A_424 = vector.broadcast %add3A_330 : i32 to vector<16xi32>
        %select_n3A_425 = arith.select %lt3A_423, %broadcast_in_dim3A_424, %select_n3A_420 : vector<16xi1>, vector<16xi32>
        %select_n3A_426 = arith.select %lt3A_423, %add3A_422, %select_n3A_421 : vector<16xi1>, vector<16xi32>
        %add3A_427 = arith.addi %add3A_422, %get3A_361 : vector<16xi32>
        %lt3A_428 = arith.cmpi slt, %add3A_427, %broadcast_in_dim3A_12 : vector<16xi32>
        %broadcast_in_dim3A_429 = vector.broadcast %add3A_334 : i32 to vector<16xi32>
        %select_n3A_430 = arith.select %lt3A_428, %broadcast_in_dim3A_429, %select_n3A_425 : vector<16xi1>, vector<16xi32>
        %select_n3A_431 = arith.select %lt3A_428, %add3A_427, %select_n3A_426 : vector<16xi1>, vector<16xi32>
        %add3A_432 = arith.addi %add3A_427, %get3A_365 : vector<16xi32>
        %lt3A_433 = arith.cmpi slt, %add3A_432, %broadcast_in_dim3A_12 : vector<16xi32>
        %broadcast_in_dim3A_434 = vector.broadcast %add3A_338 : i32 to vector<16xi32>
        %select_n3A_435 = arith.select %lt3A_433, %broadcast_in_dim3A_434, %select_n3A_430 : vector<16xi1>, vector<16xi32>
        %select_n3A_436 = arith.select %lt3A_433, %add3A_432, %select_n3A_431 : vector<16xi1>, vector<16xi32>
        %add3A_437 = arith.addi %add3A_432, %get3A_369 : vector<16xi32>
        %lt3A_438 = arith.cmpi slt, %add3A_437, %broadcast_in_dim3A_12 : vector<16xi32>
        %broadcast_in_dim3A_439 = vector.broadcast %add3A_342 : i32 to vector<16xi32>
        %select_n3A_440 = arith.select %lt3A_438, %broadcast_in_dim3A_439, %select_n3A_435 : vector<16xi1>, vector<16xi32>
        %select_n3A_441 = arith.select %lt3A_438, %add3A_437, %select_n3A_436 : vector<16xi1>, vector<16xi32>
        %add3A_442 = arith.addi %add3A_437, %get3A_373 : vector<16xi32>
        %lt3A_443 = arith.cmpi slt, %add3A_442, %broadcast_in_dim3A_12 : vector<16xi32>
        %broadcast_in_dim3A_444 = vector.broadcast %add3A_346 : i32 to vector<16xi32>
        %select_n3A_445 = arith.select %lt3A_443, %broadcast_in_dim3A_444, %select_n3A_440 : vector<16xi1>, vector<16xi32>
        %select_n3A_446 = arith.select %lt3A_443, %add3A_442, %select_n3A_441 : vector<16xi1>, vector<16xi32>
        %add3A_447 = arith.addi %add3A_442, %get3A_377 : vector<16xi32>
        %lt3A_448 = arith.cmpi slt, %add3A_447, %broadcast_in_dim3A_12 : vector<16xi32>
        %broadcast_in_dim3A_449 = vector.broadcast %add3A_350 : i32 to vector<16xi32>
        %select_n3A_450 = arith.select %lt3A_448, %broadcast_in_dim3A_449, %select_n3A_445 : vector<16xi1>, vector<16xi32>
        %select_n3A_451 = arith.select %lt3A_448, %add3A_447, %select_n3A_446 : vector<16xi1>, vector<16xi32>
        %add3A_452 = arith.addi %add3A_447, %get3A_381 : vector<16xi32>
        %lt3A_453 = arith.cmpi slt, %add3A_452, %broadcast_in_dim3A_12 : vector<16xi32>
        %broadcast_in_dim3A_454 = vector.broadcast %add3A_354 : i32 to vector<16xi32>
        %select_n3A_455 = arith.select %lt3A_453, %broadcast_in_dim3A_454, %select_n3A_450 : vector<16xi1>, vector<16xi32>
        %select_n3A_456 = arith.select %lt3A_453, %add3A_452, %select_n3A_451 : vector<16xi1>, vector<16xi32>
        %add3A_457 = arith.addi %add3A_452, %get3A_385 : vector<16xi32>
        scf.yield %add3A_457, %select_n3A_455, %select_n3A_456 : vector<16xi32>, vector<16xi32>, vector<16xi32>
      }
      %scan3A_203 = arith.constant 32 : i32
      %shift_left3A_204 = arith.constant 24 : i32
      %shift_left3A_205 = vector.broadcast %shift_left3A_204 : i32 to vector<16xi32>
      %shift_left3A_206 = arith.shli %scan3A_202#1, %shift_left3A_205 : vector<16xi32>
      %sub3A_207 = arith.subi %broadcast_in_dim3A_12, %scan3A_202#2 : vector<16xi32>
      %parallel_loop3A_208 = arith.constant 0 : i32
      %parallel_loop3A_209 = arith.constant 1024 : i32
      %parallel_loop3A_210 = arith.constant 8 : i32
      %parallel_loop3A_211 = arith.constant -16777216 : i32
      %parallel_loop3A_212 = arith.constant 0 : i32
      %parallel_loop3A_213 = scf.for %parallel_loop3A_319 = %parallel_loop3A_208 to %parallel_loop3A_209 step %parallel_loop3A_210 iter_args(%parallel_loop3A_320 = %parallel_loop3A_212) -> (i32)  : i32 {
        %parallel_loop3A_321 = arith.constant 0 : i32
        %parallel_loop3A_322 = arith.addi %parallel_loop3A_319, %parallel_loop3A_321 : i32
        %parallel_loop3A_323 = arith.constant 1 : i32
        %parallel_loop3A_324 = arith.addi %parallel_loop3A_319, %parallel_loop3A_323 : i32
        %parallel_loop3A_325 = arith.constant 2 : i32
        %parallel_loop3A_326 = arith.addi %parallel_loop3A_319, %parallel_loop3A_325 : i32
        %parallel_loop3A_327 = arith.constant 3 : i32
        %parallel_loop3A_328 = arith.addi %parallel_loop3A_319, %parallel_loop3A_327 : i32
        %parallel_loop3A_329 = arith.constant 4 : i32
        %parallel_loop3A_330 = arith.addi %parallel_loop3A_319, %parallel_loop3A_329 : i32
        %parallel_loop3A_331 = arith.constant 5 : i32
        %parallel_loop3A_332 = arith.addi %parallel_loop3A_319, %parallel_loop3A_331 : i32
        %parallel_loop3A_333 = arith.constant 6 : i32
        %parallel_loop3A_334 = arith.addi %parallel_loop3A_319, %parallel_loop3A_333 : i32
        %parallel_loop3A_335 = arith.constant 7 : i32
        %parallel_loop3A_336 = arith.addi %parallel_loop3A_319, %parallel_loop3A_335 : i32
        %parallel_loop3A_337 = arith.constant 16 : i32
        %parallel_loop3A_338 = arith.muli %parallel_loop3A_322, %parallel_loop3A_337 : i32
        %parallel_loop3A_339 = arith.index_cast %parallel_loop3A_338 : i32 to index
        %parallel_loop3A_340 = tpu.vector_load %arg6[%parallel_loop3A_339] {strides = array<i32>} : memref<16384xi32, #tpu.memory_space<vmem>>, vector<16xi32>,
        %parallel_loop3A_341 = arith.constant 16 : i32
        %parallel_loop3A_342 = arith.muli %parallel_loop3A_324, %parallel_loop3A_341 : i32
        %parallel_loop3A_343 = arith.index_cast %parallel_loop3A_342 : i32 to index
        %parallel_loop3A_344 = tpu.vector_load %arg6[%parallel_loop3A_343] {strides = array<i32>} : memref<16384xi32, #tpu.memory_space<vmem>>, vector<16xi32>,
        %parallel_loop3A_345 = arith.constant 16 : i32
        %parallel_loop3A_346 = arith.muli %parallel_loop3A_326, %parallel_loop3A_345 : i32
        %parallel_loop3A_347 = arith.index_cast %parallel_loop3A_346 : i32 to index
        %parallel_loop3A_348 = tpu.vector_load %arg6[%parallel_loop3A_347] {strides = array<i32>} : memref<16384xi32, #tpu.memory_space<vmem>>, vector<16xi32>,
        %parallel_loop3A_349 = arith.constant 16 : i32
        %parallel_loop3A_350 = arith.muli %parallel_loop3A_328, %parallel_loop3A_349 : i32
        %parallel_loop3A_351 = arith.index_cast %parallel_loop3A_350 : i32 to index
        %parallel_loop3A_352 = tpu.vector_load %arg6[%parallel_loop3A_351] {strides = array<i32>} : memref<16384xi32, #tpu.memory_space<vmem>>, vector<16xi32>,
        %parallel_loop3A_353 = arith.constant 16 : i32
        %parallel_loop3A_354 = arith.muli %parallel_loop3A_330, %parallel_loop3A_353 : i32
        %parallel_loop3A_355 = arith.index_cast %parallel_loop3A_354 : i32 to index
        %parallel_loop3A_356 = tpu.vector_load %arg6[%parallel_loop3A_355] {strides = array<i32>} : memref<16384xi32, #tpu.memory_space<vmem>>, vector<16xi32>,
        %parallel_loop3A_357 = arith.constant 16 : i32
        %parallel_loop3A_358 = arith.muli %parallel_loop3A_332, %parallel_loop3A_357 : i32
        %parallel_loop3A_359 = arith.index_cast %parallel_loop3A_358 : i32 to index
        %parallel_loop3A_360 = tpu.vector_load %arg6[%parallel_loop3A_359] {strides = array<i32>} : memref<16384xi32, #tpu.memory_space<vmem>>, vector<16xi32>,
        %parallel_loop3A_361 = arith.constant 16 : i32
        %parallel_loop3A_362 = arith.muli %parallel_loop3A_334, %parallel_loop3A_361 : i32
        %parallel_loop3A_363 = arith.index_cast %parallel_loop3A_362 : i32 to index
        %parallel_loop3A_364 = tpu.vector_load %arg6[%parallel_loop3A_363] {strides = array<i32>} : memref<16384xi32, #tpu.memory_space<vmem>>, vector<16xi32>,
        %parallel_loop3A_365 = arith.constant 16 : i32
        %parallel_loop3A_366 = arith.muli %parallel_loop3A_336, %parallel_loop3A_365 : i32
        %parallel_loop3A_367 = arith.index_cast %parallel_loop3A_366 : i32 to index
        %parallel_loop3A_368 = tpu.vector_load %arg6[%parallel_loop3A_367] {strides = array<i32>} : memref<16384xi32, #tpu.memory_space<vmem>>, vector<16xi32>,
        %parallel_loop3A_369 = vector.broadcast %parallel_loop3A_211 : i32 to vector<16xi32>
        %parallel_loop3A_370 = arith.andi %parallel_loop3A_340, %parallel_loop3A_369 : vector<16xi32>
        %parallel_loop3A_371 = vector.broadcast %parallel_loop3A_211 : i32 to vector<16xi32>
        %parallel_loop3A_372 = arith.andi %parallel_loop3A_344, %parallel_loop3A_371 : vector<16xi32>
        %parallel_loop3A_373 = vector.broadcast %parallel_loop3A_211 : i32 to vector<16xi32>
        %parallel_loop3A_374 = arith.andi %parallel_loop3A_348, %parallel_loop3A_373 : vector<16xi32>
        %parallel_loop3A_375 = vector.broadcast %parallel_loop3A_211 : i32 to vector<16xi32>
        %parallel_loop3A_376 = arith.andi %parallel_loop3A_352, %parallel_loop3A_375 : vector<16xi32>
        %parallel_loop3A_377 = vector.broadcast %parallel_loop3A_211 : i32 to vector<16xi32>
        %parallel_loop3A_378 = arith.andi %parallel_loop3A_356, %parallel_loop3A_377 : vector<16xi32>
        %parallel_loop3A_379 = vector.broadcast %parallel_loop3A_211 : i32 to vector<16xi32>
        %parallel_loop3A_380 = arith.andi %parallel_loop3A_360, %parallel_loop3A_379 : vector<16xi32>
        %parallel_loop3A_381 = vector.broadcast %parallel_loop3A_211 : i32 to vector<16xi32>
        %parallel_loop3A_382 = arith.andi %parallel_loop3A_364, %parallel_loop3A_381 : vector<16xi32>
        %parallel_loop3A_383 = vector.broadcast %parallel_loop3A_211 : i32 to vector<16xi32>
        %parallel_loop3A_384 = arith.andi %parallel_loop3A_368, %parallel_loop3A_383 : vector<16xi32>
        %parallel_loop3A_385 = arith.cmpi eq, %parallel_loop3A_370, %shift_left3A_196 : vector<16xi32>
        %parallel_loop3A_386 = arith.cmpi eq, %parallel_loop3A_372, %shift_left3A_196 : vector<16xi32>
        %parallel_loop3A_387 = arith.cmpi eq, %parallel_loop3A_374, %shift_left3A_196 : vector<16xi32>
        %parallel_loop3A_388 = arith.cmpi eq, %parallel_loop3A_376, %shift_left3A_196 : vector<16xi32>
        %parallel_loop3A_389 = arith.cmpi eq, %parallel_loop3A_378, %shift_left3A_196 : vector<16xi32>
        %parallel_loop3A_390 = arith.cmpi eq, %parallel_loop3A_380, %shift_left3A_196 : vector<16xi32>
        %parallel_loop3A_391 = arith.cmpi eq, %parallel_loop3A_382, %shift_left3A_196 : vector<16xi32>
        %parallel_loop3A_392 = arith.cmpi eq, %parallel_loop3A_384, %shift_left3A_196 : vector<16xi32>
        %parallel_loop3A_393 = arith.cmpi eq, %parallel_loop3A_370, %shift_left3A_206 : vector<16xi32>
        %parallel_loop3A_394 = arith.cmpi eq, %parallel_loop3A_372, %shift_left3A_206 : vector<16xi32>
        %parallel_loop3A_395 = arith.cmpi eq, %parallel_loop3A_374, %shift_left3A_206 : vector<16xi32>
        %parallel_loop3A_396 = arith.cmpi eq, %parallel_loop3A_376, %shift_left3A_206 : vector<16xi32>
        %parallel_loop3A_397 = arith.cmpi eq, %parallel_loop3A_378, %shift_left3A_206 : vector<16xi32>
        %parallel_loop3A_398 = arith.cmpi eq, %parallel_loop3A_380, %shift_left3A_206 : vector<16xi32>
        %parallel_loop3A_399 = arith.cmpi eq, %parallel_loop3A_382, %shift_left3A_206 : vector<16xi32>
        %parallel_loop3A_400 = arith.cmpi eq, %parallel_loop3A_384, %shift_left3A_206 : vector<16xi32>
        %parallel_loop3A_401 = arith.constant 16 : i32
        %parallel_loop3A_402 = vector.broadcast %parallel_loop3A_401 : i32 to vector<16xi32>
        %parallel_loop3A_403 = arith.shrui %parallel_loop3A_340, %parallel_loop3A_402 : vector<16xi32>
        %parallel_loop3A_404 = arith.constant 255 : i32
        %parallel_loop3A_405 = vector.broadcast %parallel_loop3A_404 : i32 to vector<16xi32>
        %parallel_loop3A_406 = arith.andi %parallel_loop3A_403, %parallel_loop3A_405 : vector<16xi32>
        %parallel_loop3A_407 = arith.constant 16 : i32
        %parallel_loop3A_408 = vector.broadcast %parallel_loop3A_407 : i32 to vector<16xi32>
        %parallel_loop3A_409 = arith.shrui %parallel_loop3A_344, %parallel_loop3A_408 : vector<16xi32>
        %parallel_loop3A_410 = arith.constant 255 : i32
        %parallel_loop3A_411 = vector.broadcast %parallel_loop3A_410 : i32 to vector<16xi32>
        %parallel_loop3A_412 = arith.andi %parallel_loop3A_409, %parallel_loop3A_411 : vector<16xi32>
        %parallel_loop3A_413 = arith.constant 16 : i32
        %parallel_loop3A_414 = vector.broadcast %parallel_loop3A_413 : i32 to vector<16xi32>
        %parallel_loop3A_415 = arith.shrui %parallel_loop3A_348, %parallel_loop3A_414 : vector<16xi32>
        %parallel_loop3A_416 = arith.constant 255 : i32
        %parallel_loop3A_417 = vector.broadcast %parallel_loop3A_416 : i32 to vector<16xi32>
        %parallel_loop3A_418 = arith.andi %parallel_loop3A_415, %parallel_loop3A_417 : vector<16xi32>
        %parallel_loop3A_419 = arith.constant 16 : i32
        %parallel_loop3A_420 = vector.broadcast %parallel_loop3A_419 : i32 to vector<16xi32>
        %parallel_loop3A_421 = arith.shrui %parallel_loop3A_352, %parallel_loop3A_420 : vector<16xi32>
        %parallel_loop3A_422 = arith.constant 255 : i32
        %parallel_loop3A_423 = vector.broadcast %parallel_loop3A_422 : i32 to vector<16xi32>
        %parallel_loop3A_424 = arith.andi %parallel_loop3A_421, %parallel_loop3A_423 : vector<16xi32>
        %parallel_loop3A_425 = arith.constant 16 : i32
        %parallel_loop3A_426 = vector.broadcast %parallel_loop3A_425 : i32 to vector<16xi32>
        %parallel_loop3A_427 = arith.shrui %parallel_loop3A_356, %parallel_loop3A_426 : vector<16xi32>
        %parallel_loop3A_428 = arith.constant 255 : i32
        %parallel_loop3A_429 = vector.broadcast %parallel_loop3A_428 : i32 to vector<16xi32>
        %parallel_loop3A_430 = arith.andi %parallel_loop3A_427, %parallel_loop3A_429 : vector<16xi32>
        %parallel_loop3A_431 = arith.constant 16 : i32
        %parallel_loop3A_432 = vector.broadcast %parallel_loop3A_431 : i32 to vector<16xi32>
        %parallel_loop3A_433 = arith.shrui %parallel_loop3A_360, %parallel_loop3A_432 : vector<16xi32>
        %parallel_loop3A_434 = arith.constant 255 : i32
        %parallel_loop3A_435 = vector.broadcast %parallel_loop3A_434 : i32 to vector<16xi32>
        %parallel_loop3A_436 = arith.andi %parallel_loop3A_433, %parallel_loop3A_435 : vector<16xi32>
        %parallel_loop3A_437 = arith.constant 16 : i32
        %parallel_loop3A_438 = vector.broadcast %parallel_loop3A_437 : i32 to vector<16xi32>
        %parallel_loop3A_439 = arith.shrui %parallel_loop3A_364, %parallel_loop3A_438 : vector<16xi32>
        %parallel_loop3A_440 = arith.constant 255 : i32
        %parallel_loop3A_441 = vector.broadcast %parallel_loop3A_440 : i32 to vector<16xi32>
        %parallel_loop3A_442 = arith.andi %parallel_loop3A_439, %parallel_loop3A_441 : vector<16xi32>
        %parallel_loop3A_443 = arith.constant 16 : i32
        %parallel_loop3A_444 = vector.broadcast %parallel_loop3A_443 : i32 to vector<16xi32>
        %parallel_loop3A_445 = arith.shrui %parallel_loop3A_368, %parallel_loop3A_444 : vector<16xi32>
        %parallel_loop3A_446 = arith.constant 255 : i32
        %parallel_loop3A_447 = vector.broadcast %parallel_loop3A_446 : i32 to vector<16xi32>
        %parallel_loop3A_448 = arith.andi %parallel_loop3A_445, %parallel_loop3A_447 : vector<16xi32>
        %parallel_loop3A_449 = arith.constant 16 : i32
        %parallel_loop3A_450 = vector.broadcast %parallel_loop3A_449 : i32 to vector<16xi32>
        %parallel_loop3A_451 = arith.muli %parallel_loop3A_406, %parallel_loop3A_450 : vector<16xi32>
        %parallel_loop3A_452 = arith.addi %parallel_loop3A_451, %iota3A : vector<16xi32>
        %parallel_loop3A_453 = arith.constant 16 : i32
        %parallel_loop3A_454 = vector.broadcast %parallel_loop3A_453 : i32 to vector<16xi32>
        %parallel_loop3A_455 = arith.muli %parallel_loop3A_412, %parallel_loop3A_454 : vector<16xi32>
        %parallel_loop3A_456 = arith.addi %parallel_loop3A_455, %iota3A : vector<16xi32>
        %parallel_loop3A_457 = arith.constant 16 : i32
        %parallel_loop3A_458 = vector.broadcast %parallel_loop3A_457 : i32 to vector<16xi32>
        %parallel_loop3A_459 = arith.muli %parallel_loop3A_418, %parallel_loop3A_458 : vector<16xi32>
        %parallel_loop3A_460 = arith.addi %parallel_loop3A_459, %iota3A : vector<16xi32>
        %parallel_loop3A_461 = arith.constant 16 : i32
        %parallel_loop3A_462 = vector.broadcast %parallel_loop3A_461 : i32 to vector<16xi32>
        %parallel_loop3A_463 = arith.muli %parallel_loop3A_424, %parallel_loop3A_462 : vector<16xi32>
        %parallel_loop3A_464 = arith.addi %parallel_loop3A_463, %iota3A : vector<16xi32>
        %parallel_loop3A_465 = arith.constant 16 : i32
        %parallel_loop3A_466 = vector.broadcast %parallel_loop3A_465 : i32 to vector<16xi32>
        %parallel_loop3A_467 = arith.muli %parallel_loop3A_430, %parallel_loop3A_466 : vector<16xi32>
        %parallel_loop3A_468 = arith.addi %parallel_loop3A_467, %iota3A : vector<16xi32>
        %parallel_loop3A_469 = arith.constant 16 : i32
        %parallel_loop3A_470 = vector.broadcast %parallel_loop3A_469 : i32 to vector<16xi32>
        %parallel_loop3A_471 = arith.muli %parallel_loop3A_436, %parallel_loop3A_470 : vector<16xi32>
        %parallel_loop3A_472 = arith.addi %parallel_loop3A_471, %iota3A : vector<16xi32>
        %parallel_loop3A_473 = arith.constant 16 : i32
        %parallel_loop3A_474 = vector.broadcast %parallel_loop3A_473 : i32 to vector<16xi32>
        %parallel_loop3A_475 = arith.muli %parallel_loop3A_442, %parallel_loop3A_474 : vector<16xi32>
        %parallel_loop3A_476 = arith.addi %parallel_loop3A_475, %iota3A : vector<16xi32>
        %parallel_loop3A_477 = arith.constant 16 : i32
        %parallel_loop3A_478 = vector.broadcast %parallel_loop3A_477 : i32 to vector<16xi32>
        %parallel_loop3A_479 = arith.muli %parallel_loop3A_448, %parallel_loop3A_478 : vector<16xi32>
        %parallel_loop3A_480 = arith.addi %parallel_loop3A_479, %iota3A : vector<16xi32>
        tpu.vector_store_idx %arg7[%parallel_loop3A_452], %broadcast_in_dim3A_4 masked %parallel_loop3A_385 {add = true} : memref<4096xi32, #tpu.memory_space<vmem>>[vector<16xi32>], vector<16xi32>, vector<16xi1>
        tpu.vector_store_idx %arg8[%parallel_loop3A_452], %broadcast_in_dim3A_4 masked %parallel_loop3A_393 {add = true} : memref<4096xi32, #tpu.memory_space<vmem>>[vector<16xi32>], vector<16xi32>, vector<16xi1>
        tpu.vector_store_idx %arg7[%parallel_loop3A_456], %broadcast_in_dim3A_4 masked %parallel_loop3A_386 {add = true} : memref<4096xi32, #tpu.memory_space<vmem>>[vector<16xi32>], vector<16xi32>, vector<16xi1>
        tpu.vector_store_idx %arg8[%parallel_loop3A_456], %broadcast_in_dim3A_4 masked %parallel_loop3A_394 {add = true} : memref<4096xi32, #tpu.memory_space<vmem>>[vector<16xi32>], vector<16xi32>, vector<16xi1>
        tpu.vector_store_idx %arg7[%parallel_loop3A_460], %broadcast_in_dim3A_4 masked %parallel_loop3A_387 {add = true} : memref<4096xi32, #tpu.memory_space<vmem>>[vector<16xi32>], vector<16xi32>, vector<16xi1>
        tpu.vector_store_idx %arg8[%parallel_loop3A_460], %broadcast_in_dim3A_4 masked %parallel_loop3A_395 {add = true} : memref<4096xi32, #tpu.memory_space<vmem>>[vector<16xi32>], vector<16xi32>, vector<16xi1>
        tpu.vector_store_idx %arg7[%parallel_loop3A_464], %broadcast_in_dim3A_4 masked %parallel_loop3A_388 {add = true} : memref<4096xi32, #tpu.memory_space<vmem>>[vector<16xi32>], vector<16xi32>, vector<16xi1>
        tpu.vector_store_idx %arg8[%parallel_loop3A_464], %broadcast_in_dim3A_4 masked %parallel_loop3A_396 {add = true} : memref<4096xi32, #tpu.memory_space<vmem>>[vector<16xi32>], vector<16xi32>, vector<16xi1>
        tpu.vector_store_idx %arg7[%parallel_loop3A_468], %broadcast_in_dim3A_4 masked %parallel_loop3A_389 {add = true} : memref<4096xi32, #tpu.memory_space<vmem>>[vector<16xi32>], vector<16xi32>, vector<16xi1>
        tpu.vector_store_idx %arg8[%parallel_loop3A_468], %broadcast_in_dim3A_4 masked %parallel_loop3A_397 {add = true} : memref<4096xi32, #tpu.memory_space<vmem>>[vector<16xi32>], vector<16xi32>, vector<16xi1>
        tpu.vector_store_idx %arg7[%parallel_loop3A_472], %broadcast_in_dim3A_4 masked %parallel_loop3A_390 {add = true} : memref<4096xi32, #tpu.memory_space<vmem>>[vector<16xi32>], vector<16xi32>, vector<16xi1>
        tpu.vector_store_idx %arg8[%parallel_loop3A_472], %broadcast_in_dim3A_4 masked %parallel_loop3A_398 {add = true} : memref<4096xi32, #tpu.memory_space<vmem>>[vector<16xi32>], vector<16xi32>, vector<16xi1>
        tpu.vector_store_idx %arg7[%parallel_loop3A_476], %broadcast_in_dim3A_4 masked %parallel_loop3A_391 {add = true} : memref<4096xi32, #tpu.memory_space<vmem>>[vector<16xi32>], vector<16xi32>, vector<16xi1>
        tpu.vector_store_idx %arg8[%parallel_loop3A_476], %broadcast_in_dim3A_4 masked %parallel_loop3A_399 {add = true} : memref<4096xi32, #tpu.memory_space<vmem>>[vector<16xi32>], vector<16xi32>, vector<16xi1>
        tpu.vector_store_idx %arg7[%parallel_loop3A_480], %broadcast_in_dim3A_4 masked %parallel_loop3A_392 {add = true} : memref<4096xi32, #tpu.memory_space<vmem>>[vector<16xi32>], vector<16xi32>, vector<16xi1>
        tpu.vector_store_idx %arg8[%parallel_loop3A_480], %broadcast_in_dim3A_4 masked %parallel_loop3A_400 {add = true} : memref<4096xi32, #tpu.memory_space<vmem>>[vector<16xi32>], vector<16xi32>, vector<16xi1>
        scf.yield %parallel_loop3A_320 : i32
      } {sc.loop_unroll_factor = 1 : i64, sc.parallel_access}
      %scan3A_214 = arith.constant 0 : i32
      %scan3A_215 = arith.constant 32 : i32
      %scan3A_216 = arith.addi %scan3A_214, %scan3A_215 : i32
      %scan3A_217 = arith.constant 1 : i32
      %scan3A_218:3 = scf.for %scan3A_319 = %scan3A_214 to %scan3A_216 step %scan3A_217 iter_args(%scan3A_320 = %broadcast_in_dim3A_6, %scan3A_321 = %broadcast_in_dim3A_6, %scan3A_322 = %broadcast_in_dim3A_6) -> (vector<16xi32>, vector<16xi32>, vector<16xi32>)  : i32 {
        %mul3A_323 = arith.constant 8 : i32
        %mul3A_324 = arith.muli %scan3A_319, %mul3A_323 : i32
        %add3A_325 = arith.constant 0 : i32
        %add3A_326 = arith.addi %mul3A_324, %add3A_325 : i32
        %sub3A_327 = arith.constant 255 : i32
        %sub3A_328 = arith.subi %sub3A_327, %add3A_326 : i32
        %mul3A_329 = arith.constant 8 : i32
        %mul3A_330 = arith.muli %scan3A_319, %mul3A_329 : i32
        %add3A_331 = arith.constant 1 : i32
        %add3A_332 = arith.addi %mul3A_330, %add3A_331 : i32
        %sub3A_333 = arith.constant 255 : i32
        %sub3A_334 = arith.subi %sub3A_333, %add3A_332 : i32
        %mul3A_335 = arith.constant 8 : i32
        %mul3A_336 = arith.muli %scan3A_319, %mul3A_335 : i32
        %add3A_337 = arith.constant 2 : i32
        %add3A_338 = arith.addi %mul3A_336, %add3A_337 : i32
        %sub3A_339 = arith.constant 255 : i32
        %sub3A_340 = arith.subi %sub3A_339, %add3A_338 : i32
        %mul3A_341 = arith.constant 8 : i32
        %mul3A_342 = arith.muli %scan3A_319, %mul3A_341 : i32
        %add3A_343 = arith.constant 3 : i32
        %add3A_344 = arith.addi %mul3A_342, %add3A_343 : i32
        %sub3A_345 = arith.constant 255 : i32
        %sub3A_346 = arith.subi %sub3A_345, %add3A_344 : i32
        %mul3A_347 = arith.constant 8 : i32
        %mul3A_348 = arith.muli %scan3A_319, %mul3A_347 : i32
        %add3A_349 = arith.constant 4 : i32
        %add3A_350 = arith.addi %mul3A_348, %add3A_349 : i32
        %sub3A_351 = arith.constant 255 : i32
        %sub3A_352 = arith.subi %sub3A_351, %add3A_350 : i32
        %mul3A_353 = arith.constant 8 : i32
        %mul3A_354 = arith.muli %scan3A_319, %mul3A_353 : i32
        %add3A_355 = arith.constant 5 : i32
        %add3A_356 = arith.addi %mul3A_354, %add3A_355 : i32
        %sub3A_357 = arith.constant 255 : i32
        %sub3A_358 = arith.subi %sub3A_357, %add3A_356 : i32
        %mul3A_359 = arith.constant 8 : i32
        %mul3A_360 = arith.muli %scan3A_319, %mul3A_359 : i32
        %add3A_361 = arith.constant 6 : i32
        %add3A_362 = arith.addi %mul3A_360, %add3A_361 : i32
        %sub3A_363 = arith.constant 255 : i32
        %sub3A_364 = arith.subi %sub3A_363, %add3A_362 : i32
        %mul3A_365 = arith.constant 8 : i32
        %mul3A_366 = arith.muli %scan3A_319, %mul3A_365 : i32
        %add3A_367 = arith.constant 7 : i32
        %add3A_368 = arith.addi %mul3A_366, %add3A_367 : i32
        %sub3A_369 = arith.constant 255 : i32
        %sub3A_370 = arith.subi %sub3A_369, %add3A_368 : i32
        %mul3A_371 = arith.constant 16 : i32
        %mul3A_372 = arith.muli %sub3A_328, %mul3A_371 : i32
        %get3A = arith.index_cast %mul3A_372 : i32 to index
        %get3A_373 = tpu.vector_load %arg7[%get3A] {strides = array<i32>} : memref<4096xi32, #tpu.memory_space<vmem>>, vector<16xi32>,
        %mul3A_374 = arith.constant 16 : i32
        %mul3A_375 = arith.muli %sub3A_334, %mul3A_374 : i32
        %get3A_376 = arith.index_cast %mul3A_375 : i32 to index
        %get3A_377 = tpu.vector_load %arg7[%get3A_376] {strides = array<i32>} : memref<4096xi32, #tpu.memory_space<vmem>>, vector<16xi32>,
        %mul3A_378 = arith.constant 16 : i32
        %mul3A_379 = arith.muli %sub3A_340, %mul3A_378 : i32
        %get3A_380 = arith.index_cast %mul3A_379 : i32 to index
        %get3A_381 = tpu.vector_load %arg7[%get3A_380] {strides = array<i32>} : memref<4096xi32, #tpu.memory_space<vmem>>, vector<16xi32>,
        %mul3A_382 = arith.constant 16 : i32
        %mul3A_383 = arith.muli %sub3A_346, %mul3A_382 : i32
        %get3A_384 = arith.index_cast %mul3A_383 : i32 to index
        %get3A_385 = tpu.vector_load %arg7[%get3A_384] {strides = array<i32>} : memref<4096xi32, #tpu.memory_space<vmem>>, vector<16xi32>,
        %mul3A_386 = arith.constant 16 : i32
        %mul3A_387 = arith.muli %sub3A_352, %mul3A_386 : i32
        %get3A_388 = arith.index_cast %mul3A_387 : i32 to index
        %get3A_389 = tpu.vector_load %arg7[%get3A_388] {strides = array<i32>} : memref<4096xi32, #tpu.memory_space<vmem>>, vector<16xi32>,
        %mul3A_390 = arith.constant 16 : i32
        %mul3A_391 = arith.muli %sub3A_358, %mul3A_390 : i32
        %get3A_392 = arith.index_cast %mul3A_391 : i32 to index
        %get3A_393 = tpu.vector_load %arg7[%get3A_392] {strides = array<i32>} : memref<4096xi32, #tpu.memory_space<vmem>>, vector<16xi32>,
        %mul3A_394 = arith.constant 16 : i32
        %mul3A_395 = arith.muli %sub3A_364, %mul3A_394 : i32
        %get3A_396 = arith.index_cast %mul3A_395 : i32 to index
        %get3A_397 = tpu.vector_load %arg7[%get3A_396] {strides = array<i32>} : memref<4096xi32, #tpu.memory_space<vmem>>, vector<16xi32>,
        %mul3A_398 = arith.constant 16 : i32
        %mul3A_399 = arith.muli %sub3A_370, %mul3A_398 : i32
        %get3A_400 = arith.index_cast %mul3A_399 : i32 to index
        %get3A_401 = tpu.vector_load %arg7[%get3A_400] {strides = array<i32>} : memref<4096xi32, #tpu.memory_space<vmem>>, vector<16xi32>,
        %mul3A_402 = arith.constant 16 : i32
        %mul3A_403 = arith.muli %sub3A_328, %mul3A_402 : i32
        %swap3A_404 = arith.index_cast %mul3A_403 : i32 to index
        %swap3A_405 = tpu.vector_load %arg7[%swap3A_404] {strides = array<i32>} : memref<4096xi32, #tpu.memory_space<vmem>>, vector<16xi32>,
        tpu.vector_store %arg7[%swap3A_404], %broadcast_in_dim3A_6 {strides = array<i32>} : memref<4096xi32, #tpu.memory_space<vmem>>, vector<16xi32>,
        %mul3A_406 = arith.constant 16 : i32
        %mul3A_407 = arith.muli %sub3A_334, %mul3A_406 : i32
        %swap3A_408 = arith.index_cast %mul3A_407 : i32 to index
        %swap3A_409 = tpu.vector_load %arg7[%swap3A_408] {strides = array<i32>} : memref<4096xi32, #tpu.memory_space<vmem>>, vector<16xi32>,
        tpu.vector_store %arg7[%swap3A_408], %broadcast_in_dim3A_6 {strides = array<i32>} : memref<4096xi32, #tpu.memory_space<vmem>>, vector<16xi32>,
        %mul3A_410 = arith.constant 16 : i32
        %mul3A_411 = arith.muli %sub3A_340, %mul3A_410 : i32
        %swap3A_412 = arith.index_cast %mul3A_411 : i32 to index
        %swap3A_413 = tpu.vector_load %arg7[%swap3A_412] {strides = array<i32>} : memref<4096xi32, #tpu.memory_space<vmem>>, vector<16xi32>,
        tpu.vector_store %arg7[%swap3A_412], %broadcast_in_dim3A_6 {strides = array<i32>} : memref<4096xi32, #tpu.memory_space<vmem>>, vector<16xi32>,
        %mul3A_414 = arith.constant 16 : i32
        %mul3A_415 = arith.muli %sub3A_346, %mul3A_414 : i32
        %swap3A_416 = arith.index_cast %mul3A_415 : i32 to index
        %swap3A_417 = tpu.vector_load %arg7[%swap3A_416] {strides = array<i32>} : memref<4096xi32, #tpu.memory_space<vmem>>, vector<16xi32>,
        tpu.vector_store %arg7[%swap3A_416], %broadcast_in_dim3A_6 {strides = array<i32>} : memref<4096xi32, #tpu.memory_space<vmem>>, vector<16xi32>,
        %mul3A_418 = arith.constant 16 : i32
        %mul3A_419 = arith.muli %sub3A_352, %mul3A_418 : i32
        %swap3A_420 = arith.index_cast %mul3A_419 : i32 to index
        %swap3A_421 = tpu.vector_load %arg7[%swap3A_420] {strides = array<i32>} : memref<4096xi32, #tpu.memory_space<vmem>>, vector<16xi32>,
        tpu.vector_store %arg7[%swap3A_420], %broadcast_in_dim3A_6 {strides = array<i32>} : memref<4096xi32, #tpu.memory_space<vmem>>, vector<16xi32>,
        %mul3A_422 = arith.constant 16 : i32
        %mul3A_423 = arith.muli %sub3A_358, %mul3A_422 : i32
        %swap3A_424 = arith.index_cast %mul3A_423 : i32 to index
        %swap3A_425 = tpu.vector_load %arg7[%swap3A_424] {strides = array<i32>} : memref<4096xi32, #tpu.memory_space<vmem>>, vector<16xi32>,
        tpu.vector_store %arg7[%swap3A_424], %broadcast_in_dim3A_6 {strides = array<i32>} : memref<4096xi32, #tpu.memory_space<vmem>>, vector<16xi32>,
        %mul3A_426 = arith.constant 16 : i32
        %mul3A_427 = arith.muli %sub3A_364, %mul3A_426 : i32
        %swap3A_428 = arith.index_cast %mul3A_427 : i32 to index
        %swap3A_429 = tpu.vector_load %arg7[%swap3A_428] {strides = array<i32>} : memref<4096xi32, #tpu.memory_space<vmem>>, vector<16xi32>,
        tpu.vector_store %arg7[%swap3A_428], %broadcast_in_dim3A_6 {strides = array<i32>} : memref<4096xi32, #tpu.memory_space<vmem>>, vector<16xi32>,
        %mul3A_430 = arith.constant 16 : i32
        %mul3A_431 = arith.muli %sub3A_370, %mul3A_430 : i32
        %swap3A_432 = arith.index_cast %mul3A_431 : i32 to index
        %swap3A_433 = tpu.vector_load %arg7[%swap3A_432] {strides = array<i32>} : memref<4096xi32, #tpu.memory_space<vmem>>, vector<16xi32>,
        tpu.vector_store %arg7[%swap3A_432], %broadcast_in_dim3A_6 {strides = array<i32>} : memref<4096xi32, #tpu.memory_space<vmem>>, vector<16xi32>,
        %lt3A_434 = arith.cmpi slt, %scan3A_320, %sub3A_197 : vector<16xi32>
        %broadcast_in_dim3A_435 = vector.broadcast %sub3A_328 : i32 to vector<16xi32>
        %select_n3A_436 = arith.select %lt3A_434, %broadcast_in_dim3A_435, %scan3A_321 : vector<16xi1>, vector<16xi32>
        %select_n3A_437 = arith.select %lt3A_434, %scan3A_320, %scan3A_322 : vector<16xi1>, vector<16xi32>
        %add3A_438 = arith.addi %scan3A_320, %get3A_373 : vector<16xi32>
        %lt3A_439 = arith.cmpi slt, %add3A_438, %sub3A_197 : vector<16xi32>
        %broadcast_in_dim3A_440 = vector.broadcast %sub3A_334 : i32 to vector<16xi32>
        %select_n3A_441 = arith.select %lt3A_439, %broadcast_in_dim3A_440, %select_n3A_436 : vector<16xi1>, vector<16xi32>
        %select_n3A_442 = arith.select %lt3A_439, %add3A_438, %select_n3A_437 : vector<16xi1>, vector<16xi32>
        %add3A_443 = arith.addi %add3A_438, %get3A_377 : vector<16xi32>
        %lt3A_444 = arith.cmpi slt, %add3A_443, %sub3A_197 : vector<16xi32>
        %broadcast_in_dim3A_445 = vector.broadcast %sub3A_340 : i32 to vector<16xi32>
        %select_n3A_446 = arith.select %lt3A_444, %broadcast_in_dim3A_445, %select_n3A_441 : vector<16xi1>, vector<16xi32>
        %select_n3A_447 = arith.select %lt3A_444, %add3A_443, %select_n3A_442 : vector<16xi1>, vector<16xi32>
        %add3A_448 = arith.addi %add3A_443, %get3A_381 : vector<16xi32>
        %lt3A_449 = arith.cmpi slt, %add3A_448, %sub3A_197 : vector<16xi32>
        %broadcast_in_dim3A_450 = vector.broadcast %sub3A_346 : i32 to vector<16xi32>
        %select_n3A_451 = arith.select %lt3A_449, %broadcast_in_dim3A_450, %select_n3A_446 : vector<16xi1>, vector<16xi32>
        %select_n3A_452 = arith.select %lt3A_449, %add3A_448, %select_n3A_447 : vector<16xi1>, vector<16xi32>
        %add3A_453 = arith.addi %add3A_448, %get3A_385 : vector<16xi32>
        %lt3A_454 = arith.cmpi slt, %add3A_453, %sub3A_197 : vector<16xi32>
        %broadcast_in_dim3A_455 = vector.broadcast %sub3A_352 : i32 to vector<16xi32>
        %select_n3A_456 = arith.select %lt3A_454, %broadcast_in_dim3A_455, %select_n3A_451 : vector<16xi1>, vector<16xi32>
        %select_n3A_457 = arith.select %lt3A_454, %add3A_453, %select_n3A_452 : vector<16xi1>, vector<16xi32>
        %add3A_458 = arith.addi %add3A_453, %get3A_389 : vector<16xi32>
        %lt3A_459 = arith.cmpi slt, %add3A_458, %sub3A_197 : vector<16xi32>
        %broadcast_in_dim3A_460 = vector.broadcast %sub3A_358 : i32 to vector<16xi32>
        %select_n3A_461 = arith.select %lt3A_459, %broadcast_in_dim3A_460, %select_n3A_456 : vector<16xi1>, vector<16xi32>
        %select_n3A_462 = arith.select %lt3A_459, %add3A_458, %select_n3A_457 : vector<16xi1>, vector<16xi32>
        %add3A_463 = arith.addi %add3A_458, %get3A_393 : vector<16xi32>
        %lt3A_464 = arith.cmpi slt, %add3A_463, %sub3A_197 : vector<16xi32>
        %broadcast_in_dim3A_465 = vector.broadcast %sub3A_364 : i32 to vector<16xi32>
        %select_n3A_466 = arith.select %lt3A_464, %broadcast_in_dim3A_465, %select_n3A_461 : vector<16xi1>, vector<16xi32>
        %select_n3A_467 = arith.select %lt3A_464, %add3A_463, %select_n3A_462 : vector<16xi1>, vector<16xi32>
        %add3A_468 = arith.addi %add3A_463, %get3A_397 : vector<16xi32>
        %lt3A_469 = arith.cmpi slt, %add3A_468, %sub3A_197 : vector<16xi32>
        %broadcast_in_dim3A_470 = vector.broadcast %sub3A_370 : i32 to vector<16xi32>
        %select_n3A_471 = arith.select %lt3A_469, %broadcast_in_dim3A_470, %select_n3A_466 : vector<16xi1>, vector<16xi32>
        %select_n3A_472 = arith.select %lt3A_469, %add3A_468, %select_n3A_467 : vector<16xi1>, vector<16xi32>
        %add3A_473 = arith.addi %add3A_468, %get3A_401 : vector<16xi32>
        scf.yield %add3A_473, %select_n3A_471, %select_n3A_472 : vector<16xi32>, vector<16xi32>, vector<16xi32>
      }
      %scan3A_219 = arith.constant 32 : i32
      %shift_left3A_220 = arith.constant 16 : i32
      %shift_left3A_221 = vector.broadcast %shift_left3A_220 : i32 to vector<16xi32>
      %shift_left3A_222 = arith.shli %scan3A_218#1, %shift_left3A_221 : vector<16xi32>
      %or3A_223 = arith.ori %shift_left3A_196, %shift_left3A_222 : vector<16xi32>
      %sub3A_224 = arith.subi %sub3A_197, %scan3A_218#2 : vector<16xi32>
      %scan3A_225 = arith.constant 0 : i32
      %scan3A_226 = arith.constant 32 : i32
      %scan3A_227 = arith.addi %scan3A_225, %scan3A_226 : i32
      %scan3A_228 = arith.constant 1 : i32
      %scan3A_229:3 = scf.for %scan3A_319 = %scan3A_225 to %scan3A_227 step %scan3A_228 iter_args(%scan3A_320 = %broadcast_in_dim3A_6, %scan3A_321 = %broadcast_in_dim3A_6, %scan3A_322 = %broadcast_in_dim3A_6) -> (vector<16xi32>, vector<16xi32>, vector<16xi32>)  : i32 {
        %mul3A_323 = arith.constant 8 : i32
        %mul3A_324 = arith.muli %scan3A_319, %mul3A_323 : i32
        %add3A_325 = arith.constant 0 : i32
        %add3A_326 = arith.addi %mul3A_324, %add3A_325 : i32
        %mul3A_327 = arith.constant 8 : i32
        %mul3A_328 = arith.muli %scan3A_319, %mul3A_327 : i32
        %add3A_329 = arith.constant 1 : i32
        %add3A_330 = arith.addi %mul3A_328, %add3A_329 : i32
        %mul3A_331 = arith.constant 8 : i32
        %mul3A_332 = arith.muli %scan3A_319, %mul3A_331 : i32
        %add3A_333 = arith.constant 2 : i32
        %add3A_334 = arith.addi %mul3A_332, %add3A_333 : i32
        %mul3A_335 = arith.constant 8 : i32
        %mul3A_336 = arith.muli %scan3A_319, %mul3A_335 : i32
        %add3A_337 = arith.constant 3 : i32
        %add3A_338 = arith.addi %mul3A_336, %add3A_337 : i32
        %mul3A_339 = arith.constant 8 : i32
        %mul3A_340 = arith.muli %scan3A_319, %mul3A_339 : i32
        %add3A_341 = arith.constant 4 : i32
        %add3A_342 = arith.addi %mul3A_340, %add3A_341 : i32
        %mul3A_343 = arith.constant 8 : i32
        %mul3A_344 = arith.muli %scan3A_319, %mul3A_343 : i32
        %add3A_345 = arith.constant 5 : i32
        %add3A_346 = arith.addi %mul3A_344, %add3A_345 : i32
        %mul3A_347 = arith.constant 8 : i32
        %mul3A_348 = arith.muli %scan3A_319, %mul3A_347 : i32
        %add3A_349 = arith.constant 6 : i32
        %add3A_350 = arith.addi %mul3A_348, %add3A_349 : i32
        %mul3A_351 = arith.constant 8 : i32
        %mul3A_352 = arith.muli %scan3A_319, %mul3A_351 : i32
        %add3A_353 = arith.constant 7 : i32
        %add3A_354 = arith.addi %mul3A_352, %add3A_353 : i32
        %mul3A_355 = arith.constant 16 : i32
        %mul3A_356 = arith.muli %add3A_326, %mul3A_355 : i32
        %get3A = arith.index_cast %mul3A_356 : i32 to index
        %get3A_357 = tpu.vector_load %arg8[%get3A] {strides = array<i32>} : memref<4096xi32, #tpu.memory_space<vmem>>, vector<16xi32>,
        %mul3A_358 = arith.constant 16 : i32
        %mul3A_359 = arith.muli %add3A_330, %mul3A_358 : i32
        %get3A_360 = arith.index_cast %mul3A_359 : i32 to index
        %get3A_361 = tpu.vector_load %arg8[%get3A_360] {strides = array<i32>} : memref<4096xi32, #tpu.memory_space<vmem>>, vector<16xi32>,
        %mul3A_362 = arith.constant 16 : i32
        %mul3A_363 = arith.muli %add3A_334, %mul3A_362 : i32
        %get3A_364 = arith.index_cast %mul3A_363 : i32 to index
        %get3A_365 = tpu.vector_load %arg8[%get3A_364] {strides = array<i32>} : memref<4096xi32, #tpu.memory_space<vmem>>, vector<16xi32>,
        %mul3A_366 = arith.constant 16 : i32
        %mul3A_367 = arith.muli %add3A_338, %mul3A_366 : i32
        %get3A_368 = arith.index_cast %mul3A_367 : i32 to index
        %get3A_369 = tpu.vector_load %arg8[%get3A_368] {strides = array<i32>} : memref<4096xi32, #tpu.memory_space<vmem>>, vector<16xi32>,
        %mul3A_370 = arith.constant 16 : i32
        %mul3A_371 = arith.muli %add3A_342, %mul3A_370 : i32
        %get3A_372 = arith.index_cast %mul3A_371 : i32 to index
        %get3A_373 = tpu.vector_load %arg8[%get3A_372] {strides = array<i32>} : memref<4096xi32, #tpu.memory_space<vmem>>, vector<16xi32>,
        %mul3A_374 = arith.constant 16 : i32
        %mul3A_375 = arith.muli %add3A_346, %mul3A_374 : i32
        %get3A_376 = arith.index_cast %mul3A_375 : i32 to index
        %get3A_377 = tpu.vector_load %arg8[%get3A_376] {strides = array<i32>} : memref<4096xi32, #tpu.memory_space<vmem>>, vector<16xi32>,
        %mul3A_378 = arith.constant 16 : i32
        %mul3A_379 = arith.muli %add3A_350, %mul3A_378 : i32
        %get3A_380 = arith.index_cast %mul3A_379 : i32 to index
        %get3A_381 = tpu.vector_load %arg8[%get3A_380] {strides = array<i32>} : memref<4096xi32, #tpu.memory_space<vmem>>, vector<16xi32>,
        %mul3A_382 = arith.constant 16 : i32
        %mul3A_383 = arith.muli %add3A_354, %mul3A_382 : i32
        %get3A_384 = arith.index_cast %mul3A_383 : i32 to index
        %get3A_385 = tpu.vector_load %arg8[%get3A_384] {strides = array<i32>} : memref<4096xi32, #tpu.memory_space<vmem>>, vector<16xi32>,
        %mul3A_386 = arith.constant 16 : i32
        %mul3A_387 = arith.muli %add3A_326, %mul3A_386 : i32
        %swap3A_388 = arith.index_cast %mul3A_387 : i32 to index
        %swap3A_389 = tpu.vector_load %arg8[%swap3A_388] {strides = array<i32>} : memref<4096xi32, #tpu.memory_space<vmem>>, vector<16xi32>,
        tpu.vector_store %arg8[%swap3A_388], %broadcast_in_dim3A_6 {strides = array<i32>} : memref<4096xi32, #tpu.memory_space<vmem>>, vector<16xi32>,
        %mul3A_390 = arith.constant 16 : i32
        %mul3A_391 = arith.muli %add3A_330, %mul3A_390 : i32
        %swap3A_392 = arith.index_cast %mul3A_391 : i32 to index
        %swap3A_393 = tpu.vector_load %arg8[%swap3A_392] {strides = array<i32>} : memref<4096xi32, #tpu.memory_space<vmem>>, vector<16xi32>,
        tpu.vector_store %arg8[%swap3A_392], %broadcast_in_dim3A_6 {strides = array<i32>} : memref<4096xi32, #tpu.memory_space<vmem>>, vector<16xi32>,
        %mul3A_394 = arith.constant 16 : i32
        %mul3A_395 = arith.muli %add3A_334, %mul3A_394 : i32
        %swap3A_396 = arith.index_cast %mul3A_395 : i32 to index
        %swap3A_397 = tpu.vector_load %arg8[%swap3A_396] {strides = array<i32>} : memref<4096xi32, #tpu.memory_space<vmem>>, vector<16xi32>,
        tpu.vector_store %arg8[%swap3A_396], %broadcast_in_dim3A_6 {strides = array<i32>} : memref<4096xi32, #tpu.memory_space<vmem>>, vector<16xi32>,
        %mul3A_398 = arith.constant 16 : i32
        %mul3A_399 = arith.muli %add3A_338, %mul3A_398 : i32
        %swap3A_400 = arith.index_cast %mul3A_399 : i32 to index
        %swap3A_401 = tpu.vector_load %arg8[%swap3A_400] {strides = array<i32>} : memref<4096xi32, #tpu.memory_space<vmem>>, vector<16xi32>,
        tpu.vector_store %arg8[%swap3A_400], %broadcast_in_dim3A_6 {strides = array<i32>} : memref<4096xi32, #tpu.memory_space<vmem>>, vector<16xi32>,
        %mul3A_402 = arith.constant 16 : i32
        %mul3A_403 = arith.muli %add3A_342, %mul3A_402 : i32
        %swap3A_404 = arith.index_cast %mul3A_403 : i32 to index
        %swap3A_405 = tpu.vector_load %arg8[%swap3A_404] {strides = array<i32>} : memref<4096xi32, #tpu.memory_space<vmem>>, vector<16xi32>,
        tpu.vector_store %arg8[%swap3A_404], %broadcast_in_dim3A_6 {strides = array<i32>} : memref<4096xi32, #tpu.memory_space<vmem>>, vector<16xi32>,
        %mul3A_406 = arith.constant 16 : i32
        %mul3A_407 = arith.muli %add3A_346, %mul3A_406 : i32
        %swap3A_408 = arith.index_cast %mul3A_407 : i32 to index
        %swap3A_409 = tpu.vector_load %arg8[%swap3A_408] {strides = array<i32>} : memref<4096xi32, #tpu.memory_space<vmem>>, vector<16xi32>,
        tpu.vector_store %arg8[%swap3A_408], %broadcast_in_dim3A_6 {strides = array<i32>} : memref<4096xi32, #tpu.memory_space<vmem>>, vector<16xi32>,
        %mul3A_410 = arith.constant 16 : i32
        %mul3A_411 = arith.muli %add3A_350, %mul3A_410 : i32
        %swap3A_412 = arith.index_cast %mul3A_411 : i32 to index
        %swap3A_413 = tpu.vector_load %arg8[%swap3A_412] {strides = array<i32>} : memref<4096xi32, #tpu.memory_space<vmem>>, vector<16xi32>,
        tpu.vector_store %arg8[%swap3A_412], %broadcast_in_dim3A_6 {strides = array<i32>} : memref<4096xi32, #tpu.memory_space<vmem>>, vector<16xi32>,
        %mul3A_414 = arith.constant 16 : i32
        %mul3A_415 = arith.muli %add3A_354, %mul3A_414 : i32
        %swap3A_416 = arith.index_cast %mul3A_415 : i32 to index
        %swap3A_417 = tpu.vector_load %arg8[%swap3A_416] {strides = array<i32>} : memref<4096xi32, #tpu.memory_space<vmem>>, vector<16xi32>,
        tpu.vector_store %arg8[%swap3A_416], %broadcast_in_dim3A_6 {strides = array<i32>} : memref<4096xi32, #tpu.memory_space<vmem>>, vector<16xi32>,
        %lt3A_418 = arith.cmpi slt, %scan3A_320, %sub3A_207 : vector<16xi32>
        %broadcast_in_dim3A_419 = vector.broadcast %add3A_326 : i32 to vector<16xi32>
        %select_n3A_420 = arith.select %lt3A_418, %broadcast_in_dim3A_419, %scan3A_321 : vector<16xi1>, vector<16xi32>
        %select_n3A_421 = arith.select %lt3A_418, %scan3A_320, %scan3A_322 : vector<16xi1>, vector<16xi32>
        %add3A_422 = arith.addi %scan3A_320, %get3A_357 : vector<16xi32>
        %lt3A_423 = arith.cmpi slt, %add3A_422, %sub3A_207 : vector<16xi32>
        %broadcast_in_dim3A_424 = vector.broadcast %add3A_330 : i32 to vector<16xi32>
        %select_n3A_425 = arith.select %lt3A_423, %broadcast_in_dim3A_424, %select_n3A_420 : vector<16xi1>, vector<16xi32>
        %select_n3A_426 = arith.select %lt3A_423, %add3A_422, %select_n3A_421 : vector<16xi1>, vector<16xi32>
        %add3A_427 = arith.addi %add3A_422, %get3A_361 : vector<16xi32>
        %lt3A_428 = arith.cmpi slt, %add3A_427, %sub3A_207 : vector<16xi32>
        %broadcast_in_dim3A_429 = vector.broadcast %add3A_334 : i32 to vector<16xi32>
        %select_n3A_430 = arith.select %lt3A_428, %broadcast_in_dim3A_429, %select_n3A_425 : vector<16xi1>, vector<16xi32>
        %select_n3A_431 = arith.select %lt3A_428, %add3A_427, %select_n3A_426 : vector<16xi1>, vector<16xi32>
        %add3A_432 = arith.addi %add3A_427, %get3A_365 : vector<16xi32>
        %lt3A_433 = arith.cmpi slt, %add3A_432, %sub3A_207 : vector<16xi32>
        %broadcast_in_dim3A_434 = vector.broadcast %add3A_338 : i32 to vector<16xi32>
        %select_n3A_435 = arith.select %lt3A_433, %broadcast_in_dim3A_434, %select_n3A_430 : vector<16xi1>, vector<16xi32>
        %select_n3A_436 = arith.select %lt3A_433, %add3A_432, %select_n3A_431 : vector<16xi1>, vector<16xi32>
        %add3A_437 = arith.addi %add3A_432, %get3A_369 : vector<16xi32>
        %lt3A_438 = arith.cmpi slt, %add3A_437, %sub3A_207 : vector<16xi32>
        %broadcast_in_dim3A_439 = vector.broadcast %add3A_342 : i32 to vector<16xi32>
        %select_n3A_440 = arith.select %lt3A_438, %broadcast_in_dim3A_439, %select_n3A_435 : vector<16xi1>, vector<16xi32>
        %select_n3A_441 = arith.select %lt3A_438, %add3A_437, %select_n3A_436 : vector<16xi1>, vector<16xi32>
        %add3A_442 = arith.addi %add3A_437, %get3A_373 : vector<16xi32>
        %lt3A_443 = arith.cmpi slt, %add3A_442, %sub3A_207 : vector<16xi32>
        %broadcast_in_dim3A_444 = vector.broadcast %add3A_346 : i32 to vector<16xi32>
        %select_n3A_445 = arith.select %lt3A_443, %broadcast_in_dim3A_444, %select_n3A_440 : vector<16xi1>, vector<16xi32>
        %select_n3A_446 = arith.select %lt3A_443, %add3A_442, %select_n3A_441 : vector<16xi1>, vector<16xi32>
        %add3A_447 = arith.addi %add3A_442, %get3A_377 : vector<16xi32>
        %lt3A_448 = arith.cmpi slt, %add3A_447, %sub3A_207 : vector<16xi32>
        %broadcast_in_dim3A_449 = vector.broadcast %add3A_350 : i32 to vector<16xi32>
        %select_n3A_450 = arith.select %lt3A_448, %broadcast_in_dim3A_449, %select_n3A_445 : vector<16xi1>, vector<16xi32>
        %select_n3A_451 = arith.select %lt3A_448, %add3A_447, %select_n3A_446 : vector<16xi1>, vector<16xi32>
        %add3A_452 = arith.addi %add3A_447, %get3A_381 : vector<16xi32>
        %lt3A_453 = arith.cmpi slt, %add3A_452, %sub3A_207 : vector<16xi32>
        %broadcast_in_dim3A_454 = vector.broadcast %add3A_354 : i32 to vector<16xi32>
        %select_n3A_455 = arith.select %lt3A_453, %broadcast_in_dim3A_454, %select_n3A_450 : vector<16xi1>, vector<16xi32>
        %select_n3A_456 = arith.select %lt3A_453, %add3A_452, %select_n3A_451 : vector<16xi1>, vector<16xi32>
        %add3A_457 = arith.addi %add3A_452, %get3A_385 : vector<16xi32>
        scf.yield %add3A_457, %select_n3A_455, %select_n3A_456 : vector<16xi32>, vector<16xi32>, vector<16xi32>
      }
      %scan3A_230 = arith.constant 32 : i32
      %shift_left3A_231 = arith.constant 16 : i32
      %shift_left3A_232 = vector.broadcast %shift_left3A_231 : i32 to vector<16xi32>
      %shift_left3A_233 = arith.shli %scan3A_229#1, %shift_left3A_232 : vector<16xi32>
      %or3A_234 = arith.ori %shift_left3A_206, %shift_left3A_233 : vector<16xi32>
      %sub3A_235 = arith.subi %sub3A_207, %scan3A_229#2 : vector<16xi32>
      %parallel_loop3A_236 = arith.constant 0 : i32
      %parallel_loop3A_237 = arith.constant 1024 : i32
      %parallel_loop3A_238 = arith.constant 8 : i32
      %parallel_loop3A_239 = arith.constant -65536 : i32
      %parallel_loop3A_240 = arith.constant 0 : i32
      %parallel_loop3A_241 = scf.for %parallel_loop3A_319 = %parallel_loop3A_236 to %parallel_loop3A_237 step %parallel_loop3A_238 iter_args(%parallel_loop3A_320 = %parallel_loop3A_240) -> (i32)  : i32 {
        %parallel_loop3A_321 = arith.constant 0 : i32
        %parallel_loop3A_322 = arith.addi %parallel_loop3A_319, %parallel_loop3A_321 : i32
        %parallel_loop3A_323 = arith.constant 1 : i32
        %parallel_loop3A_324 = arith.addi %parallel_loop3A_319, %parallel_loop3A_323 : i32
        %parallel_loop3A_325 = arith.constant 2 : i32
        %parallel_loop3A_326 = arith.addi %parallel_loop3A_319, %parallel_loop3A_325 : i32
        %parallel_loop3A_327 = arith.constant 3 : i32
        %parallel_loop3A_328 = arith.addi %parallel_loop3A_319, %parallel_loop3A_327 : i32
        %parallel_loop3A_329 = arith.constant 4 : i32
        %parallel_loop3A_330 = arith.addi %parallel_loop3A_319, %parallel_loop3A_329 : i32
        %parallel_loop3A_331 = arith.constant 5 : i32
        %parallel_loop3A_332 = arith.addi %parallel_loop3A_319, %parallel_loop3A_331 : i32
        %parallel_loop3A_333 = arith.constant 6 : i32
        %parallel_loop3A_334 = arith.addi %parallel_loop3A_319, %parallel_loop3A_333 : i32
        %parallel_loop3A_335 = arith.constant 7 : i32
        %parallel_loop3A_336 = arith.addi %parallel_loop3A_319, %parallel_loop3A_335 : i32
        %parallel_loop3A_337 = arith.constant 16 : i32
        %parallel_loop3A_338 = arith.muli %parallel_loop3A_322, %parallel_loop3A_337 : i32
        %parallel_loop3A_339 = arith.index_cast %parallel_loop3A_338 : i32 to index
        %parallel_loop3A_340 = tpu.vector_load %arg6[%parallel_loop3A_339] {strides = array<i32>} : memref<16384xi32, #tpu.memory_space<vmem>>, vector<16xi32>,
        %parallel_loop3A_341 = arith.constant 16 : i32
        %parallel_loop3A_342 = arith.muli %parallel_loop3A_324, %parallel_loop3A_341 : i32
        %parallel_loop3A_343 = arith.index_cast %parallel_loop3A_342 : i32 to index
        %parallel_loop3A_344 = tpu.vector_load %arg6[%parallel_loop3A_343] {strides = array<i32>} : memref<16384xi32, #tpu.memory_space<vmem>>, vector<16xi32>,
        %parallel_loop3A_345 = arith.constant 16 : i32
        %parallel_loop3A_346 = arith.muli %parallel_loop3A_326, %parallel_loop3A_345 : i32
        %parallel_loop3A_347 = arith.index_cast %parallel_loop3A_346 : i32 to index
        %parallel_loop3A_348 = tpu.vector_load %arg6[%parallel_loop3A_347] {strides = array<i32>} : memref<16384xi32, #tpu.memory_space<vmem>>, vector<16xi32>,
        %parallel_loop3A_349 = arith.constant 16 : i32
        %parallel_loop3A_350 = arith.muli %parallel_loop3A_328, %parallel_loop3A_349 : i32
        %parallel_loop3A_351 = arith.index_cast %parallel_loop3A_350 : i32 to index
        %parallel_loop3A_352 = tpu.vector_load %arg6[%parallel_loop3A_351] {strides = array<i32>} : memref<16384xi32, #tpu.memory_space<vmem>>, vector<16xi32>,
        %parallel_loop3A_353 = arith.constant 16 : i32
        %parallel_loop3A_354 = arith.muli %parallel_loop3A_330, %parallel_loop3A_353 : i32
        %parallel_loop3A_355 = arith.index_cast %parallel_loop3A_354 : i32 to index
        %parallel_loop3A_356 = tpu.vector_load %arg6[%parallel_loop3A_355] {strides = array<i32>} : memref<16384xi32, #tpu.memory_space<vmem>>, vector<16xi32>,
        %parallel_loop3A_357 = arith.constant 16 : i32
        %parallel_loop3A_358 = arith.muli %parallel_loop3A_332, %parallel_loop3A_357 : i32
        %parallel_loop3A_359 = arith.index_cast %parallel_loop3A_358 : i32 to index
        %parallel_loop3A_360 = tpu.vector_load %arg6[%parallel_loop3A_359] {strides = array<i32>} : memref<16384xi32, #tpu.memory_space<vmem>>, vector<16xi32>,
        %parallel_loop3A_361 = arith.constant 16 : i32
        %parallel_loop3A_362 = arith.muli %parallel_loop3A_334, %parallel_loop3A_361 : i32
        %parallel_loop3A_363 = arith.index_cast %parallel_loop3A_362 : i32 to index
        %parallel_loop3A_364 = tpu.vector_load %arg6[%parallel_loop3A_363] {strides = array<i32>} : memref<16384xi32, #tpu.memory_space<vmem>>, vector<16xi32>,
        %parallel_loop3A_365 = arith.constant 16 : i32
        %parallel_loop3A_366 = arith.muli %parallel_loop3A_336, %parallel_loop3A_365 : i32
        %parallel_loop3A_367 = arith.index_cast %parallel_loop3A_366 : i32 to index
        %parallel_loop3A_368 = tpu.vector_load %arg6[%parallel_loop3A_367] {strides = array<i32>} : memref<16384xi32, #tpu.memory_space<vmem>>, vector<16xi32>,
        %parallel_loop3A_369 = vector.broadcast %parallel_loop3A_239 : i32 to vector<16xi32>
        %parallel_loop3A_370 = arith.andi %parallel_loop3A_340, %parallel_loop3A_369 : vector<16xi32>
        %parallel_loop3A_371 = vector.broadcast %parallel_loop3A_239 : i32 to vector<16xi32>
        %parallel_loop3A_372 = arith.andi %parallel_loop3A_344, %parallel_loop3A_371 : vector<16xi32>
        %parallel_loop3A_373 = vector.broadcast %parallel_loop3A_239 : i32 to vector<16xi32>
        %parallel_loop3A_374 = arith.andi %parallel_loop3A_348, %parallel_loop3A_373 : vector<16xi32>
        %parallel_loop3A_375 = vector.broadcast %parallel_loop3A_239 : i32 to vector<16xi32>
        %parallel_loop3A_376 = arith.andi %parallel_loop3A_352, %parallel_loop3A_375 : vector<16xi32>
        %parallel_loop3A_377 = vector.broadcast %parallel_loop3A_239 : i32 to vector<16xi32>
        %parallel_loop3A_378 = arith.andi %parallel_loop3A_356, %parallel_loop3A_377 : vector<16xi32>
        %parallel_loop3A_379 = vector.broadcast %parallel_loop3A_239 : i32 to vector<16xi32>
        %parallel_loop3A_380 = arith.andi %parallel_loop3A_360, %parallel_loop3A_379 : vector<16xi32>
        %parallel_loop3A_381 = vector.broadcast %parallel_loop3A_239 : i32 to vector<16xi32>
        %parallel_loop3A_382 = arith.andi %parallel_loop3A_364, %parallel_loop3A_381 : vector<16xi32>
        %parallel_loop3A_383 = vector.broadcast %parallel_loop3A_239 : i32 to vector<16xi32>
        %parallel_loop3A_384 = arith.andi %parallel_loop3A_368, %parallel_loop3A_383 : vector<16xi32>
        %parallel_loop3A_385 = arith.cmpi eq, %parallel_loop3A_370, %or3A_223 : vector<16xi32>
        %parallel_loop3A_386 = arith.cmpi eq, %parallel_loop3A_372, %or3A_223 : vector<16xi32>
        %parallel_loop3A_387 = arith.cmpi eq, %parallel_loop3A_374, %or3A_223 : vector<16xi32>
        %parallel_loop3A_388 = arith.cmpi eq, %parallel_loop3A_376, %or3A_223 : vector<16xi32>
        %parallel_loop3A_389 = arith.cmpi eq, %parallel_loop3A_378, %or3A_223 : vector<16xi32>
        %parallel_loop3A_390 = arith.cmpi eq, %parallel_loop3A_380, %or3A_223 : vector<16xi32>
        %parallel_loop3A_391 = arith.cmpi eq, %parallel_loop3A_382, %or3A_223 : vector<16xi32>
        %parallel_loop3A_392 = arith.cmpi eq, %parallel_loop3A_384, %or3A_223 : vector<16xi32>
        %parallel_loop3A_393 = arith.cmpi eq, %parallel_loop3A_370, %or3A_234 : vector<16xi32>
        %parallel_loop3A_394 = arith.cmpi eq, %parallel_loop3A_372, %or3A_234 : vector<16xi32>
        %parallel_loop3A_395 = arith.cmpi eq, %parallel_loop3A_374, %or3A_234 : vector<16xi32>
        %parallel_loop3A_396 = arith.cmpi eq, %parallel_loop3A_376, %or3A_234 : vector<16xi32>
        %parallel_loop3A_397 = arith.cmpi eq, %parallel_loop3A_378, %or3A_234 : vector<16xi32>
        %parallel_loop3A_398 = arith.cmpi eq, %parallel_loop3A_380, %or3A_234 : vector<16xi32>
        %parallel_loop3A_399 = arith.cmpi eq, %parallel_loop3A_382, %or3A_234 : vector<16xi32>
        %parallel_loop3A_400 = arith.cmpi eq, %parallel_loop3A_384, %or3A_234 : vector<16xi32>
        %parallel_loop3A_401 = arith.constant 8 : i32
        %parallel_loop3A_402 = vector.broadcast %parallel_loop3A_401 : i32 to vector<16xi32>
        %parallel_loop3A_403 = arith.shrui %parallel_loop3A_340, %parallel_loop3A_402 : vector<16xi32>
        %parallel_loop3A_404 = arith.constant 255 : i32
        %parallel_loop3A_405 = vector.broadcast %parallel_loop3A_404 : i32 to vector<16xi32>
        %parallel_loop3A_406 = arith.andi %parallel_loop3A_403, %parallel_loop3A_405 : vector<16xi32>
        %parallel_loop3A_407 = arith.constant 8 : i32
        %parallel_loop3A_408 = vector.broadcast %parallel_loop3A_407 : i32 to vector<16xi32>
        %parallel_loop3A_409 = arith.shrui %parallel_loop3A_344, %parallel_loop3A_408 : vector<16xi32>
        %parallel_loop3A_410 = arith.constant 255 : i32
        %parallel_loop3A_411 = vector.broadcast %parallel_loop3A_410 : i32 to vector<16xi32>
        %parallel_loop3A_412 = arith.andi %parallel_loop3A_409, %parallel_loop3A_411 : vector<16xi32>
        %parallel_loop3A_413 = arith.constant 8 : i32
        %parallel_loop3A_414 = vector.broadcast %parallel_loop3A_413 : i32 to vector<16xi32>
        %parallel_loop3A_415 = arith.shrui %parallel_loop3A_348, %parallel_loop3A_414 : vector<16xi32>
        %parallel_loop3A_416 = arith.constant 255 : i32
        %parallel_loop3A_417 = vector.broadcast %parallel_loop3A_416 : i32 to vector<16xi32>
        %parallel_loop3A_418 = arith.andi %parallel_loop3A_415, %parallel_loop3A_417 : vector<16xi32>
        %parallel_loop3A_419 = arith.constant 8 : i32
        %parallel_loop3A_420 = vector.broadcast %parallel_loop3A_419 : i32 to vector<16xi32>
        %parallel_loop3A_421 = arith.shrui %parallel_loop3A_352, %parallel_loop3A_420 : vector<16xi32>
        %parallel_loop3A_422 = arith.constant 255 : i32
        %parallel_loop3A_423 = vector.broadcast %parallel_loop3A_422 : i32 to vector<16xi32>
        %parallel_loop3A_424 = arith.andi %parallel_loop3A_421, %parallel_loop3A_423 : vector<16xi32>
        %parallel_loop3A_425 = arith.constant 8 : i32
        %parallel_loop3A_426 = vector.broadcast %parallel_loop3A_425 : i32 to vector<16xi32>
        %parallel_loop3A_427 = arith.shrui %parallel_loop3A_356, %parallel_loop3A_426 : vector<16xi32>
        %parallel_loop3A_428 = arith.constant 255 : i32
        %parallel_loop3A_429 = vector.broadcast %parallel_loop3A_428 : i32 to vector<16xi32>
        %parallel_loop3A_430 = arith.andi %parallel_loop3A_427, %parallel_loop3A_429 : vector<16xi32>
        %parallel_loop3A_431 = arith.constant 8 : i32
        %parallel_loop3A_432 = vector.broadcast %parallel_loop3A_431 : i32 to vector<16xi32>
        %parallel_loop3A_433 = arith.shrui %parallel_loop3A_360, %parallel_loop3A_432 : vector<16xi32>
        %parallel_loop3A_434 = arith.constant 255 : i32
        %parallel_loop3A_435 = vector.broadcast %parallel_loop3A_434 : i32 to vector<16xi32>
        %parallel_loop3A_436 = arith.andi %parallel_loop3A_433, %parallel_loop3A_435 : vector<16xi32>
        %parallel_loop3A_437 = arith.constant 8 : i32
        %parallel_loop3A_438 = vector.broadcast %parallel_loop3A_437 : i32 to vector<16xi32>
        %parallel_loop3A_439 = arith.shrui %parallel_loop3A_364, %parallel_loop3A_438 : vector<16xi32>
        %parallel_loop3A_440 = arith.constant 255 : i32
        %parallel_loop3A_441 = vector.broadcast %parallel_loop3A_440 : i32 to vector<16xi32>
        %parallel_loop3A_442 = arith.andi %parallel_loop3A_439, %parallel_loop3A_441 : vector<16xi32>
        %parallel_loop3A_443 = arith.constant 8 : i32
        %parallel_loop3A_444 = vector.broadcast %parallel_loop3A_443 : i32 to vector<16xi32>
        %parallel_loop3A_445 = arith.shrui %parallel_loop3A_368, %parallel_loop3A_444 : vector<16xi32>
        %parallel_loop3A_446 = arith.constant 255 : i32
        %parallel_loop3A_447 = vector.broadcast %parallel_loop3A_446 : i32 to vector<16xi32>
        %parallel_loop3A_448 = arith.andi %parallel_loop3A_445, %parallel_loop3A_447 : vector<16xi32>
        %parallel_loop3A_449 = arith.constant 16 : i32
        %parallel_loop3A_450 = vector.broadcast %parallel_loop3A_449 : i32 to vector<16xi32>
        %parallel_loop3A_451 = arith.muli %parallel_loop3A_406, %parallel_loop3A_450 : vector<16xi32>
        %parallel_loop3A_452 = arith.addi %parallel_loop3A_451, %iota3A : vector<16xi32>
        %parallel_loop3A_453 = arith.constant 16 : i32
        %parallel_loop3A_454 = vector.broadcast %parallel_loop3A_453 : i32 to vector<16xi32>
        %parallel_loop3A_455 = arith.muli %parallel_loop3A_412, %parallel_loop3A_454 : vector<16xi32>
        %parallel_loop3A_456 = arith.addi %parallel_loop3A_455, %iota3A : vector<16xi32>
        %parallel_loop3A_457 = arith.constant 16 : i32
        %parallel_loop3A_458 = vector.broadcast %parallel_loop3A_457 : i32 to vector<16xi32>
        %parallel_loop3A_459 = arith.muli %parallel_loop3A_418, %parallel_loop3A_458 : vector<16xi32>
        %parallel_loop3A_460 = arith.addi %parallel_loop3A_459, %iota3A : vector<16xi32>
        %parallel_loop3A_461 = arith.constant 16 : i32
        %parallel_loop3A_462 = vector.broadcast %parallel_loop3A_461 : i32 to vector<16xi32>
        %parallel_loop3A_463 = arith.muli %parallel_loop3A_424, %parallel_loop3A_462 : vector<16xi32>
        %parallel_loop3A_464 = arith.addi %parallel_loop3A_463, %iota3A : vector<16xi32>
        %parallel_loop3A_465 = arith.constant 16 : i32
        %parallel_loop3A_466 = vector.broadcast %parallel_loop3A_465 : i32 to vector<16xi32>
        %parallel_loop3A_467 = arith.muli %parallel_loop3A_430, %parallel_loop3A_466 : vector<16xi32>
        %parallel_loop3A_468 = arith.addi %parallel_loop3A_467, %iota3A : vector<16xi32>
        %parallel_loop3A_469 = arith.constant 16 : i32
        %parallel_loop3A_470 = vector.broadcast %parallel_loop3A_469 : i32 to vector<16xi32>
        %parallel_loop3A_471 = arith.muli %parallel_loop3A_436, %parallel_loop3A_470 : vector<16xi32>
        %parallel_loop3A_472 = arith.addi %parallel_loop3A_471, %iota3A : vector<16xi32>
        %parallel_loop3A_473 = arith.constant 16 : i32
        %parallel_loop3A_474 = vector.broadcast %parallel_loop3A_473 : i32 to vector<16xi32>
        %parallel_loop3A_475 = arith.muli %parallel_loop3A_442, %parallel_loop3A_474 : vector<16xi32>
        %parallel_loop3A_476 = arith.addi %parallel_loop3A_475, %iota3A : vector<16xi32>
        %parallel_loop3A_477 = arith.constant 16 : i32
        %parallel_loop3A_478 = vector.broadcast %parallel_loop3A_477 : i32 to vector<16xi32>
        %parallel_loop3A_479 = arith.muli %parallel_loop3A_448, %parallel_loop3A_478 : vector<16xi32>
        %parallel_loop3A_480 = arith.addi %parallel_loop3A_479, %iota3A : vector<16xi32>
        tpu.vector_store_idx %arg7[%parallel_loop3A_452], %broadcast_in_dim3A_4 masked %parallel_loop3A_385 {add = true} : memref<4096xi32, #tpu.memory_space<vmem>>[vector<16xi32>], vector<16xi32>, vector<16xi1>
        tpu.vector_store_idx %arg8[%parallel_loop3A_452], %broadcast_in_dim3A_4 masked %parallel_loop3A_393 {add = true} : memref<4096xi32, #tpu.memory_space<vmem>>[vector<16xi32>], vector<16xi32>, vector<16xi1>
        tpu.vector_store_idx %arg7[%parallel_loop3A_456], %broadcast_in_dim3A_4 masked %parallel_loop3A_386 {add = true} : memref<4096xi32, #tpu.memory_space<vmem>>[vector<16xi32>], vector<16xi32>, vector<16xi1>
        tpu.vector_store_idx %arg8[%parallel_loop3A_456], %broadcast_in_dim3A_4 masked %parallel_loop3A_394 {add = true} : memref<4096xi32, #tpu.memory_space<vmem>>[vector<16xi32>], vector<16xi32>, vector<16xi1>
        tpu.vector_store_idx %arg7[%parallel_loop3A_460], %broadcast_in_dim3A_4 masked %parallel_loop3A_387 {add = true} : memref<4096xi32, #tpu.memory_space<vmem>>[vector<16xi32>], vector<16xi32>, vector<16xi1>
        tpu.vector_store_idx %arg8[%parallel_loop3A_460], %broadcast_in_dim3A_4 masked %parallel_loop3A_395 {add = true} : memref<4096xi32, #tpu.memory_space<vmem>>[vector<16xi32>], vector<16xi32>, vector<16xi1>
        tpu.vector_store_idx %arg7[%parallel_loop3A_464], %broadcast_in_dim3A_4 masked %parallel_loop3A_388 {add = true} : memref<4096xi32, #tpu.memory_space<vmem>>[vector<16xi32>], vector<16xi32>, vector<16xi1>
        tpu.vector_store_idx %arg8[%parallel_loop3A_464], %broadcast_in_dim3A_4 masked %parallel_loop3A_396 {add = true} : memref<4096xi32, #tpu.memory_space<vmem>>[vector<16xi32>], vector<16xi32>, vector<16xi1>
        tpu.vector_store_idx %arg7[%parallel_loop3A_468], %broadcast_in_dim3A_4 masked %parallel_loop3A_389 {add = true} : memref<4096xi32, #tpu.memory_space<vmem>>[vector<16xi32>], vector<16xi32>, vector<16xi1>
        tpu.vector_store_idx %arg8[%parallel_loop3A_468], %broadcast_in_dim3A_4 masked %parallel_loop3A_397 {add = true} : memref<4096xi32, #tpu.memory_space<vmem>>[vector<16xi32>], vector<16xi32>, vector<16xi1>
        tpu.vector_store_idx %arg7[%parallel_loop3A_472], %broadcast_in_dim3A_4 masked %parallel_loop3A_390 {add = true} : memref<4096xi32, #tpu.memory_space<vmem>>[vector<16xi32>], vector<16xi32>, vector<16xi1>
        tpu.vector_store_idx %arg8[%parallel_loop3A_472], %broadcast_in_dim3A_4 masked %parallel_loop3A_398 {add = true} : memref<4096xi32, #tpu.memory_space<vmem>>[vector<16xi32>], vector<16xi32>, vector<16xi1>
        tpu.vector_store_idx %arg7[%parallel_loop3A_476], %broadcast_in_dim3A_4 masked %parallel_loop3A_391 {add = true} : memref<4096xi32, #tpu.memory_space<vmem>>[vector<16xi32>], vector<16xi32>, vector<16xi1>
        tpu.vector_store_idx %arg8[%parallel_loop3A_476], %broadcast_in_dim3A_4 masked %parallel_loop3A_399 {add = true} : memref<4096xi32, #tpu.memory_space<vmem>>[vector<16xi32>], vector<16xi32>, vector<16xi1>
        tpu.vector_store_idx %arg7[%parallel_loop3A_480], %broadcast_in_dim3A_4 masked %parallel_loop3A_392 {add = true} : memref<4096xi32, #tpu.memory_space<vmem>>[vector<16xi32>], vector<16xi32>, vector<16xi1>
        tpu.vector_store_idx %arg8[%parallel_loop3A_480], %broadcast_in_dim3A_4 masked %parallel_loop3A_400 {add = true} : memref<4096xi32, #tpu.memory_space<vmem>>[vector<16xi32>], vector<16xi32>, vector<16xi1>
        scf.yield %parallel_loop3A_320 : i32
      } {sc.loop_unroll_factor = 1 : i64, sc.parallel_access}
      %scan3A_242 = arith.constant 0 : i32
      %scan3A_243 = arith.constant 32 : i32
      %scan3A_244 = arith.addi %scan3A_242, %scan3A_243 : i32
      %scan3A_245 = arith.constant 1 : i32
      %scan3A_246:3 = scf.for %scan3A_319 = %scan3A_242 to %scan3A_244 step %scan3A_245 iter_args(%scan3A_320 = %broadcast_in_dim3A_6, %scan3A_321 = %broadcast_in_dim3A_6, %scan3A_322 = %broadcast_in_dim3A_6) -> (vector<16xi32>, vector<16xi32>, vector<16xi32>)  : i32 {
        %mul3A_323 = arith.constant 8 : i32
        %mul3A_324 = arith.muli %scan3A_319, %mul3A_323 : i32
        %add3A_325 = arith.constant 0 : i32
        %add3A_326 = arith.addi %mul3A_324, %add3A_325 : i32
        %sub3A_327 = arith.constant 255 : i32
        %sub3A_328 = arith.subi %sub3A_327, %add3A_326 : i32
        %mul3A_329 = arith.constant 8 : i32
        %mul3A_330 = arith.muli %scan3A_319, %mul3A_329 : i32
        %add3A_331 = arith.constant 1 : i32
        %add3A_332 = arith.addi %mul3A_330, %add3A_331 : i32
        %sub3A_333 = arith.constant 255 : i32
        %sub3A_334 = arith.subi %sub3A_333, %add3A_332 : i32
        %mul3A_335 = arith.constant 8 : i32
        %mul3A_336 = arith.muli %scan3A_319, %mul3A_335 : i32
        %add3A_337 = arith.constant 2 : i32
        %add3A_338 = arith.addi %mul3A_336, %add3A_337 : i32
        %sub3A_339 = arith.constant 255 : i32
        %sub3A_340 = arith.subi %sub3A_339, %add3A_338 : i32
        %mul3A_341 = arith.constant 8 : i32
        %mul3A_342 = arith.muli %scan3A_319, %mul3A_341 : i32
        %add3A_343 = arith.constant 3 : i32
        %add3A_344 = arith.addi %mul3A_342, %add3A_343 : i32
        %sub3A_345 = arith.constant 255 : i32
        %sub3A_346 = arith.subi %sub3A_345, %add3A_344 : i32
        %mul3A_347 = arith.constant 8 : i32
        %mul3A_348 = arith.muli %scan3A_319, %mul3A_347 : i32
        %add3A_349 = arith.constant 4 : i32
        %add3A_350 = arith.addi %mul3A_348, %add3A_349 : i32
        %sub3A_351 = arith.constant 255 : i32
        %sub3A_352 = arith.subi %sub3A_351, %add3A_350 : i32
        %mul3A_353 = arith.constant 8 : i32
        %mul3A_354 = arith.muli %scan3A_319, %mul3A_353 : i32
        %add3A_355 = arith.constant 5 : i32
        %add3A_356 = arith.addi %mul3A_354, %add3A_355 : i32
        %sub3A_357 = arith.constant 255 : i32
        %sub3A_358 = arith.subi %sub3A_357, %add3A_356 : i32
        %mul3A_359 = arith.constant 8 : i32
        %mul3A_360 = arith.muli %scan3A_319, %mul3A_359 : i32
        %add3A_361 = arith.constant 6 : i32
        %add3A_362 = arith.addi %mul3A_360, %add3A_361 : i32
        %sub3A_363 = arith.constant 255 : i32
        %sub3A_364 = arith.subi %sub3A_363, %add3A_362 : i32
        %mul3A_365 = arith.constant 8 : i32
        %mul3A_366 = arith.muli %scan3A_319, %mul3A_365 : i32
        %add3A_367 = arith.constant 7 : i32
        %add3A_368 = arith.addi %mul3A_366, %add3A_367 : i32
        %sub3A_369 = arith.constant 255 : i32
        %sub3A_370 = arith.subi %sub3A_369, %add3A_368 : i32
        %mul3A_371 = arith.constant 16 : i32
        %mul3A_372 = arith.muli %sub3A_328, %mul3A_371 : i32
        %get3A = arith.index_cast %mul3A_372 : i32 to index
        %get3A_373 = tpu.vector_load %arg7[%get3A] {strides = array<i32>} : memref<4096xi32, #tpu.memory_space<vmem>>, vector<16xi32>,
        %mul3A_374 = arith.constant 16 : i32
        %mul3A_375 = arith.muli %sub3A_334, %mul3A_374 : i32
        %get3A_376 = arith.index_cast %mul3A_375 : i32 to index
        %get3A_377 = tpu.vector_load %arg7[%get3A_376] {strides = array<i32>} : memref<4096xi32, #tpu.memory_space<vmem>>, vector<16xi32>,
        %mul3A_378 = arith.constant 16 : i32
        %mul3A_379 = arith.muli %sub3A_340, %mul3A_378 : i32
        %get3A_380 = arith.index_cast %mul3A_379 : i32 to index
        %get3A_381 = tpu.vector_load %arg7[%get3A_380] {strides = array<i32>} : memref<4096xi32, #tpu.memory_space<vmem>>, vector<16xi32>,
        %mul3A_382 = arith.constant 16 : i32
        %mul3A_383 = arith.muli %sub3A_346, %mul3A_382 : i32
        %get3A_384 = arith.index_cast %mul3A_383 : i32 to index
        %get3A_385 = tpu.vector_load %arg7[%get3A_384] {strides = array<i32>} : memref<4096xi32, #tpu.memory_space<vmem>>, vector<16xi32>,
        %mul3A_386 = arith.constant 16 : i32
        %mul3A_387 = arith.muli %sub3A_352, %mul3A_386 : i32
        %get3A_388 = arith.index_cast %mul3A_387 : i32 to index
        %get3A_389 = tpu.vector_load %arg7[%get3A_388] {strides = array<i32>} : memref<4096xi32, #tpu.memory_space<vmem>>, vector<16xi32>,
        %mul3A_390 = arith.constant 16 : i32
        %mul3A_391 = arith.muli %sub3A_358, %mul3A_390 : i32
        %get3A_392 = arith.index_cast %mul3A_391 : i32 to index
        %get3A_393 = tpu.vector_load %arg7[%get3A_392] {strides = array<i32>} : memref<4096xi32, #tpu.memory_space<vmem>>, vector<16xi32>,
        %mul3A_394 = arith.constant 16 : i32
        %mul3A_395 = arith.muli %sub3A_364, %mul3A_394 : i32
        %get3A_396 = arith.index_cast %mul3A_395 : i32 to index
        %get3A_397 = tpu.vector_load %arg7[%get3A_396] {strides = array<i32>} : memref<4096xi32, #tpu.memory_space<vmem>>, vector<16xi32>,
        %mul3A_398 = arith.constant 16 : i32
        %mul3A_399 = arith.muli %sub3A_370, %mul3A_398 : i32
        %get3A_400 = arith.index_cast %mul3A_399 : i32 to index
        %get3A_401 = tpu.vector_load %arg7[%get3A_400] {strides = array<i32>} : memref<4096xi32, #tpu.memory_space<vmem>>, vector<16xi32>,
        %mul3A_402 = arith.constant 16 : i32
        %mul3A_403 = arith.muli %sub3A_328, %mul3A_402 : i32
        %swap3A_404 = arith.index_cast %mul3A_403 : i32 to index
        %swap3A_405 = tpu.vector_load %arg7[%swap3A_404] {strides = array<i32>} : memref<4096xi32, #tpu.memory_space<vmem>>, vector<16xi32>,
        tpu.vector_store %arg7[%swap3A_404], %broadcast_in_dim3A_6 {strides = array<i32>} : memref<4096xi32, #tpu.memory_space<vmem>>, vector<16xi32>,
        %mul3A_406 = arith.constant 16 : i32
        %mul3A_407 = arith.muli %sub3A_334, %mul3A_406 : i32
        %swap3A_408 = arith.index_cast %mul3A_407 : i32 to index
        %swap3A_409 = tpu.vector_load %arg7[%swap3A_408] {strides = array<i32>} : memref<4096xi32, #tpu.memory_space<vmem>>, vector<16xi32>,
        tpu.vector_store %arg7[%swap3A_408], %broadcast_in_dim3A_6 {strides = array<i32>} : memref<4096xi32, #tpu.memory_space<vmem>>, vector<16xi32>,
        %mul3A_410 = arith.constant 16 : i32
        %mul3A_411 = arith.muli %sub3A_340, %mul3A_410 : i32
        %swap3A_412 = arith.index_cast %mul3A_411 : i32 to index
        %swap3A_413 = tpu.vector_load %arg7[%swap3A_412] {strides = array<i32>} : memref<4096xi32, #tpu.memory_space<vmem>>, vector<16xi32>,
        tpu.vector_store %arg7[%swap3A_412], %broadcast_in_dim3A_6 {strides = array<i32>} : memref<4096xi32, #tpu.memory_space<vmem>>, vector<16xi32>,
        %mul3A_414 = arith.constant 16 : i32
        %mul3A_415 = arith.muli %sub3A_346, %mul3A_414 : i32
        %swap3A_416 = arith.index_cast %mul3A_415 : i32 to index
        %swap3A_417 = tpu.vector_load %arg7[%swap3A_416] {strides = array<i32>} : memref<4096xi32, #tpu.memory_space<vmem>>, vector<16xi32>,
        tpu.vector_store %arg7[%swap3A_416], %broadcast_in_dim3A_6 {strides = array<i32>} : memref<4096xi32, #tpu.memory_space<vmem>>, vector<16xi32>,
        %mul3A_418 = arith.constant 16 : i32
        %mul3A_419 = arith.muli %sub3A_352, %mul3A_418 : i32
        %swap3A_420 = arith.index_cast %mul3A_419 : i32 to index
        %swap3A_421 = tpu.vector_load %arg7[%swap3A_420] {strides = array<i32>} : memref<4096xi32, #tpu.memory_space<vmem>>, vector<16xi32>,
        tpu.vector_store %arg7[%swap3A_420], %broadcast_in_dim3A_6 {strides = array<i32>} : memref<4096xi32, #tpu.memory_space<vmem>>, vector<16xi32>,
        %mul3A_422 = arith.constant 16 : i32
        %mul3A_423 = arith.muli %sub3A_358, %mul3A_422 : i32
        %swap3A_424 = arith.index_cast %mul3A_423 : i32 to index
        %swap3A_425 = tpu.vector_load %arg7[%swap3A_424] {strides = array<i32>} : memref<4096xi32, #tpu.memory_space<vmem>>, vector<16xi32>,
        tpu.vector_store %arg7[%swap3A_424], %broadcast_in_dim3A_6 {strides = array<i32>} : memref<4096xi32, #tpu.memory_space<vmem>>, vector<16xi32>,
        %mul3A_426 = arith.constant 16 : i32
        %mul3A_427 = arith.muli %sub3A_364, %mul3A_426 : i32
        %swap3A_428 = arith.index_cast %mul3A_427 : i32 to index
        %swap3A_429 = tpu.vector_load %arg7[%swap3A_428] {strides = array<i32>} : memref<4096xi32, #tpu.memory_space<vmem>>, vector<16xi32>,
        tpu.vector_store %arg7[%swap3A_428], %broadcast_in_dim3A_6 {strides = array<i32>} : memref<4096xi32, #tpu.memory_space<vmem>>, vector<16xi32>,
        %mul3A_430 = arith.constant 16 : i32
        %mul3A_431 = arith.muli %sub3A_370, %mul3A_430 : i32
        %swap3A_432 = arith.index_cast %mul3A_431 : i32 to index
        %swap3A_433 = tpu.vector_load %arg7[%swap3A_432] {strides = array<i32>} : memref<4096xi32, #tpu.memory_space<vmem>>, vector<16xi32>,
        tpu.vector_store %arg7[%swap3A_432], %broadcast_in_dim3A_6 {strides = array<i32>} : memref<4096xi32, #tpu.memory_space<vmem>>, vector<16xi32>,
        %lt3A_434 = arith.cmpi slt, %scan3A_320, %sub3A_224 : vector<16xi32>
        %broadcast_in_dim3A_435 = vector.broadcast %sub3A_328 : i32 to vector<16xi32>
        %select_n3A_436 = arith.select %lt3A_434, %broadcast_in_dim3A_435, %scan3A_321 : vector<16xi1>, vector<16xi32>
        %select_n3A_437 = arith.select %lt3A_434, %scan3A_320, %scan3A_322 : vector<16xi1>, vector<16xi32>
        %add3A_438 = arith.addi %scan3A_320, %get3A_373 : vector<16xi32>
        %lt3A_439 = arith.cmpi slt, %add3A_438, %sub3A_224 : vector<16xi32>
        %broadcast_in_dim3A_440 = vector.broadcast %sub3A_334 : i32 to vector<16xi32>
        %select_n3A_441 = arith.select %lt3A_439, %broadcast_in_dim3A_440, %select_n3A_436 : vector<16xi1>, vector<16xi32>
        %select_n3A_442 = arith.select %lt3A_439, %add3A_438, %select_n3A_437 : vector<16xi1>, vector<16xi32>
        %add3A_443 = arith.addi %add3A_438, %get3A_377 : vector<16xi32>
        %lt3A_444 = arith.cmpi slt, %add3A_443, %sub3A_224 : vector<16xi32>
        %broadcast_in_dim3A_445 = vector.broadcast %sub3A_340 : i32 to vector<16xi32>
        %select_n3A_446 = arith.select %lt3A_444, %broadcast_in_dim3A_445, %select_n3A_441 : vector<16xi1>, vector<16xi32>
        %select_n3A_447 = arith.select %lt3A_444, %add3A_443, %select_n3A_442 : vector<16xi1>, vector<16xi32>
        %add3A_448 = arith.addi %add3A_443, %get3A_381 : vector<16xi32>
        %lt3A_449 = arith.cmpi slt, %add3A_448, %sub3A_224 : vector<16xi32>
        %broadcast_in_dim3A_450 = vector.broadcast %sub3A_346 : i32 to vector<16xi32>
        %select_n3A_451 = arith.select %lt3A_449, %broadcast_in_dim3A_450, %select_n3A_446 : vector<16xi1>, vector<16xi32>
        %select_n3A_452 = arith.select %lt3A_449, %add3A_448, %select_n3A_447 : vector<16xi1>, vector<16xi32>
        %add3A_453 = arith.addi %add3A_448, %get3A_385 : vector<16xi32>
        %lt3A_454 = arith.cmpi slt, %add3A_453, %sub3A_224 : vector<16xi32>
        %broadcast_in_dim3A_455 = vector.broadcast %sub3A_352 : i32 to vector<16xi32>
        %select_n3A_456 = arith.select %lt3A_454, %broadcast_in_dim3A_455, %select_n3A_451 : vector<16xi1>, vector<16xi32>
        %select_n3A_457 = arith.select %lt3A_454, %add3A_453, %select_n3A_452 : vector<16xi1>, vector<16xi32>
        %add3A_458 = arith.addi %add3A_453, %get3A_389 : vector<16xi32>
        %lt3A_459 = arith.cmpi slt, %add3A_458, %sub3A_224 : vector<16xi32>
        %broadcast_in_dim3A_460 = vector.broadcast %sub3A_358 : i32 to vector<16xi32>
        %select_n3A_461 = arith.select %lt3A_459, %broadcast_in_dim3A_460, %select_n3A_456 : vector<16xi1>, vector<16xi32>
        %select_n3A_462 = arith.select %lt3A_459, %add3A_458, %select_n3A_457 : vector<16xi1>, vector<16xi32>
        %add3A_463 = arith.addi %add3A_458, %get3A_393 : vector<16xi32>
        %lt3A_464 = arith.cmpi slt, %add3A_463, %sub3A_224 : vector<16xi32>
        %broadcast_in_dim3A_465 = vector.broadcast %sub3A_364 : i32 to vector<16xi32>
        %select_n3A_466 = arith.select %lt3A_464, %broadcast_in_dim3A_465, %select_n3A_461 : vector<16xi1>, vector<16xi32>
        %select_n3A_467 = arith.select %lt3A_464, %add3A_463, %select_n3A_462 : vector<16xi1>, vector<16xi32>
        %add3A_468 = arith.addi %add3A_463, %get3A_397 : vector<16xi32>
        %lt3A_469 = arith.cmpi slt, %add3A_468, %sub3A_224 : vector<16xi32>
        %broadcast_in_dim3A_470 = vector.broadcast %sub3A_370 : i32 to vector<16xi32>
        %select_n3A_471 = arith.select %lt3A_469, %broadcast_in_dim3A_470, %select_n3A_466 : vector<16xi1>, vector<16xi32>
        %select_n3A_472 = arith.select %lt3A_469, %add3A_468, %select_n3A_467 : vector<16xi1>, vector<16xi32>
        %add3A_473 = arith.addi %add3A_468, %get3A_401 : vector<16xi32>
        scf.yield %add3A_473, %select_n3A_471, %select_n3A_472 : vector<16xi32>, vector<16xi32>, vector<16xi32>
      }
      %scan3A_247 = arith.constant 32 : i32
      %shift_left3A_248 = arith.constant 8 : i32
      %shift_left3A_249 = vector.broadcast %shift_left3A_248 : i32 to vector<16xi32>
      %shift_left3A_250 = arith.shli %scan3A_246#1, %shift_left3A_249 : vector<16xi32>
      %or3A_251 = arith.ori %or3A_223, %shift_left3A_250 : vector<16xi32>
      %sub3A_252 = arith.subi %sub3A_224, %scan3A_246#2 : vector<16xi32>
      %scan3A_253 = arith.constant 0 : i32
      %scan3A_254 = arith.constant 32 : i32
      %scan3A_255 = arith.addi %scan3A_253, %scan3A_254 : i32
      %scan3A_256 = arith.constant 1 : i32
      %scan3A_257:3 = scf.for %scan3A_319 = %scan3A_253 to %scan3A_255 step %scan3A_256 iter_args(%scan3A_320 = %broadcast_in_dim3A_6, %scan3A_321 = %broadcast_in_dim3A_6, %scan3A_322 = %broadcast_in_dim3A_6) -> (vector<16xi32>, vector<16xi32>, vector<16xi32>)  : i32 {
        %mul3A_323 = arith.constant 8 : i32
        %mul3A_324 = arith.muli %scan3A_319, %mul3A_323 : i32
        %add3A_325 = arith.constant 0 : i32
        %add3A_326 = arith.addi %mul3A_324, %add3A_325 : i32
        %mul3A_327 = arith.constant 8 : i32
        %mul3A_328 = arith.muli %scan3A_319, %mul3A_327 : i32
        %add3A_329 = arith.constant 1 : i32
        %add3A_330 = arith.addi %mul3A_328, %add3A_329 : i32
        %mul3A_331 = arith.constant 8 : i32
        %mul3A_332 = arith.muli %scan3A_319, %mul3A_331 : i32
        %add3A_333 = arith.constant 2 : i32
        %add3A_334 = arith.addi %mul3A_332, %add3A_333 : i32
        %mul3A_335 = arith.constant 8 : i32
        %mul3A_336 = arith.muli %scan3A_319, %mul3A_335 : i32
        %add3A_337 = arith.constant 3 : i32
        %add3A_338 = arith.addi %mul3A_336, %add3A_337 : i32
        %mul3A_339 = arith.constant 8 : i32
        %mul3A_340 = arith.muli %scan3A_319, %mul3A_339 : i32
        %add3A_341 = arith.constant 4 : i32
        %add3A_342 = arith.addi %mul3A_340, %add3A_341 : i32
        %mul3A_343 = arith.constant 8 : i32
        %mul3A_344 = arith.muli %scan3A_319, %mul3A_343 : i32
        %add3A_345 = arith.constant 5 : i32
        %add3A_346 = arith.addi %mul3A_344, %add3A_345 : i32
        %mul3A_347 = arith.constant 8 : i32
        %mul3A_348 = arith.muli %scan3A_319, %mul3A_347 : i32
        %add3A_349 = arith.constant 6 : i32
        %add3A_350 = arith.addi %mul3A_348, %add3A_349 : i32
        %mul3A_351 = arith.constant 8 : i32
        %mul3A_352 = arith.muli %scan3A_319, %mul3A_351 : i32
        %add3A_353 = arith.constant 7 : i32
        %add3A_354 = arith.addi %mul3A_352, %add3A_353 : i32
        %mul3A_355 = arith.constant 16 : i32
        %mul3A_356 = arith.muli %add3A_326, %mul3A_355 : i32
        %get3A = arith.index_cast %mul3A_356 : i32 to index
        %get3A_357 = tpu.vector_load %arg8[%get3A] {strides = array<i32>} : memref<4096xi32, #tpu.memory_space<vmem>>, vector<16xi32>,
        %mul3A_358 = arith.constant 16 : i32
        %mul3A_359 = arith.muli %add3A_330, %mul3A_358 : i32
        %get3A_360 = arith.index_cast %mul3A_359 : i32 to index
        %get3A_361 = tpu.vector_load %arg8[%get3A_360] {strides = array<i32>} : memref<4096xi32, #tpu.memory_space<vmem>>, vector<16xi32>,
        %mul3A_362 = arith.constant 16 : i32
        %mul3A_363 = arith.muli %add3A_334, %mul3A_362 : i32
        %get3A_364 = arith.index_cast %mul3A_363 : i32 to index
        %get3A_365 = tpu.vector_load %arg8[%get3A_364] {strides = array<i32>} : memref<4096xi32, #tpu.memory_space<vmem>>, vector<16xi32>,
        %mul3A_366 = arith.constant 16 : i32
        %mul3A_367 = arith.muli %add3A_338, %mul3A_366 : i32
        %get3A_368 = arith.index_cast %mul3A_367 : i32 to index
        %get3A_369 = tpu.vector_load %arg8[%get3A_368] {strides = array<i32>} : memref<4096xi32, #tpu.memory_space<vmem>>, vector<16xi32>,
        %mul3A_370 = arith.constant 16 : i32
        %mul3A_371 = arith.muli %add3A_342, %mul3A_370 : i32
        %get3A_372 = arith.index_cast %mul3A_371 : i32 to index
        %get3A_373 = tpu.vector_load %arg8[%get3A_372] {strides = array<i32>} : memref<4096xi32, #tpu.memory_space<vmem>>, vector<16xi32>,
        %mul3A_374 = arith.constant 16 : i32
        %mul3A_375 = arith.muli %add3A_346, %mul3A_374 : i32
        %get3A_376 = arith.index_cast %mul3A_375 : i32 to index
        %get3A_377 = tpu.vector_load %arg8[%get3A_376] {strides = array<i32>} : memref<4096xi32, #tpu.memory_space<vmem>>, vector<16xi32>,
        %mul3A_378 = arith.constant 16 : i32
        %mul3A_379 = arith.muli %add3A_350, %mul3A_378 : i32
        %get3A_380 = arith.index_cast %mul3A_379 : i32 to index
        %get3A_381 = tpu.vector_load %arg8[%get3A_380] {strides = array<i32>} : memref<4096xi32, #tpu.memory_space<vmem>>, vector<16xi32>,
        %mul3A_382 = arith.constant 16 : i32
        %mul3A_383 = arith.muli %add3A_354, %mul3A_382 : i32
        %get3A_384 = arith.index_cast %mul3A_383 : i32 to index
        %get3A_385 = tpu.vector_load %arg8[%get3A_384] {strides = array<i32>} : memref<4096xi32, #tpu.memory_space<vmem>>, vector<16xi32>,
        %mul3A_386 = arith.constant 16 : i32
        %mul3A_387 = arith.muli %add3A_326, %mul3A_386 : i32
        %swap3A_388 = arith.index_cast %mul3A_387 : i32 to index
        %swap3A_389 = tpu.vector_load %arg8[%swap3A_388] {strides = array<i32>} : memref<4096xi32, #tpu.memory_space<vmem>>, vector<16xi32>,
        tpu.vector_store %arg8[%swap3A_388], %broadcast_in_dim3A_6 {strides = array<i32>} : memref<4096xi32, #tpu.memory_space<vmem>>, vector<16xi32>,
        %mul3A_390 = arith.constant 16 : i32
        %mul3A_391 = arith.muli %add3A_330, %mul3A_390 : i32
        %swap3A_392 = arith.index_cast %mul3A_391 : i32 to index
        %swap3A_393 = tpu.vector_load %arg8[%swap3A_392] {strides = array<i32>} : memref<4096xi32, #tpu.memory_space<vmem>>, vector<16xi32>,
        tpu.vector_store %arg8[%swap3A_392], %broadcast_in_dim3A_6 {strides = array<i32>} : memref<4096xi32, #tpu.memory_space<vmem>>, vector<16xi32>,
        %mul3A_394 = arith.constant 16 : i32
        %mul3A_395 = arith.muli %add3A_334, %mul3A_394 : i32
        %swap3A_396 = arith.index_cast %mul3A_395 : i32 to index
        %swap3A_397 = tpu.vector_load %arg8[%swap3A_396] {strides = array<i32>} : memref<4096xi32, #tpu.memory_space<vmem>>, vector<16xi32>,
        tpu.vector_store %arg8[%swap3A_396], %broadcast_in_dim3A_6 {strides = array<i32>} : memref<4096xi32, #tpu.memory_space<vmem>>, vector<16xi32>,
        %mul3A_398 = arith.constant 16 : i32
        %mul3A_399 = arith.muli %add3A_338, %mul3A_398 : i32
        %swap3A_400 = arith.index_cast %mul3A_399 : i32 to index
        %swap3A_401 = tpu.vector_load %arg8[%swap3A_400] {strides = array<i32>} : memref<4096xi32, #tpu.memory_space<vmem>>, vector<16xi32>,
        tpu.vector_store %arg8[%swap3A_400], %broadcast_in_dim3A_6 {strides = array<i32>} : memref<4096xi32, #tpu.memory_space<vmem>>, vector<16xi32>,
        %mul3A_402 = arith.constant 16 : i32
        %mul3A_403 = arith.muli %add3A_342, %mul3A_402 : i32
        %swap3A_404 = arith.index_cast %mul3A_403 : i32 to index
        %swap3A_405 = tpu.vector_load %arg8[%swap3A_404] {strides = array<i32>} : memref<4096xi32, #tpu.memory_space<vmem>>, vector<16xi32>,
        tpu.vector_store %arg8[%swap3A_404], %broadcast_in_dim3A_6 {strides = array<i32>} : memref<4096xi32, #tpu.memory_space<vmem>>, vector<16xi32>,
        %mul3A_406 = arith.constant 16 : i32
        %mul3A_407 = arith.muli %add3A_346, %mul3A_406 : i32
        %swap3A_408 = arith.index_cast %mul3A_407 : i32 to index
        %swap3A_409 = tpu.vector_load %arg8[%swap3A_408] {strides = array<i32>} : memref<4096xi32, #tpu.memory_space<vmem>>, vector<16xi32>,
        tpu.vector_store %arg8[%swap3A_408], %broadcast_in_dim3A_6 {strides = array<i32>} : memref<4096xi32, #tpu.memory_space<vmem>>, vector<16xi32>,
        %mul3A_410 = arith.constant 16 : i32
        %mul3A_411 = arith.muli %add3A_350, %mul3A_410 : i32
        %swap3A_412 = arith.index_cast %mul3A_411 : i32 to index
        %swap3A_413 = tpu.vector_load %arg8[%swap3A_412] {strides = array<i32>} : memref<4096xi32, #tpu.memory_space<vmem>>, vector<16xi32>,
        tpu.vector_store %arg8[%swap3A_412], %broadcast_in_dim3A_6 {strides = array<i32>} : memref<4096xi32, #tpu.memory_space<vmem>>, vector<16xi32>,
        %mul3A_414 = arith.constant 16 : i32
        %mul3A_415 = arith.muli %add3A_354, %mul3A_414 : i32
        %swap3A_416 = arith.index_cast %mul3A_415 : i32 to index
        %swap3A_417 = tpu.vector_load %arg8[%swap3A_416] {strides = array<i32>} : memref<4096xi32, #tpu.memory_space<vmem>>, vector<16xi32>,
        tpu.vector_store %arg8[%swap3A_416], %broadcast_in_dim3A_6 {strides = array<i32>} : memref<4096xi32, #tpu.memory_space<vmem>>, vector<16xi32>,
        %lt3A_418 = arith.cmpi slt, %scan3A_320, %sub3A_235 : vector<16xi32>
        %broadcast_in_dim3A_419 = vector.broadcast %add3A_326 : i32 to vector<16xi32>
        %select_n3A_420 = arith.select %lt3A_418, %broadcast_in_dim3A_419, %scan3A_321 : vector<16xi1>, vector<16xi32>
        %select_n3A_421 = arith.select %lt3A_418, %scan3A_320, %scan3A_322 : vector<16xi1>, vector<16xi32>
        %add3A_422 = arith.addi %scan3A_320, %get3A_357 : vector<16xi32>
        %lt3A_423 = arith.cmpi slt, %add3A_422, %sub3A_235 : vector<16xi32>
        %broadcast_in_dim3A_424 = vector.broadcast %add3A_330 : i32 to vector<16xi32>
        %select_n3A_425 = arith.select %lt3A_423, %broadcast_in_dim3A_424, %select_n3A_420 : vector<16xi1>, vector<16xi32>
        %select_n3A_426 = arith.select %lt3A_423, %add3A_422, %select_n3A_421 : vector<16xi1>, vector<16xi32>
        %add3A_427 = arith.addi %add3A_422, %get3A_361 : vector<16xi32>
        %lt3A_428 = arith.cmpi slt, %add3A_427, %sub3A_235 : vector<16xi32>
        %broadcast_in_dim3A_429 = vector.broadcast %add3A_334 : i32 to vector<16xi32>
        %select_n3A_430 = arith.select %lt3A_428, %broadcast_in_dim3A_429, %select_n3A_425 : vector<16xi1>, vector<16xi32>
        %select_n3A_431 = arith.select %lt3A_428, %add3A_427, %select_n3A_426 : vector<16xi1>, vector<16xi32>
        %add3A_432 = arith.addi %add3A_427, %get3A_365 : vector<16xi32>
        %lt3A_433 = arith.cmpi slt, %add3A_432, %sub3A_235 : vector<16xi32>
        %broadcast_in_dim3A_434 = vector.broadcast %add3A_338 : i32 to vector<16xi32>
        %select_n3A_435 = arith.select %lt3A_433, %broadcast_in_dim3A_434, %select_n3A_430 : vector<16xi1>, vector<16xi32>
        %select_n3A_436 = arith.select %lt3A_433, %add3A_432, %select_n3A_431 : vector<16xi1>, vector<16xi32>
        %add3A_437 = arith.addi %add3A_432, %get3A_369 : vector<16xi32>
        %lt3A_438 = arith.cmpi slt, %add3A_437, %sub3A_235 : vector<16xi32>
        %broadcast_in_dim3A_439 = vector.broadcast %add3A_342 : i32 to vector<16xi32>
        %select_n3A_440 = arith.select %lt3A_438, %broadcast_in_dim3A_439, %select_n3A_435 : vector<16xi1>, vector<16xi32>
        %select_n3A_441 = arith.select %lt3A_438, %add3A_437, %select_n3A_436 : vector<16xi1>, vector<16xi32>
        %add3A_442 = arith.addi %add3A_437, %get3A_373 : vector<16xi32>
        %lt3A_443 = arith.cmpi slt, %add3A_442, %sub3A_235 : vector<16xi32>
        %broadcast_in_dim3A_444 = vector.broadcast %add3A_346 : i32 to vector<16xi32>
        %select_n3A_445 = arith.select %lt3A_443, %broadcast_in_dim3A_444, %select_n3A_440 : vector<16xi1>, vector<16xi32>
        %select_n3A_446 = arith.select %lt3A_443, %add3A_442, %select_n3A_441 : vector<16xi1>, vector<16xi32>
        %add3A_447 = arith.addi %add3A_442, %get3A_377 : vector<16xi32>
        %lt3A_448 = arith.cmpi slt, %add3A_447, %sub3A_235 : vector<16xi32>
        %broadcast_in_dim3A_449 = vector.broadcast %add3A_350 : i32 to vector<16xi32>
        %select_n3A_450 = arith.select %lt3A_448, %broadcast_in_dim3A_449, %select_n3A_445 : vector<16xi1>, vector<16xi32>
        %select_n3A_451 = arith.select %lt3A_448, %add3A_447, %select_n3A_446 : vector<16xi1>, vector<16xi32>
        %add3A_452 = arith.addi %add3A_447, %get3A_381 : vector<16xi32>
        %lt3A_453 = arith.cmpi slt, %add3A_452, %sub3A_235 : vector<16xi32>
        %broadcast_in_dim3A_454 = vector.broadcast %add3A_354 : i32 to vector<16xi32>
        %select_n3A_455 = arith.select %lt3A_453, %broadcast_in_dim3A_454, %select_n3A_450 : vector<16xi1>, vector<16xi32>
        %select_n3A_456 = arith.select %lt3A_453, %add3A_452, %select_n3A_451 : vector<16xi1>, vector<16xi32>
        %add3A_457 = arith.addi %add3A_452, %get3A_385 : vector<16xi32>
        scf.yield %add3A_457, %select_n3A_455, %select_n3A_456 : vector<16xi32>, vector<16xi32>, vector<16xi32>
      }
      %scan3A_258 = arith.constant 32 : i32
      %shift_left3A_259 = arith.constant 8 : i32
      %shift_left3A_260 = vector.broadcast %shift_left3A_259 : i32 to vector<16xi32>
      %shift_left3A_261 = arith.shli %scan3A_257#1, %shift_left3A_260 : vector<16xi32>
      %or3A_262 = arith.ori %or3A_234, %shift_left3A_261 : vector<16xi32>
      %sub3A_263 = arith.subi %sub3A_235, %scan3A_257#2 : vector<16xi32>
      %or3A_264 = arith.constant 255 : i32
      %or3A_265 = vector.broadcast %or3A_264 : i32 to vector<16xi32>
      %or3A_266 = arith.ori %or3A_251, %or3A_265 : vector<16xi32>
      %parallel_loop3A_267 = arith.constant 0 : i32
      %parallel_loop3A_268 = arith.constant 1024 : i32
      %parallel_loop3A_269 = arith.constant 8 : i32
      %parallel_loop3A_270:2 = scf.for %parallel_loop3A_319 = %parallel_loop3A_267 to %parallel_loop3A_268 step %parallel_loop3A_269 iter_args(%parallel_loop3A_320 = %broadcast_in_dim3A_8, %parallel_loop3A_321 = %broadcast_in_dim3A_8) -> (vector<16xf32>, vector<16xf32>)  : i32 {
        %parallel_loop3A_322 = arith.constant 0 : i32
        %parallel_loop3A_323 = arith.addi %parallel_loop3A_319, %parallel_loop3A_322 : i32
        %parallel_loop3A_324 = arith.constant 1 : i32
        %parallel_loop3A_325 = arith.addi %parallel_loop3A_319, %parallel_loop3A_324 : i32
        %parallel_loop3A_326 = arith.constant 2 : i32
        %parallel_loop3A_327 = arith.addi %parallel_loop3A_319, %parallel_loop3A_326 : i32
        %parallel_loop3A_328 = arith.constant 3 : i32
        %parallel_loop3A_329 = arith.addi %parallel_loop3A_319, %parallel_loop3A_328 : i32
        %parallel_loop3A_330 = arith.constant 4 : i32
        %parallel_loop3A_331 = arith.addi %parallel_loop3A_319, %parallel_loop3A_330 : i32
        %parallel_loop3A_332 = arith.constant 5 : i32
        %parallel_loop3A_333 = arith.addi %parallel_loop3A_319, %parallel_loop3A_332 : i32
        %parallel_loop3A_334 = arith.constant 6 : i32
        %parallel_loop3A_335 = arith.addi %parallel_loop3A_319, %parallel_loop3A_334 : i32
        %parallel_loop3A_336 = arith.constant 7 : i32
        %parallel_loop3A_337 = arith.addi %parallel_loop3A_319, %parallel_loop3A_336 : i32
        %parallel_loop3A_338 = arith.constant 16 : i32
        %parallel_loop3A_339 = arith.muli %parallel_loop3A_323, %parallel_loop3A_338 : i32
        %parallel_loop3A_340 = arith.index_cast %parallel_loop3A_339 : i32 to index
        %parallel_loop3A_341 = tpu.vector_load %arg6[%parallel_loop3A_340] {strides = array<i32>} : memref<16384xi32, #tpu.memory_space<vmem>>, vector<16xi32>,
        %parallel_loop3A_342 = arith.constant 16 : i32
        %parallel_loop3A_343 = arith.muli %parallel_loop3A_325, %parallel_loop3A_342 : i32
        %parallel_loop3A_344 = arith.index_cast %parallel_loop3A_343 : i32 to index
        %parallel_loop3A_345 = tpu.vector_load %arg6[%parallel_loop3A_344] {strides = array<i32>} : memref<16384xi32, #tpu.memory_space<vmem>>, vector<16xi32>,
        %parallel_loop3A_346 = arith.constant 16 : i32
        %parallel_loop3A_347 = arith.muli %parallel_loop3A_327, %parallel_loop3A_346 : i32
        %parallel_loop3A_348 = arith.index_cast %parallel_loop3A_347 : i32 to index
        %parallel_loop3A_349 = tpu.vector_load %arg6[%parallel_loop3A_348] {strides = array<i32>} : memref<16384xi32, #tpu.memory_space<vmem>>, vector<16xi32>,
        %parallel_loop3A_350 = arith.constant 16 : i32
        %parallel_loop3A_351 = arith.muli %parallel_loop3A_329, %parallel_loop3A_350 : i32
        %parallel_loop3A_352 = arith.index_cast %parallel_loop3A_351 : i32 to index
        %parallel_loop3A_353 = tpu.vector_load %arg6[%parallel_loop3A_352] {strides = array<i32>} : memref<16384xi32, #tpu.memory_space<vmem>>, vector<16xi32>,
        %parallel_loop3A_354 = arith.constant 16 : i32
        %parallel_loop3A_355 = arith.muli %parallel_loop3A_331, %parallel_loop3A_354 : i32
        %parallel_loop3A_356 = arith.index_cast %parallel_loop3A_355 : i32 to index
        %parallel_loop3A_357 = tpu.vector_load %arg6[%parallel_loop3A_356] {strides = array<i32>} : memref<16384xi32, #tpu.memory_space<vmem>>, vector<16xi32>,
        %parallel_loop3A_358 = arith.constant 16 : i32
        %parallel_loop3A_359 = arith.muli %parallel_loop3A_333, %parallel_loop3A_358 : i32
        %parallel_loop3A_360 = arith.index_cast %parallel_loop3A_359 : i32 to index
        %parallel_loop3A_361 = tpu.vector_load %arg6[%parallel_loop3A_360] {strides = array<i32>} : memref<16384xi32, #tpu.memory_space<vmem>>, vector<16xi32>,
        %parallel_loop3A_362 = arith.constant 16 : i32
        %parallel_loop3A_363 = arith.muli %parallel_loop3A_335, %parallel_loop3A_362 : i32
        %parallel_loop3A_364 = arith.index_cast %parallel_loop3A_363 : i32 to index
        %parallel_loop3A_365 = tpu.vector_load %arg6[%parallel_loop3A_364] {strides = array<i32>} : memref<16384xi32, #tpu.memory_space<vmem>>, vector<16xi32>,
        %parallel_loop3A_366 = arith.constant 16 : i32
        %parallel_loop3A_367 = arith.muli %parallel_loop3A_337, %parallel_loop3A_366 : i32
        %parallel_loop3A_368 = arith.index_cast %parallel_loop3A_367 : i32 to index
        %parallel_loop3A_369 = tpu.vector_load %arg6[%parallel_loop3A_368] {strides = array<i32>} : memref<16384xi32, #tpu.memory_space<vmem>>, vector<16xi32>,
        %parallel_loop3A_370 = vector.broadcast %parallel_loop3A_323 : i32 to vector<16xi32>
        %parallel_loop3A_371 = arith.xori %xor3A, %parallel_loop3A_370 : vector<16xi32>
        %parallel_loop3A_372 = tpu.vector_load_idx %arg5[%parallel_loop3A_371] : memref<16384xf32, #tpu.memory_space<vmem>>[vector<16xi32>], vector<16xf32>,
        %parallel_loop3A_373 = vector.broadcast %parallel_loop3A_325 : i32 to vector<16xi32>
        %parallel_loop3A_374 = arith.xori %xor3A, %parallel_loop3A_373 : vector<16xi32>
        %parallel_loop3A_375 = tpu.vector_load_idx %arg5[%parallel_loop3A_374] : memref<16384xf32, #tpu.memory_space<vmem>>[vector<16xi32>], vector<16xf32>,
        %parallel_loop3A_376 = vector.broadcast %parallel_loop3A_327 : i32 to vector<16xi32>
        %parallel_loop3A_377 = arith.xori %xor3A, %parallel_loop3A_376 : vector<16xi32>
        %parallel_loop3A_378 = tpu.vector_load_idx %arg5[%parallel_loop3A_377] : memref<16384xf32, #tpu.memory_space<vmem>>[vector<16xi32>], vector<16xf32>,
        %parallel_loop3A_379 = vector.broadcast %parallel_loop3A_329 : i32 to vector<16xi32>
        %parallel_loop3A_380 = arith.xori %xor3A, %parallel_loop3A_379 : vector<16xi32>
        %parallel_loop3A_381 = tpu.vector_load_idx %arg5[%parallel_loop3A_380] : memref<16384xf32, #tpu.memory_space<vmem>>[vector<16xi32>], vector<16xf32>,
        %parallel_loop3A_382 = vector.broadcast %parallel_loop3A_331 : i32 to vector<16xi32>
        %parallel_loop3A_383 = arith.xori %xor3A, %parallel_loop3A_382 : vector<16xi32>
        %parallel_loop3A_384 = tpu.vector_load_idx %arg5[%parallel_loop3A_383] : memref<16384xf32, #tpu.memory_space<vmem>>[vector<16xi32>], vector<16xf32>,
        %parallel_loop3A_385 = vector.broadcast %parallel_loop3A_333 : i32 to vector<16xi32>
        %parallel_loop3A_386 = arith.xori %xor3A, %parallel_loop3A_385 : vector<16xi32>
        %parallel_loop3A_387 = tpu.vector_load_idx %arg5[%parallel_loop3A_386] : memref<16384xf32, #tpu.memory_space<vmem>>[vector<16xi32>], vector<16xf32>,
        %parallel_loop3A_388 = vector.broadcast %parallel_loop3A_335 : i32 to vector<16xi32>
        %parallel_loop3A_389 = arith.xori %xor3A, %parallel_loop3A_388 : vector<16xi32>
        %parallel_loop3A_390 = tpu.vector_load_idx %arg5[%parallel_loop3A_389] : memref<16384xf32, #tpu.memory_space<vmem>>[vector<16xi32>], vector<16xf32>,
        %parallel_loop3A_391 = vector.broadcast %parallel_loop3A_337 : i32 to vector<16xi32>
        %parallel_loop3A_392 = arith.xori %xor3A, %parallel_loop3A_391 : vector<16xi32>
        %parallel_loop3A_393 = tpu.vector_load_idx %arg5[%parallel_loop3A_392] : memref<16384xf32, #tpu.memory_space<vmem>>[vector<16xi32>], vector<16xf32>,
        %parallel_loop3A_394 = arith.cmpi ugt, %parallel_loop3A_341, %or3A_266 : vector<16xi32>
        %parallel_loop3A_395 = arith.cmpi ugt, %parallel_loop3A_345, %or3A_266 : vector<16xi32>
        %parallel_loop3A_396 = arith.cmpi ugt, %parallel_loop3A_349, %or3A_266 : vector<16xi32>
        %parallel_loop3A_397 = arith.cmpi ugt, %parallel_loop3A_353, %or3A_266 : vector<16xi32>
        %parallel_loop3A_398 = arith.cmpi ugt, %parallel_loop3A_357, %or3A_266 : vector<16xi32>
        %parallel_loop3A_399 = arith.cmpi ugt, %parallel_loop3A_361, %or3A_266 : vector<16xi32>
        %parallel_loop3A_400 = arith.cmpi ugt, %parallel_loop3A_365, %or3A_266 : vector<16xi32>
        %parallel_loop3A_401 = arith.cmpi ugt, %parallel_loop3A_369, %or3A_266 : vector<16xi32>
        %parallel_loop3A_402 = arith.cmpi ult, %parallel_loop3A_341, %or3A_262 : vector<16xi32>
        %parallel_loop3A_403 = arith.cmpi ult, %parallel_loop3A_345, %or3A_262 : vector<16xi32>
        %parallel_loop3A_404 = arith.cmpi ult, %parallel_loop3A_349, %or3A_262 : vector<16xi32>
        %parallel_loop3A_405 = arith.cmpi ult, %parallel_loop3A_353, %or3A_262 : vector<16xi32>
        %parallel_loop3A_406 = arith.cmpi ult, %parallel_loop3A_357, %or3A_262 : vector<16xi32>
        %parallel_loop3A_407 = arith.cmpi ult, %parallel_loop3A_361, %or3A_262 : vector<16xi32>
        %parallel_loop3A_408 = arith.cmpi ult, %parallel_loop3A_365, %or3A_262 : vector<16xi32>
        %parallel_loop3A_409 = arith.cmpi ult, %parallel_loop3A_369, %or3A_262 : vector<16xi32>
        %parallel_loop3A_410 = arith.select %parallel_loop3A_394, %parallel_loop3A_372, %broadcast_in_dim3A_8 : vector<16xi1>, vector<16xf32>
        %parallel_loop3A_411 = arith.select %parallel_loop3A_395, %parallel_loop3A_375, %broadcast_in_dim3A_8 : vector<16xi1>, vector<16xf32>
        %parallel_loop3A_412 = arith.select %parallel_loop3A_396, %parallel_loop3A_378, %broadcast_in_dim3A_8 : vector<16xi1>, vector<16xf32>
        %parallel_loop3A_413 = arith.select %parallel_loop3A_397, %parallel_loop3A_381, %broadcast_in_dim3A_8 : vector<16xi1>, vector<16xf32>
        %parallel_loop3A_414 = arith.select %parallel_loop3A_398, %parallel_loop3A_384, %broadcast_in_dim3A_8 : vector<16xi1>, vector<16xf32>
        %parallel_loop3A_415 = arith.select %parallel_loop3A_399, %parallel_loop3A_387, %broadcast_in_dim3A_8 : vector<16xi1>, vector<16xf32>
        %parallel_loop3A_416 = arith.select %parallel_loop3A_400, %parallel_loop3A_390, %broadcast_in_dim3A_8 : vector<16xi1>, vector<16xf32>
        %parallel_loop3A_417 = arith.select %parallel_loop3A_401, %parallel_loop3A_393, %broadcast_in_dim3A_8 : vector<16xi1>, vector<16xf32>
        %parallel_loop3A_418 = arith.select %parallel_loop3A_402, %parallel_loop3A_372, %broadcast_in_dim3A_8 : vector<16xi1>, vector<16xf32>
        %parallel_loop3A_419 = arith.select %parallel_loop3A_403, %parallel_loop3A_375, %broadcast_in_dim3A_8 : vector<16xi1>, vector<16xf32>
        %parallel_loop3A_420 = arith.select %parallel_loop3A_404, %parallel_loop3A_378, %broadcast_in_dim3A_8 : vector<16xi1>, vector<16xf32>
        %parallel_loop3A_421 = arith.select %parallel_loop3A_405, %parallel_loop3A_381, %broadcast_in_dim3A_8 : vector<16xi1>, vector<16xf32>
        %parallel_loop3A_422 = arith.select %parallel_loop3A_406, %parallel_loop3A_384, %broadcast_in_dim3A_8 : vector<16xi1>, vector<16xf32>
        %parallel_loop3A_423 = arith.select %parallel_loop3A_407, %parallel_loop3A_387, %broadcast_in_dim3A_8 : vector<16xi1>, vector<16xf32>
        %parallel_loop3A_424 = arith.select %parallel_loop3A_408, %parallel_loop3A_390, %broadcast_in_dim3A_8 : vector<16xi1>, vector<16xf32>
        %parallel_loop3A_425 = arith.select %parallel_loop3A_409, %parallel_loop3A_393, %broadcast_in_dim3A_8 : vector<16xi1>, vector<16xf32>
        %parallel_loop3A_426 = arith.addf %parallel_loop3A_410, %parallel_loop3A_411 : vector<16xf32>
        %parallel_loop3A_427 = arith.addf %parallel_loop3A_412, %parallel_loop3A_413 : vector<16xf32>
        %parallel_loop3A_428 = arith.addf %parallel_loop3A_414, %parallel_loop3A_415 : vector<16xf32>
        %parallel_loop3A_429 = arith.addf %parallel_loop3A_416, %parallel_loop3A_417 : vector<16xf32>
        %parallel_loop3A_430 = arith.addf %parallel_loop3A_426, %parallel_loop3A_427 : vector<16xf32>
        %parallel_loop3A_431 = arith.addf %parallel_loop3A_428, %parallel_loop3A_429 : vector<16xf32>
        %parallel_loop3A_432 = arith.addf %parallel_loop3A_430, %parallel_loop3A_431 : vector<16xf32>
        %parallel_loop3A_433 = arith.addf %parallel_loop3A_320, %parallel_loop3A_432 : vector<16xf32>
        %parallel_loop3A_434 = arith.addf %parallel_loop3A_418, %parallel_loop3A_419 : vector<16xf32>
        %parallel_loop3A_435 = arith.addf %parallel_loop3A_420, %parallel_loop3A_421 : vector<16xf32>
        %parallel_loop3A_436 = arith.addf %parallel_loop3A_422, %parallel_loop3A_423 : vector<16xf32>
        %parallel_loop3A_437 = arith.addf %parallel_loop3A_424, %parallel_loop3A_425 : vector<16xf32>
        %parallel_loop3A_438 = arith.addf %parallel_loop3A_434, %parallel_loop3A_435 : vector<16xf32>
        %parallel_loop3A_439 = arith.addf %parallel_loop3A_436, %parallel_loop3A_437 : vector<16xf32>
        %parallel_loop3A_440 = arith.addf %parallel_loop3A_438, %parallel_loop3A_439 : vector<16xf32>
        %parallel_loop3A_441 = arith.addf %parallel_loop3A_321, %parallel_loop3A_440 : vector<16xf32>
        scf.yield %parallel_loop3A_433, %parallel_loop3A_441 : vector<16xf32>, vector<16xf32>
      } {sc.loop_unroll_factor = 1 : i64, sc.parallel_access}
      %convert_element_type3A_271 = arith.sitofp %sub3A_252 : vector<16xi32> to vector<16xf32>
      %or3A_272 = arith.constant 128 : i32
      %or3A_273 = vector.broadcast %or3A_272 : i32 to vector<16xi32>
      %or3A_274 = arith.ori %or3A_251, %or3A_273 : vector<16xi32>
      %ge3A_275 = arith.constant -2147483648 : i32
      %ge3A_276 = vector.broadcast %ge3A_275 : i32 to vector<16xi32>
      %ge3A_277 = arith.cmpi uge, %or3A_274, %ge3A_276 : vector<16xi32>
      %xor3A_278 = arith.constant -2147483648 : i32
      %xor3A_279 = vector.broadcast %xor3A_278 : i32 to vector<16xi32>
      %xor3A_280 = arith.xori %or3A_274, %xor3A_279 : vector<16xi32>
      %not3A_281 = arith.constant dense<-1> : vector<16xi32>
      %not3A_282 = arith.xori %or3A_274, %not3A_281 : vector<16xi32>
      %select_n3A_283 = arith.select %ge3A_277, %xor3A_280, %not3A_282 : vector<16xi1>, vector<16xi32>
      %bitcast3A_284 = vector.bitcast %select_n3A_283 : vector<16xi32> to vector<16xf32>
      %mul3A_285 = arith.mulf %convert_element_type3A_271, %bitcast3A_284 : vector<16xf32>
      %add3A_286 = arith.addf %parallel_loop3A_270#0, %mul3A_285 : vector<16xf32>
      %convert_element_type3A_287 = arith.sitofp %sub3A_263 : vector<16xi32> to vector<16xf32>
      %or3A_288 = arith.constant 128 : i32
      %or3A_289 = vector.broadcast %or3A_288 : i32 to vector<16xi32>
      %or3A_290 = arith.ori %or3A_262, %or3A_289 : vector<16xi32>
      %ge3A_291 = arith.constant -2147483648 : i32
      %ge3A_292 = vector.broadcast %ge3A_291 : i32 to vector<16xi32>
      %ge3A_293 = arith.cmpi uge, %or3A_290, %ge3A_292 : vector<16xi32>
      %xor3A_294 = arith.constant -2147483648 : i32
      %xor3A_295 = vector.broadcast %xor3A_294 : i32 to vector<16xi32>
      %xor3A_296 = arith.xori %or3A_290, %xor3A_295 : vector<16xi32>
      %not3A_297 = arith.constant dense<-1> : vector<16xi32>
      %not3A_298 = arith.xori %or3A_290, %not3A_297 : vector<16xi32>
      %select_n3A_299 = arith.select %ge3A_293, %xor3A_296, %not3A_298 : vector<16xi1>, vector<16xi32>
      %bitcast3A_300 = vector.bitcast %select_n3A_299 : vector<16xi32> to vector<16xf32>
      %mul3A_301 = arith.mulf %convert_element_type3A_287, %bitcast3A_300 : vector<16xf32>
      %add3A_302 = arith.addf %parallel_loop3A_270#1, %mul3A_301 : vector<16xf32>
      %mul3A_303 = arith.constant 0.00487804879 : f32
      %mul3A_304 = vector.broadcast %mul3A_303 : f32 to vector<16xf32>
      %mul3A_305 = arith.mulf %add3A_286, %mul3A_304 : vector<16xf32>
      %mul3A_306 = arith.constant 0.00292682927 : f32
      %mul3A_307 = vector.broadcast %mul3A_306 : f32 to vector<16xf32>
      %mul3A_308 = arith.mulf %add3A_302, %mul3A_307 : vector<16xf32>
      %add3A_309 = arith.addf %mul3A_305, %mul3A_308 : vector<16xf32>
      %mul3A_310 = arith.constant 16 : i32
      %mul3A_311 = arith.muli %add3A_175, %mul3A_310 : i32
      %swap3A_312 = arith.index_cast %mul3A_311 : i32 to index
      %swap3A_313 = tpu.vector_load %arg9[%swap3A_312] {strides = array<i32>} : memref<768xf32, #tpu.memory_space<vmem>>, vector<16xf32>,
      tpu.vector_store %arg9[%swap3A_312], %add3A_309 {strides = array<i32>} : memref<768xf32, #tpu.memory_space<vmem>>, vector<16xf32>,
      %lt3A_314 = arith.constant 23 : i32
      %lt3A_315 = arith.cmpi slt, %scan3A_41, %lt3A_314 : i32
      %convert_element_type3A_316 = arith.extui %lt3A_315 : i1 to i32
      %cond3A_317 = arith.constant 0 : i32
      %cond3A_318 = arith.cmpi ne, %convert_element_type3A_316, %cond3A_317 : i32
      scf.if %cond3A_318 {
        %add3A_319 = arith.constant 2 : i32
        %add3A_320 = arith.addi %add3A_175, %add3A_319 : i32
        %mul3A_321 = arith.constant 48 : i32
        %mul3A_322 = arith.muli %add3A, %mul3A_321 : i32
        %add3A_323 = arith.addi %mul3A_322, %add3A_320 : i32
        %mul3A_324 = arith.constant 16384 : i32
        %mul3A_325 = arith.muli %add3A_323, %mul3A_324 : i32
        %dma_start3A_326 = tpu.memref_slice %arg2[%mul3A_325] : memref<25165824xf32, #tpu.memory_space<hbm>> -> memref<16384xf32, #tpu.memory_space<hbm>>
        %dma_start3A_327 = tpu.memref_slice %arg2[%mul3A_325] : memref<25165824xf32, #tpu.memory_space<hbm>> -> memref<16384xf32, #tpu.memory_space<hbm>>
        tpu.enqueue_dma source(%dma_start3A_327 : memref<16384xf32, #tpu.memory_space<hbm>>) target(%arg5 : memref<16384xf32, #tpu.memory_space<vmem>>) target_semaphore(%arg11 : memref<!tpu.dma_semaphore, #tpu.memory_space<semaphore_mem>>)
      } else {
      }
    }
    %scan3A_38 = arith.constant 24 : i32
    %mul3A_39 = arith.constant 768 : i32
    %mul3A_40 = arith.muli %add3A, %mul3A_39 : i32
    "tpu.region"() ({
      %run_scoped3A = tpu.sem_alloc : memref<!tpu.dma_semaphore, #tpu.memory_space<semaphore_mem>>
      %dma_start3A_41 = tpu.memref_slice %arg3[%mul3A_40] : memref<24576xf32, #tpu.memory_space<hbm>> -> memref<768xf32, #tpu.memory_space<hbm>>
      %dma_start3A_42 = tpu.memref_slice %arg3[%mul3A_40] : memref<24576xf32, #tpu.memory_space<hbm>> -> memref<768xf32, #tpu.memory_space<hbm>>
      tpu.enqueue_dma source(%arg9 : memref<768xf32, #tpu.memory_space<vmem>>) target(%dma_start3A_42 : memref<768xf32, #tpu.memory_space<hbm>>) target_semaphore(%run_scoped3A : memref<!tpu.dma_semaphore, #tpu.memory_space<semaphore_mem>>)
      %dma_wait3A = tpu.memref_slice %arg3[%mul3A_40] : memref<24576xf32, #tpu.memory_space<hbm>> -> memref<768xf32, #tpu.memory_space<hbm>>
      %dma_wait3A_43 = tpu.memref_slice %arg3[%mul3A_40] : memref<24576xf32, #tpu.memory_space<hbm>> -> memref<768xf32, #tpu.memory_space<hbm>>
      tpu.wait_dma2 semaphore(%run_scoped3A : memref<!tpu.dma_semaphore, #tpu.memory_space<semaphore_mem>>) src(%arg9 : memref<768xf32, #tpu.memory_space<vmem>>) dst(%dma_wait3A_43 : memref<768xf32, #tpu.memory_space<hbm>>)
      tpu.yield
    }) : () -> ()
    return
  }
}

</mosaic_0001>

<sc_bundles>
// kernel: kernel.3.cloned.1.call-start
scs
__scs_entry_jumppad:
0x0: {  	(pc) =	sbr.rel $0x88, $3  }
0x1: {  	(tag) =	ssettag $0x0;
	lr =	simm.s32 $0x1  }
0x2: {  	[smem:$0x3FA0] =	sst lr;
	_ =	strace $0xD0000000  }
0x3: {  	_ = 	snop  }
0x4: {  	_ = 	snop  }
0x5: {  	_ = 	snop  }
0x6: {  	_ = 	snop  }
0x7: {  	_ = 	snop  }
__scs_overlays_trampoline_lowered:
0x8: {  	[smem:$0x3FAF] =	sst s0  }
0x9: {  	[smem:$0x3FB0] =	sst s1  }
0xa: {  	[smem:$0x3FB1] =	sst s2  }
0xb: {  	[smem:$0x3FB2] =	sst s3  }
0xc: {  	[smem:$0x3FB3] =	sst s4  }
0xd: {  	[smem:$0x3FB4] =	sst s5  }
0xe: {  	[smem:$0x3FB5] =	sst s6  }
0xf: {  	[smem:$0x3FB6] =	sst s7  }
0x10: {  	[smem:$0x3FB7] =	sst s8  }
0x11: {  	[smem:$0x3FB8] =	sst s9;
	s0 =	simm.s32 @!p0 $0x0  }
0x12: {  	s1 =	sld [smem:$0x3F9E];
	s0 =	simm.s32 @p0 $0x1  }
0x13: {  	[smem:$0x3FB9] =	sst s0;
	s0 =	simm.s32 @!p1 $0x0  }
0x14: {  	s2 =	sld [smem:$0x3F9D];
	s0 =	simm.s32 @p1 $0x1  }
0x15: {  	[smem:$0x3FBA] =	sst s0;
	s0 =	simm.s32 @!p2 $0x0  }
0x16: {  	s3 =	sld [smem:$0x3FDB];
	s0 =	simm.s32 @p2 $0x1  }
0x17: {  	s4 =	simm.s32 $0x1BF5;
	[smem:$0x3FBC] =	sst s0  }
0x18: {  	s0 =	sld [smem:$0x3F9F];
	_ =	swait.ge [sflag:s4], $0x0  }
0x19: {  	s7 =	sld [smem:$0x3FA0]  }
0x1a: {  	s8 =	sadd.s32 $0xFFFFE003, lr  }
0x1b: {  	s9 =	sadd.s32 $0xFFFFFEF7, lr;
	s5 =	simm.s32 $0xFFFFFFFF;
	p2 =	slt.u32 s8, $0xFFFFF086  }
0x1c: {  	p1 =	slt.u32 s9, $0xF7A;
	s5 =	simm.s32 @!p2 $0x0  }
0x1d: {  	s5 =	simm.s32 @p1 $0x1;
	p0 =	seq.s32 s7, s2  }
0x1e: {  	s7 =	smul.u32 @!p0 $0xF7A, s2;
	p2 =	seq.s32 @!p0 s5, $0x0  }
0x1f: {  	s9 =	smul.u32 $0xF7A, s1;
	s8 =	simm.s32 @!p0 $0x1BF5;
	p2 =	por !p2, p0  }
0x20: {  	[sflag:s8] =	ssyncset.s32 @!p0 $0xFFFFF086;
	s6 =	sadd.s32 @!p0 s3, s7;
	s7 =	simm.s32 @!p0 $0x108  }
0x21: {  	s3 =	sadd.s32 s3, s9;
	s6 =	sadd.s32 @!p0 $0x88, s6;
	s7 =	simm.s32 @p2 $0x1082  }
0x22: {  	[simem:s7], [sflag:s8] =	dma.local @!p0 [hbm:s6], $0xF7A  }
0x23: {  	s9 =	sor.u32 $0xD0000000, s2;
	s6 =	simm.s32 $0x108;
	_ =	swait.ge @!p0 [sflag:s8], $0x0  }
0x24: {  	s3 =	sadd.s32 $0x88, s3;
	s6 =	simm.s32 @!p1 $0x1082;
	[sflag:s4] =	ssyncset.s32 $0xFFFFF086  }
0x25: {  	[simem:s6], [sflag:s4] =	dma.local [hbm:s3], $0xF7A  }
0x26: {  	[smem:$0x3FA0] =	sst s1;
	(tag) =	ssettag s2;
	_ =	strace s9  }
0x27: {  	s1 =	sld [smem:$0x3FB0]  }
0x28: {  	s2 =	sld [smem:$0x3FB1]  }
0x29: {  	s4 =	sld [smem:$0x3FB3]  }
0x2a: {  	p0 =	seq.s32 s5, $0x0;
	s5 =	sld [smem:$0x3FB4]  }
0x2b: {  	s6 =	sld [smem:$0x3FB5]  }
0x2c: {  	s7 =	sld [smem:$0x3FB6]  }
0x2d: {  	s3 =	simm.s32 $0x108;
	s8 =	sld [smem:$0x3FB7]  }
0x2e: {  	s3 =	simm.s32 @!p0 $0x1082;
	s9 =	sld [smem:$0x3FB8]  }
0x2f: {  	lr =	sadd.s32 s0, s3;
	s0 =	sld [smem:$0x3FAF]  }
0x30: {  	s3 =	sld [smem:$0x3FB2]  }
0x31: {  	[smem:$0x3FBB] =	sst s10  }
0x32: {  	s10 =	sld [smem:$0x3FB9];
	_ =	sdelay $0x3  }
0x33: {  	p0 =	seq.s32 s10, $0x1;
	s10 =	sld [smem:$0x3FBB];
	_ =	sdelay $0x3  }
0x34: {  	[smem:$0x3FBB] =	sst s10  }
0x35: {  	s10 =	sld [smem:$0x3FBA];
	_ =	sdelay $0x3  }
0x36: {  	p1 =	seq.s32 s10, $0x1;
	s10 =	sld [smem:$0x3FBB];
	_ =	sdelay $0x3  }
0x37: {  	[smem:$0x3FBB] =	sst s10  }
0x38: {  	s10 =	sld [smem:$0x3FBC]  }
0x39: {  	_ = 	snop;
	(pc) =	sbr.ind lr, $3  }
0x3a: {  	_ = 	snop  }
0x3b: {  	_ = 	snop  }
0x3c: {  	p2 =	seq.s32 s10, $0x1;
	s10 =	sld [smem:$0x3FBB]  }
0x3d: {  	_ =	shalt  }
0x3e: {  	_ =	shalt  }
0x3f: {  	_ =	shalt  }
0x40: {  	_ =	shalt  }
0x41: {  	_ =	shalt  }
0x42: {  	_ =	shalt  }
0x43: {  	_ =	shalt  }
0x44: {  	_ =	shalt  }
0x45: {  	_ =	shalt  }
0x46: {  	_ =	shalt  }
0x47: {  	_ =	shalt  }
0x48: {  	_ =	shalt  }
0x49: {  	_ =	shalt  }
0x4a: {  	_ =	shalt  }
0x4b: {  	_ =	shalt  }
0x4c: {  	_ =	shalt  }
0x4d: {  	_ =	shalt  }
0x4e: {  	_ =	shalt  }
0x4f: {  	_ =	shalt  }
0x50: {  	_ =	shalt  }
0x51: {  	_ =	shalt  }
0x52: {  	_ =	shalt  }
0x53: {  	_ =	shalt  }
0x54: {  	_ =	shalt  }
0x55: {  	_ =	shalt  }
0x56: {  	_ =	shalt  }
0x57: {  	_ =	shalt  }
0x58: {  	_ =	shalt  }
0x59: {  	_ =	shalt  }
0x5a: {  	_ =	shalt  }
0x5b: {  	_ =	shalt  }
0x5c: {  	_ =	shalt  }
0x5d: {  	_ =	shalt  }
0x5e: {  	_ =	shalt  }
0x5f: {  	_ =	shalt  }
0x60: {  	_ =	shalt  }
0x61: {  	_ =	shalt  }
0x62: {  	_ =	shalt  }
0x63: {  	_ =	shalt  }
0x64: {  	_ =	shalt  }
0x65: {  	_ =	shalt  }
0x66: {  	_ =	shalt  }
0x67: {  	_ =	shalt  }
0x68: {  	_ =	shalt  }
0x69: {  	_ =	shalt  }
0x6a: {  	_ =	shalt  }
0x6b: {  	_ =	shalt  }
0x6c: {  	_ =	shalt  }
0x6d: {  	_ =	shalt  }
0x6e: {  	_ =	shalt  }
0x6f: {  	_ =	shalt  }
0x70: {  	_ =	shalt  }
0x71: {  	_ =	shalt  }
0x72: {  	_ =	shalt  }
0x73: {  	_ =	shalt  }
0x74: {  	_ =	shalt  }
0x75: {  	_ =	shalt  }
0x76: {  	_ =	shalt  }
0x77: {  	_ =	shalt  }
0x78: {  	_ =	shalt  }
0x79: {  	_ =	shalt  }
0x7a: {  	_ =	shalt  }
0x7b: {  	_ =	shalt  }
0x7c: {  	_ =	shalt  }
0x7d: {  	_ =	shalt  }
0x7e: {  	_ =	shalt  }
0x7f: {  	_ =	shalt  }
0x80: {  	_ =	shalt  }
0x81: {  	_ =	shalt  }
0x82: {  	_ =	shalt  }
0x83: {  	_ =	shalt  }
0x84: {  	_ =	shalt  }
0x85: {  	_ =	shalt  }
0x86: {  	_ =	shalt  }
0x87: {  	_ =	shalt  }
.Lfunc_end0:
.L_simem_size_0:
called_computation_lowered:
.L_overlay_start_0:
0x88: {  	s2 =	sld [smem:$0x3FD9]  }
0x89: {  	s3 =	sld [smem:$0x3FFE];
	_ =	sdelay $0x1  }
0x8a: {  	s1 =	srdreg.scid  }
0x8b: {  	s0 =	sand.u32 $0x1, s1  }
0x8c: {  	s16 =	sshll.u32 s0, $0xA;
	s2 =	sadd.s32 s3, s2  }
0x8d: {  	s2 =	sadd.s32 s2, s16  }
0x8e: {  	[smem:$0x3FC7] =	sst s2  }
0x8f: {  	_ = 	snop  }
0x90: {  	(tm) =	ssettm $0x1  }
0x91: {  	s17 =	sld [smem:$0x3FFB];
	_ =	sdelay $0x3  }
0x92: {  	_ =	strace s17  }
0x93: {  	s2 =	sld [smem:$0x3FFC];
	_ =	sdelay $0x3  }
0x94: {  	_ =	strace s2  }
0x95: {  	s2 =	sld [smem:$0x3FFD];
	_ =	sdelay $0x3  }
0x96: {  	_ =	strace s2  }
0x97: {  	_ =	strace $0x8FFFFFFF  }
0x98: {  	s18 =	sld [smem:$0x3FDB];
	_ =	sdelay $0x1  }
0x99: {  	s19 =	simm.s32 $_scs_section_size  }
0x9a: {  	s4 =	simm.s32 $_size__tile_overlayer_lowered;
	s5 =	simm.s32 $_tile_overlayer_lowered  }
0x9b: {  	s22 =	simm.s32 $0x1BFF;
	s21 =	sshll.u32 s5, $0x1;
	s2 =	sadd.s32 s19, s18  }
0x9c: {  	s6 =	simm.s32 $0x0;
	s20 =	sshll.u32 s4, $0x1;
	s4 =	sadd.s32 s21, s2  }
0x9d: {  	[timem:s6], [sflag:s22] =	dma.local [hbm:s4], s20  }
0x9e: {  	_ =	swait.ge [sflag:s22], s20  }
0x9f: {  	s3 =	ssub.s32 $0x0, s20;
	[sflag:s22] =	ssyncset.done $0x0  }
0xa0: {  	[sflag:s22] =	ssyncadd.s32 s3;
	_ =	sdelay $0x1  }
0xa1: {  	s23 =	simm.s32 $0x1B8B  }
0xa2: {  	_ =	swait.ge [sflag:s23], $0x1  }
0xa3: {  	[sflag:s23] =	ssyncset.done $0x0  }
0xa4: {  	s25 =	simm.s32 $0x1B8E;
	s24 =	sld [smem:$0x3FFE];
	[sflag:s23] =	ssyncadd.s32 $0xFFFFFFFF  }
0xa5: {  	s26 =	simm.s32 $execute0_lowered;
	[smem:$0x3FD2] =	sst s25  }
0xa6: {  	s4 =	sshll.u32 s26, $0x1;
	_ =	strace $0x80000046;
	[dreg:$0x1] =	wrdreg $0xFFFFFFFF  }
0xa7: {  	s28 =	simm.s32 $_size_execute0_lowered;
	s2 =	sadd.s32 s2, s4;
	[dreg:$0x0] =	wrdreg $0x0  }
0xa8: {  	s4 =	sshll.u32 s28, $0x1;
	[dreg:$0x2] =	wrdreg s2  }
0xa9: {  	[dreg:$0x3] =	wrdreg s4  }
0xaa: {  	[dreg:$0x4] =	wrdreg $0xC0  }
0xab: {  	_ =	task [dreg:s6], $0x5FFFF  }
0xac: {  	[dreg:$0x1] =	wrdreg $0xFFFFFFFF  }
0xad: {  	[dreg:$0x0] =	wrdreg $0x60  }
0xae: {  	[dreg:$0x2] =	wrdreg s24  }
0xaf: {  	[dreg:$0x3] =	wrdreg $0x9  }
0xb0: {  	_ =	task.clear_ibuf [dreg:s6], $0x4FFFF;
	_ =	strace $0x90000046  }
0xb1: {  	s29 =	simm.s32 $0x9;
	_ =	strace $0x80000048  }
0xb2: {  	_ =	swait.ge [sflag:s29], $0x1  }
0xb3: {  	[sflag:s29] =	ssyncadd.s32 $0xFFFFFFFF  }
0xb4: {  	_ =	strace $0x90000048  }
0xb5: {  	_ =	sfence  }
0xb6: {  	s30 =	sld [smem:$0x0];
	_ =	sdelay $0x2  }
0xb7: {  	s31 =	sshll.u32 s1, $0xD;
	s1 =	sshrl.u32 s1, $0x2  }
0xb8: {  	s3 =	sand.u32 $0x4000, s31;
	s1 =	sadd.s32 s1, s30  }
0xb9: {  	s0 =	sor.u32 s3, s0;
	s1 =	sshll.u32 s1, $0x11  }
0xba: {  	s0 =	sor.u32 s1, s0  }
0xbb: {  	s0 =	sadd.s32 $0x8F2B, s0  }
0xbc: {  	[sflag:s0] =	ssyncadd.remote.s32 $0x1  }
0xbd: {  	_ =	sfence.sel $0xFFFF  }
0xbe: {  	[dreg:$0x0] =	wrdreg $0xFFFFFFFF;
	(pc) =	sbr.abs _section_cstart, $3  }
0xbf: {  	[dreg:$0x1] =	wrdreg $0xFFFFFFFF  }
0xc0: {  	_ =	task.clear_ibuf [dreg:s6], $0x2FFFF;
	_ =	strace $0x9FFFFFFF  }
0xc1: {  	(tm) =	ssettm $0x7FFFFFFF  }
tec
execute0_lowered:
.L_overlay_start_1:
0x0: {  	(tag) =	ssettag $0x1  }
0x1: {  	s5 =	rddreg [dreg:$0x0]  }
0x2: {  	s0 =	rddreg [dreg:$0x1];
	s3 =	srdreg.scid  }
0x3: {  	s1 =	stileid.u32;
	s2 =	simm.s32 $0x0;
	s11 =	simm.s32 $0x1  }
0x4: {  	s12 =	simm.s32 $0xC000;
	s4 =	sand.u32 $0x1, s3;
	s30 =	sshll.u32 s1, $0x1  }
0x5: {  	s13 =	simm.s32 $0xD000;
	s14 =	simm.s32 $0x2;
	s6 =	sor.u32 s4, s30  }
0x6: {  	s15 =	simm.s32 $0xE000;
	s16 =	simm.s32 $0x3;
	s7 =	smul.u32 $0x18000, s6  }
0x7: {  	s17 =	simm.s32 $0x0;
	[smem:$0x7FF] =	sst s2;
	s8 =	smul.u32 $0x60, s6  }
.Ltmp0:
0x8: {  	s3 =	sadd.s32 $0xC00400, s5;
	s9 =	ssub.s32 $0x2, s4;
	(pc) =	sbr.rel .LBB2_1-.Ltmp0, $4  }
0x9: {  	_ =	strace $0x80000047;
	s10 =	sshrl.u32 s9, $0x1;
	s31 =	smul.u32 $0x30, s6  }
0xa: {  	v1 =	vlaneseq.u32;
	s9 =	ssub.s32 s9, s10;
	s10 =	simm.s32 $0x4000;
	s4 =	sadd.s32 s3, s7  }
0xb: {  	v2 =	vmul.u32 $0x401, v1;
	s8 =	sadd.s32 s8, s5;
	s6 =	sor.u32 $0x2, s31;
	s7 =	sor.u32 $0x3, s31  }
0xc: {  	v0 =	vimm.s32 $0x0;
	v3 =	vimm.s32 $0x1;
	v4 =	vimm.s32 $0xFFFFFF7F;
	s9 =	smax.u32 s9, $0x1;
	s5 =	sadd.s32 $0x800, s4;
	s8 =	sadd.s32 $0x400, s8  }
.LBB2_46:
0xd: {  	s17 =	sadd.s32 $0x1, s17  }
0xe: {  	p0 =	sne.s32 s17, s9  }
.Ltmp1:
0xf: {  	_ = 	snop;
	(pc) =	sbr.rel @!p0 .LBB2_47-.Ltmp1, $4  }
0x10: {  	[hbm4b:s8+s2] =	stream.linear.scatter [tilespmem:s15], [sflag:$0x3], $0x300, $0x38;
	[tilespmem:$0xE300] =	vst v63  }
0x11: {  	_ =	swait.ge [sflag:s16], $0x300  }
0x12: {  	[sflag:s16] =	ssyncset.done $0x0  }
0x13: {  	[sflag:s16] =	ssyncadd.s32 $0xFFFFFD00  }
.LBB2_1:
0x14: {  	s18 =	simm.s32 $0x40;
	s19 =	simm.s32 $0x0  }
.LBB2_2:
0x15: {  	p0 =	sne.s32 s18, $0x3FC0;
	[tilespmem:s19+$0xC000] =	vst v0;
	s20 =	smov.u32 s18;
	s18 =	sadd.s32 $0x40, s18  }
.Ltmp2:
0x16: {  	[tilespmem:s19+$0xD000] =	vst v0;
	(pc) =	sbr.rel @p0 .LBB2_2-.Ltmp2, $2  }
0x17: {  	_ =	sdelay $0x2  }
0x18: {  	s19 =	sshra.s32 s20, $0x2  }
0x19: {  	[tilespmem:s19+$0xC000] =	vst v0  }
0x1a: {  	[tilespmem:s19+$0xD000] =	vst v0;
	s18 =	simm.s32 $0x0  }
0x1b: {  	[tilespmem:s18], [sflag:$0x1] =	stream.linear.gather [hbm4b:s4+s18], $0x4000, $0x38;
	[tilespmem:$0xE300] =	vst v63  }
0x1c: {  	s19 =	simm.s32 $0x0  }
0x1d: {  	[tilespmem:s10], [sflag:$0x2] =	stream.linear.gather [hbm4b:s5+s18], $0x4000, $0x38;
	[tilespmem:$0xE300] =	vst v63  }
.LBB2_4:
0x1e: {  	s20 =	simm.s32 $0x3;
	v12 =	vxor.u32 s18, v2  }
0x1f: {  	s21 =	simm.s32 $0x1;
	v5 =	vxor.u32 s20, v2  }
0x20: {  	s29 =	simm.s32 $0x4;
	_ =	swait.ge [sflag:s11], $0x4000;
	v6 =	vxor.u32 s21, v2  }
0x21: {  	s31 =	simm.s32 $0x5;
	v7 =	vxor.u32 s29, v2;
	[sflag:s11] =	ssyncset.done $0x0  }
0x22: {  	s25 =	simm.s32 $0xC;
	v9 =	vxor.u32 s31, v2;
	[sflag:s11] =	ssyncadd.s32 $0xFFFFC000  }
0x23: {  	s21 =	simm.s32 $0x6;
	v22 =	vxor.u32 s25, v2;
	v12 =	vld.idx.msk [tilespmem:v12+s2+$0x0], $0xffff  }
0x24: {  	s30 =	simm.s32 $0x2;
	v10 =	vxor.u32 s21, v2;
	v5 =	vld.idx.msk [tilespmem:v5+s2+$0x0], $0xffff  }
0x25: {  	v8 =	vxor.u32 s30, v2;
	v6 =	vld.idx.msk [tilespmem:v6+s2+$0x0], $0xffff  }
0x26: {  	v7 =	vld.idx.msk [tilespmem:v7+s2+$0x0], $0xffff  }
0x27: {  	v9 =	vld.idx.msk [tilespmem:v9+s2+$0x0], $0xffff  }
0x28: {  	s22 =	simm.s32 $0x7;
	s23 =	simm.s32 $0x9;
	v22 =	vld.idx.msk [tilespmem:v22+s2+$0x0], $0xffff  }
0x29: {  	s24 =	simm.s32 $0xA;
	s26 =	simm.s32 $0xD;
	s28 =	simm.s32 $0xE;
	v11 =	vxor.u32 s22, v2;
	v19 =	vxor.u32 s23, v2;
	v10 =	vld.idx.msk [tilespmem:v10+s2+$0x0], $0xffff  }
0x2a: {  	s22 =	simm.s32 $0xB;
	v20 =	vxor.u32 s24, v2;
	v23 =	vxor.u32 s26, v2;
	s29 =	simm.s32 $0xF;
	v24 =	vxor.u32 s28, v2;
	v8 =	vld.idx.msk [tilespmem:v8+s2+$0x0], $0xffff  }
0x2b: {  	v21 =	vxor.u32 s22, v2;
	v25 =	vxor.u32 s29, v2;
	v61 =	vshra.s32 v12, $0x1F  }
0x2c: {  	v13 =	vshra.s32 v5, $0x1F;
	v14 =	vshra.s32 v6, $0x1F;
	v15 =	vshra.s32 v7, $0x1F  }
0x2d: {  	v16 =	vshra.s32 v9, $0x1F;
	v63 =	vshra.s32 v22, $0x1F;
	v13 =	vor.u32 $0x80000000, v13  }
0x2e: {  	v11 =	vld.idx.msk [tilespmem:v11+s2+$0x0], $0xffff;
	v14 =	vor.u32 $0x80000000, v14;
	v15 =	vor.u32 $0x80000000, v15;
	v17 =	vshra.s32 v10, $0x1F  }
0x2f: {  	v5 =	vxor.u32 v5, v13;
	v13 =	vshra.s32 v8, $0x1F;
	v7 =	vxor.u32 v7, v15  }
0x30: {  	s30 =	simm.s32 $0x8040;
	s31 =	simm.s32 $0x8;
	v6 =	vxor.u32 v6, v14;
	v14 =	vshrl.u32 v5, $0x14;
	v15 =	vshrl.u32 v7, $0x14  }
0x31: {  	v13 =	vor.u32 $0x80000000, v13;
	v18 =	vshrl.u32 v6, $0x14;
	[tilespmem:s30+$0xFFFFFFD0] =	vst v6;
	v6 =	vxor.u32 s31, v2  }
0x32: {  	v14 =	vand.u32 $0xFF0, v14;
	v15 =	vand.u32 $0xFF0, v15;
	v18 =	vand.u32 $0xFF0, v18  }
0x33: {  	v8 =	vxor.u32 v8, v13;
	v13 =	vor.u32 $0x80000000, v17;
	v17 =	vshra.s32 v11, $0x1F  }
0x34: {  	v26 =	vshrl.u32 v8, $0x14;
	v17 =	vor.u32 $0x80000000, v17;
	v10 =	vxor.u32 v10, v13  }
0x35: {  	[tilespmem:s30+$0xFFFFFFF0] =	vst v5;
	v5 =	vld.idx.msk [tilespmem:v23+s2+$0x0], $0xffff;
	v23 =	vor.u32 v1, v18;
	v13 =	vand.u32 $0xFF0, v26;
	v26 =	vor.u32 $0x80000000, v61  }
0x36: {  	v28 =	vld.idx.msk [tilespmem:v19+s2+$0x0], $0xffff;
	[tilespmem:s30+$0xFFFFFFE0] =	vst v8;
	v17 =	vxor.u32 v11, v17;
	v11 =	vshrl.u32 v10, $0x14;
	v26 =	vxor.u32 v12, v26  }
0x37: {  	v21 =	vld.idx.msk [tilespmem:v21+s2+$0x0], $0xffff;
	[tilespmem:s30+$0x20] =	vst v10;
	v10 =	vor.u32 $0x80000000, v16;
	v8 =	vand.u32 $0xFF0, v11;
	v12 =	vshrl.u32 v26, $0x14  }
0x38: {  	v11 =	vor.u32 v1, v15;
	v15 =	vxor.u32 v9, v10;
	v9 =	vand.u32 $0xFF0, v12  }
0x39: {  	[tilespmem:s30+$0x0] =	vst v7;
	v7 =	vld.idx.msk [tilespmem:v20+s2+$0x0], $0xffff;
	v19 =	vor.u32 v1, v14;
	v14 =	vor.u32 $0x80000000, v63;
	v20 =	vor.u32 v1, v9  }
0x3a: {  	v14 =	vxor.u32 v22, v14;
	v27 =	vshrl.u32 v17, $0x14;
	v62 =	vor.u32 v1, v13  }
0x3b: {  	[tilespmem:s30+$0x30] =	vst v17;
	v17 =	vshra.s32 v28, $0x1F;
	v27 =	vand.u32 $0xFF0, v27;
	v10 =	vshrl.u32 v15, $0x14;
	v13 =	vld.idx.msk [tilespmem:v6+s2+$0x0], $0xffff  }
0x3c: {  	[tilespmem:s30+$0xFFFFFFC0] =	vst v26;
	v12 =	vor.u32 v1, v8;
	v8 =	vshra.s32 v21, $0x1F;
	v18 =	vand.u32 $0xFF0, v10;
	v10 =	vld.idx.msk [tilespmem:v24+s2+$0x0], $0xffff  }
0x3d: {  	v6 =	vor.u32 $0x80000000, v17;
	[tilespmem:s30+$0x10] =	vst v15;
	v15 =	vshrl.u32 v14, $0x14;
	v8 =	vor.u32 $0x80000000, v8;
	v9 =	vld.idx.msk [tilespmem:v25+s2+$0x0], $0xffff  }
0x3e: {  	v17 =	vshra.s32 v5, $0x1F;
	v16 =	vor.u32 v1, v27;
	v8 =	vxor.u32 v21, v8;
	[tilespmem:v20+s12+$0x0] =	vst.idx.add.s32.msk $0xffff, v3  }
0x3f: {  	v20 =	vor.u32 v1, v18;
	v18 =	vxor.u32 v28, v6;
	v6 =	vshrl.u32 v8, $0x14;
	[tilespmem:v23+s12+$0x0] =	vst.idx.add.s32.msk $0xffff, v3  }
0x40: {  	s20 =	simm.s32 $0x80C0;
	s22 =	simm.s32 $0x10;
	v15 =	vand.u32 $0xFF0, v15;
	v21 =	vshra.s32 v7, $0x1F;
	v6 =	vand.u32 $0xFF0, v6;
	[tilespmem:v62+s12+$0x0] =	vst.idx.add.s32.msk $0xffff, v3  }
.LBB2_5:
0x41: {  	s21 =	sadd.s32 $0x1, s22  }
0x42: {  	s23 =	sadd.s32 $0x2, s22;
	s24 =	sadd.s32 $0x3, s22;
	v21 =	vor.u32 $0x80000000, v21;
	v22 =	vshra.s32 v10, $0x1F;
	v23 =	vshrl.u32 v18, $0x14;
	[tilespmem:v19+s12+$0x0] =	vst.idx.add.s32.msk $0xffff, v3;
	s25 =	smov.u32 s22  }
0x43: {  	v19 =	vxor.u32 s21, v2;
	v24 =	vxor.u32 s23, v2;
	v25 =	vxor.u32 s24, v2;
	s23 =	sadd.s32 $0x4, s25;
	s24 =	sadd.s32 $0x5, s25;
	s21 =	sadd.s32 $0x8, s22;
	[tilespmem:v11+s12+$0x0] =	vst.idx.add.s32.msk $0xffff, v3  }
0x44: {  	p0 =	slt.u32 s22, $0x3F8;
	v23 =	vand.u32 $0xFF0, v23;
	v11 =	vxor.u32 s23, v2;
	v26 =	vxor.u32 s24, v2;
	s23 =	sadd.s32 $0x6, s25;
	s24 =	sadd.s32 $0x7, s25;
	[tilespmem:v20+s12+$0x0] =	vst.idx.add.s32.msk $0xffff, v3  }
0x45: {  	v7 =	vxor.u32 v7, v21;
	v20 =	vxor.u32 s23, v2;
	v27 =	vxor.u32 s24, v2;
	[tilespmem:v12+s12+$0x0] =	vst.idx.add.s32.msk $0xffff, v3  }
0x46: {  	v21 =	vshra.s32 v9, $0x1F;
	v12 =	vor.u32 $0x80000000, v22;
	v22 =	vshrl.u32 v7, $0x14;
	[tilespmem:v16+s12+$0x0] =	vst.idx.add.s32.msk $0xffff, v3  }
0x47: {  	v16 =	vor.u32 $0x80000000, v21;
	v10 =	vxor.u32 v10, v12;
	v21 =	vand.u32 $0xFF0, v22;
	[tilespmem:s20+$0xFFFFFFE0] =	vst v7  }
0x48: {  	v7 =	vshra.s32 v13, $0x1F;
	v9 =	vxor.u32 v9, v16;
	v12 =	vshrl.u32 v10, $0x14;
	v22 =	vld.idx.msk [tilespmem:v25+s2+$0x0], $0xffff;
	[tilespmem:s20+$0x20] =	vst v10  }
0x49: {  	v7 =	vor.u32 $0x80000000, v7;
	v10 =	vshrl.u32 v9, $0x14;
	v12 =	vand.u32 $0xFF0, v12;
	v25 =	vld.idx.msk [tilespmem:v11+s2+$0x0], $0xffff;
	[tilespmem:s20+$0xFFFFFFD0] =	vst v18  }
0x4a: {  	v13 =	vxor.u32 v13, v7;
	v18 =	vld.idx.msk [tilespmem:v19+s2+$0x0], $0xffff;
	[tilespmem:s20+$0x0] =	vst v14;
	v14 =	vand.u32 $0xFF0, v10  }
0x4b: {  	v11 =	vor.u32 v1, v15;
	v10 =	vor.u32 $0x80000000, v17;
	v16 =	vshrl.u32 v13, $0x14;
	v7 =	vld.idx.msk [tilespmem:v24+s2+$0x0], $0xffff;
	[tilespmem:s20+$0xFFFFFFF0] =	vst v8  }
0x4c: {  	v8 =	vxor.u32 s25, v2;
	v15 =	vxor.u32 v5, v10;
	v5 =	vand.u32 $0xFF0, v16  }
0x4d: {  	v12 =	vor.u32 v1, v12;
	v10 =	vshrl.u32 v15, $0x14;
	v17 =	vor.u32 v1, v5  }
0x4e: {  	v23 =	vor.u32 v1, v23;
	v16 =	vshra.s32 v22, $0x1F;
	v24 =	vand.u32 $0xFF0, v10;
	v5 =	vld.idx.msk [tilespmem:v26+s2+$0x0], $0xffff  }
0x4f: {  	v26 =	vor.u32 v1, v21;
	v10 =	vld.idx.msk [tilespmem:v20+s2+$0x0], $0xffff;
	v20 =	vor.u32 $0x80000000, v16;
	[tilespmem:s20+$0x30] =	vst v9;
	v16 =	vor.u32 v1, v14  }
.Ltmp3:
0x50: {  	v19 =	vor.u32 v1, v6;
	v21 =	vshra.s32 v25, $0x1F;
	v14 =	vshra.s32 v18, $0x1F;
	v9 =	vld.idx.msk [tilespmem:v27+s2+$0x0], $0xffff;
	[tilespmem:s20+$0xFFFFFFC0] =	vst v13;
	(pc) =	sbr.rel @p0 .LBB2_5-.Ltmp3, $4  }
0x51: {  	v6 =	vor.u32 $0x80000000, v14;
	v14 =	vor.u32 $0x80000000, v21;
	v13 =	vld.idx.msk [tilespmem:v8+s2+$0x0], $0xffff;
	v8 =	vxor.u32 v22, v20;
	[tilespmem:s20+$0x10] =	vst v15  }
0x52: {  	v21 =	vshra.s32 v7, $0x1F;
	v14 =	vxor.u32 v25, v14;
	v20 =	vor.u32 v1, v24;
	[tilespmem:v17+s12+$0x0] =	vst.idx.add.s32.msk $0xffff, v3  }
0x53: {  	v18 =	vxor.u32 v18, v6;
	v6 =	vshrl.u32 v8, $0x14;
	v15 =	vshrl.u32 v14, $0x14;
	[tilespmem:v23+s12+$0x0] =	vst.idx.add.s32.msk $0xffff, v3  }
0x54: {  	s22 =	smov.u32 s21;
	s20 =	sadd.s32 $0x80, s20;
	v17 =	vshra.s32 v5, $0x1F;
	v6 =	vand.u32 $0xFF0, v6;
	v15 =	vand.u32 $0xFF0, v15;
	[tilespmem:v26+s12+$0x0] =	vst.idx.add.s32.msk $0xffff, v3  }
0x55: {  	_ =	sdelay $0x3  }
0x56: {  	[tilespmem:v19+s12+$0x0] =	vst.idx.add.s32.msk $0xffff, v3  }
0x57: {  	[tilespmem:v11+s12+$0x0] =	vst.idx.add.s32.msk $0xffff, v3  }
0x58: {  	[tilespmem:v20+s12+$0x0] =	vst.idx.add.s32.msk $0xffff, v3  }
0x59: {  	v60 =	vshra.s32 v10, $0x1F;
	v11 =	vor.u32 $0x80000000, v21;
	[tilespmem:v12+s12+$0x0] =	vst.idx.add.s32.msk $0xffff, v3;
	v12 =	vshra.s32 v13, $0x1F  }
0x5a: {  	[tilespmem:s20+$0xFFFFFFD0] =	vst v18;
	v7 =	vxor.u32 v7, v11;
	v11 =	vor.u32 $0x80000000, v60;
	v12 =	vor.u32 $0x80000000, v12  }
0x5b: {  	[tilespmem:s20+$0x0] =	vst v14;
	v14 =	vor.u32 $0x80000000, v17;
	v10 =	vxor.u32 v10, v11;
	v11 =	vxor.u32 v13, v12  }
0x5c: {  	[tilespmem:s20+$0xFFFFFFF0] =	vst v8;
	v5 =	vxor.u32 v5, v14;
	v13 =	vshrl.u32 v11, $0x14  }
0x5d: {  	v61 =	vshrl.u32 v18, $0x14;
	v62 =	vshra.s32 v9, $0x1F;
	[tilespmem:s20+$0x10] =	vst v5;
	v13 =	vand.u32 $0xFF0, v13  }
0x5e: {  	[tilespmem:s20+$0xFFFFFFE0] =	vst v7;
	v7 =	vshrl.u32 v7, $0x14;
	v12 =	vand.u32 $0xFF0, v61;
	v13 =	vor.u32 v1, v13  }
0x5f: {  	[tilespmem:v16+s12+$0x0] =	vst.idx.add.s32.msk $0xffff, v3;
	v16 =	vor.u32 $0x80000000, v62;
	v7 =	vand.u32 $0xFF0, v7;
	v8 =	vor.u32 v1, v12  }
0x60: {  	[tilespmem:s20+$0x20] =	vst v10;
	v9 =	vxor.u32 v9, v16;
	v7 =	vor.u32 v1, v7  }
0x61: {  	v6 =	vor.u32 v1, v6;
	[tilespmem:s20+$0x30] =	vst v9;
	v12 =	vshrl.u32 v5, $0x14  }
0x62: {  	v10 =	vshrl.u32 v10, $0x14;
	[tilespmem:s20+$0xFFFFFFC0] =	vst v11;
	v11 =	vor.u32 v1, v15;
	v12 =	vand.u32 $0xFF0, v12  }
0x63: {  	v5 =	vshrl.u32 v9, $0x14;
	v9 =	vand.u32 $0xFF0, v10;
	v10 =	vor.u32 v1, v12;
	[tilespmem:v13+s12+$0x0] =	vst.idx.add.s32.msk $0xffff, v3  }
0x64: {  	v5 =	vand.u32 $0xFF0, v5;
	v9 =	vor.u32 v1, v9;
	[tilespmem:v8+s12+$0x0] =	vst.idx.add.s32.msk $0xffff, v3  }
0x65: {  	v5 =	vor.u32 v1, v5;
	[tilespmem:v7+s12+$0x0] =	vst.idx.add.s32.msk $0xffff, v3  }
0x66: {  	[tilespmem:v6+s12+$0x0] =	vst.idx.add.s32.msk $0xffff, v3  }
0x67: {  	[tilespmem:v11+s12+$0x0] =	vst.idx.add.s32.msk $0xffff, v3  }
0x68: {  	[tilespmem:v10+s12+$0x0] =	vst.idx.add.s32.msk $0xffff, v3  }
0x69: {  	[tilespmem:v9+s12+$0x0] =	vst.idx.add.s32.msk $0xffff, v3  }
0x6a: {  	s21 =	simm.s32 $0xCFF0;
	[tilespmem:v5+s12+$0x0] =	vst.idx.add.s32.msk $0xffff, v3  }
0x6b: {  	v7 =	vld [tilespmem:s21+$0x0]  }
0x6c: {  	v8 =	vld [tilespmem:s21+$0xFFFFFFF0]  }
0x6d: {  	v9 =	vld [tilespmem:s21+$0xFFFFFFE0]  }
0x6e: {  	v10 =	vld [tilespmem:s21+$0xFFFFFFD0]  }
0x6f: {  	v5 =	vimm.s32 $0x0;
	v13 =	vld [tilespmem:s21+$0xFFFFFFC0]  }
0x70: {  	s29 =	simm.s32 $0xFF;
	vm0 =	vlt.s32 v5, $0xCD;
	v14 =	vadd.s32 v5, v7  }
0x71: {  	s22 =	simm.s32 $0xFE;
	v7 =	vsel vm0, s29, v5;
	vm1 =	vlt.s32 v14, $0xCD;
	v63 =	vadd.s32 v8, v14  }
0x72: {  	s30 =	simm.s32 $0xFD;
	p0 =	por $0x1, $0x1;
	v15 =	vld [tilespmem:s21+$0xFFFFFFB0];
	v7 =	vsel vm1, s22, v7;
	vm3 =	vlt.s32 v63, $0xCD;
	v12 =	vadd.s32 v9, v63  }
.Ltmp4:
0x73: {  	s31 =	simm.s32 $0xFC;
	v8 =	vsel vm3, s30, v7;
	vm2 =	vlt.s32 v12, $0xCD;
	v11 =	vadd.s32 v10, v12;
	v7 =	vld [tilespmem:s21+$0xFFFFFFA0];
	(pc) =	sbr.rel @!p0 .LBB2_8-.Ltmp4, $4  }
0x74: {  	v10 =	vsel vm2, s31, v8;
	v8 =	vadd.s32 v13, v11;
	v13 =	vld [tilespmem:s21+$0xFFFFFF90]  }
0x75: {  	v6 =	vsel vm0, v5, v5  }
0x76: {  	v9 =	vsel vm1, v14, v6  }
0x77: {  	s20 =	simm.s32 $0xF0;
	s22 =	simm.s32 $0xF8;
	v14 =	vsel vm3, v63, v9;
	vm1 =	vlt.s32 v11, $0xCD;
	s21 =	simm.s32 $0xCF70;
	v9 =	vadd.s32 v15, v8  }
.LBB2_7:
0x78: {  	v15 =	vld [tilespmem:s21+$0x0];
	p0 =	sne.s32 s20, $0x0;
	v12 =	vsel vm2, v12, v14;
	vm2 =	vlt.s32 v8, $0xCD;
	v7 =	vadd.s32 v7, v9;
	s23 =	smov.u32 s20;
	s20 =	sadd.s32 $0xFFFFFFF8, s20  }
0x79: {  	s24 =	sadd.s32 $0x3, s22;
	vm3 =	vlt.s32 v9, $0xCD;
	v14 =	vld [tilespmem:s21+$0xFFFFFFF0];
	v11 =	vsel vm1, v11, v12;
	v12 =	vadd.s32 v13, v7  }
0x7a: {  	s25 =	sadd.s32 $0x2, s22;
	v10 =	vsel vm1, s24, v10;
	v16 =	vld [tilespmem:s21+$0xFFFFFFE0];
	vm4 =	vlt.s32 v12, $0xCD;
	v8 =	vsel vm2, v8, v11  }
0x7b: {  	s24 =	sadd.s32 $0x1, s22;
	vm1 =	vlt.s32 v7, $0xCD;
	v10 =	vsel vm2, s25, v10;
	v11 =	vld [tilespmem:s21+$0xFFFFFFD0];
	v8 =	vsel vm3, v9, v8  }
0x7c: {  	v10 =	vsel vm3, s24, v10;
	v9 =	vld [tilespmem:s21+$0xFFFFFFC0];
	v7 =	vsel vm1, v7, v8  }
0x7d: {  	s24 =	sadd.s32 $0x7, s23;
	v10 =	vsel vm1, s22, v10;
	s22 =	smov.u32 s23;
	v17 =	vld [tilespmem:s21+$0xFFFFFFB0];
	v8 =	vsel vm4, v12, v7;
	v15 =	vadd.s32 v12, v15  }
.Ltmp5:
0x7e: {  	s23 =	sadd.s32 $0x6, s22;
	v10 =	vsel vm4, s24, v10;
	v7 =	vld [tilespmem:s21+$0xFFFFFFA0];
	vm1 =	vlt.s32 v15, $0xCD;
	v14 =	vadd.s32 v14, v15;
	(pc) =	sbr.rel @p0 .LBB2_7-.Ltmp5, $4  }
0x7f: {  	s24 =	sadd.s32 $0x5, s22;
	v13 =	vld [tilespmem:s21+$0xFFFFFF90];
	v10 =	vsel vm1, s23, v10;
	vm3 =	vlt.s32 v14, $0xCD;
	v12 =	vadd.s32 v16, v14  }
0x80: {  	s23 =	sadd.s32 $0x4, s22;
	v10 =	vsel vm3, s24, v10;
	vm2 =	vlt.s32 v12, $0xCD;
	v11 =	vadd.s32 v11, v12  }
0x81: {  	v15 =	vsel vm1, v15, v8;
	v10 =	vsel vm2, s23, v10;
	v8 =	vadd.s32 v9, v11  }
0x82: {  	s21 =	sadd.s32 $0xFFFFFF80, s21;
	v14 =	vsel vm3, v14, v15;
	vm1 =	vlt.s32 v11, $0xCD;
	v9 =	vadd.s32 v17, v8  }
.LBB2_8:
0x83: {  	s20 =	simm.s32 $0xC040  }
0x84: {  	v13 =	vld [tilespmem:s20+$0xFFFFFFC0]  }
0x85: {  	v15 =	vld [tilespmem:s20+$0xFFFFFFD0]  }
0x86: {  	v12 =	vsel vm2, v12, v14;
	vm2 =	vlt.s32 v8, $0xCD;
	s21 =	sadd.s32 $0x3, s22;
	vm3 =	vlt.s32 v9, $0xCD  }
0x87: {  	s23 =	sadd.s32 $0x2, s22;
	v7 =	vadd.s32 v7, v9;
	v16 =	vld [tilespmem:s20+$0xFFFFFFE0];
	v11 =	vsel vm1, v11, v12;
	v10 =	vsel vm1, s21, v10  }
0x88: {  	s28 =	sadd.s32 $0x1, s22;
	v17 =	vld [tilespmem:s20+$0xFFFFFFF0];
	vm1 =	vlt.s32 v7, $0xCD;
	v8 =	vsel vm2, v8, v11;
	v10 =	vsel vm2, s23, v10  }
0x89: {  	s29 =	simm.s32 $0x0;
	v12 =	vld [tilespmem:s20+$0x0];
	v8 =	vsel vm3, v9, v8;
	v9 =	vsel vm3, s28, v10;
	v10 =	vadd.s32 v5, v13  }
0x8a: {  	s24 =	simm.s32 $0x1;
	v11 =	vld [tilespmem:s20+$0x10];
	v5 =	vsel vm0, s29, v5;
	vm0 =	vlt.s32 v10, $0xCD;
	v14 =	vadd.s32 v15, v10  }
0x8b: {  	s30 =	simm.s32 $0x2;
	[tilespmem:s20+$0xFFFFFFC0] =	vst v0;
	v7 =	vsel vm1, v7, v8;
	v5 =	vsel vm0, s24, v5;
	vm2 =	vlt.s32 v14, $0xCD  }
0x8c: {  	[tilespmem:s20+$0xFFFFFFD0] =	vst v0;
	v13 =	vld [tilespmem:s20+$0x20];
	v16 =	vadd.s32 v16, v14;
	v6 =	vsel vm0, v10, v6;
	v19 =	vsel vm2, s30, v5  }
0x8d: {  	s31 =	simm.s32 $0x3;
	[tilespmem:s20+$0xFFFFFFE0] =	vst v0;
	s21 =	simm.s32 $0xC0C0;
	v8 =	vld [tilespmem:s20+$0x30];
	vm3 =	vlt.s32 v16, $0xCD;
	v5 =	vsel vm1, s22, v9;
	v9 =	vadd.s32 v17, v16  }
0x8e: {  	[tilespmem:s20+$0x0] =	vst v0;
	v15 =	vld [tilespmem:s21+$0xFFFFFFC0];
	v6 =	vsel vm2, v14, v6;
	v17 =	vsel vm3, s31, v19;
	v12 =	vadd.s32 v12, v9  }
0x8f: {  	[tilespmem:s20+$0x10] =	vst v0;
	v18 =	vld [tilespmem:s21+$0xFFFFFFD0];
	s24 =	simm.s32 $0x4;
	vm0 =	vlt.s32 v9, $0xCD;
	v6 =	vsel vm3, v16, v6;
	v20 =	vadd.s32 v11, v12  }
0x90: {  	s25 =	simm.s32 $0x5;
	[tilespmem:s21+$0xFFFFFFD0] =	vst v0;
	v10 =	vsel vm0, s24, v17;
	vm1 =	vlt.s32 v12, $0xCD;
	v9 =	vsel vm0, v9, v6  }
0x91: {  	s26 =	simm.s32 $0x6;
	[tilespmem:s20+$0x20] =	vst v0;
	v19 =	vld [tilespmem:s21+$0xFFFFFFE0];
	v21 =	vadd.s32 v13, v20;
	vm4 =	vlt.s32 v20, $0xCD;
	v10 =	vsel vm1, s25, v10  }
0x92: {  	s28 =	simm.s32 $0x7;
	[tilespmem:s20+$0x30] =	vst v0;
	v17 =	vld [tilespmem:s21+$0xFFFFFFF0];
	v8 =	vadd.s32 v8, v21;
	vm3 =	vlt.s32 v21, $0xCD;
	v11 =	vsel vm4, s26, v10  }
0x93: {  	s29 =	simm.s32 $0x8;
	[tilespmem:s21+$0xFFFFFFC0] =	vst v0;
	v22 =	vld [tilespmem:s21+$0x0];
	vm5 =	vlt.s32 v8, $0xCD;
	v10 =	vadd.s32 v8, v15;
	v11 =	vsel vm3, s28, v11  }
0x94: {  	[tilespmem:s21+$0x0] =	vst v0;
	s30 =	simm.s32 $0x9;
	v14 =	vsel vm5, s29, v11;
	vm2 =	vlt.s32 v10, $0xCD;
	v11 =	vadd.s32 v18, v10  }
0x95: {  	[tilespmem:s21+$0xFFFFFFE0] =	vst v0;
	s31 =	simm.s32 $0xA;
	v6 =	vld [tilespmem:s21+$0x10];
	v9 =	vsel vm1, v12, v9;
	v15 =	vsel vm2, s30, v14;
	vm0 =	vlt.s32 v11, $0xCD  }
0x96: {  	[tilespmem:s21+$0x10] =	vst v0;
	v13 =	vld [tilespmem:s21+$0x20];
	v12 =	vadd.s32 v19, v11;
	v16 =	vsel vm0, s31, v15;
	v15 =	vsel vm4, v20, v9  }
0x97: {  	s23 =	simm.s32 $0xC;
	[tilespmem:s21+$0x20] =	vst v0;
	s25 =	simm.s32 $0xB;
	v14 =	vld [tilespmem:s21+$0x30];
	vm1 =	vlt.s32 v12, $0xCD;
	v9 =	vadd.s32 v17, v12;
	v15 =	vsel vm3, v21, v15  }
0x98: {  	s22 =	simm.s32 $0xF;
	s24 =	simm.s32 $0x17;
	[tilespmem:s21+$0x30] =	vst v0;
	v16 =	vsel vm1, s25, v16;
	s25 =	simm.s32 $0xC140;
	v15 =	vsel vm5, v8, v15;
	v8 =	vadd.s32 v22, v9  }
.LBB2_9:
0x99: {  	s26 =	sadd.s32 $0xFFFFFFFD, s24;
	p0 =	sne.s32 s24, $0xFF;
	s28 =	smov.u32 s24  }
0x9a: {  	v17 =	vld [tilespmem:s25+$0xFFFFFFC0];
	v10 =	vsel vm2, v10, v15;
	vm2 =	vlt.s32 v9, $0xCD;
	v15 =	vadd.s32 v6, v8;
	[tilespmem:s20+$0xFFFFFFF0] =	vst v0;
	s24 =	sadd.s32 $0x8, s24;
	s20 =	smov.u32 s21;
	s21 =	smov.u32 s25  }
0x9b: {  	v18 =	vld [tilespmem:s25+$0xFFFFFFD0];
	[tilespmem:s25+$0xFFFFFFC0] =	vst v0;
	v6 =	vsel vm0, v11, v10;
	v10 =	vsel vm2, s23, v16;
	v16 =	vadd.s32 v13, v15;
	s23 =	smov.u32 s26  }
0x9c: {  	vm5 =	vlt.s32 v8, $0xCD;
	s26 =	sadd.s32 $0xFFFFFFFE, s22;
	vm3 =	vlt.s32 v15, $0xCD;
	v19 =	vld [tilespmem:s25+$0xFFFFFFE0];
	[tilespmem:s25+$0xFFFFFFD0] =	vst v0;
	v20 =	vadd.s32 v14, v16  }
0x9d: {  	s29 =	sadd.s32 $0xFFFFFFFF, s22;
	v6 =	vsel vm1, v12, v6;
	v10 =	vsel vm5, s26, v10;
	vm4 =	vlt.s32 v16, $0xCD;
	v21 =	vld [tilespmem:s25+$0xFFFFFFF0];
	[tilespmem:s25+$0xFFFFFFE0] =	vst v0  }
0x9e: {  	v9 =	vsel vm2, v9, v6;
	v11 =	vsel vm3, s29, v10;
	v22 =	vld [tilespmem:s25+$0x0]  }
0x9f: {  	s26 =	sadd.s32 $0xFFFFFFF9, s28;
	vm6 =	vlt.s32 v20, $0xCD;
	v11 =	vsel vm4, s22, v11;
	s22 =	smov.u32 s28;
	v6 =	vld [tilespmem:s25+$0x10];
	[tilespmem:s25+$0x0] =	vst v0;
	v10 =	vadd.s32 v20, v17  }
.Ltmp6:
0xa0: {  	s28 =	sadd.s32 $0xFFFFFFFA, s22;
	v12 =	vsel vm6, s26, v11;
	v13 =	vld [tilespmem:s25+$0x20];
	[tilespmem:s25+$0x10] =	vst v0;
	vm2 =	vlt.s32 v10, $0xCD;
	v11 =	vadd.s32 v18, v10;
	(pc) =	sbr.rel @p0 .LBB2_9-.Ltmp6, $4  }
0xa1: {  	v8 =	vsel vm5, v8, v9;
	s26 =	sadd.s32 $0xFFFFFFFB, s22;
	v14 =	vld [tilespmem:s25+$0x30];
	[tilespmem:s25+$0x20] =	vst v0;
	v12 =	vsel vm2, s28, v12;
	vm0 =	vlt.s32 v11, $0xCD  }
0xa2: {  	v8 =	vsel vm3, v15, v8;
	[tilespmem:s25+$0x30] =	vst v0;
	v17 =	vsel vm0, s26, v12;
	v12 =	vadd.s32 v19, v11  }
0xa3: {  	v8 =	vsel vm4, v16, v8;
	s26 =	sadd.s32 $0xFFFFFFFC, s22;
	vm1 =	vlt.s32 v12, $0xCD;
	v9 =	vadd.s32 v21, v12  }
0xa4: {  	v15 =	vsel vm6, v20, v8;
	s25 =	sadd.s32 $0x80, s25;
	v16 =	vsel vm1, s26, v17;
	v8 =	vadd.s32 v22, v9  }
0xa5: {  	[tilespmem:s20+$0xFFFFFFF0] =	vst v0  }
0xa6: {  	s29 =	simm.s32 $0x8040;
	[tilespmem:s21+$0xFFFFFFF0] =	vst v0  }
0xa7: {  	vm4 =	vlt.s32 v9, $0xCD;
	v14 =	vld [tilespmem:s29+$0xFFFFFFC0]  }
0xa8: {  	v17 =	vadd.s32 v6, v8;
	s30 =	sadd.s32 $0xFFFFFFFE, s22;
	vm6 =	vlt.s32 v8, $0xCD;
	v6 =	vsel vm4, s23, v16  }
0xa9: {  	s31 =	sadd.s32 $0xFFFFFFFF, s22;
	v13 =	vadd.s32 v13, v17;
	vm3 =	vlt.s32 v17, $0xCD;
	v6 =	vsel vm6, s30, v6  }
0xaa: {  	vm5 =	vlt.s32 v13, $0xCD;
	v6 =	vsel vm3, s31, v6  }
0xab: {  	v10 =	vsel vm2, v10, v15;
	v18 =	vld [tilespmem:s29+$0xFFFFFFD0];
	v16 =	vsel vm5, s22, v6  }
0xac: {  	v6 =	vshll.u32 v5, $0x18;
	v19 =	vand.u32 $0xFF000000, v14;
	v14 =	vshrl.u32 v14, $0xC  }
0xad: {  	v5 =	vshll.u32 v16, $0x18;
	v16 =	vld [tilespmem:s29+$0xFFFFFFE0];
	v14 =	vand.u32 $0xFF0, v14;
	vm7 =	veq.s32 v19, v6  }
0xae: {  	v10 =	vsel vm0, v11, v10;
	v15 =	vld [tilespmem:s29+$0x30];
	vm2 =	veq.s32 v19, v5;
	v14 =	vor.u32 v1, v14  }
0xaf: {  	v11 =	vld [tilespmem:s29+$0xFFFFFFF0];
	v10 =	vsel vm1, v12, v10  }
0xb0: {  	v20 =	vld [tilespmem:s29+$0x0];
	v9 =	vsel vm4, v9, v10;
	v12 =	vand.u32 $0xFF000000, v18;
	v18 =	vshrl.u32 v18, $0xC  }
0xb1: {  	v19 =	vld [tilespmem:s29+$0x20];
	v18 =	vand.u32 $0xFF0, v18;
	vm0 =	veq.s32 v12, v6;
	vm1 =	veq.s32 v12, v5  }
0xb2: {  	v12 =	vld [tilespmem:s29+$0x10];
	v18 =	vor.u32 v1, v18;
	v21 =	vand.u32 $0xFF000000, v16;
	v16 =	vshrl.u32 v16, $0xC  }
0xb3: {  	vm8 =	veq.s32 v21, v5;
	v16 =	vand.u32 $0xFF0, v16;
	[tilespmem:v14+s12+$0x0] =	vst.idx.add.s32.msk vm7, v3;
	vm7 =	veq.s32 v21, v6  }
0xb4: {  	s20 =	simm.s32 $0x80C0;
	v16 =	vor.u32 v1, v16;
	[tilespmem:v14+s13+$0x0] =	vst.idx.add.s32.msk vm2, v3;
	v14 =	vand.u32 $0xFF000000, v11;
	v11 =	vshrl.u32 v11, $0xC  }
0xb5: {  	v63 =	vld [tilespmem:s20+$0xFFFFFFC0];
	v8 =	vsel vm6, v8, v9;
	vm2 =	veq.s32 v14, v6;
	v11 =	vand.u32 $0xFF0, v11  }
0xb6: {  	v10 =	vld [tilespmem:s20+$0xFFFFFFD0];
	v8 =	vsel vm3, v17, v8;
	vm4 =	veq.s32 v14, v5;
	v11 =	vor.u32 v1, v11  }
0xb7: {  	v9 =	vsel vm5, v13, v8;
	v13 =	vand.u32 $0xFF000000, v20;
	[tilespmem:v18+s12+$0x0] =	vst.idx.add.s32.msk vm0, v3  }
0xb8: {  	v8 =	vand.u32 $0xFF000000, v15;
	v14 =	vshrl.u32 v20, $0xC;
	vm0 =	veq.s32 v13, v5;
	[tilespmem:v18+s13+$0x0] =	vst.idx.add.s32.msk vm1, v3  }
0xb9: {  	v14 =	vand.u32 $0xFF0, v14;
	vm1 =	veq.s32 v13, v6;
	v13 =	vshrl.u32 v12, $0xC;
	[tilespmem:v16+s12+$0x0] =	vst.idx.add.s32.msk vm7, v3  }
0xba: {  	v12 =	vand.u32 $0xFF000000, v12;
	v18 =	vshrl.u32 v63, $0xC;
	v17 =	vor.u32 v1, v14;
	[tilespmem:v16+s13+$0x0] =	vst.idx.add.s32.msk vm8, v3  }
0xbb: {  	v13 =	vand.u32 $0xFF0, v13;
	vm5 =	veq.s32 v12, v6;
	vm6 =	veq.s32 v12, v5;
	[tilespmem:v11+s12+$0x0] =	vst.idx.add.s32.msk vm2, v3  }
0xbc: {  	v22 =	vor.u32 v1, v13;
	[tilespmem:v11+s13+$0x0] =	vst.idx.add.s32.msk vm4, v3;
	v11 =	vand.u32 $0xFF000000, v10;
	v10 =	vshrl.u32 v10, $0xC  }
0xbd: {  	v23 =	vld [tilespmem:s20+$0x30];
	v16 =	vshrl.u32 v19, $0xC;
	v12 =	vand.u32 $0xFF0, v10;
	v10 =	vand.u32 $0xFF000000, v19  }
0xbe: {  	v14 =	vshrl.u32 v15, $0xC;
	v15 =	vld [tilespmem:s20+$0xFFFFFFE0];
	v19 =	vand.u32 $0xFF0, v16;
	vm2 =	veq.s32 v10, v6  }
0xbf: {  	v13 =	vld [tilespmem:s20+$0xFFFFFFF0];
	v16 =	vand.u32 $0xFF0, v18;
	vm3 =	veq.s32 v10, v5;
	v18 =	vor.u32 v1, v19  }
0xc0: {  	v20 =	vand.u32 $0xFF0, v14;
	vm4 =	veq.s32 v8, v6;
	[tilespmem:v17+s12+$0x0] =	vst.idx.add.s32.msk vm1, v3  }
0xc1: {  	[tilespmem:v17+s13+$0x0] =	vst.idx.add.s32.msk vm0, v3;
	vm0 =	veq.s32 v8, v5;
	v17 =	vor.u32 v1, v20  }
0xc2: {  	v10 =	vshrl.u32 v23, $0xC;
	[tilespmem:v22+s12+$0x0] =	vst.idx.add.s32.msk vm5, v3  }
0xc3: {  	s21 =	simm.s32 $0x8;
	v14 =	vand.u32 $0xFF000000, v63;
	v8 =	vand.u32 $0xFF000000, v23;
	v10 =	vand.u32 $0xFF0, v10;
	[tilespmem:v22+s13+$0x0] =	vst.idx.add.s32.msk vm6, v3  }
.LBB2_11:
0xc4: {  	s21 =	sadd.s32 $0x8, s21;
	[tilespmem:v18+s12+$0x0] =	vst.idx.add.s32.msk vm2, v3  }
0xc5: {  	p0 =	slt.u32 s21, $0x3F8;
	[tilespmem:v18+s13+$0x0] =	vst.idx.add.s32.msk vm3, v3  }
0xc6: {  	[tilespmem:v17+s12+$0x0] =	vst.idx.add.s32.msk vm4, v3  }
0xc7: {  	vm1 =	veq.s32 v14, v6;
	[tilespmem:v17+s13+$0x0] =	vst.idx.add.s32.msk vm0, v3  }
0xc8: {  	vm4 =	veq.s32 v14, v5;
	v14 =	vor.u32 v1, v16;
	v17 =	vld [tilespmem:s20+$0x20]  }
0xc9: {  	vm5 =	veq.s32 v11, v6;
	vm2 =	veq.s32 v11, v5;
	v16 =	vld [tilespmem:s20+$0x0]  }
0xca: {  	v11 =	vand.u32 $0xFF000000, v15;
	v15 =	vshrl.u32 v15, $0xC;
	v12 =	vor.u32 v1, v12;
	v18 =	vld [tilespmem:s20+$0x10];
	s20 =	sadd.s32 $0x80, s20  }
0xcb: {  	vm6 =	veq.s32 v11, v6;
	vm3 =	veq.s32 v11, v5;
	v11 =	vand.u32 $0xFF0, v15;
	v19 =	vld [tilespmem:s20+$0xFFFFFFD0]  }
0xcc: {  	v20 =	vand.u32 $0xFF000000, v13;
	v13 =	vshrl.u32 v13, $0xC;
	v21 =	vor.u32 v1, v11;
	v15 =	vld [tilespmem:s20+$0xFFFFFFC0]  }
0xcd: {  	vm7 =	veq.s32 v20, v6;
	v11 =	vand.u32 $0xFF0, v13;
	vm0 =	veq.s32 v20, v5;
	[tilespmem:v14+s12+$0x0] =	vst.idx.add.s32.msk vm1, v3  }
0xce: {  	v20 =	vor.u32 v1, v11;
	v13 =	vand.u32 $0xFF000000, v16;
	v16 =	vshrl.u32 v16, $0xC;
	[tilespmem:v14+s13+$0x0] =	vst.idx.add.s32.msk vm4, v3  }
0xcf: {  	vm1 =	veq.s32 v13, v5;
	v14 =	vshrl.u32 v18, $0xC;
	[tilespmem:v12+s12+$0x0] =	vst.idx.add.s32.msk vm5, v3;
	v22 =	vand.u32 $0xFF0, v16  }
0xd0: {  	v11 =	vand.u32 $0xFF000000, v19;
	v16 =	vshrl.u32 v19, $0xC;
	[tilespmem:v12+s13+$0x0] =	vst.idx.add.s32.msk vm2, v3;
	v19 =	vand.u32 $0xFF0, v14  }
0xd1: {  	vm5 =	veq.s32 v13, v6;
	v14 =	vand.u32 $0xFF000000, v15;
	v12 =	vand.u32 $0xFF0, v16;
	[tilespmem:v21+s12+$0x0] =	vst.idx.add.s32.msk vm6, v3  }
0xd2: {  	v13 =	vshrl.u32 v15, $0xC;
	v15 =	vand.u32 $0xFF000000, v18;
	v19 =	vor.u32 v1, v19;
	[tilespmem:v21+s13+$0x0] =	vst.idx.add.s32.msk vm3, v3  }
0xd3: {  	v16 =	vand.u32 $0xFF0, v13;
	vm6 =	veq.s32 v15, v6;
	v21 =	vor.u32 v1, v22;
	[tilespmem:v20+s12+$0x0] =	vst.idx.add.s32.msk vm7, v3  }
0xd4: {  	v18 =	vand.u32 $0xFF000000, v17;
	v13 =	vshrl.u32 v17, $0xC;
	vm7 =	veq.s32 v15, v5;
	[tilespmem:v20+s13+$0x0] =	vst.idx.add.s32.msk vm0, v3  }
0xd5: {  	vm2 =	veq.s32 v18, v6;
	v15 =	vand.u32 $0xFF0, v13;
	v20 =	vld [tilespmem:s20+$0x30]  }
0xd6: {  	vm3 =	veq.s32 v18, v5;
	v18 =	vor.u32 v1, v15;
	v13 =	vld [tilespmem:s20+$0xFFFFFFF0]  }
.Ltmp7:
0xd7: {  	vm4 =	veq.s32 v8, v6;
	v15 =	vld [tilespmem:s20+$0xFFFFFFE0];
	(pc) =	sbr.rel @p0 .LBB2_11-.Ltmp7, $4  }
0xd8: {  	v17 =	vor.u32 v1, v10;
	vm0 =	veq.s32 v8, v5;
	[tilespmem:v21+s12+$0x0] =	vst.idx.add.s32.msk vm5, v3  }
0xd9: {  	[tilespmem:v21+s13+$0x0] =	vst.idx.add.s32.msk vm1, v3  }
0xda: {  	v8 =	vand.u32 $0xFF000000, v20;
	v10 =	vshrl.u32 v20, $0xC;
	[tilespmem:v19+s12+$0x0] =	vst.idx.add.s32.msk vm6, v3  }
0xdb: {  	v10 =	vand.u32 $0xFF0, v10;
	[tilespmem:v19+s13+$0x0] =	vst.idx.add.s32.msk vm7, v3  }
0xdc: {  	_ =	sdelay $0x4  }
0xdd: {  	[tilespmem:v18+s12+$0x0] =	vst.idx.add.s32.msk vm2, v3  }
0xde: {  	vm1 =	veq.s32 v14, v6;
	vm2 =	veq.s32 v14, v5;
	v14 =	vor.u32 v1, v16;
	v16 =	vld [tilespmem:s20+$0x0]  }
0xdf: {  	[tilespmem:v18+s13+$0x0] =	vst.idx.add.s32.msk vm3, v3  }
0xe0: {  	vm9 =	veq.s32 v11, v5;
	vm3 =	veq.s32 v11, v6;
	v11 =	vand.u32 $0xFF000000, v15;
	v18 =	vld [tilespmem:s20+$0x10]  }
0xe1: {  	v12 =	vor.u32 v1, v12;
	v15 =	vshrl.u32 v15, $0xC;
	[tilespmem:v17+s12+$0x0] =	vst.idx.add.s32.msk vm4, v3;
	vm5 =	veq.s32 v11, v6  }
0xe2: {  	[tilespmem:v17+s13+$0x0] =	vst.idx.add.s32.msk vm0, v3;
	vm0 =	veq.s32 v11, v5;
	v11 =	vand.u32 $0xFF0, v15;
	v15 =	vand.u32 $0xFF000000, v13  }
0xe3: {  	v17 =	vld [tilespmem:s20+$0x20];
	v13 =	vshrl.u32 v13, $0xC;
	v11 =	vor.u32 v1, v11;
	vm6 =	veq.s32 v15, v6  }
0xe4: {  	vm7 =	veq.s32 v15, v5;
	v13 =	vand.u32 $0xFF0, v13;
	v15 =	vand.u32 $0xFF000000, v16;
	[tilespmem:v14+s12+$0x0] =	vst.idx.add.s32.msk vm1, v3  }
0xe5: {  	v16 =	vshrl.u32 v16, $0xC;
	v13 =	vor.u32 v1, v13;
	vm1 =	veq.s32 v15, v5;
	[tilespmem:v14+s13+$0x0] =	vst.idx.add.s32.msk vm2, v3  }
0xe6: {  	v16 =	vand.u32 $0xFF0, v16;
	v14 =	vshrl.u32 v18, $0xC;
	vm2 =	veq.s32 v15, v6;
	[tilespmem:v12+s12+$0x0] =	vst.idx.add.s32.msk vm3, v3  }
0xe7: {  	v15 =	vor.u32 v1, v16;
	[tilespmem:v12+s13+$0x0] =	vst.idx.add.s32.msk vm9, v3;
	v12 =	vand.u32 $0xFF0, v14;
	v14 =	vand.u32 $0xFF000000, v18  }
0xe8: {  	[tilespmem:v11+s12+$0x0] =	vst.idx.add.s32.msk vm5, v3;
	v12 =	vor.u32 v1, v12;
	vm3 =	veq.s32 v14, v6  }
0xe9: {  	[tilespmem:v11+s13+$0x0] =	vst.idx.add.s32.msk vm0, v3;
	v11 =	vand.u32 $0xFF000000, v17;
	vm0 =	veq.s32 v14, v5;
	v14 =	vshrl.u32 v17, $0xC  }
0xea: {  	[tilespmem:v13+s12+$0x0] =	vst.idx.add.s32.msk vm6, v3;
	vm10 =	veq.s32 v11, v6;
	v14 =	vand.u32 $0xFF0, v14  }
0xeb: {  	vm11 =	veq.s32 v11, v5;
	[tilespmem:v13+s13+$0x0] =	vst.idx.add.s32.msk vm7, v3;
	v11 =	vor.u32 v1, v14  }
0xec: {  	vm12 =	veq.s32 v8, v6;
	[tilespmem:v15+s12+$0x0] =	vst.idx.add.s32.msk vm2, v3  }
0xed: {  	vm2 =	veq.s32 v8, v5;
	v8 =	vor.u32 v1, v10;
	[tilespmem:v15+s13+$0x0] =	vst.idx.add.s32.msk vm1, v3  }
0xee: {  	[tilespmem:v12+s12+$0x0] =	vst.idx.add.s32.msk vm3, v3  }
0xef: {  	[tilespmem:v12+s13+$0x0] =	vst.idx.add.s32.msk vm0, v3  }
0xf0: {  	[tilespmem:v11+s12+$0x0] =	vst.idx.add.s32.msk vm10, v3  }
0xf1: {  	[tilespmem:v11+s13+$0x0] =	vst.idx.add.s32.msk vm11, v3  }
0xf2: {  	[tilespmem:v8+s12+$0x0] =	vst.idx.add.s32.msk vm12, v3  }
0xf3: {  	s20 =	simm.s32 $0xCFF0;
	[tilespmem:v8+s13+$0x0] =	vst.idx.add.s32.msk vm2, v3  }
0xf4: {  	v10 =	vld [tilespmem:s20+$0x0];
	_ =	sdelay $0x1  }
0xf5: {  	v11 =	vld [tilespmem:s20+$0xFFFFFFF0]  }
0xf6: {  	v12 =	vld [tilespmem:s20+$0xFFFFFFE0]  }
0xf7: {  	v8 =	vsub.s32 $0xCD, v7;
	v7 =	vimm.s32 $0x0;
	v13 =	vld [tilespmem:s20+$0xFFFFFFD0]  }
0xf8: {  	s22 =	simm.s32 $0xFF;
	v14 =	vld [tilespmem:s20+$0xFFFFFFC0];
	vm0 =	vlt.s32 v7, v8;
	v10 =	vadd.s32 v7, v10  }
0xf9: {  	s23 =	simm.s32 $0xFE;
	v15 =	vld [tilespmem:s20+$0xFFFFFFB0];
	v17 =	vsel vm0, s22, v7;
	vm1 =	vlt.s32 v10, v8  }
0xfa: {  	[tilespmem:s20+$0x0] =	vst v0;
	v7 =	vsel vm0, v7, v7;
	v11 =	vadd.s32 v11, v10;
	v17 =	vsel vm1, s23, v17  }
0xfb: {  	s31 =	simm.s32 $0xFD;
	[tilespmem:s20+$0xFFFFFFE0] =	vst v0;
	v16 =	vld [tilespmem:s20+$0xFFFFFFA0];
	vm2 =	vlt.s32 v11, v8;
	v12 =	vadd.s32 v12, v11;
	v7 =	vsel vm1, v10, v7  }
0xfc: {  	s21 =	simm.s32 $0xCF70;
	[tilespmem:s20+$0xFFFFFFD0] =	vst v0;
	v20 =	vld [tilespmem:s20+$0xFFFFFF90];
	s23 =	simm.s32 $0xFC;
	v17 =	vsel vm2, s31, v17;
	vm3 =	vlt.s32 v12, v8;
	v13 =	vadd.s32 v13, v12  }
0xfd: {  	[tilespmem:s20+$0xFFFFFFC0] =	vst v0;
	v18 =	vld [tilespmem:s21+$0x0];
	v7 =	vsel vm2, v11, v7;
	v17 =	vsel vm3, s23, v17;
	v22 =	vadd.s32 v14, v13  }
0xfe: {  	s24 =	simm.s32 $0xFB;
	[tilespmem:s20+$0xFFFFFFB0] =	vst v0;
	v19 =	vld [tilespmem:s21+$0xFFFFFFF0];
	vm0 =	vlt.s32 v13, v8;
	v7 =	vsel vm3, v12, v7;
	v23 =	vadd.s32 v15, v22  }
0xff: {  	s25 =	simm.s32 $0xFA;
	[tilespmem:s20+$0xFFFFFFA0] =	vst v0;
	v11 =	vsel vm0, s24, v17;
	vm13 =	vlt.s32 v22, v8;
	v12 =	vsel vm0, v13, v7  }
0x100: {  	s26 =	simm.s32 $0xF9;
	[tilespmem:s20+$0xFFFFFF90] =	vst v0;
	v21 =	vld [tilespmem:s21+$0xFFFFFFE0];
	v17 =	vadd.s32 v16, v23;
	vm14 =	vlt.s32 v23, v8;
	v11 =	vsel vm13, s25, v11  }
0x101: {  	s28 =	simm.s32 $0xF8;
	[tilespmem:s21+$0x0] =	vst v0;
	v10 =	vld [tilespmem:s21+$0xFFFFFFD0];
	v20 =	vadd.s32 v20, v17;
	vm3 =	vlt.s32 v17, v8;
	v7 =	vsel vm14, s26, v11  }
0x102: {  	s29 =	simm.s32 $0xF7;
	[tilespmem:s21+$0xFFFFFFE0] =	vst v0;
	v24 =	vld [tilespmem:s21+$0xFFFFFFC0];
	vm15 =	vlt.s32 v20, v8;
	v14 =	vadd.s32 v20, v18;
	v13 =	vsel vm3, s28, v7  }
0x103: {  	s30 =	simm.s32 $0xF6;
	[tilespmem:s21+$0xFFFFFFC0] =	vst v0;
	v16 =	vld [tilespmem:s21+$0xFFFFFF90];
	v13 =	vsel vm15, s29, v13;
	vm2 =	vlt.s32 v14, v8;
	v15 =	vadd.s32 v19, v14  }
0x104: {  	[tilespmem:s21+$0xFFFFFFD0] =	vst v0;
	s31 =	simm.s32 $0xF5;
	v11 =	vld [tilespmem:s21+$0xFFFFFFB0];
	v18 =	vsel vm13, v22, v12;
	v13 =	vsel vm2, s30, v13;
	vm1 =	vlt.s32 v15, v8  }
0x105: {  	[tilespmem:s21+$0xFFFFFF90] =	vst v0;
	v7 =	vld [tilespmem:s21+$0xFFFFFFA0];
	v18 =	vsel vm14, v23, v18;
	v12 =	vadd.s32 v21, v15;
	v19 =	vsel vm1, s31, v13  }
0x106: {  	s22 =	simm.s32 $0xF0;
	s25 =	simm.s32 $0xF4;
	[tilespmem:s21+$0xFFFFFFB0] =	vst v0;
	vm0 =	vlt.s32 v12, v8;
	v13 =	vadd.s32 v10, v12;
	v10 =	vsel vm3, v17, v18  }
0x107: {  	s23 =	simm.s32 $0xF3;
	s24 =	simm.s32 $0xE8;
	[tilespmem:s21+$0xFFFFFFA0] =	vst v0;
	v18 =	vsel vm15, v20, v10;
	v17 =	vsel vm0, s25, v19;
	v10 =	vadd.s32 v24, v13;
	s25 =	simm.s32 $0xCEF0  }
.LBB2_13:
0x108: {  	s26 =	sadd.s32 $0x3, s24;
	p0 =	sne.s32 s24, $0x0;
	s28 =	smov.u32 s24  }
0x109: {  	v19 =	vld [tilespmem:s25+$0x0];
	v14 =	vsel vm2, v14, v18;
	vm2 =	vlt.s32 v13, v8;
	v18 =	vadd.s32 v11, v10;
	[tilespmem:s20+$0xFFFFFFF0] =	vst v0;
	s24 =	sadd.s32 $0xFFFFFFF8, s24;
	s20 =	smov.u32 s21;
	s21 =	smov.u32 s25  }
0x10a: {  	v20 =	vld [tilespmem:s25+$0xFFFFFFF0];
	[tilespmem:s25+$0x0] =	vst v0;
	v11 =	vsel vm1, v15, v14;
	v14 =	vsel vm2, s23, v17;
	v17 =	vadd.s32 v7, v18;
	s23 =	smov.u32 s26  }
0x10b: {  	vm5 =	vlt.s32 v10, v8;
	s26 =	sadd.s32 $0x2, s22;
	vm3 =	vlt.s32 v18, v8;
	v21 =	vld [tilespmem:s25+$0xFFFFFFE0];
	v22 =	vadd.s32 v16, v17  }
0x10c: {  	s29 =	sadd.s32 $0x1, s22;
	v7 =	vsel vm0, v12, v11;
	v11 =	vsel vm5, s26, v14;
	vm4 =	vlt.s32 v17, v8;
	v23 =	vld [tilespmem:s25+$0xFFFFFFD0];
	[tilespmem:s25+$0xFFFFFFE0] =	vst v0  }
0x10d: {  	v12 =	vsel vm2, v13, v7;
	v7 =	vsel vm3, s29, v11;
	v24 =	vld [tilespmem:s25+$0xFFFFFFC0];
	[tilespmem:s25+$0xFFFFFFD0] =	vst v0  }
0x10e: {  	s26 =	sadd.s32 $0x7, s28;
	vm6 =	vlt.s32 v22, v8;
	v13 =	vsel vm4, s22, v7;
	s22 =	smov.u32 s28;
	v11 =	vld [tilespmem:s25+$0xFFFFFFB0];
	[tilespmem:s25+$0xFFFFFFC0] =	vst v0;
	v14 =	vadd.s32 v22, v19  }
.Ltmp8:
0x10f: {  	s28 =	sadd.s32 $0x6, s22;
	v13 =	vsel vm6, s26, v13;
	v7 =	vld [tilespmem:s25+$0xFFFFFFA0];
	[tilespmem:s25+$0xFFFFFFB0] =	vst v0;
	vm2 =	vlt.s32 v14, v8;
	v15 =	vadd.s32 v20, v14;
	(pc) =	sbr.rel @p0 .LBB2_13-.Ltmp8, $4  }
0x110: {  	v10 =	vsel vm5, v10, v12;
	s26 =	sadd.s32 $0x5, s22;
	v16 =	vld [tilespmem:s25+$0xFFFFFF90];
	[tilespmem:s25+$0xFFFFFFA0] =	vst v0;
	v13 =	vsel vm2, s28, v13;
	vm1 =	vlt.s32 v15, v8  }
0x111: {  	v10 =	vsel vm3, v18, v10;
	v12 =	vadd.s32 v21, v15;
	[tilespmem:s25+$0xFFFFFF90] =	vst v0;
	v19 =	vsel vm1, s26, v13  }
0x112: {  	v10 =	vsel vm4, v17, v10;
	s26 =	sadd.s32 $0x4, s22;
	vm0 =	vlt.s32 v12, v8;
	v13 =	vadd.s32 v23, v12  }
0x113: {  	v18 =	vsel vm6, v22, v10;
	s25 =	sadd.s32 $0xFFFFFF80, s25;
	v17 =	vsel vm0, s26, v19;
	v10 =	vadd.s32 v24, v13  }
0x114: {  	[tilespmem:s20+$0xFFFFFFF0] =	vst v0  }
0x115: {  	s20 =	simm.s32 $0xD040;
	v14 =	vsel vm2, v14, v18;
	vm2 =	vlt.s32 v13, v8;
	[tilespmem:s21+$0xFFFFFFF0] =	vst v0  }
0x116: {  	v11 =	vadd.s32 v11, v10;
	v9 =	vsub.s32 $0xCD, v9;
	v14 =	vsel vm1, v15, v14;
	v16 =	vld [tilespmem:s20+$0xFFFFFFC0]  }
0x117: {  	s26 =	sadd.s32 $0x2, s22;
	v15 =	vsel vm2, s23, v17;
	vm1 =	vlt.s32 v10, v8;
	v18 =	vadd.s32 v7, v11  }
0x118: {  	s28 =	sadd.s32 $0x1, s22;
	vm3 =	vlt.s32 v11, v8;
	v19 =	vld [tilespmem:s20+$0xFFFFFFD0];
	v7 =	vsel vm1, s26, v15;
	v12 =	vsel vm0, v12, v14  }
0x119: {  	v20 =	vld [tilespmem:s20+$0xFFFFFFE0];
	vm0 =	vlt.s32 v18, v8;
	v7 =	vsel vm3, s28, v7;
	v12 =	vsel vm2, v13, v12  }
0x11a: {  	v17 =	vld [tilespmem:s20+$0xFFFFFFF0];
	v7 =	vsel vm0, s22, v7;
	v10 =	vsel vm1, v10, v12;
	v12 =	vimm.s32 $0x0  }
0x11b: {  	s29 =	simm.s32 $0x0;
	v14 =	vld [tilespmem:s20+$0x0];
	v10 =	vsel vm3, v11, v10;
	vm1 =	vlt.s32 v12, v9;
	v11 =	vadd.s32 v12, v16  }
0x11c: {  	s30 =	simm.s32 $0x1;
	v13 =	vld [tilespmem:s20+$0x10];
	v10 =	vsel vm0, v18, v10;
	v16 =	vsel vm1, s29, v12;
	vm2 =	vlt.s32 v11, v9  }
0x11d: {  	[tilespmem:s20+$0xFFFFFFC0] =	vst v0;
	v12 =	vsel vm1, v12, v12;
	v19 =	vadd.s32 v19, v11;
	v16 =	vsel vm2, s30, v16  }
0x11e: {  	s31 =	simm.s32 $0x2;
	[tilespmem:s20+$0xFFFFFFD0] =	vst v0;
	v15 =	vld [tilespmem:s20+$0x20];
	vm3 =	vlt.s32 v19, v9;
	v20 =	vadd.s32 v20, v19;
	v11 =	vsel vm2, v11, v12  }
0x11f: {  	s21 =	simm.s32 $0xD0C0;
	s23 =	simm.s32 $0x3;
	[tilespmem:s20+$0xFFFFFFE0] =	vst v0;
	v18 =	vld [tilespmem:s20+$0x30];
	v16 =	vsel vm3, s31, v16;
	vm0 =	vlt.s32 v20, v9;
	v17 =	vadd.s32 v17, v20  }
0x120: {  	[tilespmem:s20+$0x0] =	vst v0;
	v21 =	vld [tilespmem:s21+$0xFFFFFFC0];
	v11 =	vsel vm3, v19, v11;
	v16 =	vsel vm0, s23, v16;
	v24 =	vadd.s32 v14, v17  }
0x121: {  	s24 =	simm.s32 $0x4;
	[tilespmem:s20+$0x20] =	vst v0;
	v22 =	vld [tilespmem:s21+$0xFFFFFFD0];
	vm1 =	vlt.s32 v17, v9;
	v11 =	vsel vm0, v20, v11;
	v12 =	vadd.s32 v13, v24  }
0x122: {  	s25 =	simm.s32 $0x5;
	[tilespmem:s20+$0x10] =	vst v0;
	v13 =	vsel vm1, s24, v16;
	vm3 =	vlt.s32 v24, v9;
	v11 =	vsel vm1, v17, v11  }
0x123: {  	s26 =	simm.s32 $0x6;
	[tilespmem:s21+$0xFFFFFFC0] =	vst v0;
	v23 =	vld [tilespmem:s21+$0xFFFFFFE0];
	v25 =	vadd.s32 v15, v12;
	vm4 =	vlt.s32 v12, v9;
	v13 =	vsel vm3, s25, v13  }
0x124: {  	s28 =	simm.s32 $0x7;
	[tilespmem:s20+$0x30] =	vst v0;
	v19 =	vld [tilespmem:s21+$0xFFFFFFF0];
	v26 =	vadd.s32 v18, v25;
	vm5 =	vlt.s32 v25, v9;
	v14 =	vsel vm4, s26, v13  }
0x125: {  	[tilespmem:s21+$0xFFFFFFD0] =	vst v0;
	v27 =	vld [tilespmem:s21+$0x0];
	s29 =	simm.s32 $0x8;
	vm6 =	vlt.s32 v26, v9;
	v13 =	vadd.s32 v26, v21;
	v14 =	vsel vm5, s28, v14  }
0x126: {  	[tilespmem:s21+$0xFFFFFFE0] =	vst v0;
	s30 =	simm.s32 $0x9;
	v15 =	vsel vm6, s29, v14;
	vm2 =	vlt.s32 v13, v9;
	v14 =	vadd.s32 v22, v13  }
0x127: {  	[tilespmem:s21+$0x0] =	vst v0;
	s31 =	simm.s32 $0xA;
	v16 =	vld [tilespmem:s21+$0x10];
	v11 =	vsel vm3, v24, v11;
	v15 =	vsel vm2, s30, v15;
	vm0 =	vlt.s32 v14, v9  }
0x128: {  	v17 =	vld [tilespmem:s21+$0x20];
	[tilespmem:s21+$0x10] =	vst v0;
	v11 =	vsel vm4, v12, v11;
	v20 =	vsel vm0, s31, v15;
	v15 =	vadd.s32 v23, v14  }
0x129: {  	s22 =	simm.s32 $0xF;
	[tilespmem:s21+$0x20] =	vst v0;
	s25 =	simm.s32 $0xB;
	v18 =	vld [tilespmem:s21+$0x30];
	v11 =	vsel vm5, v25, v11;
	vm1 =	vlt.s32 v15, v9;
	v12 =	vadd.s32 v19, v15  }
0x12a: {  	s23 =	simm.s32 $0xC;
	s24 =	simm.s32 $0x17;
	[tilespmem:s21+$0x30] =	vst v0;
	v19 =	vsel vm6, v26, v11;
	v20 =	vsel vm1, s25, v20;
	v11 =	vadd.s32 v27, v12;
	s25 =	simm.s32 $0xD140  }
.LBB2_15:
0x12b: {  	s26 =	sadd.s32 $0xFFFFFFFD, s24;
	p0 =	sne.s32 s24, $0xFF;
	s28 =	smov.u32 s24  }
0x12c: {  	v21 =	vld [tilespmem:s25+$0xFFFFFFC0];
	v13 =	vsel vm2, v13, v19;
	vm2 =	vlt.s32 v12, v9;
	v19 =	vadd.s32 v16, v11;
	[tilespmem:s20+$0xFFFFFFF0] =	vst v0;
	s24 =	sadd.s32 $0x8, s24;
	s20 =	smov.u32 s21;
	s21 =	smov.u32 s25  }
0x12d: {  	v22 =	vld [tilespmem:s25+$0xFFFFFFD0];
	[tilespmem:s25+$0xFFFFFFC0] =	vst v0;
	v13 =	vsel vm0, v14, v13;
	v14 =	vsel vm2, s23, v20;
	v20 =	vadd.s32 v17, v19;
	s23 =	smov.u32 s26  }
0x12e: {  	vm5 =	vlt.s32 v11, v9;
	s26 =	sadd.s32 $0xFFFFFFFE, s22;
	vm3 =	vlt.s32 v19, v9;
	v23 =	vld [tilespmem:s25+$0xFFFFFFE0];
	[tilespmem:s25+$0xFFFFFFD0] =	vst v0;
	v24 =	vadd.s32 v18, v20  }
0x12f: {  	s29 =	sadd.s32 $0xFFFFFFFF, s22;
	v13 =	vsel vm1, v15, v13;
	v14 =	vsel vm5, s26, v14;
	vm4 =	vlt.s32 v20, v9;
	v25 =	vld [tilespmem:s25+$0xFFFFFFF0];
	[tilespmem:s25+$0xFFFFFFE0] =	vst v0  }
0x130: {  	v12 =	vsel vm2, v12, v13;
	v14 =	vsel vm3, s29, v14;
	v26 =	vld [tilespmem:s25+$0x0]  }
0x131: {  	s26 =	sadd.s32 $0xFFFFFFF9, s28;
	vm6 =	vlt.s32 v24, v9;
	v14 =	vsel vm4, s22, v14;
	s22 =	smov.u32 s28;
	v16 =	vld [tilespmem:s25+$0x10];
	[tilespmem:s25+$0x0] =	vst v0;
	v13 =	vadd.s32 v24, v21  }
.Ltmp9:
0x132: {  	s28 =	sadd.s32 $0xFFFFFFFA, s22;
	v15 =	vsel vm6, s26, v14;
	v17 =	vld [tilespmem:s25+$0x20];
	[tilespmem:s25+$0x10] =	vst v0;
	vm2 =	vlt.s32 v13, v9;
	v14 =	vadd.s32 v22, v13;
	(pc) =	sbr.rel @p0 .LBB2_15-.Ltmp9, $4  }
0x133: {  	v11 =	vsel vm5, v11, v12;
	s26 =	sadd.s32 $0xFFFFFFFB, s22;
	v18 =	vld [tilespmem:s25+$0x30];
	[tilespmem:s25+$0x20] =	vst v0;
	v15 =	vsel vm2, s28, v15;
	vm0 =	vlt.s32 v14, v9  }
0x134: {  	v11 =	vsel vm3, v19, v11;
	[tilespmem:s25+$0x30] =	vst v0;
	v21 =	vsel vm0, s26, v15;
	v15 =	vadd.s32 v23, v14  }
0x135: {  	v11 =	vsel vm4, v20, v11;
	s26 =	sadd.s32 $0xFFFFFFFC, s22;
	vm1 =	vlt.s32 v15, v9;
	v12 =	vadd.s32 v25, v15  }
0x136: {  	v19 =	vsel vm6, v24, v11;
	s25 =	sadd.s32 $0x80, s25;
	v20 =	vsel vm1, s26, v21;
	v11 =	vadd.s32 v26, v12  }
0x137: {  	[tilespmem:s20+$0xFFFFFFF0] =	vst v0  }
0x138: {  	s29 =	simm.s32 $0x8040;
	vm4 =	vlt.s32 v12, v9;
	[tilespmem:s21+$0xFFFFFFF0] =	vst v0  }
0x139: {  	v16 =	vadd.s32 v16, v11;
	vm6 =	vlt.s32 v11, v9;
	v7 =	vshll.u32 v7, $0x10;
	v18 =	vld [tilespmem:s29+$0xFFFFFFC0]  }
0x13a: {  	s30 =	sadd.s32 $0xFFFFFFFE, s22;
	v13 =	vsel vm2, v13, v19;
	v20 =	vsel vm4, s23, v20;
	v17 =	vadd.s32 v17, v16  }
0x13b: {  	s31 =	sadd.s32 $0xFFFFFFFF, s22;
	vm3 =	vlt.s32 v16, v9;
	v13 =	vsel vm0, v14, v13;
	v20 =	vsel vm6, s30, v20  }
0x13c: {  	vm5 =	vlt.s32 v17, v9;
	v21 =	vld [tilespmem:s29+$0xFFFFFFD0];
	v13 =	vsel vm1, v15, v13;
	v20 =	vsel vm3, s31, v20  }
0x13d: {  	v6 =	vor.u32 v6, v7;
	v19 =	vld [tilespmem:s29+$0x30];
	v12 =	vsel vm4, v12, v13;
	v20 =	vsel vm5, s22, v20  }
0x13e: {  	v14 =	vld [tilespmem:s29+$0xFFFFFFF0];
	v7 =	vshll.u32 v20, $0x10;
	v20 =	vand.u32 $0xFFFF0000, v18;
	v18 =	vshrl.u32 v18, $0x4  }
0x13f: {  	v7 =	vor.u32 v5, v7;
	v5 =	vand.u32 $0xFF0, v18;
	v18 =	vld [tilespmem:s29+$0xFFFFFFE0];
	vm7 =	veq.s32 v20, v6  }
0x140: {  	s20 =	simm.s32 $0x80C0;
	v22 =	vld [tilespmem:s29+$0x0];
	v11 =	vsel vm6, v11, v12;
	vm2 =	veq.s32 v20, v7;
	v5 =	vor.u32 v1, v5  }
0x141: {  	v26 =	vld [tilespmem:s20+$0x30];
	v11 =	vsel vm3, v16, v11  }
0x142: {  	v12 =	vld [tilespmem:s20+$0xFFFFFFC0];
	v11 =	vsel vm5, v17, v11;
	v15 =	vand.u32 $0xFFFF0000, v21;
	v20 =	vshrl.u32 v21, $0x4  }
0x143: {  	v21 =	vld [tilespmem:s29+$0x20];
	vm0 =	veq.s32 v15, v6;
	vm1 =	veq.s32 v15, v7;
	v20 =	vand.u32 $0xFF0, v20  }
0x144: {  	v15 =	vld [tilespmem:s29+$0x10];
	v20 =	vor.u32 v1, v20;
	v23 =	vand.u32 $0xFFFF0000, v18;
	v18 =	vshrl.u32 v18, $0x4  }
0x145: {  	[tilespmem:v5+s12+$0x0] =	vst.idx.add.s32.msk vm7, v3;
	vm7 =	veq.s32 v23, v6;
	vm8 =	veq.s32 v23, v7;
	v18 =	vand.u32 $0xFF0, v18  }
0x146: {  	[tilespmem:v5+s13+$0x0] =	vst.idx.add.s32.msk vm2, v3;
	v5 =	vand.u32 $0xFFFF0000, v14;
	v14 =	vshrl.u32 v14, $0x4;
	v18 =	vor.u32 v1, v18  }
0x147: {  	v17 =	vld [tilespmem:s20+$0xFFFFFFE0];
	vm2 =	veq.s32 v5, v6;
	v13 =	vand.u32 $0xFF0, v14;
	vm4 =	veq.s32 v5, v7  }
0x148: {  	v23 =	vld [tilespmem:s20+$0xFFFFFFD0];
	v14 =	vshrl.u32 v22, $0x4;
	v5 =	vor.u32 v1, v13;
	v13 =	vand.u32 $0xFFFF0000, v22  }
0x149: {  	[tilespmem:v20+s12+$0x0] =	vst.idx.add.s32.msk vm0, v3;
	v14 =	vand.u32 $0xFF0, v14;
	vm0 =	veq.s32 v13, v7  }
0x14a: {  	[tilespmem:v20+s13+$0x0] =	vst.idx.add.s32.msk vm1, v3;
	vm1 =	veq.s32 v13, v6;
	v13 =	vshrl.u32 v15, $0x4;
	v15 =	vand.u32 $0xFFFF0000, v15  }
0x14b: {  	v22 =	vor.u32 v1, v14;
	vm5 =	veq.s32 v15, v6;
	vm6 =	veq.s32 v15, v7;
	v15 =	vld [tilespmem:s20+$0xFFFFFFF0]  }
0x14c: {  	v24 =	vand.u32 $0xFFFF0000, v19;
	v14 =	vshrl.u32 v19, $0x4;
	v13 =	vand.u32 $0xFF0, v13;
	[tilespmem:v18+s12+$0x0] =	vst.idx.add.s32.msk vm7, v3  }
0x14d: {  	v19 =	vand.u32 $0xFFFF0000, v21;
	v25 =	vor.u32 v1, v13;
	[tilespmem:v18+s13+$0x0] =	vst.idx.add.s32.msk vm8, v3;
	v18 =	vshrl.u32 v21, $0x4  }
0x14e: {  	[tilespmem:v5+s12+$0x0] =	vst.idx.add.s32.msk vm2, v3;
	vm2 =	veq.s32 v19, v6;
	v20 =	vand.u32 $0xFF0, v18  }
0x14f: {  	v16 =	vand.u32 $0xFFFF0000, v12;
	vm3 =	veq.s32 v19, v7;
	[tilespmem:v5+s13+$0x0] =	vst.idx.add.s32.msk vm4, v3;
	v20 =	vor.u32 v1, v20  }
0x150: {  	v12 =	vshrl.u32 v12, $0x4;
	v5 =	vand.u32 $0xFF0, v14;
	vm4 =	veq.s32 v24, v6;
	[tilespmem:v22+s12+$0x0] =	vst.idx.add.s32.msk vm1, v3  }
0x151: {  	v13 =	vand.u32 $0xFFFF0000, v23;
	v19 =	vor.u32 v1, v5;
	[tilespmem:v22+s13+$0x0] =	vst.idx.add.s32.msk vm0, v3;
	vm0 =	veq.s32 v24, v7  }
0x152: {  	v18 =	vand.u32 $0xFF0, v12;
	v12 =	vshrl.u32 v26, $0x4;
	v14 =	vshrl.u32 v23, $0x4;
	[tilespmem:v25+s12+$0x0] =	vst.idx.add.s32.msk vm5, v3  }
0x153: {  	s21 =	simm.s32 $0x8;
	v12 =	vand.u32 $0xFF0, v12;
	v14 =	vand.u32 $0xFF0, v14;
	v5 =	vand.u32 $0xFFFF0000, v26;
	[tilespmem:v25+s13+$0x0] =	vst.idx.add.s32.msk vm6, v3  }
.LBB2_17:
0x154: {  	s21 =	sadd.s32 $0x8, s21;
	[tilespmem:v20+s12+$0x0] =	vst.idx.add.s32.msk vm2, v3  }
0x155: {  	p0 =	slt.u32 s21, $0x3F8;
	[tilespmem:v20+s13+$0x0] =	vst.idx.add.s32.msk vm3, v3  }
0x156: {  	[tilespmem:v19+s12+$0x0] =	vst.idx.add.s32.msk vm4, v3  }
0x157: {  	vm1 =	veq.s32 v16, v6;
	[tilespmem:v19+s13+$0x0] =	vst.idx.add.s32.msk vm0, v3  }
0x158: {  	vm4 =	veq.s32 v16, v7;
	v16 =	vor.u32 v1, v18;
	v19 =	vld [tilespmem:s20+$0x20]  }
0x159: {  	vm5 =	veq.s32 v13, v6;
	vm2 =	veq.s32 v13, v7;
	v18 =	vld [tilespmem:s20+$0x0]  }
0x15a: {  	v13 =	vand.u32 $0xFFFF0000, v17;
	v17 =	vshrl.u32 v17, $0x4;
	v14 =	vor.u32 v1, v14;
	v20 =	vld [tilespmem:s20+$0x10];
	s20 =	sadd.s32 $0x80, s20  }
0x15b: {  	vm6 =	veq.s32 v13, v6;
	vm3 =	veq.s32 v13, v7;
	v13 =	vand.u32 $0xFF0, v17;
	v21 =	vld [tilespmem:s20+$0xFFFFFFD0]  }
0x15c: {  	v22 =	vand.u32 $0xFFFF0000, v15;
	v15 =	vshrl.u32 v15, $0x4;
	v23 =	vor.u32 v1, v13;
	v17 =	vld [tilespmem:s20+$0xFFFFFFC0]  }
0x15d: {  	vm7 =	veq.s32 v22, v6;
	v13 =	vand.u32 $0xFF0, v15;
	vm0 =	veq.s32 v22, v7;
	[tilespmem:v16+s12+$0x0] =	vst.idx.add.s32.msk vm1, v3  }
0x15e: {  	v22 =	vor.u32 v1, v13;
	v15 =	vand.u32 $0xFFFF0000, v18;
	v18 =	vshrl.u32 v18, $0x4;
	[tilespmem:v16+s13+$0x0] =	vst.idx.add.s32.msk vm4, v3  }
0x15f: {  	vm1 =	veq.s32 v15, v7;
	v16 =	vshrl.u32 v20, $0x4;
	[tilespmem:v14+s12+$0x0] =	vst.idx.add.s32.msk vm5, v3;
	v24 =	vand.u32 $0xFF0, v18  }
0x160: {  	v13 =	vand.u32 $0xFFFF0000, v21;
	v18 =	vshrl.u32 v21, $0x4;
	[tilespmem:v14+s13+$0x0] =	vst.idx.add.s32.msk vm2, v3;
	v21 =	vand.u32 $0xFF0, v16  }
0x161: {  	vm5 =	veq.s32 v15, v6;
	v16 =	vand.u32 $0xFFFF0000, v17;
	v14 =	vand.u32 $0xFF0, v18;
	[tilespmem:v23+s12+$0x0] =	vst.idx.add.s32.msk vm6, v3  }
0x162: {  	v15 =	vshrl.u32 v17, $0x4;
	v17 =	vand.u32 $0xFFFF0000, v20;
	v21 =	vor.u32 v1, v21;
	[tilespmem:v23+s13+$0x0] =	vst.idx.add.s32.msk vm3, v3  }
0x163: {  	v18 =	vand.u32 $0xFF0, v15;
	vm6 =	veq.s32 v17, v6;
	v23 =	vor.u32 v1, v24;
	[tilespmem:v22+s12+$0x0] =	vst.idx.add.s32.msk vm7, v3  }
0x164: {  	v20 =	vand.u32 $0xFFFF0000, v19;
	v15 =	vshrl.u32 v19, $0x4;
	vm7 =	veq.s32 v17, v7;
	[tilespmem:v22+s13+$0x0] =	vst.idx.add.s32.msk vm0, v3  }
0x165: {  	vm2 =	veq.s32 v20, v6;
	v17 =	vand.u32 $0xFF0, v15;
	v22 =	vld [tilespmem:s20+$0x30]  }
0x166: {  	vm3 =	veq.s32 v20, v7;
	v20 =	vor.u32 v1, v17;
	v15 =	vld [tilespmem:s20+$0xFFFFFFF0]  }
.Ltmp10:
0x167: {  	vm4 =	veq.s32 v5, v6;
	v17 =	vld [tilespmem:s20+$0xFFFFFFE0];
	(pc) =	sbr.rel @p0 .LBB2_17-.Ltmp10, $4  }
0x168: {  	v19 =	vor.u32 v1, v12;
	vm0 =	veq.s32 v5, v7;
	[tilespmem:v23+s12+$0x0] =	vst.idx.add.s32.msk vm5, v3  }
0x169: {  	[tilespmem:v23+s13+$0x0] =	vst.idx.add.s32.msk vm1, v3  }
0x16a: {  	v5 =	vand.u32 $0xFFFF0000, v22;
	v12 =	vshrl.u32 v22, $0x4;
	[tilespmem:v21+s12+$0x0] =	vst.idx.add.s32.msk vm6, v3  }
0x16b: {  	v12 =	vand.u32 $0xFF0, v12;
	[tilespmem:v21+s13+$0x0] =	vst.idx.add.s32.msk vm7, v3  }
0x16c: {  	_ =	sdelay $0x4  }
0x16d: {  	[tilespmem:v20+s12+$0x0] =	vst.idx.add.s32.msk vm2, v3  }
0x16e: {  	vm1 =	veq.s32 v16, v6;
	vm2 =	veq.s32 v16, v7;
	v16 =	vor.u32 v1, v18;
	v18 =	vld [tilespmem:s20+$0x0]  }
0x16f: {  	[tilespmem:v20+s13+$0x0] =	vst.idx.add.s32.msk vm3, v3  }
0x170: {  	vm9 =	veq.s32 v13, v7;
	vm3 =	veq.s32 v13, v6;
	v13 =	vand.u32 $0xFFFF0000, v17;
	v20 =	vld [tilespmem:s20+$0x10]  }
0x171: {  	v14 =	vor.u32 v1, v14;
	v17 =	vshrl.u32 v17, $0x4;
	[tilespmem:v19+s12+$0x0] =	vst.idx.add.s32.msk vm4, v3;
	vm5 =	veq.s32 v13, v6  }
0x172: {  	[tilespmem:v19+s13+$0x0] =	vst.idx.add.s32.msk vm0, v3;
	vm0 =	veq.s32 v13, v7;
	v13 =	vand.u32 $0xFF0, v17;
	v17 =	vand.u32 $0xFFFF0000, v15  }
0x173: {  	v19 =	vld [tilespmem:s20+$0x20];
	v15 =	vshrl.u32 v15, $0x4;
	v13 =	vor.u32 v1, v13;
	vm6 =	veq.s32 v17, v6  }
0x174: {  	vm7 =	veq.s32 v17, v7;
	v15 =	vand.u32 $0xFF0, v15;
	v17 =	vand.u32 $0xFFFF0000, v18;
	[tilespmem:v16+s12+$0x0] =	vst.idx.add.s32.msk vm1, v3  }
0x175: {  	v18 =	vshrl.u32 v18, $0x4;
	v15 =	vor.u32 v1, v15;
	vm1 =	veq.s32 v17, v7;
	[tilespmem:v16+s13+$0x0] =	vst.idx.add.s32.msk vm2, v3  }
0x176: {  	v18 =	vand.u32 $0xFF0, v18;
	v16 =	vshrl.u32 v20, $0x4;
	vm2 =	veq.s32 v17, v6;
	[tilespmem:v14+s12+$0x0] =	vst.idx.add.s32.msk vm3, v3  }
0x177: {  	v17 =	vor.u32 v1, v18;
	[tilespmem:v14+s13+$0x0] =	vst.idx.add.s32.msk vm9, v3;
	v14 =	vand.u32 $0xFF0, v16;
	v16 =	vand.u32 $0xFFFF0000, v20  }
0x178: {  	[tilespmem:v13+s12+$0x0] =	vst.idx.add.s32.msk vm5, v3;
	v14 =	vor.u32 v1, v14;
	vm3 =	veq.s32 v16, v6  }
0x179: {  	[tilespmem:v13+s13+$0x0] =	vst.idx.add.s32.msk vm0, v3;
	v13 =	vand.u32 $0xFFFF0000, v19;
	vm0 =	veq.s32 v16, v7;
	v16 =	vshrl.u32 v19, $0x4  }
0x17a: {  	[tilespmem:v15+s12+$0x0] =	vst.idx.add.s32.msk vm6, v3;
	vm10 =	veq.s32 v13, v6;
	v16 =	vand.u32 $0xFF0, v16  }
0x17b: {  	vm11 =	veq.s32 v13, v7;
	[tilespmem:v15+s13+$0x0] =	vst.idx.add.s32.msk vm7, v3;
	v13 =	vor.u32 v1, v16  }
0x17c: {  	vm12 =	veq.s32 v5, v6;
	[tilespmem:v17+s12+$0x0] =	vst.idx.add.s32.msk vm2, v3  }
0x17d: {  	vm2 =	veq.s32 v5, v7;
	v5 =	vor.u32 v1, v12;
	[tilespmem:v17+s13+$0x0] =	vst.idx.add.s32.msk vm1, v3  }
0x17e: {  	[tilespmem:v14+s12+$0x0] =	vst.idx.add.s32.msk vm3, v3  }
0x17f: {  	[tilespmem:v14+s13+$0x0] =	vst.idx.add.s32.msk vm0, v3  }
0x180: {  	[tilespmem:v13+s12+$0x0] =	vst.idx.add.s32.msk vm10, v3  }
0x181: {  	[tilespmem:v13+s13+$0x0] =	vst.idx.add.s32.msk vm11, v3  }
0x182: {  	[tilespmem:v5+s12+$0x0] =	vst.idx.add.s32.msk vm12, v3  }
0x183: {  	s20 =	simm.s32 $0xCFF0;
	[tilespmem:v5+s13+$0x0] =	vst.idx.add.s32.msk vm2, v3  }
0x184: {  	v12 =	vld [tilespmem:s20+$0x0];
	_ =	sdelay $0x1  }
0x185: {  	v13 =	vld [tilespmem:s20+$0xFFFFFFF0]  }
0x186: {  	v14 =	vld [tilespmem:s20+$0xFFFFFFE0]  }
0x187: {  	v5 =	vsub.s32 v8, v10;
	v8 =	vimm.s32 $0x0;
	v15 =	vld [tilespmem:s20+$0xFFFFFFD0]  }
0x188: {  	s22 =	simm.s32 $0xFF;
	v16 =	vld [tilespmem:s20+$0xFFFFFFC0];
	vm0 =	vlt.s32 v8, v5;
	v10 =	vadd.s32 v8, v12  }
0x189: {  	s23 =	simm.s32 $0xFE;
	v17 =	vld [tilespmem:s20+$0xFFFFFFB0];
	v18 =	vsel vm0, s22, v8;
	vm1 =	vlt.s32 v10, v5  }
0x18a: {  	[tilespmem:s20+$0x0] =	vst v0;
	v8 =	vsel vm0, v8, v8;
	v13 =	vadd.s32 v13, v10;
	v18 =	vsel vm1, s23, v18  }
0x18b: {  	s31 =	simm.s32 $0xFD;
	[tilespmem:s20+$0xFFFFFFE0] =	vst v0;
	v12 =	vld [tilespmem:s20+$0xFFFFFFA0];
	vm2 =	vlt.s32 v13, v5;
	v14 =	vadd.s32 v14, v13;
	v8 =	vsel vm1, v10, v8  }
0x18c: {  	s21 =	simm.s32 $0xCF70;
	[tilespmem:s20+$0xFFFFFFD0] =	vst v0;
	v21 =	vld [tilespmem:s20+$0xFFFFFF90];
	s23 =	simm.s32 $0xFC;
	v18 =	vsel vm2, s31, v18;
	vm3 =	vlt.s32 v14, v5;
	v15 =	vadd.s32 v15, v14  }
0x18d: {  	[tilespmem:s20+$0xFFFFFFC0] =	vst v0;
	v19 =	vld [tilespmem:s21+$0x0];
	v8 =	vsel vm2, v13, v8;
	v18 =	vsel vm3, s23, v18;
	v23 =	vadd.s32 v16, v15  }
0x18e: {  	s24 =	simm.s32 $0xFB;
	[tilespmem:s20+$0xFFFFFFB0] =	vst v0;
	v20 =	vld [tilespmem:s21+$0xFFFFFFF0];
	vm0 =	vlt.s32 v15, v5;
	v8 =	vsel vm3, v14, v8;
	v25 =	vadd.s32 v17, v23  }
0x18f: {  	s25 =	simm.s32 $0xFA;
	[tilespmem:s20+$0xFFFFFF90] =	vst v0;
	v10 =	vsel vm0, s24, v18;
	vm13 =	vlt.s32 v23, v5;
	v8 =	vsel vm0, v15, v8  }
0x190: {  	s26 =	simm.s32 $0xF9;
	v22 =	vld [tilespmem:s21+$0xFFFFFFE0];
	[tilespmem:s20+$0xFFFFFFA0] =	vst v0;
	v18 =	vadd.s32 v12, v25;
	vm14 =	vlt.s32 v25, v5;
	v10 =	vsel vm13, s25, v10  }
0x191: {  	s28 =	simm.s32 $0xF8;
	[tilespmem:s21+$0x0] =	vst v0;
	v24 =	vld [tilespmem:s21+$0xFFFFFFD0];
	v21 =	vadd.s32 v21, v18;
	vm3 =	vlt.s32 v18, v5;
	v10 =	vsel vm14, s26, v10  }
0x192: {  	s29 =	simm.s32 $0xF7;
	[tilespmem:s21+$0xFFFFFFE0] =	vst v0;
	v26 =	vld [tilespmem:s21+$0xFFFFFFC0];
	vm15 =	vlt.s32 v21, v5;
	v15 =	vadd.s32 v21, v19;
	v13 =	vsel vm3, s28, v10  }
0x193: {  	s30 =	simm.s32 $0xF6;
	[tilespmem:s21+$0xFFFFFFD0] =	vst v0;
	v17 =	vld [tilespmem:s21+$0xFFFFFF90];
	v13 =	vsel vm15, s29, v13;
	vm2 =	vlt.s32 v15, v5;
	v16 =	vadd.s32 v20, v15  }
0x194: {  	[tilespmem:s21+$0xFFFFFFC0] =	vst v0;
	s31 =	simm.s32 $0xF5;
	v12 =	vld [tilespmem:s21+$0xFFFFFFB0];
	v8 =	vsel vm13, v23, v8;
	v13 =	vsel vm2, s30, v13;
	vm1 =	vlt.s32 v16, v5  }
0x195: {  	[tilespmem:s21+$0xFFFFFF90] =	vst v0;
	v8 =	vsel vm14, v25, v8;
	v10 =	vld [tilespmem:s21+$0xFFFFFFA0];
	v20 =	vsel vm1, s31, v13;
	v13 =	vadd.s32 v22, v16  }
0x196: {  	s22 =	simm.s32 $0xF0;
	[tilespmem:s21+$0xFFFFFFB0] =	vst v0;
	s25 =	simm.s32 $0xF4;
	v8 =	vsel vm3, v18, v8;
	vm0 =	vlt.s32 v13, v5;
	v14 =	vadd.s32 v24, v13  }
0x197: {  	s23 =	simm.s32 $0xF3;
	s24 =	simm.s32 $0xE8;
	[tilespmem:s21+$0xFFFFFFA0] =	vst v0;
	v19 =	vsel vm15, v21, v8;
	v18 =	vsel vm0, s25, v20;
	v8 =	vadd.s32 v26, v14;
	s25 =	simm.s32 $0xCEF0  }
.LBB2_19:
0x198: {  	s26 =	sadd.s32 $0x3, s24;
	p0 =	sne.s32 s24, $0x0;
	s28 =	smov.u32 s24  }
0x199: {  	v20 =	vld [tilespmem:s25+$0x0];
	v15 =	vsel vm2, v15, v19;
	vm2 =	vlt.s32 v14, v5;
	v19 =	vadd.s32 v12, v8;
	[tilespmem:s20+$0xFFFFFFF0] =	vst v0;
	s24 =	sadd.s32 $0xFFFFFFF8, s24;
	s20 =	smov.u32 s21;
	s21 =	smov.u32 s25  }
0x19a: {  	v21 =	vld [tilespmem:s25+$0xFFFFFFF0];
	[tilespmem:s25+$0x0] =	vst v0;
	v12 =	vsel vm1, v16, v15;
	v15 =	vsel vm2, s23, v18;
	v18 =	vadd.s32 v10, v19;
	s23 =	smov.u32 s26  }
0x19b: {  	vm5 =	vlt.s32 v8, v5;
	s26 =	sadd.s32 $0x2, s22;
	vm3 =	vlt.s32 v19, v5;
	v22 =	vld [tilespmem:s25+$0xFFFFFFE0];
	v23 =	vadd.s32 v17, v18  }
0x19c: {  	s29 =	sadd.s32 $0x1, s22;
	v10 =	vsel vm0, v13, v12;
	v12 =	vsel vm5, s26, v15;
	vm4 =	vlt.s32 v18, v5;
	v24 =	vld [tilespmem:s25+$0xFFFFFFD0];
	[tilespmem:s25+$0xFFFFFFE0] =	vst v0  }
0x19d: {  	v13 =	vsel vm2, v14, v10;
	v10 =	vsel vm3, s29, v12;
	v25 =	vld [tilespmem:s25+$0xFFFFFFC0];
	[tilespmem:s25+$0xFFFFFFD0] =	vst v0  }
0x19e: {  	s26 =	sadd.s32 $0x7, s28;
	vm6 =	vlt.s32 v23, v5;
	v14 =	vsel vm4, s22, v10;
	s22 =	smov.u32 s28;
	v12 =	vld [tilespmem:s25+$0xFFFFFFB0];
	[tilespmem:s25+$0xFFFFFFC0] =	vst v0;
	v15 =	vadd.s32 v23, v20  }
.Ltmp11:
0x19f: {  	s28 =	sadd.s32 $0x6, s22;
	v14 =	vsel vm6, s26, v14;
	v10 =	vld [tilespmem:s25+$0xFFFFFFA0];
	[tilespmem:s25+$0xFFFFFFB0] =	vst v0;
	vm2 =	vlt.s32 v15, v5;
	v16 =	vadd.s32 v21, v15;
	(pc) =	sbr.rel @p0 .LBB2_19-.Ltmp11, $4  }
0x1a0: {  	v8 =	vsel vm5, v8, v13;
	s26 =	sadd.s32 $0x5, s22;
	v17 =	vld [tilespmem:s25+$0xFFFFFF90];
	[tilespmem:s25+$0xFFFFFFA0] =	vst v0;
	v14 =	vsel vm2, s28, v14;
	vm1 =	vlt.s32 v16, v5  }
0x1a1: {  	v8 =	vsel vm3, v19, v8;
	v13 =	vadd.s32 v22, v16;
	[tilespmem:s25+$0xFFFFFF90] =	vst v0;
	v20 =	vsel vm1, s26, v14  }
0x1a2: {  	v8 =	vsel vm4, v18, v8;
	s26 =	sadd.s32 $0x4, s22;
	vm0 =	vlt.s32 v13, v5;
	v14 =	vadd.s32 v24, v13  }
0x1a3: {  	v19 =	vsel vm6, v23, v8;
	s25 =	sadd.s32 $0xFFFFFF80, s25;
	v18 =	vsel vm0, s26, v20;
	v8 =	vadd.s32 v25, v14  }
0x1a4: {  	[tilespmem:s20+$0xFFFFFFF0] =	vst v0  }
0x1a5: {  	s20 =	simm.s32 $0xD040;
	v15 =	vsel vm2, v15, v19;
	vm2 =	vlt.s32 v14, v5;
	v12 =	vadd.s32 v12, v8;
	[tilespmem:s21+$0xFFFFFFF0] =	vst v0  }
0x1a6: {  	s26 =	sadd.s32 $0x2, s22;
	v15 =	vsel vm1, v16, v15;
	v16 =	vsel vm2, s23, v18;
	vm1 =	vlt.s32 v8, v5;
	v17 =	vld [tilespmem:s20+$0xFFFFFFC0]  }
0x1a7: {  	s28 =	sadd.s32 $0x1, s22;
	v19 =	vadd.s32 v10, v12;
	vm3 =	vlt.s32 v12, v5;
	v10 =	vsel vm1, s26, v16  }
0x1a8: {  	v20 =	vld [tilespmem:s20+$0xFFFFFFD0];
	v13 =	vsel vm0, v13, v15;
	vm0 =	vlt.s32 v19, v5;
	v10 =	vsel vm3, s28, v10  }
0x1a9: {  	v21 =	vld [tilespmem:s20+$0xFFFFFFE0];
	v13 =	vsel vm2, v14, v13;
	v10 =	vsel vm0, s22, v10  }
0x1aa: {  	v18 =	vld [tilespmem:s20+$0xFFFFFFF0];
	v13 =	vsel vm1, v8, v13;
	v8 =	vsub.s32 v9, v11;
	v11 =	vimm.s32 $0x0  }
0x1ab: {  	s29 =	simm.s32 $0x0;
	v15 =	vld [tilespmem:s20+$0x0];
	v9 =	vsel vm3, v12, v13;
	vm1 =	vlt.s32 v11, v8;
	v12 =	vadd.s32 v11, v17  }
0x1ac: {  	s30 =	simm.s32 $0x1;
	v14 =	vld [tilespmem:s20+$0x10];
	v16 =	vsel vm1, s29, v11;
	v9 =	vsel vm0, v19, v9;
	vm2 =	vlt.s32 v12, v8  }
0x1ad: {  	[tilespmem:s20+$0xFFFFFFC0] =	vst v0;
	v11 =	vsel vm1, v11, v11;
	v17 =	vadd.s32 v20, v12;
	v16 =	vsel vm2, s30, v16  }
0x1ae: {  	s31 =	simm.s32 $0x2;
	[tilespmem:s20+$0xFFFFFFD0] =	vst v0;
	v13 =	vld [tilespmem:s20+$0x20];
	vm3 =	vlt.s32 v17, v8;
	v21 =	vadd.s32 v21, v17;
	v11 =	vsel vm2, v12, v11  }
0x1af: {  	s21 =	simm.s32 $0xD0C0;
	s23 =	simm.s32 $0x3;
	[tilespmem:s20+$0xFFFFFFE0] =	vst v0;
	v19 =	vld [tilespmem:s20+$0x30];
	v16 =	vsel vm3, s31, v16;
	vm0 =	vlt.s32 v21, v8;
	v18 =	vadd.s32 v18, v21  }
0x1b0: {  	[tilespmem:s20+$0x0] =	vst v0;
	v20 =	vld [tilespmem:s21+$0xFFFFFFC0];
	v11 =	vsel vm3, v17, v11;
	v16 =	vsel vm0, s23, v16;
	v24 =	vadd.s32 v15, v18  }
0x1b1: {  	s24 =	simm.s32 $0x4;
	[tilespmem:s20+$0x10] =	vst v0;
	v22 =	vld [tilespmem:s21+$0xFFFFFFD0];
	vm1 =	vlt.s32 v18, v8;
	v11 =	vsel vm0, v21, v11;
	v14 =	vadd.s32 v14, v24  }
0x1b2: {  	s25 =	simm.s32 $0x5;
	[tilespmem:s21+$0xFFFFFFD0] =	vst v0;
	v12 =	vsel vm1, s24, v16;
	vm3 =	vlt.s32 v24, v8;
	v11 =	vsel vm1, v18, v11  }
0x1b3: {  	s26 =	simm.s32 $0x6;
	v23 =	vld [tilespmem:s21+$0xFFFFFFE0];
	[tilespmem:s20+$0x20] =	vst v0;
	v26 =	vadd.s32 v13, v14;
	vm4 =	vlt.s32 v14, v8;
	v12 =	vsel vm3, s25, v12  }
0x1b4: {  	s28 =	simm.s32 $0x7;
	[tilespmem:s20+$0x30] =	vst v0;
	v25 =	vld [tilespmem:s21+$0xFFFFFFF0];
	v19 =	vadd.s32 v19, v26;
	vm5 =	vlt.s32 v26, v8;
	v12 =	vsel vm4, s26, v12  }
0x1b5: {  	[tilespmem:s21+$0xFFFFFFE0] =	vst v0;
	s29 =	simm.s32 $0x8;
	v21 =	vld [tilespmem:s21+$0x0];
	vm6 =	vlt.s32 v19, v8;
	v17 =	vadd.s32 v19, v20;
	v13 =	vsel vm5, s28, v12  }
0x1b6: {  	[tilespmem:s21+$0xFFFFFFC0] =	vst v0;
	s30 =	simm.s32 $0x9;
	v13 =	vsel vm6, s29, v13;
	vm2 =	vlt.s32 v17, v8;
	v16 =	vadd.s32 v22, v17  }
0x1b7: {  	s31 =	simm.s32 $0xA;
	v15 =	vld [tilespmem:s21+$0x10];
	[tilespmem:s21+$0x0] =	vst v0;
	v11 =	vsel vm3, v24, v11;
	v13 =	vsel vm2, s30, v13;
	vm1 =	vlt.s32 v16, v8  }
0x1b8: {  	[tilespmem:s21+$0x10] =	vst v0;
	v11 =	vsel vm4, v14, v11;
	v12 =	vld [tilespmem:s21+$0x20];
	v22 =	vsel vm1, s31, v13;
	v13 =	vadd.s32 v23, v16  }
0x1b9: {  	s22 =	simm.s32 $0xF;
	v18 =	vld [tilespmem:s21+$0x30];
	[tilespmem:s21+$0x30] =	vst v0;
	s25 =	simm.s32 $0xB;
	v11 =	vsel vm5, v26, v11;
	vm0 =	vlt.s32 v13, v8;
	v14 =	vadd.s32 v25, v13  }
0x1ba: {  	s23 =	simm.s32 $0xC;
	s24 =	simm.s32 $0x17;
	[tilespmem:s21+$0x20] =	vst v0;
	v20 =	vsel vm6, v19, v11;
	v19 =	vsel vm0, s25, v22;
	v11 =	vadd.s32 v21, v14;
	s25 =	simm.s32 $0xD140  }
.LBB2_21:
0x1bb: {  	s26 =	sadd.s32 $0xFFFFFFFD, s24;
	p0 =	sne.s32 s24, $0xFF;
	s28 =	smov.u32 s24  }
0x1bc: {  	v21 =	vld [tilespmem:s25+$0xFFFFFFC0];
	v17 =	vsel vm2, v17, v20;
	vm2 =	vlt.s32 v14, v8;
	v20 =	vadd.s32 v15, v11;
	[tilespmem:s20+$0xFFFFFFF0] =	vst v0;
	s24 =	sadd.s32 $0x8, s24;
	s20 =	smov.u32 s21;
	s21 =	smov.u32 s25  }
0x1bd: {  	v22 =	vld [tilespmem:s25+$0xFFFFFFD0];
	[tilespmem:s25+$0xFFFFFFC0] =	vst v0;
	v15 =	vsel vm1, v16, v17;
	v16 =	vsel vm2, s23, v19;
	v19 =	vadd.s32 v12, v20;
	s23 =	smov.u32 s26  }
0x1be: {  	vm5 =	vlt.s32 v11, v8;
	s26 =	sadd.s32 $0xFFFFFFFE, s22;
	vm3 =	vlt.s32 v20, v8;
	v23 =	vld [tilespmem:s25+$0xFFFFFFE0];
	[tilespmem:s25+$0xFFFFFFD0] =	vst v0;
	v24 =	vadd.s32 v18, v19  }
0x1bf: {  	s29 =	sadd.s32 $0xFFFFFFFF, s22;
	v12 =	vsel vm0, v13, v15;
	v13 =	vsel vm5, s26, v16;
	vm4 =	vlt.s32 v19, v8;
	v25 =	vld [tilespmem:s25+$0xFFFFFFF0];
	[tilespmem:s25+$0xFFFFFFE0] =	vst v0  }
0x1c0: {  	v14 =	vsel vm2, v14, v12;
	v12 =	vsel vm3, s29, v13;
	v26 =	vld [tilespmem:s25+$0x0]  }
0x1c1: {  	s26 =	sadd.s32 $0xFFFFFFF9, s28;
	vm6 =	vlt.s32 v24, v8;
	v13 =	vsel vm4, s22, v12;
	s22 =	smov.u32 s28;
	v15 =	vld [tilespmem:s25+$0x10];
	[tilespmem:s25+$0x0] =	vst v0;
	v17 =	vadd.s32 v24, v21  }
.Ltmp12:
0x1c2: {  	s28 =	sadd.s32 $0xFFFFFFFA, s22;
	v13 =	vsel vm6, s26, v13;
	v12 =	vld [tilespmem:s25+$0x20];
	[tilespmem:s25+$0x10] =	vst v0;
	vm2 =	vlt.s32 v17, v8;
	v16 =	vadd.s32 v22, v17;
	(pc) =	sbr.rel @p0 .LBB2_21-.Ltmp12, $4  }
0x1c3: {  	v11 =	vsel vm5, v11, v14;
	s26 =	sadd.s32 $0xFFFFFFFB, s22;
	v18 =	vld [tilespmem:s25+$0x30];
	[tilespmem:s25+$0x20] =	vst v0;
	v13 =	vsel vm2, s28, v13;
	vm1 =	vlt.s32 v16, v8  }
0x1c4: {  	v11 =	vsel vm3, v20, v11;
	[tilespmem:s25+$0x30] =	vst v0;
	v21 =	vsel vm1, s26, v13;
	v13 =	vadd.s32 v23, v16  }
0x1c5: {  	v11 =	vsel vm4, v19, v11;
	s26 =	sadd.s32 $0xFFFFFFFC, s22;
	vm0 =	vlt.s32 v13, v8;
	v14 =	vadd.s32 v25, v13  }
0x1c6: {  	v20 =	vsel vm6, v24, v11;
	s25 =	sadd.s32 $0x80, s25;
	v19 =	vsel vm0, s26, v21;
	v11 =	vadd.s32 v26, v14  }
0x1c7: {  	[tilespmem:s20+$0xFFFFFFF0] =	vst v0  }
0x1c8: {  	s20 =	simm.s32 $0x8040;
	v17 =	vsel vm2, v17, v20;
	vm2 =	vlt.s32 v14, v8;
	v15 =	vadd.s32 v15, v11;
	[tilespmem:s21+$0xFFFFFFF0] =	vst v0  }
0x1c9: {  	s24 =	simm.s32 $0x0;
	v10 =	vshll.u32 v10, $0x8;
	v16 =	vsel vm1, v16, v17;
	v17 =	vsel vm2, s23, v19;
	v18 =	vld [tilespmem:s20+$0xFFFFFFC0]  }
0x1ca: {  	s25 =	simm.s32 $0x1;
	s28 =	simm.s32 $0x2;
	v22 =	vxor.u32 s24, v2;
	v12 =	vadd.s32 v12, v15;
	vm1 =	vlt.s32 v11, v8;
	v21 =	vld [tilespmem:s20+$0xFFFFFFD0]  }
0x1cb: {  	s29 =	simm.s32 $0x3;
	s31 =	simm.s32 $0x4;
	v24 =	vxor.u32 s25, v2;
	vm3 =	vlt.s32 v15, v8;
	v26 =	vxor.u32 s28, v2;
	v20 =	vld [tilespmem:s20+$0xFFFFFFE0]  }
0x1cc: {  	s26 =	sadd.s32 $0xFFFFFFFE, s22;
	v27 =	vxor.u32 s29, v2;
	v28 =	vxor.u32 s31, v2;
	v6 =	vor.u32 v6, v10;
	v19 =	vld [tilespmem:s20+$0xFFFFFFF0]  }
0x1cd: {  	s30 =	sadd.s32 $0xFFFFFFFF, s22;
	s24 =	simm.s32 $0x7;
	v23 =	vld [tilespmem:s20+$0x0];
	v17 =	vsel vm1, s26, v17;
	v13 =	vsel vm0, v13, v16;
	vm0 =	vlt.s32 v12, v8  }
0x1ce: {  	s29 =	simm.s32 $0xA;
	v25 =	vld [tilespmem:s20+$0x10];
	v29 =	vxor.u32 s24, v2;
	v13 =	vsel vm2, v14, v13;
	v14 =	vsel vm3, s30, v17  }
0x1cf: {  	s31 =	simm.s32 $0xC;
	v16 =	vld [tilespmem:s20+$0x20];
	v33 =	vxor.u32 s29, v2;
	v14 =	vsel vm0, s22, v14;
	v11 =	vsel vm1, v11, v13  }
0x1d0: {  	s21 =	simm.s32 $0x5;
	s23 =	simm.s32 $0x6;
	v35 =	vxor.u32 s31, v2;
	s22 =	simm.s32 $0xE;
	v11 =	vsel vm3, v15, v11;
	v14 =	vshll.u32 v14, $0x8;
	v13 =	vld.idx.msk [tilespmem:v22+s2+$0x0], $0xffff  }
0x1d1: {  	s25 =	simm.s32 $0x80C0;
	v36 =	vxor.u32 s22, v2;
	v22 =	vxor.u32 s21, v2;
	v15 =	vld.idx.msk [tilespmem:v24+s2+$0x0], $0xffff;
	v24 =	vxor.u32 s23, v2  }
0x1d2: {  	v32 =	vld [tilespmem:s25+$0x10];
	s22 =	simm.s32 $0x16;
	v10 =	vsel vm0, v12, v11;
	v7 =	vor.u32 v7, v14;
	v12 =	vor.u32 $0xFF, v6  }
0x1d3: {  	v17 =	vld [tilespmem:s20+$0x30];
	v11 =	vimm.f32 $0.0e+00;
	v59 =	vxor.u32 s22, v2;
	vm6 =	vgt.u32 v18, v12  }
0x1d4: {  	v26 =	vld.idx.msk [tilespmem:v26+s2+$0x0], $0xffff;
	vm7 =	vgt.u32 v21, v12;
	vm1 =	vgt.u32 v20, v12;
	vm5 =	vgt.u32 v19, v12  }
0x1d5: {  	v14 =	vld.idx.msk [tilespmem:v27+s2+$0x0], $0xffff;
	vm0 =	vgt.u32 v23, v12;
	vm4 =	vgt.u32 v25, v12;
	vm2 =	vgt.u32 v16, v12  }
0x1d6: {  	v27 =	vld.idx.msk [tilespmem:v28+s2+$0x0], $0xffff;
	s23 =	simm.s32 $0xF;
	vm8 =	vlt.u32 v20, v7;
	vm9 =	vlt.u32 v19, v7;
	vm10 =	vlt.u32 v23, v7  }
0x1d7: {  	v29 =	vld.idx.msk [tilespmem:v29+s2+$0x0], $0xffff;
	vm11 =	vlt.u32 v25, v7;
	vm12 =	vlt.u32 v16, v7;
	v37 =	vxor.u32 s23, v2;
	s23 =	simm.s32 $0x17  }
0x1d8: {  	v16 =	vld [tilespmem:s25+$0xFFFFFFC0];
	vm3 =	vgt.u32 v17, v12;
	vm13 =	vlt.u32 v17, v7;
	v41 =	vxor.u32 s23, v2  }
0x1d9: {  	v22 =	vld.idx.msk [tilespmem:v22+s2+$0x0], $0xffff;
	v28 =	vnsel vm6, $0x0, v13;
	v30 =	vnsel vm7, $0x0, v15;
	vm6 =	vlt.u32 v18, v7  }
0x1da: {  	v24 =	vld.idx.msk [tilespmem:v24+s2+$0x0], $0xffff;
	vm7 =	vlt.u32 v21, v7;
	v17 =	vnsel vm8, $0x0, v26;
	v18 =	vnsel vm9, $0x0, v14  }
0x1db: {  	v19 =	vld [tilespmem:s25+$0xFFFFFFD0];
	v20 =	vnsel vm10, $0x0, v27;
	v26 =	vnsel vm1, $0x0, v26;
	v14 =	vnsel vm5, $0x0, v14  }
0x1dc: {  	v27 =	vnsel vm0, $0x0, v27;
	vm1 =	vgt.u32 v32, v12;
	v13 =	vnsel vm6, $0x0, v13  }
0x1dd: {  	v34 =	vld [tilespmem:s25+$0x30];
	v15 =	vnsel vm7, $0x0, v15;
	v31 =	vnsel vm13, $0x0, v29;
	v28 =	vadd.f32 v30, v28  }
0x1de: {  	s26 =	simm.s32 $0x8;
	v25 =	vld [tilespmem:s25+$0xFFFFFFE0];
	vm8 =	vgt.u32 v16, v12;
	v13 =	vadd.f32 v15, v13;
	v15 =	vadd.f32 v18, v17  }
0x1df: {  	v33 =	vld.idx.msk [tilespmem:v33+s2+$0x0], $0xffff;
	v18 =	vxor.u32 s26, v2;
	v21 =	vnsel vm11, $0x0, v22;
	v23 =	vnsel vm12, $0x0, v24  }
0x1e0: {  	v35 =	vld.idx.msk [tilespmem:v35+s2+$0x0], $0xffff;
	vm7 =	vgt.u32 v19, v12;
	v20 =	vadd.f32 v21, v20;
	v21 =	vadd.f32 v31, v23  }
0x1e1: {  	s28 =	simm.s32 $0x9;
	v29 =	vnsel vm3, $0x0, v29;
	v14 =	vadd.f32 v14, v26;
	v17 =	vld [tilespmem:s25+$0xFFFFFFF0];
	v13 =	vadd.f32 v15, v13  }
0x1e2: {  	s30 =	simm.s32 $0xB;
	v22 =	vnsel vm4, $0x0, v22;
	v23 =	vld [tilespmem:s25+$0x0];
	v31 =	vxor.u32 s28, v2;
	v15 =	vadd.f32 v21, v20  }
0x1e3: {  	s21 =	simm.s32 $0xD;
	v24 =	vnsel vm2, $0x0, v24;
	v22 =	vadd.f32 v22, v27;
	v20 =	vld [tilespmem:s25+$0x20];
	v21 =	vxor.u32 s30, v2  }
0x1e4: {  	v24 =	vadd.f32 v29, v24;
	v13 =	vadd.f32 v15, v13;
	v15 =	vld.idx.msk [tilespmem:v18+s2+$0x0], $0xffff;
	v18 =	vxor.u32 s21, v2  }
0x1e5: {  	vm5 =	vgt.u32 v25, v12;
	v26 =	vld.idx.msk [tilespmem:v36+s2+$0x0], $0xffff;
	vm3 =	vlt.u32 v16, v7;
	vm13 =	vlt.u32 v34, v7  }
0x1e6: {  	v14 =	vadd.f32 v14, v28;
	v28 =	vld.idx.msk [tilespmem:v37+s2+$0x0], $0xffff;
	vm4 =	vgt.u32 v34, v12;
	v22 =	vadd.f32 v24, v22  }
0x1e7: {  	vm11 =	vlt.u32 v32, v7;
	s28 =	simm.s32 $0x12;
	vm6 =	vgt.u32 v17, v12;
	vm9 =	vlt.u32 v17, v7;
	v31 =	vld.idx.msk [tilespmem:v31+s2+$0x0], $0xffff  }
0x1e8: {  	v56 =	vxor.u32 s28, v2;
	v14 =	vadd.f32 v22, v14;
	vm0 =	vgt.u32 v23, v12;
	v21 =	vld.idx.msk [tilespmem:v21+s2+$0x0], $0xffff  }
0x1e9: {  	s24 =	simm.s32 $0x8140;
	vm10 =	vlt.u32 v23, v7;
	v13 =	vadd.f32 v13, v11;
	vm12 =	vlt.u32 v20, v7;
	v18 =	vld.idx.msk [tilespmem:v18+s2+$0x0], $0xffff  }
0x1ea: {  	v58 =	vld [tilespmem:s24+$0x20];
	v23 =	vnsel vm10, $0x0, v35;
	vm2 =	vgt.u32 v20, v12;
	v30 =	vnsel vm12, $0x0, v26  }
0x1eb: {  	v24 =	vld [tilespmem:s24+$0xFFFFFFD0];
	v27 =	vnsel vm8, $0x0, v15;
	vm8 =	vlt.u32 v25, v7;
	v15 =	vnsel vm3, $0x0, v15  }
0x1ec: {  	v29 =	vnsel vm7, $0x0, v31;
	vm7 =	vlt.u32 v19, v7;
	v17 =	vnsel vm8, $0x0, v33  }
0x1ed: {  	v38 =	vld [tilespmem:s24+$0x30];
	v16 =	vnsel vm7, $0x0, v31;
	v31 =	vnsel vm13, $0x0, v28;
	v20 =	vnsel vm9, $0x0, v21  }
0x1ee: {  	v55 =	vld [tilespmem:s24+$0xFFFFFFF0];
	s25 =	simm.s32 $0x10;
	v15 =	vadd.f32 v16, v15;
	v16 =	vadd.f32 v20, v17;
	v25 =	vnsel vm11, $0x0, v18  }
0x1ef: {  	v57 =	vld [tilespmem:s24+$0x10];
	s26 =	simm.s32 $0x11;
	v17 =	vxor.u32 s25, v2;
	v20 =	vadd.f32 v25, v23;
	v23 =	vadd.f32 v31, v30  }
0x1f0: {  	s29 =	simm.s32 $0x13;
	v54 =	vld [tilespmem:s24+$0xFFFFFFE0];
	vm12 =	vlt.u32 v58, v7;
	vm7 =	vgt.u32 v24, v12;
	v25 =	vxor.u32 s26, v2  }
0x1f1: {  	s30 =	simm.s32 $0x14;
	v19 =	vld [tilespmem:s24+$0xFFFFFFC0];
	v15 =	vadd.f32 v16, v15;
	v16 =	vadd.f32 v23, v20;
	v20 =	vxor.u32 s29, v2  }
0x1f2: {  	vm13 =	vlt.u32 v38, v7;
	v21 =	vnsel vm6, $0x0, v21;
	v30 =	vld [tilespmem:s24+$0x0];
	v23 =	vxor.u32 s30, v2  }
0x1f3: {  	s31 =	simm.s32 $0x15;
	vm6 =	vgt.u32 v55, v12;
	v31 =	vnsel vm5, $0x0, v33;
	v33 =	vld.idx.msk [tilespmem:v56+s2+$0x0], $0xffff;
	v15 =	vadd.f32 v16, v15  }
0x1f4: {  	vm9 =	vlt.u32 v55, v7;
	vm11 =	vlt.u32 v57, v7;
	v39 =	vld.idx.msk [tilespmem:v17+s2+$0x0], $0xffff;
	v16 =	vxor.u32 s31, v2  }
0x1f5: {  	v21 =	vadd.f32 v21, v31;
	v17 =	vnsel vm0, $0x0, v35;
	v25 =	vld.idx.msk [tilespmem:v25+s2+$0x0], $0xffff;
	v40 =	vadd.f32 v15, v13  }
0x1f6: {  	s25 =	simm.s32 $0x19;
	v13 =	vnsel vm1, $0x0, v18;
	v15 =	vnsel vm2, $0x0, v26;
	v26 =	vadd.f32 v29, v27;
	v42 =	vld.idx.msk [tilespmem:v20+s2+$0x0], $0xffff  }
0x1f7: {  	v63 =	vxor.u32 s25, v2;
	v18 =	vnsel vm4, $0x0, v28;
	v31 =	vld.idx.msk [tilespmem:v23+s2+$0x0], $0xffff;
	v23 =	vadd.f32 v13, v17  }
0x1f8: {  	vm8 =	vgt.u32 v19, v12;
	s24 =	simm.s32 $0x18;
	s26 =	simm.s32 $0x1A;
	v15 =	vadd.f32 v18, v15;
	v13 =	vadd.f32 v21, v26;
	v21 =	vld.idx.msk [tilespmem:v59+s2+$0x0], $0xffff  }
0x1f9: {  	vm5 =	vgt.u32 v54, v12;
	v62 =	vxor.u32 s24, v2;
	v34 =	vxor.u32 s26, v2;
	v20 =	vld.idx.msk [tilespmem:v16+s2+$0x0], $0xffff  }
0x1fa: {  	vm3 =	vgt.u32 v30, v12;
	vm10 =	vlt.u32 v30, v7;
	v15 =	vadd.f32 v15, v23;
	v23 =	vld.idx.msk [tilespmem:v41+s2+$0x0], $0xffff  }
0x1fb: {  	vm4 =	vlt.u32 v19, v7;
	v17 =	vnsel vm8, $0x0, v39;
	vm8 =	vlt.u32 v54, v7  }
0x1fc: {  	s20 =	simm.s32 $0x81C0;
	v16 =	vnsel vm4, $0x0, v39;
	v18 =	vnsel vm7, $0x0, v25;
	vm7 =	vlt.u32 v24, v7  }
0x1fd: {  	v22 =	vld [tilespmem:s20+$0xFFFFFFD0];
	v26 =	vnsel vm8, $0x0, v33;
	v25 =	vnsel vm7, $0x0, v25;
	v27 =	vnsel vm9, $0x0, v42  }
0x1fe: {  	v19 =	vld [tilespmem:s20+$0xFFFFFFC0];
	v28 =	vnsel vm10, $0x0, v31;
	v16 =	vadd.f32 v25, v16;
	v30 =	vnsel vm12, $0x0, v21  }
0x1ff: {  	v24 =	vld [tilespmem:s20+$0xFFFFFFE0];
	v61 =	vadd.f32 v27, v26;
	v29 =	vnsel vm11, $0x0, v20;
	v60 =	vnsel vm13, $0x0, v23  }
0x200: {  	s28 =	simm.s32 $0x1B;
	s29 =	simm.s32 $0x1C;
	s30 =	simm.s32 $0x1D;
	vm0 =	vgt.u32 v57, v12;
	v25 =	vld [tilespmem:s20+$0xFFFFFFF0];
	v28 =	vadd.f32 v29, v28;
	v29 =	vadd.f32 v60, v30  }
0x201: {  	v35 =	vxor.u32 s28, v2;
	v36 =	vxor.u32 s29, v2;
	v37 =	vxor.u32 s30, v2;
	v26 =	vld [tilespmem:s20+$0x0]  }
0x202: {  	s31 =	simm.s32 $0x1E;
	v32 =	vnsel vm5, $0x0, v33;
	v27 =	vld [tilespmem:s20+$0x10];
	v16 =	vadd.f32 v61, v16;
	v30 =	vadd.f32 v29, v28  }
0x203: {  	vm1 =	vgt.u32 v58, v12;
	vm2 =	vgt.u32 v38, v12;
	v38 =	vxor.u32 s31, v2;
	v28 =	vld [tilespmem:s20+$0x20]  }
0x204: {  	vm7 =	vgt.u32 v19, v12;
	v33 =	vnsel vm6, $0x0, v42;
	v29 =	vld [tilespmem:s20+$0x30];
	v16 =	vadd.f32 v30, v16  }
0x205: {  	vm6 =	vgt.u32 v22, v12;
	v39 =	vnsel vm3, $0x0, v31;
	v31 =	vld.idx.msk [tilespmem:v63+s2+$0x0], $0xffff;
	vm4 =	vgt.u32 v24, v12  }
0x206: {  	s22 =	simm.s32 $0x1F;
	s21 =	simm.s32 $0x20;
	vm5 =	vgt.u32 v25, v12;
	vm3 =	vgt.u32 v26, v12;
	v30 =	vld.idx.msk [tilespmem:v62+s2+$0x0], $0xffff;
	v16 =	vadd.f32 v16, v40  }
.LBB2_23:
0x207: {  	p0 =	slt.u32 s21, $0x3F8;
	v34 =	vld.idx.msk [tilespmem:v34+s2+$0x0], $0xffff;
	v40 =	vxor.u32 s22, v2;
	v41 =	vnsel vm0, $0x0, v20;
	vm0 =	vgt.u32 v27, v12  }
0x208: {  	v21 =	vnsel vm1, $0x0, v21;
	v23 =	vnsel vm2, $0x0, v23;
	v35 =	vld.idx.msk [tilespmem:v35+s2+$0x0], $0xffff;
	vm1 =	vgt.u32 v28, v12  }
0x209: {  	v18 =	vadd.f32 v18, v17;
	v32 =	vadd.f32 v33, v32;
	v42 =	vld.idx.msk [tilespmem:v36+s2+$0x0], $0xffff;
	vm2 =	vgt.u32 v29, v12  }
0x20a: {  	v33 =	vadd.f32 v41, v39;
	v36 =	vadd.f32 v23, v21;
	v20 =	vld.idx.msk [tilespmem:v37+s2+$0x0], $0xffff  }
0x20b: {  	v17 =	vnsel vm7, $0x0, v30;
	v37 =	vadd.f32 v15, v13;
	v13 =	vadd.f32 v32, v18;
	v21 =	vld.idx.msk [tilespmem:v38+s2+$0x0], $0xffff  }
0x20c: {  	v11 =	vadd.f32 v14, v11;
	v18 =	vnsel vm6, $0x0, v31;
	v15 =	vadd.f32 v36, v33;
	v23 =	vld.idx.msk [tilespmem:v40+s2+$0x0], $0xffff  }
0x20d: {  	vm8 =	vlt.u32 v24, v7;
	vm7 =	vlt.u32 v22, v7;
	vm6 =	vlt.u32 v19, v7;
	v14 =	vmovc v37  }
0x20e: {  	vm9 =	vlt.u32 v25, v7;
	vm10 =	vlt.u32 v26, v7;
	vm11 =	vlt.u32 v27, v7  }
0x20f: {  	s20 =	sadd.s32 $0x80, s20;
	vm12 =	vlt.u32 v28, v7;
	vm13 =	vlt.u32 v29, v7;
	v25 =	vnsel vm6, $0x0, v30  }
0x210: {  	v26 =	vnsel vm7, $0x0, v31;
	v27 =	vnsel vm8, $0x0, v34;
	v28 =	vnsel vm9, $0x0, v35;
	v19 =	vld [tilespmem:s20+$0xFFFFFFC0]  }
0x211: {  	v29 =	vnsel vm10, $0x0, v42;
	v30 =	vnsel vm11, $0x0, v20;
	v31 =	vnsel vm12, $0x0, v21;
	v22 =	vld [tilespmem:s20+$0xFFFFFFD0]  }
0x212: {  	v36 =	vadd.f32 v26, v25;
	v28 =	vadd.f32 v28, v27;
	v32 =	vnsel vm13, $0x0, v23;
	v24 =	vld [tilespmem:s20+$0xFFFFFFE0]  }
0x213: {  	s22 =	sadd.s32 $0x1, s21;
	v37 =	vxor.u32 s21, v2;
	v29 =	vadd.f32 v30, v29;
	v30 =	vadd.f32 v32, v31;
	v25 =	vld [tilespmem:s20+$0xFFFFFFF0]  }
0x214: {  	v33 =	vnsel vm5, $0x0, v35;
	v31 =	vxor.u32 s22, v2;
	s22 =	sadd.s32 $0x2, s21;
	v32 =	vnsel vm4, $0x0, v34;
	v26 =	vld [tilespmem:s20+$0x0]  }
.Ltmp13:
0x215: {  	v38 =	vadd.f32 v28, v36;
	v34 =	vxor.u32 s22, v2;
	s22 =	sadd.s32 $0x3, s21;
	v30 =	vadd.f32 v30, v29;
	v27 =	vld [tilespmem:s20+$0x10];
	(pc) =	sbr.rel @p0 .LBB2_23-.Ltmp13, $4  }
0x216: {  	v35 =	vxor.u32 s22, v2;
	s22 =	sadd.s32 $0x4, s21;
	vm7 =	vgt.u32 v19, v12;
	v28 =	vld [tilespmem:s20+$0x20];
	vm6 =	vgt.u32 v22, v12  }
0x217: {  	v36 =	vxor.u32 s22, v2;
	s22 =	sadd.s32 $0x5, s21;
	v40 =	vadd.f32 v30, v38;
	v29 =	vld [tilespmem:s20+$0x30];
	vm4 =	vgt.u32 v24, v12  }
0x218: {  	v39 =	vnsel vm3, $0x0, v42;
	v30 =	vld.idx.msk [tilespmem:v37+s2+$0x0], $0xffff;
	v37 =	vxor.u32 s22, v2;
	s22 =	sadd.s32 $0x6, s21;
	vm5 =	vgt.u32 v25, v12  }
0x219: {  	v16 =	vadd.f32 v40, v16;
	v31 =	vld.idx.msk [tilespmem:v31+s2+$0x0], $0xffff;
	v38 =	vxor.u32 s22, v2;
	s22 =	sadd.s32 $0x7, s21;
	vm3 =	vgt.u32 v26, v12;
	s21 =	sadd.s32 $0x8, s21  }
0x21a: {  	v40 =	vxor.u32 s22, v2;
	vm8 =	vgt.u32 v27, v12  }
0x21b: {  	v20 =	vnsel vm0, $0x0, v20;
	v21 =	vnsel vm1, $0x0, v21;
	v23 =	vnsel vm2, $0x0, v23  }
0x21c: {  	v13 =	vadd.f32 v15, v13;
	v11 =	vadd.f32 v14, v11;
	vm2 =	vlt.u32 v19, v7  }
0x21d: {  	vm9 =	vlt.u32 v25, v7;
	vm10 =	vlt.u32 v26, v7;
	vm11 =	vlt.u32 v27, v7  }
0x21e: {  	v34 =	vld.idx.msk [tilespmem:v34+s2+$0x0], $0xffff;
	v5 =	vsub.s32 v5, v9;
	v8 =	vsub.s32 v8, v10;
	vm14 =	vlt.s32 v6, $0x0  }
0x21f: {  	v35 =	vld.idx.msk [tilespmem:v35+s2+$0x0], $0xffff;
	vm0 =	vgt.u32 v28, v12;
	v20 =	vadd.f32 v20, v39;
	v21 =	vadd.f32 v23, v21  }
0x220: {  	v47 =	vld.idx.msk [tilespmem:v37+s2+$0x0], $0xffff;
	vm12 =	vlt.u32 v28, v7;
	vm1 =	vgt.u32 v29, v12;
	v12 =	vadd.f32 v18, v17  }
0x221: {  	v17 =	vadd.f32 v33, v32;
	vm13 =	vlt.u32 v29, v7;
	v11 =	vadd.f32 v13, v11  }
0x222: {  	v23 =	vnsel vm7, $0x0, v30;
	v20 =	vadd.f32 v21, v20;
	vm7 =	vlt.u32 v24, v7  }
0x223: {  	v18 =	vld.idx.msk [tilespmem:v36+s2+$0x0], $0xffff;
	v19 =	vnsel vm2, $0x0, v30;
	v15 =	vnsel vm6, $0x0, v31;
	vm6 =	vlt.u32 v22, v7  }
0x224: {  	v12 =	vadd.f32 v17, v12;
	v17 =	vld.idx.msk [tilespmem:v38+s2+$0x0], $0xffff;
	v21 =	vnsel vm6, $0x0, v31;
	v22 =	vnsel vm7, $0x0, v34  }
0x225: {  	v14 =	vld.idx.msk [tilespmem:v40+s2+$0x0], $0xffff;
	v48 =	vnsel vm9, $0x0, v35;
	v50 =	vnsel vm11, $0x0, v47;
	v53 =	vnsel vm4, $0x0, v34  }
0x226: {  	v54 =	vnsel vm5, $0x0, v35;
	v15 =	vadd.f32 v15, v23;
	v19 =	vadd.f32 v21, v19  }
0x227: {  	v55 =	vnsel vm8, $0x0, v47;
	v22 =	vadd.f32 v48, v22;
	v23 =	vadd.f32 v54, v53  }
0x228: {  	v12 =	vadd.f32 v20, v12;
	v49 =	vnsel vm10, $0x0, v18;
	v18 =	vnsel vm3, $0x0, v18  }
0x229: {  	v52 =	vadd.f32 v50, v49;
	v18 =	vadd.f32 v55, v18;
	v51 =	vnsel vm12, $0x0, v17  }
0x22a: {  	v17 =	vnsel vm0, $0x0, v17;
	v21 =	vnsel vm13, $0x0, v14;
	v14 =	vnsel vm1, $0x0, v14  }
0x22b: {  	vm15 =	vlt.s32 v7, $0x0;
	v21 =	vadd.f32 v21, v51;
	v14 =	vadd.f32 v14, v17  }
0x22c: {  	v5 =	vcvt.s32.f32 v5;
	v15 =	vadd.f32 v23, v15;
	v17 =	vadd.f32 v22, v19  }
0x22d: {  	v9 =	vsel vm14, $0x80000080, v4;
	v19 =	vadd.f32 v21, v52;
	v14 =	vadd.f32 v14, v18  }
0x22e: {  	v8 =	vcvt.s32.f32 v8;
	v10 =	vsel vm15, $0x80000080, v4;
	v11 =	vadd.f32 v12, v11  }
0x22f: {  	v6 =	vxor.u32 v6, v9;
	v13 =	vadd.f32 v19, v17;
	v14 =	vadd.f32 v14, v15  }
0x230: {  	v5 =	vmul.f32 v6, v5;
	v7 =	vxor.u32 v7, v10  }
0x231: {  	v6 =	vmul.f32 v7, v8;
	v12 =	vadd.f32 v13, v16;
	v9 =	vadd.f32 v14, v11;
	_ =	sdelay $0x1  }
0x232: {  	v5 =	vadd.f32 v9, v5;
	v6 =	vadd.f32 v12, v6;
	_ =	sdelay $0x1  }
0x233: {  	s20 =	sshll.u32 s19, $0x1;
	p0 =	seq.s32 s19, $0x17;
	v5 =	vmul.f32 $4.878048790e-03, v5;
	v6 =	vmul.f32 $2.926829270e-03, v6  }
0x234: {  	s21 =	sadd.s32 @!p0 s20, s6  }
0x235: {  	s29 =	sshll.u32 s19, $0x5;
	s30 =	simm.s32 $0x3;
	s23 =	sshll.u32 @!p0 s21, $0xB;
	v5 =	vadd.f32 v6, v5  }
0x236: {  	s31 =	simm.s32 $0x1;
	s21 =	sand.u32 $0x3FFFFFE0, s29;
	s22 =	sand.u32 @!p0 $0x1FFFF000, s23  }
0x237: {  	s25 =	simm.s32 $0x5;
	s23 =	simm.s32 @!p0 $0x0;
	s22 =	sadd.s32 @!p0 s3, s22;
	[tilespmem:s21+$0xE000] =	vst v5;
	v5 =	vxor.u32 s30, v2  }
0x238: {  	v6 =	vxor.u32 s31, v2;
	[tilespmem:s23], [sflag:$0x1] =	stream.linear.gather @!p0 [hbm4b:s22+s23], $0x4000, $0x38;
	[tilespmem:$0xE300] =	vst v63  }
0x239: {  	s26 =	simm.s32 $0x6;
	v9 =	vxor.u32 s25, v2;
	_ =	swait.ge [sflag:s14], $0x4000  }
0x23a: {  	s29 =	simm.s32 $0x0;
	v10 =	vxor.u32 s26, v2;
	[sflag:s14] =	ssyncset.done $0x0  }
0x23b: {  	v12 =	vxor.u32 s29, v2;
	s25 =	simm.s32 $0xC;
	[sflag:s14] =	ssyncadd.s32 $0xFFFFC000  }
0x23c: {  	v22 =	vxor.u32 s25, v2;
	s23 =	simm.s32 $0x4;
	v5 =	vld.idx.msk [tilespmem:v5+s10+$0x0], $0xffff  }
0x23d: {  	s24 =	simm.s32 $0x2;
	v7 =	vxor.u32 s23, v2;
	v6 =	vld.idx.msk [tilespmem:v6+s10+$0x0], $0xffff  }
0x23e: {  	v8 =	vxor.u32 s24, v2;
	v9 =	vld.idx.msk [tilespmem:v9+s10+$0x0], $0xffff  }
0x23f: {  	v10 =	vld.idx.msk [tilespmem:v10+s10+$0x0], $0xffff  }
0x240: {  	v12 =	vld.idx.msk [tilespmem:v12+s10+$0x0], $0xffff  }
0x241: {  	s28 =	simm.s32 $0x7;
	s26 =	simm.s32 $0xD;
	v22 =	vld.idx.msk [tilespmem:v22+s10+$0x0], $0xffff  }
0x242: {  	s24 =	simm.s32 $0xB;
	v23 =	vxor.u32 s26, v2;
	v11 =	vxor.u32 s28, v2;
	s28 =	simm.s32 $0xE;
	s29 =	simm.s32 $0xF;
	v7 =	vld.idx.msk [tilespmem:v7+s10+$0x0], $0xffff  }
0x243: {  	v21 =	vxor.u32 s24, v2;
	v56 =	vxor.u32 s28, v2;
	v57 =	vxor.u32 s29, v2;
	s31 =	simm.s32 $0xA;
	s30 =	simm.s32 $0x9;
	v8 =	vld.idx.msk [tilespmem:v8+s10+$0x0], $0xffff  }
0x244: {  	v20 =	vxor.u32 s31, v2;
	v19 =	vxor.u32 s30, v2;
	v13 =	vshra.s32 v5, $0x1F  }
0x245: {  	v14 =	vshra.s32 v6, $0x1F;
	v16 =	vshra.s32 v9, $0x1F;
	v17 =	vshra.s32 v10, $0x1F  }
0x246: {  	v59 =	vshra.s32 v12, $0x1F;
	v63 =	vshra.s32 v22, $0x1F;
	v13 =	vor.u32 $0x80000000, v13  }
0x247: {  	v14 =	vor.u32 $0x80000000, v14;
	v26 =	vor.u32 $0x80000000, v59;
	v15 =	vshra.s32 v7, $0x1F  }
0x248: {  	v11 =	vld.idx.msk [tilespmem:v11+s10+$0x0], $0xffff;
	v5 =	vxor.u32 v5, v13;
	v13 =	vshra.s32 v8, $0x1F;
	v6 =	vxor.u32 v6, v14  }
0x249: {  	v26 =	vxor.u32 v12, v26;
	v15 =	vor.u32 $0x80000000, v15;
	v14 =	vshrl.u32 v5, $0x14  }
0x24a: {  	s31 =	simm.s32 $0x8;
	s30 =	simm.s32 $0x8040;
	v13 =	vor.u32 $0x80000000, v13;
	v18 =	vshrl.u32 v6, $0x14;
	v12 =	vshrl.u32 v26, $0x14  }
0x24b: {  	[tilespmem:s30+$0xFFFFFFD0] =	vst v6;
	v6 =	vxor.u32 s31, v2;
	v7 =	vxor.u32 v7, v15;
	v14 =	vand.u32 $0xFF0, v14  }
0x24c: {  	v18 =	vand.u32 $0xFF0, v18;
	v8 =	vxor.u32 v8, v13;
	v13 =	vor.u32 $0x80000000, v17  }
0x24d: {  	v17 =	vshra.s32 v11, $0x1F;
	v15 =	vshrl.u32 v7, $0x14;
	v58 =	vshrl.u32 v8, $0x14  }
0x24e: {  	[tilespmem:s30+$0xFFFFFFF0] =	vst v5;
	v5 =	vld.idx.msk [tilespmem:v23+s10+$0x0], $0xffff;
	v17 =	vor.u32 $0x80000000, v17;
	v10 =	vxor.u32 v10, v13;
	v23 =	vor.u32 v1, v18  }
0x24f: {  	v61 =	vld.idx.msk [tilespmem:v19+s10+$0x0], $0xffff;
	[tilespmem:s30+$0xFFFFFFE0] =	vst v8;
	v19 =	vor.u32 v1, v14;
	v17 =	vxor.u32 v11, v17;
	v11 =	vshrl.u32 v10, $0x14  }
0x250: {  	v21 =	vld.idx.msk [tilespmem:v21+s10+$0x0], $0xffff;
	v15 =	vand.u32 $0xFF0, v15;
	[tilespmem:s30+$0x20] =	vst v10;
	v10 =	vor.u32 $0x80000000, v16;
	v8 =	vand.u32 $0xFF0, v11  }
0x251: {  	v11 =	vor.u32 v1, v15;
	v15 =	vxor.u32 v9, v10;
	v9 =	vand.u32 $0xFF0, v12  }
0x252: {  	[tilespmem:s30+$0x0] =	vst v7;
	v7 =	vld.idx.msk [tilespmem:v20+s10+$0x0], $0xffff;
	v14 =	vor.u32 $0x80000000, v63;
	v13 =	vand.u32 $0xFF0, v58;
	v20 =	vor.u32 v1, v9  }
0x253: {  	v14 =	vxor.u32 v22, v14;
	v60 =	vshrl.u32 v17, $0x14;
	v62 =	vor.u32 v1, v13  }
0x254: {  	[tilespmem:s30+$0x30] =	vst v17;
	v17 =	vshra.s32 v61, $0x1F;
	v27 =	vand.u32 $0xFF0, v60;
	v10 =	vshrl.u32 v15, $0x14;
	v9 =	vld.idx.msk [tilespmem:v57+s10+$0x0], $0xffff  }
0x255: {  	[tilespmem:s30+$0xFFFFFFC0] =	vst v26;
	v12 =	vor.u32 v1, v8;
	v8 =	vshra.s32 v21, $0x1F;
	v13 =	vld.idx.msk [tilespmem:v6+s10+$0x0], $0xffff;
	v6 =	vor.u32 $0x80000000, v17  }
0x256: {  	[tilespmem:s30+$0x10] =	vst v15;
	v15 =	vshrl.u32 v14, $0x14;
	v18 =	vand.u32 $0xFF0, v10;
	v10 =	vld.idx.msk [tilespmem:v56+s10+$0x0], $0xffff;
	v8 =	vor.u32 $0x80000000, v8  }
0x257: {  	v17 =	vshra.s32 v5, $0x1F;
	v16 =	vor.u32 v1, v27;
	v8 =	vxor.u32 v21, v8;
	[tilespmem:v20+s12+$0x0] =	vst.idx.add.s32.msk $0xffff, v3  }
0x258: {  	v20 =	vor.u32 v1, v18;
	v18 =	vxor.u32 v61, v6;
	v6 =	vshrl.u32 v8, $0x14;
	[tilespmem:v23+s12+$0x0] =	vst.idx.add.s32.msk $0xffff, v3  }
0x259: {  	s24 =	simm.s32 $0x10;
	s22 =	simm.s32 $0x80C0;
	v15 =	vand.u32 $0xFF0, v15;
	v21 =	vshra.s32 v7, $0x1F;
	v6 =	vand.u32 $0xFF0, v6;
	[tilespmem:v62+s12+$0x0] =	vst.idx.add.s32.msk $0xffff, v3  }
.LBB2_25:
0x25a: {  	s23 =	sadd.s32 $0x1, s24  }
0x25b: {  	s25 =	sadd.s32 $0x2, s24;
	s26 =	sadd.s32 $0x3, s24;
	v21 =	vor.u32 $0x80000000, v21;
	v22 =	vshra.s32 v10, $0x1F;
	v23 =	vshrl.u32 v18, $0x14;
	[tilespmem:v19+s12+$0x0] =	vst.idx.add.s32.msk $0xffff, v3;
	s28 =	smov.u32 s24  }
0x25c: {  	v19 =	vxor.u32 s23, v2;
	v24 =	vxor.u32 s25, v2;
	v25 =	vxor.u32 s26, v2;
	s25 =	sadd.s32 $0x4, s28;
	s26 =	sadd.s32 $0x5, s28;
	s23 =	sadd.s32 $0x8, s24;
	[tilespmem:v11+s12+$0x0] =	vst.idx.add.s32.msk $0xffff, v3  }
0x25d: {  	p1 =	slt.u32 s24, $0x3F8;
	v23 =	vand.u32 $0xFF0, v23;
	v11 =	vxor.u32 s25, v2;
	v26 =	vxor.u32 s26, v2;
	s25 =	sadd.s32 $0x6, s28;
	s26 =	sadd.s32 $0x7, s28;
	[tilespmem:v20+s12+$0x0] =	vst.idx.add.s32.msk $0xffff, v3  }
0x25e: {  	v7 =	vxor.u32 v7, v21;
	v20 =	vxor.u32 s25, v2;
	v27 =	vxor.u32 s26, v2;
	[tilespmem:v12+s12+$0x0] =	vst.idx.add.s32.msk $0xffff, v3  }
0x25f: {  	v21 =	vshra.s32 v9, $0x1F;
	v12 =	vor.u32 $0x80000000, v22;
	v22 =	vshrl.u32 v7, $0x14;
	[tilespmem:v16+s12+$0x0] =	vst.idx.add.s32.msk $0xffff, v3  }
0x260: {  	v16 =	vor.u32 $0x80000000, v21;
	v10 =	vxor.u32 v10, v12;
	v21 =	vand.u32 $0xFF0, v22;
	[tilespmem:s22+$0xFFFFFFE0] =	vst v7  }
0x261: {  	v7 =	vshra.s32 v13, $0x1F;
	v9 =	vxor.u32 v9, v16;
	v12 =	vshrl.u32 v10, $0x14;
	v22 =	vld.idx.msk [tilespmem:v25+s10+$0x0], $0xffff;
	[tilespmem:s22+$0x20] =	vst v10  }
0x262: {  	v7 =	vor.u32 $0x80000000, v7;
	v10 =	vshrl.u32 v9, $0x14;
	v12 =	vand.u32 $0xFF0, v12;
	v25 =	vld.idx.msk [tilespmem:v11+s10+$0x0], $0xffff;
	[tilespmem:s22+$0xFFFFFFD0] =	vst v18  }
0x263: {  	v13 =	vxor.u32 v13, v7;
	v18 =	vld.idx.msk [tilespmem:v19+s10+$0x0], $0xffff;
	[tilespmem:s22+$0x0] =	vst v14;
	v14 =	vand.u32 $0xFF0, v10  }
0x264: {  	v11 =	vor.u32 v1, v15;
	v10 =	vor.u32 $0x80000000, v17;
	v16 =	vshrl.u32 v13, $0x14;
	v7 =	vld.idx.msk [tilespmem:v24+s10+$0x0], $0xffff;
	[tilespmem:s22+$0xFFFFFFF0] =	vst v8  }
0x265: {  	v8 =	vxor.u32 s28, v2;
	v15 =	vxor.u32 v5, v10;
	v5 =	vand.u32 $0xFF0, v16  }
0x266: {  	v12 =	vor.u32 v1, v12;
	v10 =	vshrl.u32 v15, $0x14;
	v17 =	vor.u32 v1, v5  }
0x267: {  	v23 =	vor.u32 v1, v23;
	v16 =	vshra.s32 v22, $0x1F;
	v24 =	vand.u32 $0xFF0, v10;
	v5 =	vld.idx.msk [tilespmem:v26+s10+$0x0], $0xffff  }
0x268: {  	v26 =	vor.u32 v1, v21;
	v10 =	vld.idx.msk [tilespmem:v20+s10+$0x0], $0xffff;
	v20 =	vor.u32 $0x80000000, v16;
	[tilespmem:s22+$0x30] =	vst v9;
	v16 =	vor.u32 v1, v14  }
.Ltmp14:
0x269: {  	v19 =	vor.u32 v1, v6;
	v21 =	vshra.s32 v25, $0x1F;
	v14 =	vshra.s32 v18, $0x1F;
	v9 =	vld.idx.msk [tilespmem:v27+s10+$0x0], $0xffff;
	[tilespmem:s22+$0xFFFFFFC0] =	vst v13;
	(pc) =	sbr.rel @p1 .LBB2_25-.Ltmp14, $4  }
0x26a: {  	v6 =	vor.u32 $0x80000000, v14;
	v14 =	vor.u32 $0x80000000, v21;
	v13 =	vld.idx.msk [tilespmem:v8+s10+$0x0], $0xffff;
	v8 =	vxor.u32 v22, v20;
	[tilespmem:s22+$0x10] =	vst v15  }
0x26b: {  	v21 =	vshra.s32 v7, $0x1F;
	v14 =	vxor.u32 v25, v14;
	v20 =	vor.u32 v1, v24;
	[tilespmem:v17+s12+$0x0] =	vst.idx.add.s32.msk $0xffff, v3  }
0x26c: {  	v18 =	vxor.u32 v18, v6;
	v6 =	vshrl.u32 v8, $0x14;
	v15 =	vshrl.u32 v14, $0x14;
	[tilespmem:v23+s12+$0x0] =	vst.idx.add.s32.msk $0xffff, v3  }
0x26d: {  	s24 =	smov.u32 s23;
	s22 =	sadd.s32 $0x80, s22;
	v17 =	vshra.s32 v5, $0x1F;
	v6 =	vand.u32 $0xFF0, v6;
	v15 =	vand.u32 $0xFF0, v15;
	[tilespmem:v26+s12+$0x0] =	vst.idx.add.s32.msk $0xffff, v3  }
0x26e: {  	_ =	sdelay $0x3  }
0x26f: {  	[tilespmem:v19+s12+$0x0] =	vst.idx.add.s32.msk $0xffff, v3  }
0x270: {  	[tilespmem:v11+s12+$0x0] =	vst.idx.add.s32.msk $0xffff, v3  }
0x271: {  	[tilespmem:v20+s12+$0x0] =	vst.idx.add.s32.msk $0xffff, v3  }
0x272: {  	v60 =	vshra.s32 v10, $0x1F;
	v11 =	vor.u32 $0x80000000, v21;
	[tilespmem:v12+s12+$0x0] =	vst.idx.add.s32.msk $0xffff, v3;
	v12 =	vshra.s32 v13, $0x1F  }
0x273: {  	[tilespmem:s22+$0xFFFFFFD0] =	vst v18;
	v7 =	vxor.u32 v7, v11;
	v11 =	vor.u32 $0x80000000, v60;
	v12 =	vor.u32 $0x80000000, v12  }
0x274: {  	[tilespmem:s22+$0x0] =	vst v14;
	v14 =	vor.u32 $0x80000000, v17;
	v10 =	vxor.u32 v10, v11;
	v11 =	vxor.u32 v13, v12  }
0x275: {  	[tilespmem:s22+$0xFFFFFFF0] =	vst v8;
	v5 =	vxor.u32 v5, v14;
	v13 =	vshrl.u32 v11, $0x14  }
0x276: {  	v61 =	vshrl.u32 v18, $0x14;
	v62 =	vshra.s32 v9, $0x1F;
	[tilespmem:s22+$0x10] =	vst v5;
	v13 =	vand.u32 $0xFF0, v13  }
0x277: {  	[tilespmem:s22+$0xFFFFFFE0] =	vst v7;
	v7 =	vshrl.u32 v7, $0x14;
	v12 =	vand.u32 $0xFF0, v61;
	v13 =	vor.u32 v1, v13  }
0x278: {  	[tilespmem:v16+s12+$0x0] =	vst.idx.add.s32.msk $0xffff, v3;
	v16 =	vor.u32 $0x80000000, v62;
	v7 =	vand.u32 $0xFF0, v7;
	v8 =	vor.u32 v1, v12  }
0x279: {  	[tilespmem:s22+$0x20] =	vst v10;
	v9 =	vxor.u32 v9, v16;
	v7 =	vor.u32 v1, v7  }
0x27a: {  	v6 =	vor.u32 v1, v6;
	[tilespmem:s22+$0x30] =	vst v9;
	v12 =	vshrl.u32 v5, $0x14  }
0x27b: {  	v10 =	vshrl.u32 v10, $0x14;
	[tilespmem:s22+$0xFFFFFFC0] =	vst v11;
	v11 =	vor.u32 v1, v15;
	v12 =	vand.u32 $0xFF0, v12  }
0x27c: {  	v5 =	vshrl.u32 v9, $0x14;
	v9 =	vand.u32 $0xFF0, v10;
	v10 =	vor.u32 v1, v12;
	[tilespmem:v13+s12+$0x0] =	vst.idx.add.s32.msk $0xffff, v3  }
0x27d: {  	v5 =	vand.u32 $0xFF0, v5;
	v9 =	vor.u32 v1, v9;
	[tilespmem:v8+s12+$0x0] =	vst.idx.add.s32.msk $0xffff, v3  }
0x27e: {  	v5 =	vor.u32 v1, v5;
	[tilespmem:v7+s12+$0x0] =	vst.idx.add.s32.msk $0xffff, v3  }
0x27f: {  	[tilespmem:v6+s12+$0x0] =	vst.idx.add.s32.msk $0xffff, v3  }
0x280: {  	[tilespmem:v11+s12+$0x0] =	vst.idx.add.s32.msk $0xffff, v3  }
0x281: {  	[tilespmem:v10+s12+$0x0] =	vst.idx.add.s32.msk $0xffff, v3  }
0x282: {  	[tilespmem:v9+s12+$0x0] =	vst.idx.add.s32.msk $0xffff, v3  }
0x283: {  	s23 =	simm.s32 $0xCFF0;
	[tilespmem:v5+s12+$0x0] =	vst.idx.add.s32.msk $0xffff, v3  }
0x284: {  	v7 =	vld [tilespmem:s23+$0x0]  }
0x285: {  	v8 =	vld [tilespmem:s23+$0xFFFFFFF0]  }
0x286: {  	v9 =	vld [tilespmem:s23+$0xFFFFFFE0]  }
0x287: {  	v10 =	vld [tilespmem:s23+$0xFFFFFFD0]  }
0x288: {  	v5 =	vimm.s32 $0x0;
	v13 =	vld [tilespmem:s23+$0xFFFFFFC0]  }
0x289: {  	s29 =	simm.s32 $0xFF;
	vm0 =	vlt.s32 v5, $0xCD;
	v14 =	vadd.s32 v5, v7  }
0x28a: {  	s24 =	simm.s32 $0xFE;
	v7 =	vsel vm0, s29, v5;
	vm1 =	vlt.s32 v14, $0xCD;
	v63 =	vadd.s32 v8, v14  }
0x28b: {  	s30 =	simm.s32 $0xFD;
	p1 =	por $0x1, $0x1;
	v15 =	vld [tilespmem:s23+$0xFFFFFFB0];
	v7 =	vsel vm1, s24, v7;
	vm3 =	vlt.s32 v63, $0xCD;
	v12 =	vadd.s32 v9, v63  }
.Ltmp15:
0x28c: {  	s31 =	simm.s32 $0xFC;
	v8 =	vsel vm3, s30, v7;
	vm2 =	vlt.s32 v12, $0xCD;
	v11 =	vadd.s32 v10, v12;
	v7 =	vld [tilespmem:s23+$0xFFFFFFA0];
	(pc) =	sbr.rel @!p1 .LBB2_28-.Ltmp15, $4  }
0x28d: {  	v10 =	vsel vm2, s31, v8;
	v8 =	vadd.s32 v13, v11;
	v13 =	vld [tilespmem:s23+$0xFFFFFF90]  }
0x28e: {  	v6 =	vsel vm0, v5, v5  }
0x28f: {  	v9 =	vsel vm1, v14, v6  }
0x290: {  	s22 =	simm.s32 $0xF0;
	s24 =	simm.s32 $0xF8;
	v14 =	vsel vm3, v63, v9;
	vm1 =	vlt.s32 v11, $0xCD;
	s23 =	simm.s32 $0xCF70;
	v9 =	vadd.s32 v15, v8  }
.LBB2_27:
0x291: {  	v15 =	vld [tilespmem:s23+$0x0];
	p1 =	sne.s32 s22, $0x0;
	v12 =	vsel vm2, v12, v14;
	vm2 =	vlt.s32 v8, $0xCD;
	v7 =	vadd.s32 v7, v9;
	s25 =	smov.u32 s22;
	s22 =	sadd.s32 $0xFFFFFFF8, s22  }
0x292: {  	s26 =	sadd.s32 $0x3, s24;
	vm3 =	vlt.s32 v9, $0xCD;
	v14 =	vld [tilespmem:s23+$0xFFFFFFF0];
	v11 =	vsel vm1, v11, v12;
	v12 =	vadd.s32 v13, v7  }
0x293: {  	s28 =	sadd.s32 $0x2, s24;
	v10 =	vsel vm1, s26, v10;
	v16 =	vld [tilespmem:s23+$0xFFFFFFE0];
	vm4 =	vlt.s32 v12, $0xCD;
	v8 =	vsel vm2, v8, v11  }
0x294: {  	s26 =	sadd.s32 $0x1, s24;
	vm1 =	vlt.s32 v7, $0xCD;
	v10 =	vsel vm2, s28, v10;
	v11 =	vld [tilespmem:s23+$0xFFFFFFD0];
	v8 =	vsel vm3, v9, v8  }
0x295: {  	v10 =	vsel vm3, s26, v10;
	v9 =	vld [tilespmem:s23+$0xFFFFFFC0];
	v7 =	vsel vm1, v7, v8  }
0x296: {  	s26 =	sadd.s32 $0x7, s25;
	v10 =	vsel vm1, s24, v10;
	s24 =	smov.u32 s25;
	v17 =	vld [tilespmem:s23+$0xFFFFFFB0];
	v8 =	vsel vm4, v12, v7;
	v15 =	vadd.s32 v12, v15  }
.Ltmp16:
0x297: {  	s25 =	sadd.s32 $0x6, s24;
	v10 =	vsel vm4, s26, v10;
	v7 =	vld [tilespmem:s23+$0xFFFFFFA0];
	vm1 =	vlt.s32 v15, $0xCD;
	v14 =	vadd.s32 v14, v15;
	(pc) =	sbr.rel @p1 .LBB2_27-.Ltmp16, $4  }
0x298: {  	s26 =	sadd.s32 $0x5, s24;
	v13 =	vld [tilespmem:s23+$0xFFFFFF90];
	v10 =	vsel vm1, s25, v10;
	vm3 =	vlt.s32 v14, $0xCD;
	v12 =	vadd.s32 v16, v14  }
0x299: {  	s25 =	sadd.s32 $0x4, s24;
	v10 =	vsel vm3, s26, v10;
	vm2 =	vlt.s32 v12, $0xCD;
	v11 =	vadd.s32 v11, v12  }
0x29a: {  	v15 =	vsel vm1, v15, v8;
	v10 =	vsel vm2, s25, v10;
	v8 =	vadd.s32 v9, v11  }
0x29b: {  	s23 =	sadd.s32 $0xFFFFFF80, s23;
	v14 =	vsel vm3, v14, v15;
	vm1 =	vlt.s32 v11, $0xCD;
	v9 =	vadd.s32 v17, v8  }
.LBB2_28:
0x29c: {  	s22 =	simm.s32 $0xC040  }
0x29d: {  	v13 =	vld [tilespmem:s22+$0xFFFFFFC0]  }
0x29e: {  	v15 =	vld [tilespmem:s22+$0xFFFFFFD0]  }
0x29f: {  	v12 =	vsel vm2, v12, v14;
	vm2 =	vlt.s32 v8, $0xCD;
	s23 =	sadd.s32 $0x3, s24;
	vm3 =	vlt.s32 v9, $0xCD  }
0x2a0: {  	s25 =	sadd.s32 $0x2, s24;
	v7 =	vadd.s32 v7, v9;
	v16 =	vld [tilespmem:s22+$0xFFFFFFE0];
	v11 =	vsel vm1, v11, v12;
	v10 =	vsel vm1, s23, v10  }
0x2a1: {  	s29 =	sadd.s32 $0x1, s24;
	v17 =	vld [tilespmem:s22+$0xFFFFFFF0];
	vm1 =	vlt.s32 v7, $0xCD;
	v8 =	vsel vm2, v8, v11;
	v10 =	vsel vm2, s25, v10  }
0x2a2: {  	s30 =	simm.s32 $0x0;
	v12 =	vld [tilespmem:s22+$0x0];
	v8 =	vsel vm3, v9, v8;
	v9 =	vsel vm3, s29, v10;
	v10 =	vadd.s32 v5, v13  }
0x2a3: {  	s26 =	simm.s32 $0x1;
	v11 =	vld [tilespmem:s22+$0x10];
	v5 =	vsel vm0, s30, v5;
	vm0 =	vlt.s32 v10, $0xCD;
	v14 =	vadd.s32 v15, v10  }
0x2a4: {  	s31 =	simm.s32 $0x2;
	[tilespmem:s22+$0xFFFFFFC0] =	vst v0;
	v7 =	vsel vm1, v7, v8;
	v5 =	vsel vm0, s26, v5;
	vm2 =	vlt.s32 v14, $0xCD  }
0x2a5: {  	[tilespmem:s22+$0xFFFFFFD0] =	vst v0;
	v13 =	vld [tilespmem:s22+$0x20];
	v16 =	vadd.s32 v16, v14;
	v6 =	vsel vm0, v10, v6;
	v19 =	vsel vm2, s31, v5  }
0x2a6: {  	[tilespmem:s22+$0xFFFFFFE0] =	vst v0;
	s23 =	simm.s32 $0xC0C0;
	v8 =	vld [tilespmem:s22+$0x30];
	s26 =	simm.s32 $0x3;
	vm3 =	vlt.s32 v16, $0xCD;
	v5 =	vsel vm1, s24, v9;
	v9 =	vadd.s32 v17, v16  }
0x2a7: {  	[tilespmem:s22+$0x0] =	vst v0;
	v15 =	vld [tilespmem:s23+$0xFFFFFFC0];
	v6 =	vsel vm2, v14, v6;
	v17 =	vsel vm3, s26, v19;
	v12 =	vadd.s32 v12, v9  }
0x2a8: {  	[tilespmem:s22+$0x10] =	vst v0;
	v18 =	vld [tilespmem:s23+$0xFFFFFFD0];
	s29 =	simm.s32 $0x4;
	vm0 =	vlt.s32 v9, $0xCD;
	v6 =	vsel vm3, v16, v6;
	v20 =	vadd.s32 v11, v12  }
0x2a9: {  	[tilespmem:s23+$0xFFFFFFD0] =	vst v0;
	s30 =	simm.s32 $0x5;
	v10 =	vsel vm0, s29, v17;
	vm1 =	vlt.s32 v12, $0xCD;
	v9 =	vsel vm0, v9, v6  }
0x2aa: {  	[tilespmem:s22+$0x20] =	vst v0;
	s31 =	simm.s32 $0x6;
	v19 =	vld [tilespmem:s23+$0xFFFFFFE0];
	v21 =	vadd.s32 v13, v20;
	vm4 =	vlt.s32 v20, $0xCD;
	v10 =	vsel vm1, s30, v10  }
0x2ab: {  	[tilespmem:s22+$0x30] =	vst v0;
	s26 =	simm.s32 $0x7;
	v17 =	vld [tilespmem:s23+$0xFFFFFFF0];
	v8 =	vadd.s32 v8, v21;
	vm3 =	vlt.s32 v21, $0xCD;
	v11 =	vsel vm4, s31, v10  }
0x2ac: {  	[tilespmem:s23+$0xFFFFFFC0] =	vst v0;
	v22 =	vld [tilespmem:s23+$0x0];
	s29 =	simm.s32 $0x8;
	vm5 =	vlt.s32 v8, $0xCD;
	v10 =	vadd.s32 v8, v15;
	v11 =	vsel vm3, s26, v11  }
0x2ad: {  	[tilespmem:s23+$0x0] =	vst v0;
	s30 =	simm.s32 $0x9;
	v14 =	vsel vm5, s29, v11;
	vm2 =	vlt.s32 v10, $0xCD;
	v11 =	vadd.s32 v18, v10  }
0x2ae: {  	[tilespmem:s23+$0xFFFFFFE0] =	vst v0;
	v6 =	vld [tilespmem:s23+$0x10];
	v9 =	vsel vm1, v12, v9;
	s31 =	simm.s32 $0xA;
	v15 =	vsel vm2, s30, v14;
	vm0 =	vlt.s32 v11, $0xCD  }
0x2af: {  	[tilespmem:s23+$0x10] =	vst v0;
	v13 =	vld [tilespmem:s23+$0x20];
	v12 =	vadd.s32 v19, v11;
	v16 =	vsel vm0, s31, v15;
	v15 =	vsel vm4, v20, v9  }
0x2b0: {  	s28 =	simm.s32 $0xB;
	s25 =	simm.s32 $0xC;
	[tilespmem:s23+$0x20] =	vst v0;
	v14 =	vld [tilespmem:s23+$0x30];
	vm1 =	vlt.s32 v12, $0xCD;
	v9 =	vadd.s32 v17, v12;
	v15 =	vsel vm3, v21, v15  }
0x2b1: {  	s24 =	simm.s32 $0xF;
	s26 =	simm.s32 $0x17;
	[tilespmem:s23+$0x30] =	vst v0;
	v16 =	vsel vm1, s28, v16;
	s28 =	simm.s32 $0xC140;
	v15 =	vsel vm5, v8, v15;
	v8 =	vadd.s32 v22, v9  }
.LBB2_29:
0x2b2: {  	s29 =	sadd.s32 $0xFFFFFFFD, s26;
	p1 =	sne.s32 s26, $0xFF;
	s30 =	smov.u32 s26  }
0x2b3: {  	v17 =	vld [tilespmem:s28+$0xFFFFFFC0];
	v10 =	vsel vm2, v10, v15;
	vm2 =	vlt.s32 v9, $0xCD;
	v15 =	vadd.s32 v6, v8;
	[tilespmem:s22+$0xFFFFFFF0] =	vst v0;
	s26 =	sadd.s32 $0x8, s26;
	s22 =	smov.u32 s23;
	s23 =	smov.u32 s28  }
0x2b4: {  	v18 =	vld [tilespmem:s28+$0xFFFFFFD0];
	[tilespmem:s28+$0xFFFFFFC0] =	vst v0;
	v6 =	vsel vm0, v11, v10;
	v10 =	vsel vm2, s25, v16;
	v16 =	vadd.s32 v13, v15;
	s25 =	smov.u32 s29  }
0x2b5: {  	vm5 =	vlt.s32 v8, $0xCD;
	s29 =	sadd.s32 $0xFFFFFFFE, s24;
	vm3 =	vlt.s32 v15, $0xCD;
	v19 =	vld [tilespmem:s28+$0xFFFFFFE0];
	[tilespmem:s28+$0xFFFFFFD0] =	vst v0;
	v20 =	vadd.s32 v14, v16  }
0x2b6: {  	s31 =	sadd.s32 $0xFFFFFFFF, s24;
	v6 =	vsel vm1, v12, v6;
	v10 =	vsel vm5, s29, v10;
	vm4 =	vlt.s32 v16, $0xCD;
	v21 =	vld [tilespmem:s28+$0xFFFFFFF0];
	[tilespmem:s28+$0xFFFFFFE0] =	vst v0  }
0x2b7: {  	v9 =	vsel vm2, v9, v6;
	v11 =	vsel vm3, s31, v10;
	v22 =	vld [tilespmem:s28+$0x0]  }
0x2b8: {  	s29 =	sadd.s32 $0xFFFFFFF9, s30;
	vm6 =	vlt.s32 v20, $0xCD;
	v11 =	vsel vm4, s24, v11;
	s24 =	smov.u32 s30;
	v6 =	vld [tilespmem:s28+$0x10];
	[tilespmem:s28+$0x0] =	vst v0;
	v10 =	vadd.s32 v20, v17  }
.Ltmp17:
0x2b9: {  	s30 =	sadd.s32 $0xFFFFFFFA, s24;
	v12 =	vsel vm6, s29, v11;
	v13 =	vld [tilespmem:s28+$0x20];
	[tilespmem:s28+$0x10] =	vst v0;
	vm2 =	vlt.s32 v10, $0xCD;
	v11 =	vadd.s32 v18, v10;
	(pc) =	sbr.rel @p1 .LBB2_29-.Ltmp17, $4  }
0x2ba: {  	v8 =	vsel vm5, v8, v9;
	s29 =	sadd.s32 $0xFFFFFFFB, s24;
	v14 =	vld [tilespmem:s28+$0x30];
	[tilespmem:s28+$0x20] =	vst v0;
	v12 =	vsel vm2, s30, v12;
	vm0 =	vlt.s32 v11, $0xCD  }
0x2bb: {  	v8 =	vsel vm3, v15, v8;
	[tilespmem:s28+$0x30] =	vst v0;
	v17 =	vsel vm0, s29, v12;
	v12 =	vadd.s32 v19, v11  }
0x2bc: {  	v8 =	vsel vm4, v16, v8;
	s29 =	sadd.s32 $0xFFFFFFFC, s24;
	vm1 =	vlt.s32 v12, $0xCD;
	v9 =	vadd.s32 v21, v12  }
0x2bd: {  	v15 =	vsel vm6, v20, v8;
	s28 =	sadd.s32 $0x80, s28;
	v16 =	vsel vm1, s29, v17;
	v8 =	vadd.s32 v22, v9  }
0x2be: {  	[tilespmem:s22+$0xFFFFFFF0] =	vst v0  }
0x2bf: {  	s29 =	simm.s32 $0x8040;
	[tilespmem:s23+$0xFFFFFFF0] =	vst v0  }
0x2c0: {  	vm4 =	vlt.s32 v9, $0xCD;
	v14 =	vld [tilespmem:s29+$0xFFFFFFC0]  }
0x2c1: {  	v17 =	vadd.s32 v6, v8;
	s30 =	sadd.s32 $0xFFFFFFFE, s24;
	vm6 =	vlt.s32 v8, $0xCD;
	v6 =	vsel vm4, s25, v16  }
0x2c2: {  	s31 =	sadd.s32 $0xFFFFFFFF, s24;
	v13 =	vadd.s32 v13, v17;
	vm3 =	vlt.s32 v17, $0xCD;
	v6 =	vsel vm6, s30, v6  }
0x2c3: {  	vm5 =	vlt.s32 v13, $0xCD;
	v6 =	vsel vm3, s31, v6  }
0x2c4: {  	v10 =	vsel vm2, v10, v15;
	v18 =	vld [tilespmem:s29+$0xFFFFFFD0];
	v16 =	vsel vm5, s24, v6  }
0x2c5: {  	v6 =	vshll.u32 v5, $0x18;
	v19 =	vand.u32 $0xFF000000, v14;
	v14 =	vshrl.u32 v14, $0xC  }
0x2c6: {  	v5 =	vshll.u32 v16, $0x18;
	v16 =	vld [tilespmem:s29+$0xFFFFFFE0];
	v14 =	vand.u32 $0xFF0, v14;
	vm7 =	veq.s32 v19, v6  }
0x2c7: {  	v10 =	vsel vm0, v11, v10;
	v15 =	vld [tilespmem:s29+$0x30];
	vm2 =	veq.s32 v19, v5;
	v14 =	vor.u32 v1, v14  }
0x2c8: {  	v11 =	vld [tilespmem:s29+$0xFFFFFFF0];
	v10 =	vsel vm1, v12, v10  }
0x2c9: {  	v20 =	vld [tilespmem:s29+$0x0];
	v9 =	vsel vm4, v9, v10;
	v12 =	vand.u32 $0xFF000000, v18;
	v18 =	vshrl.u32 v18, $0xC  }
0x2ca: {  	v19 =	vld [tilespmem:s29+$0x20];
	v18 =	vand.u32 $0xFF0, v18;
	vm0 =	veq.s32 v12, v6;
	vm1 =	veq.s32 v12, v5  }
0x2cb: {  	v12 =	vld [tilespmem:s29+$0x10];
	v18 =	vor.u32 v1, v18;
	v21 =	vand.u32 $0xFF000000, v16;
	v16 =	vshrl.u32 v16, $0xC  }
0x2cc: {  	vm8 =	veq.s32 v21, v5;
	v16 =	vand.u32 $0xFF0, v16;
	[tilespmem:v14+s12+$0x0] =	vst.idx.add.s32.msk vm7, v3;
	vm7 =	veq.s32 v21, v6  }
0x2cd: {  	s22 =	simm.s32 $0x80C0;
	v16 =	vor.u32 v1, v16;
	[tilespmem:v14+s13+$0x0] =	vst.idx.add.s32.msk vm2, v3;
	v14 =	vand.u32 $0xFF000000, v11;
	v11 =	vshrl.u32 v11, $0xC  }
0x2ce: {  	v63 =	vld [tilespmem:s22+$0xFFFFFFC0];
	v8 =	vsel vm6, v8, v9;
	vm2 =	veq.s32 v14, v6;
	v11 =	vand.u32 $0xFF0, v11  }
0x2cf: {  	v10 =	vld [tilespmem:s22+$0xFFFFFFD0];
	v8 =	vsel vm3, v17, v8;
	vm4 =	veq.s32 v14, v5;
	v11 =	vor.u32 v1, v11  }
0x2d0: {  	v9 =	vsel vm5, v13, v8;
	v13 =	vand.u32 $0xFF000000, v20;
	[tilespmem:v18+s12+$0x0] =	vst.idx.add.s32.msk vm0, v3  }
0x2d1: {  	v8 =	vand.u32 $0xFF000000, v15;
	v14 =	vshrl.u32 v20, $0xC;
	vm0 =	veq.s32 v13, v5;
	[tilespmem:v18+s13+$0x0] =	vst.idx.add.s32.msk vm1, v3  }
0x2d2: {  	v14 =	vand.u32 $0xFF0, v14;
	vm1 =	veq.s32 v13, v6;
	v13 =	vshrl.u32 v12, $0xC;
	[tilespmem:v16+s12+$0x0] =	vst.idx.add.s32.msk vm7, v3  }
0x2d3: {  	v12 =	vand.u32 $0xFF000000, v12;
	v18 =	vshrl.u32 v63, $0xC;
	v17 =	vor.u32 v1, v14;
	[tilespmem:v16+s13+$0x0] =	vst.idx.add.s32.msk vm8, v3  }
0x2d4: {  	v13 =	vand.u32 $0xFF0, v13;
	vm5 =	veq.s32 v12, v6;
	vm6 =	veq.s32 v12, v5;
	[tilespmem:v11+s12+$0x0] =	vst.idx.add.s32.msk vm2, v3  }
0x2d5: {  	v22 =	vor.u32 v1, v13;
	[tilespmem:v11+s13+$0x0] =	vst.idx.add.s32.msk vm4, v3;
	v11 =	vand.u32 $0xFF000000, v10;
	v10 =	vshrl.u32 v10, $0xC  }
0x2d6: {  	v23 =	vld [tilespmem:s22+$0x30];
	v16 =	vshrl.u32 v19, $0xC;
	v12 =	vand.u32 $0xFF0, v10;
	v10 =	vand.u32 $0xFF000000, v19  }
0x2d7: {  	v14 =	vshrl.u32 v15, $0xC;
	v15 =	vld [tilespmem:s22+$0xFFFFFFE0];
	v19 =	vand.u32 $0xFF0, v16;
	vm2 =	veq.s32 v10, v6  }
0x2d8: {  	v13 =	vld [tilespmem:s22+$0xFFFFFFF0];
	v16 =	vand.u32 $0xFF0, v18;
	vm3 =	veq.s32 v10, v5;
	v18 =	vor.u32 v1, v19  }
0x2d9: {  	v20 =	vand.u32 $0xFF0, v14;
	vm4 =	veq.s32 v8, v6;
	[tilespmem:v17+s12+$0x0] =	vst.idx.add.s32.msk vm1, v3  }
0x2da: {  	[tilespmem:v17+s13+$0x0] =	vst.idx.add.s32.msk vm0, v3;
	vm0 =	veq.s32 v8, v5;
	v17 =	vor.u32 v1, v20  }
0x2db: {  	v10 =	vshrl.u32 v23, $0xC;
	[tilespmem:v22+s12+$0x0] =	vst.idx.add.s32.msk vm5, v3  }
0x2dc: {  	s23 =	simm.s32 $0x8;
	v14 =	vand.u32 $0xFF000000, v63;
	v8 =	vand.u32 $0xFF000000, v23;
	v10 =	vand.u32 $0xFF0, v10;
	[tilespmem:v22+s13+$0x0] =	vst.idx.add.s32.msk vm6, v3  }
.LBB2_31:
0x2dd: {  	s23 =	sadd.s32 $0x8, s23;
	[tilespmem:v18+s12+$0x0] =	vst.idx.add.s32.msk vm2, v3  }
0x2de: {  	p1 =	slt.u32 s23, $0x3F8;
	[tilespmem:v18+s13+$0x0] =	vst.idx.add.s32.msk vm3, v3  }
0x2df: {  	[tilespmem:v17+s12+$0x0] =	vst.idx.add.s32.msk vm4, v3  }
0x2e0: {  	vm1 =	veq.s32 v14, v6;
	[tilespmem:v17+s13+$0x0] =	vst.idx.add.s32.msk vm0, v3  }
0x2e1: {  	vm4 =	veq.s32 v14, v5;
	v14 =	vor.u32 v1, v16;
	v17 =	vld [tilespmem:s22+$0x20]  }
0x2e2: {  	vm5 =	veq.s32 v11, v6;
	vm2 =	veq.s32 v11, v5;
	v16 =	vld [tilespmem:s22+$0x0]  }
0x2e3: {  	v11 =	vand.u32 $0xFF000000, v15;
	v15 =	vshrl.u32 v15, $0xC;
	v12 =	vor.u32 v1, v12;
	v18 =	vld [tilespmem:s22+$0x10];
	s22 =	sadd.s32 $0x80, s22  }
0x2e4: {  	vm6 =	veq.s32 v11, v6;
	vm3 =	veq.s32 v11, v5;
	v11 =	vand.u32 $0xFF0, v15;
	v19 =	vld [tilespmem:s22+$0xFFFFFFD0]  }
0x2e5: {  	v20 =	vand.u32 $0xFF000000, v13;
	v13 =	vshrl.u32 v13, $0xC;
	v21 =	vor.u32 v1, v11;
	v15 =	vld [tilespmem:s22+$0xFFFFFFC0]  }
0x2e6: {  	vm7 =	veq.s32 v20, v6;
	v11 =	vand.u32 $0xFF0, v13;
	vm0 =	veq.s32 v20, v5;
	[tilespmem:v14+s12+$0x0] =	vst.idx.add.s32.msk vm1, v3  }
0x2e7: {  	v20 =	vor.u32 v1, v11;
	v13 =	vand.u32 $0xFF000000, v16;
	v16 =	vshrl.u32 v16, $0xC;
	[tilespmem:v14+s13+$0x0] =	vst.idx.add.s32.msk vm4, v3  }
0x2e8: {  	vm1 =	veq.s32 v13, v5;
	v14 =	vshrl.u32 v18, $0xC;
	[tilespmem:v12+s12+$0x0] =	vst.idx.add.s32.msk vm5, v3;
	v22 =	vand.u32 $0xFF0, v16  }
0x2e9: {  	v11 =	vand.u32 $0xFF000000, v19;
	v16 =	vshrl.u32 v19, $0xC;
	[tilespmem:v12+s13+$0x0] =	vst.idx.add.s32.msk vm2, v3;
	v19 =	vand.u32 $0xFF0, v14  }
0x2ea: {  	vm5 =	veq.s32 v13, v6;
	v14 =	vand.u32 $0xFF000000, v15;
	v12 =	vand.u32 $0xFF0, v16;
	[tilespmem:v21+s12+$0x0] =	vst.idx.add.s32.msk vm6, v3  }
0x2eb: {  	v13 =	vshrl.u32 v15, $0xC;
	v15 =	vand.u32 $0xFF000000, v18;
	v19 =	vor.u32 v1, v19;
	[tilespmem:v21+s13+$0x0] =	vst.idx.add.s32.msk vm3, v3  }
0x2ec: {  	v16 =	vand.u32 $0xFF0, v13;
	vm6 =	veq.s32 v15, v6;
	v21 =	vor.u32 v1, v22;
	[tilespmem:v20+s12+$0x0] =	vst.idx.add.s32.msk vm7, v3  }
0x2ed: {  	v18 =	vand.u32 $0xFF000000, v17;
	v13 =	vshrl.u32 v17, $0xC;
	vm7 =	veq.s32 v15, v5;
	[tilespmem:v20+s13+$0x0] =	vst.idx.add.s32.msk vm0, v3  }
0x2ee: {  	vm2 =	veq.s32 v18, v6;
	v15 =	vand.u32 $0xFF0, v13;
	v20 =	vld [tilespmem:s22+$0x30]  }
0x2ef: {  	vm3 =	veq.s32 v18, v5;
	v18 =	vor.u32 v1, v15;
	v13 =	vld [tilespmem:s22+$0xFFFFFFF0]  }
.Ltmp18:
0x2f0: {  	vm4 =	veq.s32 v8, v6;
	v15 =	vld [tilespmem:s22+$0xFFFFFFE0];
	(pc) =	sbr.rel @p1 .LBB2_31-.Ltmp18, $4  }
0x2f1: {  	v17 =	vor.u32 v1, v10;
	vm0 =	veq.s32 v8, v5;
	[tilespmem:v21+s12+$0x0] =	vst.idx.add.s32.msk vm5, v3  }
0x2f2: {  	[tilespmem:v21+s13+$0x0] =	vst.idx.add.s32.msk vm1, v3  }
0x2f3: {  	v8 =	vand.u32 $0xFF000000, v20;
	v10 =	vshrl.u32 v20, $0xC;
	[tilespmem:v19+s12+$0x0] =	vst.idx.add.s32.msk vm6, v3  }
0x2f4: {  	v10 =	vand.u32 $0xFF0, v10;
	[tilespmem:v19+s13+$0x0] =	vst.idx.add.s32.msk vm7, v3  }
0x2f5: {  	_ =	sdelay $0x4  }
0x2f6: {  	[tilespmem:v18+s12+$0x0] =	vst.idx.add.s32.msk vm2, v3  }
0x2f7: {  	vm1 =	veq.s32 v14, v6;
	vm2 =	veq.s32 v14, v5;
	v14 =	vor.u32 v1, v16;
	v16 =	vld [tilespmem:s22+$0x0]  }
0x2f8: {  	[tilespmem:v18+s13+$0x0] =	vst.idx.add.s32.msk vm3, v3  }
0x2f9: {  	vm9 =	veq.s32 v11, v5;
	vm3 =	veq.s32 v11, v6;
	v11 =	vand.u32 $0xFF000000, v15;
	v18 =	vld [tilespmem:s22+$0x10]  }
0x2fa: {  	v12 =	vor.u32 v1, v12;
	v15 =	vshrl.u32 v15, $0xC;
	[tilespmem:v17+s12+$0x0] =	vst.idx.add.s32.msk vm4, v3;
	vm5 =	veq.s32 v11, v6  }
0x2fb: {  	[tilespmem:v17+s13+$0x0] =	vst.idx.add.s32.msk vm0, v3;
	vm0 =	veq.s32 v11, v5;
	v11 =	vand.u32 $0xFF0, v15;
	v15 =	vand.u32 $0xFF000000, v13  }
0x2fc: {  	v17 =	vld [tilespmem:s22+$0x20];
	v13 =	vshrl.u32 v13, $0xC;
	v11 =	vor.u32 v1, v11;
	vm6 =	veq.s32 v15, v6  }
0x2fd: {  	vm7 =	veq.s32 v15, v5;
	v13 =	vand.u32 $0xFF0, v13;
	v15 =	vand.u32 $0xFF000000, v16;
	[tilespmem:v14+s12+$0x0] =	vst.idx.add.s32.msk vm1, v3  }
0x2fe: {  	v16 =	vshrl.u32 v16, $0xC;
	v13 =	vor.u32 v1, v13;
	vm1 =	veq.s32 v15, v5;
	[tilespmem:v14+s13+$0x0] =	vst.idx.add.s32.msk vm2, v3  }
0x2ff: {  	v16 =	vand.u32 $0xFF0, v16;
	v14 =	vshrl.u32 v18, $0xC;
	vm2 =	veq.s32 v15, v6;
	[tilespmem:v12+s12+$0x0] =	vst.idx.add.s32.msk vm3, v3  }
0x300: {  	v15 =	vor.u32 v1, v16;
	[tilespmem:v12+s13+$0x0] =	vst.idx.add.s32.msk vm9, v3;
	v12 =	vand.u32 $0xFF0, v14;
	v14 =	vand.u32 $0xFF000000, v18  }
0x301: {  	[tilespmem:v11+s12+$0x0] =	vst.idx.add.s32.msk vm5, v3;
	v12 =	vor.u32 v1, v12;
	vm3 =	veq.s32 v14, v6  }
0x302: {  	[tilespmem:v11+s13+$0x0] =	vst.idx.add.s32.msk vm0, v3;
	v11 =	vand.u32 $0xFF000000, v17;
	vm0 =	veq.s32 v14, v5;
	v14 =	vshrl.u32 v17, $0xC  }
0x303: {  	[tilespmem:v13+s12+$0x0] =	vst.idx.add.s32.msk vm6, v3;
	vm10 =	veq.s32 v11, v6;
	v14 =	vand.u32 $0xFF0, v14  }
0x304: {  	vm11 =	veq.s32 v11, v5;
	[tilespmem:v13+s13+$0x0] =	vst.idx.add.s32.msk vm7, v3;
	v11 =	vor.u32 v1, v14  }
0x305: {  	vm12 =	veq.s32 v8, v6;
	[tilespmem:v15+s12+$0x0] =	vst.idx.add.s32.msk vm2, v3  }
0x306: {  	vm2 =	veq.s32 v8, v5;
	v8 =	vor.u32 v1, v10;
	[tilespmem:v15+s13+$0x0] =	vst.idx.add.s32.msk vm1, v3  }
0x307: {  	[tilespmem:v12+s12+$0x0] =	vst.idx.add.s32.msk vm3, v3  }
0x308: {  	[tilespmem:v12+s13+$0x0] =	vst.idx.add.s32.msk vm0, v3  }
0x309: {  	[tilespmem:v11+s12+$0x0] =	vst.idx.add.s32.msk vm10, v3  }
0x30a: {  	[tilespmem:v11+s13+$0x0] =	vst.idx.add.s32.msk vm11, v3  }
0x30b: {  	[tilespmem:v8+s12+$0x0] =	vst.idx.add.s32.msk vm12, v3  }
0x30c: {  	s22 =	simm.s32 $0xCFF0;
	[tilespmem:v8+s13+$0x0] =	vst.idx.add.s32.msk vm2, v3  }
0x30d: {  	v10 =	vld [tilespmem:s22+$0x0];
	_ =	sdelay $0x1  }
0x30e: {  	v11 =	vld [tilespmem:s22+$0xFFFFFFF0]  }
0x30f: {  	v12 =	vld [tilespmem:s22+$0xFFFFFFE0]  }
0x310: {  	v8 =	vsub.s32 $0xCD, v7;
	v7 =	vimm.s32 $0x0;
	v13 =	vld [tilespmem:s22+$0xFFFFFFD0]  }
0x311: {  	s24 =	simm.s32 $0xFF;
	v14 =	vld [tilespmem:s22+$0xFFFFFFC0];
	vm0 =	vlt.s32 v7, v8;
	v10 =	vadd.s32 v7, v10  }
0x312: {  	s25 =	simm.s32 $0xFE;
	v15 =	vld [tilespmem:s22+$0xFFFFFFB0];
	v17 =	vsel vm0, s24, v7;
	vm1 =	vlt.s32 v10, v8  }
0x313: {  	[tilespmem:s22+$0x0] =	vst v0;
	v7 =	vsel vm0, v7, v7;
	v11 =	vadd.s32 v11, v10;
	v17 =	vsel vm1, s25, v17  }
0x314: {  	s31 =	simm.s32 $0xFD;
	[tilespmem:s22+$0xFFFFFFE0] =	vst v0;
	v16 =	vld [tilespmem:s22+$0xFFFFFFA0];
	vm2 =	vlt.s32 v11, v8;
	v12 =	vadd.s32 v12, v11;
	v7 =	vsel vm1, v10, v7  }
0x315: {  	s23 =	simm.s32 $0xCF70;
	s26 =	simm.s32 $0xFC;
	[tilespmem:s22+$0xFFFFFFD0] =	vst v0;
	v20 =	vld [tilespmem:s22+$0xFFFFFF90];
	v17 =	vsel vm2, s31, v17;
	vm3 =	vlt.s32 v12, v8;
	v13 =	vadd.s32 v13, v12  }
0x316: {  	[tilespmem:s22+$0xFFFFFFC0] =	vst v0;
	v18 =	vld [tilespmem:s23+$0x0];
	v7 =	vsel vm2, v11, v7;
	v17 =	vsel vm3, s26, v17;
	v22 =	vadd.s32 v14, v13  }
0x317: {  	s29 =	simm.s32 $0xFB;
	[tilespmem:s22+$0xFFFFFFB0] =	vst v0;
	v19 =	vld [tilespmem:s23+$0xFFFFFFF0];
	vm0 =	vlt.s32 v13, v8;
	v7 =	vsel vm3, v12, v7;
	v23 =	vadd.s32 v15, v22  }
0x318: {  	s30 =	simm.s32 $0xFA;
	[tilespmem:s22+$0xFFFFFFA0] =	vst v0;
	v11 =	vsel vm0, s29, v17;
	vm13 =	vlt.s32 v22, v8;
	v12 =	vsel vm0, v13, v7  }
0x319: {  	[tilespmem:s22+$0xFFFFFF90] =	vst v0;
	v21 =	vld [tilespmem:s23+$0xFFFFFFE0];
	s31 =	simm.s32 $0xF9;
	v17 =	vadd.s32 v16, v23;
	vm14 =	vlt.s32 v23, v8;
	v11 =	vsel vm13, s30, v11  }
0x31a: {  	[tilespmem:s23+$0x0] =	vst v0;
	v10 =	vld [tilespmem:s23+$0xFFFFFFD0];
	s26 =	simm.s32 $0xF8;
	v20 =	vadd.s32 v20, v17;
	vm3 =	vlt.s32 v17, v8;
	v7 =	vsel vm14, s31, v11  }
0x31b: {  	[tilespmem:s23+$0xFFFFFFE0] =	vst v0;
	v24 =	vld [tilespmem:s23+$0xFFFFFFC0];
	s29 =	simm.s32 $0xF7;
	vm15 =	vlt.s32 v20, v8;
	v14 =	vadd.s32 v20, v18;
	v13 =	vsel vm3, s26, v7  }
0x31c: {  	[tilespmem:s23+$0xFFFFFFC0] =	vst v0;
	s30 =	simm.s32 $0xF6;
	v16 =	vld [tilespmem:s23+$0xFFFFFF90];
	v13 =	vsel vm15, s29, v13;
	vm2 =	vlt.s32 v14, v8;
	v15 =	vadd.s32 v19, v14  }
0x31d: {  	[tilespmem:s23+$0xFFFFFFD0] =	vst v0;
	v11 =	vld [tilespmem:s23+$0xFFFFFFB0];
	s31 =	simm.s32 $0xF5;
	v18 =	vsel vm13, v22, v12;
	v13 =	vsel vm2, s30, v13;
	vm1 =	vlt.s32 v15, v8  }
0x31e: {  	[tilespmem:s23+$0xFFFFFF90] =	vst v0;
	v7 =	vld [tilespmem:s23+$0xFFFFFFA0];
	v18 =	vsel vm14, v23, v18;
	v12 =	vadd.s32 v21, v15;
	v19 =	vsel vm1, s31, v13  }
0x31f: {  	s28 =	simm.s32 $0xF4;
	s24 =	simm.s32 $0xF0;
	[tilespmem:s23+$0xFFFFFFB0] =	vst v0;
	vm0 =	vlt.s32 v12, v8;
	v13 =	vadd.s32 v10, v12;
	v10 =	vsel vm3, v17, v18  }
0x320: {  	s25 =	simm.s32 $0xF3;
	[tilespmem:s23+$0xFFFFFFA0] =	vst v0;
	s26 =	simm.s32 $0xE8;
	v18 =	vsel vm15, v20, v10;
	v17 =	vsel vm0, s28, v19;
	v10 =	vadd.s32 v24, v13;
	s28 =	simm.s32 $0xCEF0  }
.LBB2_33:
0x321: {  	s29 =	sadd.s32 $0x3, s26;
	p1 =	sne.s32 s26, $0x0;
	s30 =	smov.u32 s26  }
0x322: {  	v19 =	vld [tilespmem:s28+$0x0];
	v14 =	vsel vm2, v14, v18;
	vm2 =	vlt.s32 v13, v8;
	v18 =	vadd.s32 v11, v10;
	[tilespmem:s22+$0xFFFFFFF0] =	vst v0;
	s26 =	sadd.s32 $0xFFFFFFF8, s26;
	s22 =	smov.u32 s23;
	s23 =	smov.u32 s28  }
0x323: {  	v20 =	vld [tilespmem:s28+$0xFFFFFFF0];
	[tilespmem:s28+$0x0] =	vst v0;
	v11 =	vsel vm1, v15, v14;
	v14 =	vsel vm2, s25, v17;
	v17 =	vadd.s32 v7, v18;
	s25 =	smov.u32 s29  }
0x324: {  	vm5 =	vlt.s32 v10, v8;
	s29 =	sadd.s32 $0x2, s24;
	vm3 =	vlt.s32 v18, v8;
	v21 =	vld [tilespmem:s28+$0xFFFFFFE0];
	v22 =	vadd.s32 v16, v17  }
0x325: {  	s31 =	sadd.s32 $0x1, s24;
	v7 =	vsel vm0, v12, v11;
	v11 =	vsel vm5, s29, v14;
	vm4 =	vlt.s32 v17, v8;
	v23 =	vld [tilespmem:s28+$0xFFFFFFD0];
	[tilespmem:s28+$0xFFFFFFE0] =	vst v0  }
0x326: {  	v12 =	vsel vm2, v13, v7;
	v7 =	vsel vm3, s31, v11;
	v24 =	vld [tilespmem:s28+$0xFFFFFFC0];
	[tilespmem:s28+$0xFFFFFFD0] =	vst v0  }
0x327: {  	s29 =	sadd.s32 $0x7, s30;
	vm6 =	vlt.s32 v22, v8;
	v13 =	vsel vm4, s24, v7;
	s24 =	smov.u32 s30;
	v11 =	vld [tilespmem:s28+$0xFFFFFFB0];
	[tilespmem:s28+$0xFFFFFFC0] =	vst v0;
	v14 =	vadd.s32 v22, v19  }
.Ltmp19:
0x328: {  	s30 =	sadd.s32 $0x6, s24;
	v13 =	vsel vm6, s29, v13;
	v7 =	vld [tilespmem:s28+$0xFFFFFFA0];
	[tilespmem:s28+$0xFFFFFFB0] =	vst v0;
	vm2 =	vlt.s32 v14, v8;
	v15 =	vadd.s32 v20, v14;
	(pc) =	sbr.rel @p1 .LBB2_33-.Ltmp19, $4  }
0x329: {  	v10 =	vsel vm5, v10, v12;
	s29 =	sadd.s32 $0x5, s24;
	v16 =	vld [tilespmem:s28+$0xFFFFFF90];
	[tilespmem:s28+$0xFFFFFFA0] =	vst v0;
	v13 =	vsel vm2, s30, v13;
	vm1 =	vlt.s32 v15, v8  }
0x32a: {  	v10 =	vsel vm3, v18, v10;
	v12 =	vadd.s32 v21, v15;
	[tilespmem:s28+$0xFFFFFF90] =	vst v0;
	v19 =	vsel vm1, s29, v13  }
0x32b: {  	v10 =	vsel vm4, v17, v10;
	s29 =	sadd.s32 $0x4, s24;
	vm0 =	vlt.s32 v12, v8;
	v13 =	vadd.s32 v23, v12  }
0x32c: {  	v18 =	vsel vm6, v22, v10;
	s28 =	sadd.s32 $0xFFFFFF80, s28;
	v17 =	vsel vm0, s29, v19;
	v10 =	vadd.s32 v24, v13  }
0x32d: {  	[tilespmem:s22+$0xFFFFFFF0] =	vst v0  }
0x32e: {  	s22 =	simm.s32 $0xD040;
	v14 =	vsel vm2, v14, v18;
	vm2 =	vlt.s32 v13, v8;
	[tilespmem:s23+$0xFFFFFFF0] =	vst v0  }
0x32f: {  	v11 =	vadd.s32 v11, v10;
	v9 =	vsub.s32 $0xCD, v9;
	v14 =	vsel vm1, v15, v14;
	v16 =	vld [tilespmem:s22+$0xFFFFFFC0]  }
0x330: {  	v15 =	vsel vm2, s25, v17;
	s25 =	sadd.s32 $0x2, s24;
	vm1 =	vlt.s32 v10, v8;
	v18 =	vadd.s32 v7, v11  }
0x331: {  	s26 =	sadd.s32 $0x1, s24;
	vm3 =	vlt.s32 v11, v8;
	v19 =	vld [tilespmem:s22+$0xFFFFFFD0];
	v7 =	vsel vm1, s25, v15;
	v12 =	vsel vm0, v12, v14  }
0x332: {  	v20 =	vld [tilespmem:s22+$0xFFFFFFE0];
	vm0 =	vlt.s32 v18, v8;
	v7 =	vsel vm3, s26, v7;
	v12 =	vsel vm2, v13, v12  }
0x333: {  	v17 =	vld [tilespmem:s22+$0xFFFFFFF0];
	v7 =	vsel vm0, s24, v7;
	v10 =	vsel vm1, v10, v12;
	v12 =	vimm.s32 $0x0  }
0x334: {  	s29 =	simm.s32 $0x0;
	v14 =	vld [tilespmem:s22+$0x0];
	v10 =	vsel vm3, v11, v10;
	vm1 =	vlt.s32 v12, v9;
	v11 =	vadd.s32 v12, v16  }
0x335: {  	s30 =	simm.s32 $0x1;
	v13 =	vld [tilespmem:s22+$0x10];
	v10 =	vsel vm0, v18, v10;
	v16 =	vsel vm1, s29, v12;
	vm2 =	vlt.s32 v11, v9  }
0x336: {  	[tilespmem:s22+$0xFFFFFFC0] =	vst v0;
	v12 =	vsel vm1, v12, v12;
	v19 =	vadd.s32 v19, v11;
	v16 =	vsel vm2, s30, v16  }
0x337: {  	s31 =	simm.s32 $0x2;
	[tilespmem:s22+$0xFFFFFFD0] =	vst v0;
	v15 =	vld [tilespmem:s22+$0x20];
	vm3 =	vlt.s32 v19, v9;
	v20 =	vadd.s32 v20, v19;
	v11 =	vsel vm2, v11, v12  }
0x338: {  	s23 =	simm.s32 $0xD0C0;
	[tilespmem:s22+$0xFFFFFFE0] =	vst v0;
	s26 =	simm.s32 $0x3;
	v18 =	vld [tilespmem:s22+$0x30];
	v16 =	vsel vm3, s31, v16;
	vm0 =	vlt.s32 v20, v9;
	v17 =	vadd.s32 v17, v20  }
0x339: {  	[tilespmem:s22+$0x0] =	vst v0;
	v21 =	vld [tilespmem:s23+$0xFFFFFFC0];
	v11 =	vsel vm3, v19, v11;
	v16 =	vsel vm0, s26, v16;
	v24 =	vadd.s32 v14, v17  }
0x33a: {  	[tilespmem:s22+$0x20] =	vst v0;
	v22 =	vld [tilespmem:s23+$0xFFFFFFD0];
	s29 =	simm.s32 $0x4;
	vm1 =	vlt.s32 v17, v9;
	v11 =	vsel vm0, v20, v11;
	v12 =	vadd.s32 v13, v24  }
0x33b: {  	[tilespmem:s22+$0x10] =	vst v0;
	s30 =	simm.s32 $0x5;
	v13 =	vsel vm1, s29, v16;
	vm3 =	vlt.s32 v24, v9;
	v11 =	vsel vm1, v17, v11  }
0x33c: {  	[tilespmem:s23+$0xFFFFFFC0] =	vst v0;
	v23 =	vld [tilespmem:s23+$0xFFFFFFE0];
	s31 =	simm.s32 $0x6;
	v25 =	vadd.s32 v15, v12;
	vm4 =	vlt.s32 v12, v9;
	v13 =	vsel vm3, s30, v13  }
0x33d: {  	[tilespmem:s22+$0x30] =	vst v0;
	v19 =	vld [tilespmem:s23+$0xFFFFFFF0];
	s26 =	simm.s32 $0x7;
	v26 =	vadd.s32 v18, v25;
	vm5 =	vlt.s32 v25, v9;
	v14 =	vsel vm4, s31, v13  }
0x33e: {  	[tilespmem:s23+$0xFFFFFFD0] =	vst v0;
	v27 =	vld [tilespmem:s23+$0x0];
	s29 =	simm.s32 $0x8;
	vm6 =	vlt.s32 v26, v9;
	v13 =	vadd.s32 v26, v21;
	v14 =	vsel vm5, s26, v14  }
0x33f: {  	[tilespmem:s23+$0xFFFFFFE0] =	vst v0;
	s30 =	simm.s32 $0x9;
	v15 =	vsel vm6, s29, v14;
	vm2 =	vlt.s32 v13, v9;
	v14 =	vadd.s32 v22, v13  }
0x340: {  	[tilespmem:s23+$0x0] =	vst v0;
	v16 =	vld [tilespmem:s23+$0x10];
	v11 =	vsel vm3, v24, v11;
	s31 =	simm.s32 $0xA;
	v15 =	vsel vm2, s30, v15;
	vm0 =	vlt.s32 v14, v9  }
0x341: {  	v17 =	vld [tilespmem:s23+$0x20];
	[tilespmem:s23+$0x10] =	vst v0;
	v11 =	vsel vm4, v12, v11;
	v20 =	vsel vm0, s31, v15;
	v15 =	vadd.s32 v23, v14  }
0x342: {  	s28 =	simm.s32 $0xB;
	s25 =	simm.s32 $0xC;
	[tilespmem:s23+$0x20] =	vst v0;
	v18 =	vld [tilespmem:s23+$0x30];
	v11 =	vsel vm5, v25, v11;
	vm1 =	vlt.s32 v15, v9;
	v12 =	vadd.s32 v19, v15  }
0x343: {  	s24 =	simm.s32 $0xF;
	[tilespmem:s23+$0x30] =	vst v0;
	s26 =	simm.s32 $0x17;
	v19 =	vsel vm6, v26, v11;
	v20 =	vsel vm1, s28, v20;
	v11 =	vadd.s32 v27, v12;
	s28 =	simm.s32 $0xD140  }
.LBB2_35:
0x344: {  	s29 =	sadd.s32 $0xFFFFFFFD, s26;
	p1 =	sne.s32 s26, $0xFF;
	s30 =	smov.u32 s26  }
0x345: {  	v21 =	vld [tilespmem:s28+$0xFFFFFFC0];
	v13 =	vsel vm2, v13, v19;
	vm2 =	vlt.s32 v12, v9;
	v19 =	vadd.s32 v16, v11;
	[tilespmem:s22+$0xFFFFFFF0] =	vst v0;
	s26 =	sadd.s32 $0x8, s26;
	s22 =	smov.u32 s23;
	s23 =	smov.u32 s28  }
0x346: {  	v22 =	vld [tilespmem:s28+$0xFFFFFFD0];
	[tilespmem:s28+$0xFFFFFFC0] =	vst v0;
	v13 =	vsel vm0, v14, v13;
	v14 =	vsel vm2, s25, v20;
	v20 =	vadd.s32 v17, v19;
	s25 =	smov.u32 s29  }
0x347: {  	vm5 =	vlt.s32 v11, v9;
	s29 =	sadd.s32 $0xFFFFFFFE, s24;
	vm3 =	vlt.s32 v19, v9;
	v23 =	vld [tilespmem:s28+$0xFFFFFFE0];
	[tilespmem:s28+$0xFFFFFFD0] =	vst v0;
	v24 =	vadd.s32 v18, v20  }
0x348: {  	s31 =	sadd.s32 $0xFFFFFFFF, s24;
	v13 =	vsel vm1, v15, v13;
	v14 =	vsel vm5, s29, v14;
	vm4 =	vlt.s32 v20, v9;
	v25 =	vld [tilespmem:s28+$0xFFFFFFF0];
	[tilespmem:s28+$0xFFFFFFE0] =	vst v0  }
0x349: {  	v12 =	vsel vm2, v12, v13;
	v14 =	vsel vm3, s31, v14;
	v26 =	vld [tilespmem:s28+$0x0]  }
0x34a: {  	s29 =	sadd.s32 $0xFFFFFFF9, s30;
	vm6 =	vlt.s32 v24, v9;
	v14 =	vsel vm4, s24, v14;
	s24 =	smov.u32 s30;
	v16 =	vld [tilespmem:s28+$0x10];
	[tilespmem:s28+$0x0] =	vst v0;
	v13 =	vadd.s32 v24, v21  }
.Ltmp20:
0x34b: {  	s30 =	sadd.s32 $0xFFFFFFFA, s24;
	v15 =	vsel vm6, s29, v14;
	v17 =	vld [tilespmem:s28+$0x20];
	[tilespmem:s28+$0x10] =	vst v0;
	vm2 =	vlt.s32 v13, v9;
	v14 =	vadd.s32 v22, v13;
	(pc) =	sbr.rel @p1 .LBB2_35-.Ltmp20, $4  }
0x34c: {  	v11 =	vsel vm5, v11, v12;
	s29 =	sadd.s32 $0xFFFFFFFB, s24;
	v18 =	vld [tilespmem:s28+$0x30];
	[tilespmem:s28+$0x20] =	vst v0;
	v15 =	vsel vm2, s30, v15;
	vm0 =	vlt.s32 v14, v9  }
0x34d: {  	v11 =	vsel vm3, v19, v11;
	[tilespmem:s28+$0x30] =	vst v0;
	v21 =	vsel vm0, s29, v15;
	v15 =	vadd.s32 v23, v14  }
0x34e: {  	v11 =	vsel vm4, v20, v11;
	s29 =	sadd.s32 $0xFFFFFFFC, s24;
	vm1 =	vlt.s32 v15, v9;
	v12 =	vadd.s32 v25, v15  }
0x34f: {  	v19 =	vsel vm6, v24, v11;
	s28 =	sadd.s32 $0x80, s28;
	v20 =	vsel vm1, s29, v21;
	v11 =	vadd.s32 v26, v12  }
0x350: {  	[tilespmem:s22+$0xFFFFFFF0] =	vst v0  }
0x351: {  	s29 =	simm.s32 $0x8040;
	vm4 =	vlt.s32 v12, v9;
	[tilespmem:s23+$0xFFFFFFF0] =	vst v0  }
0x352: {  	v16 =	vadd.s32 v16, v11;
	vm6 =	vlt.s32 v11, v9;
	v7 =	vshll.u32 v7, $0x10;
	v18 =	vld [tilespmem:s29+$0xFFFFFFC0]  }
0x353: {  	s30 =	sadd.s32 $0xFFFFFFFE, s24;
	v13 =	vsel vm2, v13, v19;
	v20 =	vsel vm4, s25, v20;
	v17 =	vadd.s32 v17, v16  }
0x354: {  	s31 =	sadd.s32 $0xFFFFFFFF, s24;
	vm3 =	vlt.s32 v16, v9;
	v13 =	vsel vm0, v14, v13;
	v20 =	vsel vm6, s30, v20  }
0x355: {  	vm5 =	vlt.s32 v17, v9;
	v21 =	vld [tilespmem:s29+$0xFFFFFFD0];
	v13 =	vsel vm1, v15, v13;
	v20 =	vsel vm3, s31, v20  }
0x356: {  	v6 =	vor.u32 v6, v7;
	v19 =	vld [tilespmem:s29+$0x30];
	v12 =	vsel vm4, v12, v13;
	v20 =	vsel vm5, s24, v20  }
0x357: {  	v14 =	vld [tilespmem:s29+$0xFFFFFFF0];
	v7 =	vshll.u32 v20, $0x10;
	v20 =	vand.u32 $0xFFFF0000, v18;
	v18 =	vshrl.u32 v18, $0x4  }
0x358: {  	v7 =	vor.u32 v5, v7;
	v5 =	vand.u32 $0xFF0, v18;
	v18 =	vld [tilespmem:s29+$0xFFFFFFE0];
	vm7 =	veq.s32 v20, v6  }
0x359: {  	s22 =	simm.s32 $0x80C0;
	v22 =	vld [tilespmem:s29+$0x0];
	v11 =	vsel vm6, v11, v12;
	vm2 =	veq.s32 v20, v7;
	v5 =	vor.u32 v1, v5  }
0x35a: {  	v26 =	vld [tilespmem:s22+$0x30];
	v11 =	vsel vm3, v16, v11  }
0x35b: {  	v12 =	vld [tilespmem:s22+$0xFFFFFFC0];
	v11 =	vsel vm5, v17, v11;
	v15 =	vand.u32 $0xFFFF0000, v21;
	v20 =	vshrl.u32 v21, $0x4  }
0x35c: {  	v21 =	vld [tilespmem:s29+$0x20];
	vm0 =	veq.s32 v15, v6;
	vm1 =	veq.s32 v15, v7;
	v20 =	vand.u32 $0xFF0, v20  }
0x35d: {  	v15 =	vld [tilespmem:s29+$0x10];
	v20 =	vor.u32 v1, v20;
	v23 =	vand.u32 $0xFFFF0000, v18;
	v18 =	vshrl.u32 v18, $0x4  }
0x35e: {  	[tilespmem:v5+s12+$0x0] =	vst.idx.add.s32.msk vm7, v3;
	vm7 =	veq.s32 v23, v6;
	vm8 =	veq.s32 v23, v7;
	v18 =	vand.u32 $0xFF0, v18  }
0x35f: {  	[tilespmem:v5+s13+$0x0] =	vst.idx.add.s32.msk vm2, v3;
	v5 =	vand.u32 $0xFFFF0000, v14;
	v14 =	vshrl.u32 v14, $0x4;
	v18 =	vor.u32 v1, v18  }
0x360: {  	v17 =	vld [tilespmem:s22+$0xFFFFFFE0];
	vm2 =	veq.s32 v5, v6;
	v13 =	vand.u32 $0xFF0, v14;
	vm4 =	veq.s32 v5, v7  }
0x361: {  	v23 =	vld [tilespmem:s22+$0xFFFFFFD0];
	v14 =	vshrl.u32 v22, $0x4;
	v5 =	vor.u32 v1, v13;
	v13 =	vand.u32 $0xFFFF0000, v22  }
0x362: {  	[tilespmem:v20+s12+$0x0] =	vst.idx.add.s32.msk vm0, v3;
	v14 =	vand.u32 $0xFF0, v14;
	vm0 =	veq.s32 v13, v7  }
0x363: {  	[tilespmem:v20+s13+$0x0] =	vst.idx.add.s32.msk vm1, v3;
	vm1 =	veq.s32 v13, v6;
	v13 =	vshrl.u32 v15, $0x4;
	v15 =	vand.u32 $0xFFFF0000, v15  }
0x364: {  	v22 =	vor.u32 v1, v14;
	vm5 =	veq.s32 v15, v6;
	vm6 =	veq.s32 v15, v7;
	v15 =	vld [tilespmem:s22+$0xFFFFFFF0]  }
0x365: {  	v24 =	vand.u32 $0xFFFF0000, v19;
	v14 =	vshrl.u32 v19, $0x4;
	v13 =	vand.u32 $0xFF0, v13;
	[tilespmem:v18+s12+$0x0] =	vst.idx.add.s32.msk vm7, v3  }
0x366: {  	v19 =	vand.u32 $0xFFFF0000, v21;
	v25 =	vor.u32 v1, v13;
	[tilespmem:v18+s13+$0x0] =	vst.idx.add.s32.msk vm8, v3;
	v18 =	vshrl.u32 v21, $0x4  }
0x367: {  	[tilespmem:v5+s12+$0x0] =	vst.idx.add.s32.msk vm2, v3;
	vm2 =	veq.s32 v19, v6;
	v20 =	vand.u32 $0xFF0, v18  }
0x368: {  	v16 =	vand.u32 $0xFFFF0000, v12;
	vm3 =	veq.s32 v19, v7;
	[tilespmem:v5+s13+$0x0] =	vst.idx.add.s32.msk vm4, v3;
	v20 =	vor.u32 v1, v20  }
0x369: {  	v12 =	vshrl.u32 v12, $0x4;
	v5 =	vand.u32 $0xFF0, v14;
	vm4 =	veq.s32 v24, v6;
	[tilespmem:v22+s12+$0x0] =	vst.idx.add.s32.msk vm1, v3  }
0x36a: {  	v13 =	vand.u32 $0xFFFF0000, v23;
	v19 =	vor.u32 v1, v5;
	[tilespmem:v22+s13+$0x0] =	vst.idx.add.s32.msk vm0, v3;
	vm0 =	veq.s32 v24, v7  }
0x36b: {  	v18 =	vand.u32 $0xFF0, v12;
	v12 =	vshrl.u32 v26, $0x4;
	v14 =	vshrl.u32 v23, $0x4;
	[tilespmem:v25+s12+$0x0] =	vst.idx.add.s32.msk vm5, v3  }
0x36c: {  	s23 =	simm.s32 $0x8;
	v12 =	vand.u32 $0xFF0, v12;
	v14 =	vand.u32 $0xFF0, v14;
	v5 =	vand.u32 $0xFFFF0000, v26;
	[tilespmem:v25+s13+$0x0] =	vst.idx.add.s32.msk vm6, v3  }
.LBB2_37:
0x36d: {  	s23 =	sadd.s32 $0x8, s23;
	[tilespmem:v20+s12+$0x0] =	vst.idx.add.s32.msk vm2, v3  }
0x36e: {  	p1 =	slt.u32 s23, $0x3F8;
	[tilespmem:v20+s13+$0x0] =	vst.idx.add.s32.msk vm3, v3  }
0x36f: {  	[tilespmem:v19+s12+$0x0] =	vst.idx.add.s32.msk vm4, v3  }
0x370: {  	vm1 =	veq.s32 v16, v6;
	[tilespmem:v19+s13+$0x0] =	vst.idx.add.s32.msk vm0, v3  }
0x371: {  	vm4 =	veq.s32 v16, v7;
	v16 =	vor.u32 v1, v18;
	v19 =	vld [tilespmem:s22+$0x20]  }
0x372: {  	vm5 =	veq.s32 v13, v6;
	vm2 =	veq.s32 v13, v7;
	v18 =	vld [tilespmem:s22+$0x0]  }
0x373: {  	v13 =	vand.u32 $0xFFFF0000, v17;
	v17 =	vshrl.u32 v17, $0x4;
	v14 =	vor.u32 v1, v14;
	v20 =	vld [tilespmem:s22+$0x10];
	s22 =	sadd.s32 $0x80, s22  }
0x374: {  	vm6 =	veq.s32 v13, v6;
	vm3 =	veq.s32 v13, v7;
	v13 =	vand.u32 $0xFF0, v17;
	v21 =	vld [tilespmem:s22+$0xFFFFFFD0]  }
0x375: {  	v22 =	vand.u32 $0xFFFF0000, v15;
	v15 =	vshrl.u32 v15, $0x4;
	v23 =	vor.u32 v1, v13;
	v17 =	vld [tilespmem:s22+$0xFFFFFFC0]  }
0x376: {  	vm7 =	veq.s32 v22, v6;
	v13 =	vand.u32 $0xFF0, v15;
	vm0 =	veq.s32 v22, v7;
	[tilespmem:v16+s12+$0x0] =	vst.idx.add.s32.msk vm1, v3  }
0x377: {  	v22 =	vor.u32 v1, v13;
	v15 =	vand.u32 $0xFFFF0000, v18;
	v18 =	vshrl.u32 v18, $0x4;
	[tilespmem:v16+s13+$0x0] =	vst.idx.add.s32.msk vm4, v3  }
0x378: {  	vm1 =	veq.s32 v15, v7;
	v16 =	vshrl.u32 v20, $0x4;
	[tilespmem:v14+s12+$0x0] =	vst.idx.add.s32.msk vm5, v3;
	v24 =	vand.u32 $0xFF0, v18  }
0x379: {  	v13 =	vand.u32 $0xFFFF0000, v21;
	v18 =	vshrl.u32 v21, $0x4;
	[tilespmem:v14+s13+$0x0] =	vst.idx.add.s32.msk vm2, v3;
	v21 =	vand.u32 $0xFF0, v16  }
0x37a: {  	vm5 =	veq.s32 v15, v6;
	v16 =	vand.u32 $0xFFFF0000, v17;
	v14 =	vand.u32 $0xFF0, v18;
	[tilespmem:v23+s12+$0x0] =	vst.idx.add.s32.msk vm6, v3  }
0x37b: {  	v15 =	vshrl.u32 v17, $0x4;
	v17 =	vand.u32 $0xFFFF0000, v20;
	v21 =	vor.u32 v1, v21;
	[tilespmem:v23+s13+$0x0] =	vst.idx.add.s32.msk vm3, v3  }
0x37c: {  	v18 =	vand.u32 $0xFF0, v15;
	vm6 =	veq.s32 v17, v6;
	v23 =	vor.u32 v1, v24;
	[tilespmem:v22+s12+$0x0] =	vst.idx.add.s32.msk vm7, v3  }
0x37d: {  	v20 =	vand.u32 $0xFFFF0000, v19;
	v15 =	vshrl.u32 v19, $0x4;
	vm7 =	veq.s32 v17, v7;
	[tilespmem:v22+s13+$0x0] =	vst.idx.add.s32.msk vm0, v3  }
0x37e: {  	vm2 =	veq.s32 v20, v6;
	v17 =	vand.u32 $0xFF0, v15;
	v22 =	vld [tilespmem:s22+$0x30]  }
0x37f: {  	vm3 =	veq.s32 v20, v7;
	v20 =	vor.u32 v1, v17;
	v15 =	vld [tilespmem:s22+$0xFFFFFFF0]  }
.Ltmp21:
0x380: {  	vm4 =	veq.s32 v5, v6;
	v17 =	vld [tilespmem:s22+$0xFFFFFFE0];
	(pc) =	sbr.rel @p1 .LBB2_37-.Ltmp21, $4  }
0x381: {  	v19 =	vor.u32 v1, v12;
	vm0 =	veq.s32 v5, v7;
	[tilespmem:v23+s12+$0x0] =	vst.idx.add.s32.msk vm5, v3  }
0x382: {  	[tilespmem:v23+s13+$0x0] =	vst.idx.add.s32.msk vm1, v3  }
0x383: {  	v5 =	vand.u32 $0xFFFF0000, v22;
	v12 =	vshrl.u32 v22, $0x4;
	[tilespmem:v21+s12+$0x0] =	vst.idx.add.s32.msk vm6, v3  }
0x384: {  	v12 =	vand.u32 $0xFF0, v12;
	[tilespmem:v21+s13+$0x0] =	vst.idx.add.s32.msk vm7, v3  }
0x385: {  	_ =	sdelay $0x4  }
0x386: {  	[tilespmem:v20+s12+$0x0] =	vst.idx.add.s32.msk vm2, v3  }
0x387: {  	vm1 =	veq.s32 v16, v6;
	vm2 =	veq.s32 v16, v7;
	v16 =	vor.u32 v1, v18;
	v18 =	vld [tilespmem:s22+$0x0]  }
0x388: {  	[tilespmem:v20+s13+$0x0] =	vst.idx.add.s32.msk vm3, v3  }
0x389: {  	vm9 =	veq.s32 v13, v7;
	vm3 =	veq.s32 v13, v6;
	v13 =	vand.u32 $0xFFFF0000, v17;
	v20 =	vld [tilespmem:s22+$0x10]  }
0x38a: {  	v14 =	vor.u32 v1, v14;
	v17 =	vshrl.u32 v17, $0x4;
	[tilespmem:v19+s12+$0x0] =	vst.idx.add.s32.msk vm4, v3;
	vm5 =	veq.s32 v13, v6  }
0x38b: {  	[tilespmem:v19+s13+$0x0] =	vst.idx.add.s32.msk vm0, v3;
	vm0 =	veq.s32 v13, v7;
	v13 =	vand.u32 $0xFF0, v17;
	v17 =	vand.u32 $0xFFFF0000, v15  }
0x38c: {  	v19 =	vld [tilespmem:s22+$0x20];
	v15 =	vshrl.u32 v15, $0x4;
	v13 =	vor.u32 v1, v13;
	vm6 =	veq.s32 v17, v6  }
0x38d: {  	vm7 =	veq.s32 v17, v7;
	v15 =	vand.u32 $0xFF0, v15;
	v17 =	vand.u32 $0xFFFF0000, v18;
	[tilespmem:v16+s12+$0x0] =	vst.idx.add.s32.msk vm1, v3  }
0x38e: {  	v18 =	vshrl.u32 v18, $0x4;
	v15 =	vor.u32 v1, v15;
	vm1 =	veq.s32 v17, v7;
	[tilespmem:v16+s13+$0x0] =	vst.idx.add.s32.msk vm2, v3  }
0x38f: {  	v18 =	vand.u32 $0xFF0, v18;
	v16 =	vshrl.u32 v20, $0x4;
	vm2 =	veq.s32 v17, v6;
	[tilespmem:v14+s12+$0x0] =	vst.idx.add.s32.msk vm3, v3  }
0x390: {  	v17 =	vor.u32 v1, v18;
	[tilespmem:v14+s13+$0x0] =	vst.idx.add.s32.msk vm9, v3;
	v14 =	vand.u32 $0xFF0, v16;
	v16 =	vand.u32 $0xFFFF0000, v20  }
0x391: {  	[tilespmem:v13+s12+$0x0] =	vst.idx.add.s32.msk vm5, v3;
	v14 =	vor.u32 v1, v14;
	vm3 =	veq.s32 v16, v6  }
0x392: {  	[tilespmem:v13+s13+$0x0] =	vst.idx.add.s32.msk vm0, v3;
	v13 =	vand.u32 $0xFFFF0000, v19;
	vm0 =	veq.s32 v16, v7;
	v16 =	vshrl.u32 v19, $0x4  }
0x393: {  	[tilespmem:v15+s12+$0x0] =	vst.idx.add.s32.msk vm6, v3;
	vm10 =	veq.s32 v13, v6;
	v16 =	vand.u32 $0xFF0, v16  }
0x394: {  	vm11 =	veq.s32 v13, v7;
	[tilespmem:v15+s13+$0x0] =	vst.idx.add.s32.msk vm7, v3;
	v13 =	vor.u32 v1, v16  }
0x395: {  	vm12 =	veq.s32 v5, v6;
	[tilespmem:v17+s12+$0x0] =	vst.idx.add.s32.msk vm2, v3  }
0x396: {  	vm2 =	veq.s32 v5, v7;
	v5 =	vor.u32 v1, v12;
	[tilespmem:v17+s13+$0x0] =	vst.idx.add.s32.msk vm1, v3  }
0x397: {  	[tilespmem:v14+s12+$0x0] =	vst.idx.add.s32.msk vm3, v3  }
0x398: {  	[tilespmem:v14+s13+$0x0] =	vst.idx.add.s32.msk vm0, v3  }
0x399: {  	[tilespmem:v13+s12+$0x0] =	vst.idx.add.s32.msk vm10, v3  }
0x39a: {  	[tilespmem:v13+s13+$0x0] =	vst.idx.add.s32.msk vm11, v3  }
0x39b: {  	[tilespmem:v5+s12+$0x0] =	vst.idx.add.s32.msk vm12, v3  }
0x39c: {  	s22 =	simm.s32 $0xCFF0;
	[tilespmem:v5+s13+$0x0] =	vst.idx.add.s32.msk vm2, v3  }
0x39d: {  	v12 =	vld [tilespmem:s22+$0x0];
	_ =	sdelay $0x1  }
0x39e: {  	v13 =	vld [tilespmem:s22+$0xFFFFFFF0]  }
0x39f: {  	v14 =	vld [tilespmem:s22+$0xFFFFFFE0]  }
0x3a0: {  	v5 =	vsub.s32 v8, v10;
	v8 =	vimm.s32 $0x0;
	v15 =	vld [tilespmem:s22+$0xFFFFFFD0]  }
0x3a1: {  	s24 =	simm.s32 $0xFF;
	v16 =	vld [tilespmem:s22+$0xFFFFFFC0];
	vm0 =	vlt.s32 v8, v5;
	v10 =	vadd.s32 v8, v12  }
0x3a2: {  	s25 =	simm.s32 $0xFE;
	v17 =	vld [tilespmem:s22+$0xFFFFFFB0];
	v18 =	vsel vm0, s24, v8;
	vm1 =	vlt.s32 v10, v5  }
0x3a3: {  	[tilespmem:s22+$0x0] =	vst v0;
	v8 =	vsel vm0, v8, v8;
	v13 =	vadd.s32 v13, v10;
	v18 =	vsel vm1, s25, v18  }
0x3a4: {  	s31 =	simm.s32 $0xFD;
	[tilespmem:s22+$0xFFFFFFE0] =	vst v0;
	v12 =	vld [tilespmem:s22+$0xFFFFFFA0];
	vm2 =	vlt.s32 v13, v5;
	v14 =	vadd.s32 v14, v13;
	v8 =	vsel vm1, v10, v8  }
0x3a5: {  	s23 =	simm.s32 $0xCF70;
	s26 =	simm.s32 $0xFC;
	[tilespmem:s22+$0xFFFFFFD0] =	vst v0;
	v21 =	vld [tilespmem:s22+$0xFFFFFF90];
	v18 =	vsel vm2, s31, v18;
	vm3 =	vlt.s32 v14, v5;
	v15 =	vadd.s32 v15, v14  }
0x3a6: {  	[tilespmem:s22+$0xFFFFFFC0] =	vst v0;
	v19 =	vld [tilespmem:s23+$0x0];
	v8 =	vsel vm2, v13, v8;
	v18 =	vsel vm3, s26, v18;
	v23 =	vadd.s32 v16, v15  }
0x3a7: {  	s29 =	simm.s32 $0xFB;
	[tilespmem:s22+$0xFFFFFFB0] =	vst v0;
	v20 =	vld [tilespmem:s23+$0xFFFFFFF0];
	vm0 =	vlt.s32 v15, v5;
	v8 =	vsel vm3, v14, v8;
	v25 =	vadd.s32 v17, v23  }
0x3a8: {  	s30 =	simm.s32 $0xFA;
	[tilespmem:s22+$0xFFFFFF90] =	vst v0;
	v10 =	vsel vm0, s29, v18;
	vm13 =	vlt.s32 v23, v5;
	v8 =	vsel vm0, v15, v8  }
0x3a9: {  	v22 =	vld [tilespmem:s23+$0xFFFFFFE0];
	[tilespmem:s22+$0xFFFFFFA0] =	vst v0;
	s31 =	simm.s32 $0xF9;
	v18 =	vadd.s32 v12, v25;
	vm14 =	vlt.s32 v25, v5;
	v10 =	vsel vm13, s30, v10  }
0x3aa: {  	[tilespmem:s23+$0x0] =	vst v0;
	v24 =	vld [tilespmem:s23+$0xFFFFFFD0];
	s26 =	simm.s32 $0xF8;
	v21 =	vadd.s32 v21, v18;
	vm3 =	vlt.s32 v18, v5;
	v10 =	vsel vm14, s31, v10  }
0x3ab: {  	[tilespmem:s23+$0xFFFFFFE0] =	vst v0;
	v26 =	vld [tilespmem:s23+$0xFFFFFFC0];
	s29 =	simm.s32 $0xF7;
	vm15 =	vlt.s32 v21, v5;
	v15 =	vadd.s32 v21, v19;
	v13 =	vsel vm3, s26, v10  }
0x3ac: {  	[tilespmem:s23+$0xFFFFFFD0] =	vst v0;
	v17 =	vld [tilespmem:s23+$0xFFFFFF90];
	s30 =	simm.s32 $0xF6;
	v13 =	vsel vm15, s29, v13;
	vm2 =	vlt.s32 v15, v5;
	v16 =	vadd.s32 v20, v15  }
0x3ad: {  	[tilespmem:s23+$0xFFFFFFC0] =	vst v0;
	v12 =	vld [tilespmem:s23+$0xFFFFFFB0];
	v8 =	vsel vm13, v23, v8;
	s31 =	simm.s32 $0xF5;
	v13 =	vsel vm2, s30, v13;
	vm1 =	vlt.s32 v16, v5  }
0x3ae: {  	[tilespmem:s23+$0xFFFFFF90] =	vst v0;
	v8 =	vsel vm14, v25, v8;
	v10 =	vld [tilespmem:s23+$0xFFFFFFA0];
	v20 =	vsel vm1, s31, v13;
	v13 =	vadd.s32 v22, v16  }
0x3af: {  	s28 =	simm.s32 $0xF4;
	s24 =	simm.s32 $0xF0;
	[tilespmem:s23+$0xFFFFFFB0] =	vst v0;
	v8 =	vsel vm3, v18, v8;
	vm0 =	vlt.s32 v13, v5;
	v14 =	vadd.s32 v24, v13  }
0x3b0: {  	s25 =	simm.s32 $0xF3;
	[tilespmem:s23+$0xFFFFFFA0] =	vst v0;
	s26 =	simm.s32 $0xE8;
	v19 =	vsel vm15, v21, v8;
	v18 =	vsel vm0, s28, v20;
	v8 =	vadd.s32 v26, v14;
	s28 =	simm.s32 $0xCEF0  }
.LBB2_39:
0x3b1: {  	s29 =	sadd.s32 $0x3, s26;
	p1 =	sne.s32 s26, $0x0;
	s30 =	smov.u32 s26  }
0x3b2: {  	v20 =	vld [tilespmem:s28+$0x0];
	v15 =	vsel vm2, v15, v19;
	vm2 =	vlt.s32 v14, v5;
	v19 =	vadd.s32 v12, v8;
	[tilespmem:s22+$0xFFFFFFF0] =	vst v0;
	s26 =	sadd.s32 $0xFFFFFFF8, s26;
	s22 =	smov.u32 s23;
	s23 =	smov.u32 s28  }
0x3b3: {  	v21 =	vld [tilespmem:s28+$0xFFFFFFF0];
	[tilespmem:s28+$0x0] =	vst v0;
	v12 =	vsel vm1, v16, v15;
	v15 =	vsel vm2, s25, v18;
	v18 =	vadd.s32 v10, v19;
	s25 =	smov.u32 s29  }
0x3b4: {  	vm5 =	vlt.s32 v8, v5;
	s29 =	sadd.s32 $0x2, s24;
	vm3 =	vlt.s32 v19, v5;
	v22 =	vld [tilespmem:s28+$0xFFFFFFE0];
	v23 =	vadd.s32 v17, v18  }
0x3b5: {  	s31 =	sadd.s32 $0x1, s24;
	v10 =	vsel vm0, v13, v12;
	v12 =	vsel vm5, s29, v15;
	vm4 =	vlt.s32 v18, v5;
	v24 =	vld [tilespmem:s28+$0xFFFFFFD0];
	[tilespmem:s28+$0xFFFFFFE0] =	vst v0  }
0x3b6: {  	v13 =	vsel vm2, v14, v10;
	v10 =	vsel vm3, s31, v12;
	v25 =	vld [tilespmem:s28+$0xFFFFFFC0];
	[tilespmem:s28+$0xFFFFFFD0] =	vst v0  }
0x3b7: {  	s29 =	sadd.s32 $0x7, s30;
	vm6 =	vlt.s32 v23, v5;
	v14 =	vsel vm4, s24, v10;
	s24 =	smov.u32 s30;
	v12 =	vld [tilespmem:s28+$0xFFFFFFB0];
	[tilespmem:s28+$0xFFFFFFC0] =	vst v0;
	v15 =	vadd.s32 v23, v20  }
.Ltmp22:
0x3b8: {  	s30 =	sadd.s32 $0x6, s24;
	v14 =	vsel vm6, s29, v14;
	v10 =	vld [tilespmem:s28+$0xFFFFFFA0];
	[tilespmem:s28+$0xFFFFFFB0] =	vst v0;
	vm2 =	vlt.s32 v15, v5;
	v16 =	vadd.s32 v21, v15;
	(pc) =	sbr.rel @p1 .LBB2_39-.Ltmp22, $4  }
0x3b9: {  	v8 =	vsel vm5, v8, v13;
	s29 =	sadd.s32 $0x5, s24;
	v17 =	vld [tilespmem:s28+$0xFFFFFF90];
	[tilespmem:s28+$0xFFFFFFA0] =	vst v0;
	v14 =	vsel vm2, s30, v14;
	vm1 =	vlt.s32 v16, v5  }
0x3ba: {  	v8 =	vsel vm3, v19, v8;
	v13 =	vadd.s32 v22, v16;
	[tilespmem:s28+$0xFFFFFF90] =	vst v0;
	v20 =	vsel vm1, s29, v14  }
0x3bb: {  	v8 =	vsel vm4, v18, v8;
	s29 =	sadd.s32 $0x4, s24;
	vm0 =	vlt.s32 v13, v5;
	v14 =	vadd.s32 v24, v13  }
0x3bc: {  	v19 =	vsel vm6, v23, v8;
	s28 =	sadd.s32 $0xFFFFFF80, s28;
	v18 =	vsel vm0, s29, v20;
	v8 =	vadd.s32 v25, v14  }
0x3bd: {  	[tilespmem:s22+$0xFFFFFFF0] =	vst v0  }
0x3be: {  	s22 =	simm.s32 $0xD040;
	v15 =	vsel vm2, v15, v19;
	vm2 =	vlt.s32 v14, v5;
	v12 =	vadd.s32 v12, v8;
	[tilespmem:s23+$0xFFFFFFF0] =	vst v0  }
0x3bf: {  	v15 =	vsel vm1, v16, v15;
	v16 =	vsel vm2, s25, v18;
	s25 =	sadd.s32 $0x2, s24;
	vm1 =	vlt.s32 v8, v5;
	v17 =	vld [tilespmem:s22+$0xFFFFFFC0]  }
0x3c0: {  	s26 =	sadd.s32 $0x1, s24;
	v19 =	vadd.s32 v10, v12;
	vm3 =	vlt.s32 v12, v5;
	v10 =	vsel vm1, s25, v16  }
0x3c1: {  	v20 =	vld [tilespmem:s22+$0xFFFFFFD0];
	v13 =	vsel vm0, v13, v15;
	vm0 =	vlt.s32 v19, v5;
	v10 =	vsel vm3, s26, v10  }
0x3c2: {  	v21 =	vld [tilespmem:s22+$0xFFFFFFE0];
	v13 =	vsel vm2, v14, v13;
	v10 =	vsel vm0, s24, v10  }
0x3c3: {  	v18 =	vld [tilespmem:s22+$0xFFFFFFF0];
	v13 =	vsel vm1, v8, v13;
	v8 =	vsub.s32 v9, v11;
	v11 =	vimm.s32 $0x0  }
0x3c4: {  	s29 =	simm.s32 $0x0;
	v15 =	vld [tilespmem:s22+$0x0];
	v9 =	vsel vm3, v12, v13;
	vm1 =	vlt.s32 v11, v8;
	v12 =	vadd.s32 v11, v17  }
0x3c5: {  	s30 =	simm.s32 $0x1;
	v14 =	vld [tilespmem:s22+$0x10];
	v16 =	vsel vm1, s29, v11;
	v9 =	vsel vm0, v19, v9;
	vm2 =	vlt.s32 v12, v8  }
0x3c6: {  	[tilespmem:s22+$0xFFFFFFC0] =	vst v0;
	v11 =	vsel vm1, v11, v11;
	v17 =	vadd.s32 v20, v12;
	v16 =	vsel vm2, s30, v16  }
0x3c7: {  	s31 =	simm.s32 $0x2;
	[tilespmem:s22+$0xFFFFFFD0] =	vst v0;
	v13 =	vld [tilespmem:s22+$0x20];
	vm3 =	vlt.s32 v17, v8;
	v21 =	vadd.s32 v21, v17;
	v11 =	vsel vm2, v12, v11  }
0x3c8: {  	s23 =	simm.s32 $0xD0C0;
	[tilespmem:s22+$0xFFFFFFE0] =	vst v0;
	s26 =	simm.s32 $0x3;
	v19 =	vld [tilespmem:s22+$0x30];
	v16 =	vsel vm3, s31, v16;
	vm0 =	vlt.s32 v21, v8;
	v18 =	vadd.s32 v18, v21  }
0x3c9: {  	[tilespmem:s22+$0x0] =	vst v0;
	v20 =	vld [tilespmem:s23+$0xFFFFFFC0];
	v11 =	vsel vm3, v17, v11;
	v16 =	vsel vm0, s26, v16;
	v24 =	vadd.s32 v15, v18  }
0x3ca: {  	[tilespmem:s22+$0x10] =	vst v0;
	v22 =	vld [tilespmem:s23+$0xFFFFFFD0];
	s29 =	simm.s32 $0x4;
	vm1 =	vlt.s32 v18, v8;
	v11 =	vsel vm0, v21, v11;
	v14 =	vadd.s32 v14, v24  }
0x3cb: {  	[tilespmem:s23+$0xFFFFFFD0] =	vst v0;
	s30 =	simm.s32 $0x5;
	v12 =	vsel vm1, s29, v16;
	vm3 =	vlt.s32 v24, v8;
	v11 =	vsel vm1, v18, v11  }
0x3cc: {  	v23 =	vld [tilespmem:s23+$0xFFFFFFE0];
	[tilespmem:s22+$0x20] =	vst v0;
	s31 =	simm.s32 $0x6;
	v26 =	vadd.s32 v13, v14;
	vm4 =	vlt.s32 v14, v8;
	v12 =	vsel vm3, s30, v12  }
0x3cd: {  	[tilespmem:s22+$0x30] =	vst v0;
	v25 =	vld [tilespmem:s23+$0xFFFFFFF0];
	s26 =	simm.s32 $0x7;
	v19 =	vadd.s32 v19, v26;
	vm5 =	vlt.s32 v26, v8;
	v12 =	vsel vm4, s31, v12  }
0x3ce: {  	[tilespmem:s23+$0xFFFFFFE0] =	vst v0;
	v21 =	vld [tilespmem:s23+$0x0];
	s29 =	simm.s32 $0x8;
	vm6 =	vlt.s32 v19, v8;
	v17 =	vadd.s32 v19, v20;
	v13 =	vsel vm5, s26, v12  }
0x3cf: {  	[tilespmem:s23+$0xFFFFFFC0] =	vst v0;
	s30 =	simm.s32 $0x9;
	v13 =	vsel vm6, s29, v13;
	vm2 =	vlt.s32 v17, v8;
	v16 =	vadd.s32 v22, v17  }
0x3d0: {  	v15 =	vld [tilespmem:s23+$0x10];
	[tilespmem:s23+$0x0] =	vst v0;
	v11 =	vsel vm3, v24, v11;
	s31 =	simm.s32 $0xA;
	v13 =	vsel vm2, s30, v13;
	vm1 =	vlt.s32 v16, v8  }
0x3d1: {  	[tilespmem:s23+$0x10] =	vst v0;
	v11 =	vsel vm4, v14, v11;
	v12 =	vld [tilespmem:s23+$0x20];
	v22 =	vsel vm1, s31, v13;
	v13 =	vadd.s32 v23, v16  }
0x3d2: {  	s28 =	simm.s32 $0xB;
	s25 =	simm.s32 $0xC;
	v18 =	vld [tilespmem:s23+$0x30];
	[tilespmem:s23+$0x30] =	vst v0;
	v11 =	vsel vm5, v26, v11;
	vm0 =	vlt.s32 v13, v8;
	v14 =	vadd.s32 v25, v13  }
0x3d3: {  	s24 =	simm.s32 $0xF;
	[tilespmem:s23+$0x20] =	vst v0;
	s26 =	simm.s32 $0x17;
	v20 =	vsel vm6, v19, v11;
	v19 =	vsel vm0, s28, v22;
	v11 =	vadd.s32 v21, v14;
	s28 =	simm.s32 $0xD140  }
.LBB2_41:
0x3d4: {  	s29 =	sadd.s32 $0xFFFFFFFD, s26;
	p1 =	sne.s32 s26, $0xFF;
	s30 =	smov.u32 s26  }
0x3d5: {  	v21 =	vld [tilespmem:s28+$0xFFFFFFC0];
	v17 =	vsel vm2, v17, v20;
	vm2 =	vlt.s32 v14, v8;
	v20 =	vadd.s32 v15, v11;
	[tilespmem:s22+$0xFFFFFFF0] =	vst v0;
	s26 =	sadd.s32 $0x8, s26;
	s22 =	smov.u32 s23;
	s23 =	smov.u32 s28  }
0x3d6: {  	v22 =	vld [tilespmem:s28+$0xFFFFFFD0];
	[tilespmem:s28+$0xFFFFFFC0] =	vst v0;
	v15 =	vsel vm1, v16, v17;
	v16 =	vsel vm2, s25, v19;
	v19 =	vadd.s32 v12, v20;
	s25 =	smov.u32 s29  }
0x3d7: {  	vm5 =	vlt.s32 v11, v8;
	s29 =	sadd.s32 $0xFFFFFFFE, s24;
	vm3 =	vlt.s32 v20, v8;
	v23 =	vld [tilespmem:s28+$0xFFFFFFE0];
	[tilespmem:s28+$0xFFFFFFD0] =	vst v0;
	v24 =	vadd.s32 v18, v19  }
0x3d8: {  	s31 =	sadd.s32 $0xFFFFFFFF, s24;
	v12 =	vsel vm0, v13, v15;
	v13 =	vsel vm5, s29, v16;
	vm4 =	vlt.s32 v19, v8;
	v25 =	vld [tilespmem:s28+$0xFFFFFFF0];
	[tilespmem:s28+$0xFFFFFFE0] =	vst v0  }
0x3d9: {  	v14 =	vsel vm2, v14, v12;
	v12 =	vsel vm3, s31, v13;
	v26 =	vld [tilespmem:s28+$0x0]  }
0x3da: {  	s29 =	sadd.s32 $0xFFFFFFF9, s30;
	vm6 =	vlt.s32 v24, v8;
	v13 =	vsel vm4, s24, v12;
	s24 =	smov.u32 s30;
	v15 =	vld [tilespmem:s28+$0x10];
	[tilespmem:s28+$0x0] =	vst v0;
	v17 =	vadd.s32 v24, v21  }
.Ltmp23:
0x3db: {  	s30 =	sadd.s32 $0xFFFFFFFA, s24;
	v13 =	vsel vm6, s29, v13;
	v12 =	vld [tilespmem:s28+$0x20];
	[tilespmem:s28+$0x10] =	vst v0;
	vm2 =	vlt.s32 v17, v8;
	v16 =	vadd.s32 v22, v17;
	(pc) =	sbr.rel @p1 .LBB2_41-.Ltmp23, $4  }
0x3dc: {  	v11 =	vsel vm5, v11, v14;
	s29 =	sadd.s32 $0xFFFFFFFB, s24;
	v18 =	vld [tilespmem:s28+$0x30];
	[tilespmem:s28+$0x20] =	vst v0;
	v13 =	vsel vm2, s30, v13;
	vm1 =	vlt.s32 v16, v8  }
0x3dd: {  	v11 =	vsel vm3, v20, v11;
	[tilespmem:s28+$0x30] =	vst v0;
	v21 =	vsel vm1, s29, v13;
	v13 =	vadd.s32 v23, v16  }
0x3de: {  	v11 =	vsel vm4, v19, v11;
	s29 =	sadd.s32 $0xFFFFFFFC, s24;
	vm0 =	vlt.s32 v13, v8;
	v14 =	vadd.s32 v25, v13  }
0x3df: {  	v20 =	vsel vm6, v24, v11;
	s28 =	sadd.s32 $0x80, s28;
	v19 =	vsel vm0, s29, v21;
	v11 =	vadd.s32 v26, v14  }
0x3e0: {  	[tilespmem:s22+$0xFFFFFFF0] =	vst v0  }
0x3e1: {  	s22 =	simm.s32 $0x8040;
	[tilespmem:s23+$0xFFFFFFF0] =	vst v0  }
0x3e2: {  	v18 =	vld [tilespmem:s22+$0xFFFFFFC0]  }
0x3e3: {  	v17 =	vsel vm2, v17, v20;
	vm2 =	vlt.s32 v14, v8;
	v15 =	vadd.s32 v15, v11;
	v21 =	vld [tilespmem:s22+$0xFFFFFFD0]  }
0x3e4: {  	s31 =	simm.s32 $0x0;
	v10 =	vshll.u32 v10, $0x8;
	v16 =	vsel vm1, v16, v17;
	v17 =	vsel vm2, s25, v19;
	v20 =	vld [tilespmem:s22+$0xFFFFFFE0]  }
0x3e5: {  	s28 =	simm.s32 $0x2;
	s29 =	simm.s32 $0x3;
	v22 =	vxor.u32 s31, v2;
	v12 =	vadd.s32 v12, v15;
	vm1 =	vlt.s32 v11, v8;
	v19 =	vld [tilespmem:s22+$0xFFFFFFF0]  }
0x3e6: {  	s26 =	sadd.s32 $0xFFFFFFFE, s24;
	s25 =	simm.s32 $0x1;
	vm3 =	vlt.s32 v15, v8;
	v26 =	vxor.u32 s28, v2;
	v27 =	vxor.u32 s29, v2;
	v23 =	vld [tilespmem:s22+$0x0]  }
0x3e7: {  	s31 =	simm.s32 $0x4;
	v6 =	vor.u32 v6, v10;
	v24 =	vxor.u32 s25, v2;
	v17 =	vsel vm1, s26, v17;
	v25 =	vld [tilespmem:s22+$0x10]  }
0x3e8: {  	s30 =	sadd.s32 $0xFFFFFFFF, s24;
	s28 =	simm.s32 $0x7;
	s29 =	simm.s32 $0x80C0;
	v13 =	vsel vm0, v13, v16;
	vm0 =	vlt.s32 v12, v8;
	v16 =	vld [tilespmem:s22+$0x20];
	v28 =	vxor.u32 s31, v2  }
0x3e9: {  	s23 =	simm.s32 $0x17;
	v29 =	vxor.u32 s28, v2;
	v32 =	vld [tilespmem:s29+$0x10];
	v13 =	vsel vm2, v14, v13;
	v14 =	vsel vm3, s30, v17  }
0x3ea: {  	v41 =	vxor.u32 s23, v2;
	v17 =	vld [tilespmem:s22+$0x30];
	v14 =	vsel vm0, s24, v14;
	v11 =	vsel vm1, v11, v13;
	s24 =	simm.s32 $0xA  }
0x3eb: {  	s25 =	simm.s32 $0x5;
	v11 =	vsel vm3, v15, v11;
	v14 =	vshll.u32 v14, $0x8;
	v33 =	vxor.u32 s24, v2;
	v13 =	vld.idx.msk [tilespmem:v22+s10+$0x0], $0xffff  }
0x3ec: {  	s26 =	simm.s32 $0x6;
	v22 =	vxor.u32 s25, v2;
	v26 =	vld.idx.msk [tilespmem:v26+s10+$0x0], $0xffff;
	v10 =	vsel vm0, v12, v11;
	v7 =	vor.u32 v7, v14  }
0x3ed: {  	v12 =	vor.u32 $0xFF, v6;
	v11 =	vimm.f32 $0.0e+00;
	v15 =	vld.idx.msk [tilespmem:v24+s10+$0x0], $0xffff;
	v24 =	vxor.u32 s26, v2  }
0x3ee: {  	v14 =	vld.idx.msk [tilespmem:v27+s10+$0x0], $0xffff;
	vm6 =	vgt.u32 v18, v12;
	vm7 =	vgt.u32 v21, v12;
	vm1 =	vgt.u32 v20, v12  }
0x3ef: {  	v27 =	vld.idx.msk [tilespmem:v28+s10+$0x0], $0xffff;
	vm5 =	vgt.u32 v19, v12;
	vm0 =	vgt.u32 v23, v12;
	vm4 =	vgt.u32 v25, v12  }
0x3f0: {  	vm2 =	vgt.u32 v16, v12;
	v29 =	vld.idx.msk [tilespmem:v29+s10+$0x0], $0xffff;
	vm8 =	vlt.u32 v20, v7;
	vm9 =	vlt.u32 v19, v7  }
0x3f1: {  	vm10 =	vlt.u32 v23, v7;
	vm11 =	vlt.u32 v25, v7;
	vm12 =	vlt.u32 v16, v7;
	v16 =	vld [tilespmem:s29+$0xFFFFFFC0];
	s26 =	simm.s32 $0xC  }
0x3f2: {  	v25 =	vld [tilespmem:s29+$0xFFFFFFE0];
	vm3 =	vgt.u32 v17, v12;
	vm13 =	vlt.u32 v17, v7;
	v35 =	vxor.u32 s26, v2;
	s26 =	simm.s32 $0x12  }
0x3f3: {  	v56 =	vxor.u32 s26, v2;
	v28 =	vnsel vm6, $0x0, v13;
	vm6 =	vlt.u32 v18, v7  }
0x3f4: {  	v22 =	vld.idx.msk [tilespmem:v22+s10+$0x0], $0xffff;
	v17 =	vnsel vm8, $0x0, v26;
	v18 =	vnsel vm9, $0x0, v14;
	v26 =	vnsel vm1, $0x0, v26  }
0x3f5: {  	v14 =	vnsel vm5, $0x0, v14;
	vm1 =	vgt.u32 v32, v12;
	v24 =	vld.idx.msk [tilespmem:v24+s10+$0x0], $0xffff;
	v30 =	vnsel vm7, $0x0, v15  }
0x3f6: {  	vm7 =	vlt.u32 v21, v7;
	v13 =	vnsel vm6, $0x0, v13;
	v20 =	vnsel vm10, $0x0, v27  }
0x3f7: {  	v31 =	vnsel vm13, $0x0, v29;
	vm8 =	vgt.u32 v16, v12;
	vm5 =	vgt.u32 v25, v12  }
0x3f8: {  	v34 =	vld [tilespmem:s29+$0x30];
	v27 =	vnsel vm0, $0x0, v27;
	v14 =	vadd.f32 v14, v26;
	v15 =	vnsel vm7, $0x0, v15  }
0x3f9: {  	s30 =	simm.s32 $0x8;
	v19 =	vld [tilespmem:s29+$0xFFFFFFD0];
	v29 =	vnsel vm3, $0x0, v29;
	v13 =	vadd.f32 v15, v13;
	v15 =	vadd.f32 v18, v17  }
0x3fa: {  	v33 =	vld.idx.msk [tilespmem:v33+s10+$0x0], $0xffff;
	v18 =	vxor.u32 s30, v2;
	s30 =	simm.s32 $0xF;
	v21 =	vnsel vm11, $0x0, v22;
	v23 =	vnsel vm12, $0x0, v24  }
0x3fb: {  	s31 =	simm.s32 $0x9;
	v17 =	vld [tilespmem:s29+$0xFFFFFFF0];
	v37 =	vxor.u32 s30, v2;
	v20 =	vadd.f32 v21, v20;
	v21 =	vadd.f32 v31, v23  }
0x3fc: {  	s25 =	simm.s32 $0xB;
	v28 =	vadd.f32 v30, v28;
	v13 =	vadd.f32 v15, v13;
	v23 =	vld [tilespmem:s29+$0x0];
	v31 =	vxor.u32 s31, v2  }
0x3fd: {  	v22 =	vnsel vm4, $0x0, v22;
	v15 =	vadd.f32 v21, v20;
	v20 =	vld [tilespmem:s29+$0x20];
	v21 =	vxor.u32 s25, v2;
	s29 =	simm.s32 $0xE  }
0x3fe: {  	s28 =	simm.s32 $0xD;
	v35 =	vld.idx.msk [tilespmem:v35+s10+$0x0], $0xffff;
	v24 =	vnsel vm2, $0x0, v24;
	v22 =	vadd.f32 v22, v27;
	v36 =	vxor.u32 s29, v2  }
0x3ff: {  	v24 =	vadd.f32 v29, v24;
	v13 =	vadd.f32 v15, v13;
	v15 =	vld.idx.msk [tilespmem:v18+s10+$0x0], $0xffff;
	v18 =	vxor.u32 s28, v2  }
0x400: {  	vm3 =	vlt.u32 v16, v7;
	vm13 =	vlt.u32 v34, v7;
	v14 =	vadd.f32 v14, v28;
	v28 =	vld.idx.msk [tilespmem:v37+s10+$0x0], $0xffff  }
0x401: {  	s26 =	simm.s32 $0x1A;
	vm7 =	vgt.u32 v19, v12;
	vm4 =	vgt.u32 v34, v12;
	v22 =	vadd.f32 v24, v22;
	v31 =	vld.idx.msk [tilespmem:v31+s10+$0x0], $0xffff  }
0x402: {  	vm11 =	vlt.u32 v32, v7;
	v34 =	vxor.u32 s26, v2;
	vm6 =	vgt.u32 v17, v12;
	v21 =	vld.idx.msk [tilespmem:v21+s10+$0x0], $0xffff  }
0x403: {  	vm9 =	vlt.u32 v17, v7;
	v14 =	vadd.f32 v22, v14;
	vm10 =	vlt.u32 v23, v7;
	v26 =	vld.idx.msk [tilespmem:v36+s10+$0x0], $0xffff  }
0x404: {  	s31 =	simm.s32 $0x8140;
	vm0 =	vgt.u32 v23, v12;
	v13 =	vadd.f32 v13, v11;
	v23 =	vnsel vm10, $0x0, v35;
	v18 =	vld.idx.msk [tilespmem:v18+s10+$0x0], $0xffff  }
0x405: {  	v38 =	vld [tilespmem:s31+$0x30];
	vm2 =	vgt.u32 v20, v12;
	vm12 =	vlt.u32 v20, v7;
	v27 =	vnsel vm8, $0x0, v15  }
0x406: {  	v24 =	vld [tilespmem:s31+$0xFFFFFFD0];
	vm8 =	vlt.u32 v25, v7;
	v29 =	vnsel vm7, $0x0, v31;
	vm7 =	vlt.u32 v19, v7  }
0x407: {  	v15 =	vnsel vm3, $0x0, v15;
	v17 =	vnsel vm8, $0x0, v33;
	v16 =	vnsel vm7, $0x0, v31  }
0x408: {  	v55 =	vld [tilespmem:s31+$0xFFFFFFF0];
	v31 =	vnsel vm13, $0x0, v28;
	v20 =	vnsel vm9, $0x0, v21;
	v15 =	vadd.f32 v16, v15  }
0x409: {  	s24 =	simm.s32 $0x10;
	v54 =	vld [tilespmem:s31+$0xFFFFFFE0];
	v30 =	vnsel vm12, $0x0, v26;
	v16 =	vadd.f32 v20, v17;
	v25 =	vnsel vm11, $0x0, v18  }
0x40a: {  	v58 =	vld [tilespmem:s31+$0x20];
	s25 =	simm.s32 $0x11;
	v17 =	vxor.u32 s24, v2;
	v20 =	vadd.f32 v25, v23;
	v23 =	vadd.f32 v31, v30  }
0x40b: {  	v57 =	vld [tilespmem:s31+$0x10];
	s28 =	simm.s32 $0x13;
	vm7 =	vgt.u32 v24, v12;
	vm13 =	vlt.u32 v38, v7;
	v25 =	vxor.u32 s25, v2  }
0x40c: {  	s29 =	simm.s32 $0x14;
	v19 =	vld [tilespmem:s31+$0xFFFFFFC0];
	v15 =	vadd.f32 v16, v15;
	v16 =	vadd.f32 v23, v20;
	v20 =	vxor.u32 s28, v2  }
0x40d: {  	v21 =	vnsel vm6, $0x0, v21;
	vm6 =	vgt.u32 v55, v12;
	v30 =	vld [tilespmem:s31+$0x0];
	s31 =	simm.s32 $0x16;
	v23 =	vxor.u32 s29, v2  }
0x40e: {  	s30 =	simm.s32 $0x15;
	v31 =	vnsel vm5, $0x0, v33;
	v33 =	vld.idx.msk [tilespmem:v56+s10+$0x0], $0xffff;
	v59 =	vxor.u32 s31, v2;
	v15 =	vadd.f32 v16, v15  }
0x40f: {  	vm9 =	vlt.u32 v55, v7;
	vm12 =	vlt.u32 v58, v7;
	v39 =	vld.idx.msk [tilespmem:v17+s10+$0x0], $0xffff;
	v16 =	vxor.u32 s30, v2  }
0x410: {  	v21 =	vadd.f32 v21, v31;
	v17 =	vnsel vm0, $0x0, v35;
	v25 =	vld.idx.msk [tilespmem:v25+s10+$0x0], $0xffff;
	v40 =	vadd.f32 v15, v13  }
0x411: {  	v13 =	vnsel vm1, $0x0, v18;
	v15 =	vnsel vm2, $0x0, v26;
	v26 =	vadd.f32 v29, v27;
	v42 =	vld.idx.msk [tilespmem:v20+s10+$0x0], $0xffff  }
0x412: {  	s24 =	simm.s32 $0x18;
	vm11 =	vlt.u32 v57, v7;
	v18 =	vnsel vm4, $0x0, v28;
	v31 =	vld.idx.msk [tilespmem:v23+s10+$0x0], $0xffff;
	v23 =	vadd.f32 v13, v17  }
0x413: {  	v62 =	vxor.u32 s24, v2;
	s25 =	simm.s32 $0x19;
	v15 =	vadd.f32 v18, v15;
	v13 =	vadd.f32 v21, v26;
	v21 =	vld.idx.msk [tilespmem:v59+s10+$0x0], $0xffff  }
0x414: {  	vm8 =	vgt.u32 v19, v12;
	vm5 =	vgt.u32 v54, v12;
	v63 =	vxor.u32 s25, v2;
	v20 =	vld.idx.msk [tilespmem:v16+s10+$0x0], $0xffff  }
0x415: {  	vm3 =	vgt.u32 v30, v12;
	vm10 =	vlt.u32 v30, v7;
	v15 =	vadd.f32 v15, v23;
	v23 =	vld.idx.msk [tilespmem:v41+s10+$0x0], $0xffff  }
0x416: {  	vm4 =	vlt.u32 v19, v7;
	v17 =	vnsel vm8, $0x0, v39;
	vm8 =	vlt.u32 v54, v7  }
0x417: {  	s22 =	simm.s32 $0x81C0;
	v16 =	vnsel vm4, $0x0, v39;
	v18 =	vnsel vm7, $0x0, v25;
	vm7 =	vlt.u32 v24, v7  }
0x418: {  	v22 =	vld [tilespmem:s22+$0xFFFFFFD0];
	v26 =	vnsel vm8, $0x0, v33;
	v25 =	vnsel vm7, $0x0, v25;
	v27 =	vnsel vm9, $0x0, v42  }
0x419: {  	v19 =	vld [tilespmem:s22+$0xFFFFFFC0];
	v28 =	vnsel vm10, $0x0, v31;
	v16 =	vadd.f32 v25, v16;
	v30 =	vnsel vm12, $0x0, v21  }
0x41a: {  	v24 =	vld [tilespmem:s22+$0xFFFFFFE0];
	v61 =	vadd.f32 v27, v26;
	v29 =	vnsel vm11, $0x0, v20;
	v60 =	vnsel vm13, $0x0, v23  }
0x41b: {  	s28 =	simm.s32 $0x1B;
	s29 =	simm.s32 $0x1C;
	vm0 =	vgt.u32 v57, v12;
	v25 =	vld [tilespmem:s22+$0xFFFFFFF0];
	v28 =	vadd.f32 v29, v28;
	v29 =	vadd.f32 v60, v30  }
0x41c: {  	v35 =	vxor.u32 s28, v2;
	v36 =	vxor.u32 s29, v2;
	s30 =	simm.s32 $0x1D;
	v32 =	vnsel vm5, $0x0, v33;
	v26 =	vld [tilespmem:s22+$0x0]  }
0x41d: {  	s31 =	simm.s32 $0x1E;
	v37 =	vxor.u32 s30, v2;
	v27 =	vld [tilespmem:s22+$0x10];
	v16 =	vadd.f32 v61, v16;
	v30 =	vadd.f32 v29, v28  }
0x41e: {  	vm1 =	vgt.u32 v58, v12;
	vm2 =	vgt.u32 v38, v12;
	v38 =	vxor.u32 s31, v2;
	v28 =	vld [tilespmem:s22+$0x20]  }
0x41f: {  	vm7 =	vgt.u32 v19, v12;
	v33 =	vnsel vm6, $0x0, v42;
	v29 =	vld [tilespmem:s22+$0x30];
	v16 =	vadd.f32 v30, v16  }
0x420: {  	vm6 =	vgt.u32 v22, v12;
	v39 =	vnsel vm3, $0x0, v31;
	v31 =	vld.idx.msk [tilespmem:v63+s10+$0x0], $0xffff;
	vm4 =	vgt.u32 v24, v12  }
0x421: {  	s23 =	simm.s32 $0x20;
	s24 =	simm.s32 $0x1F;
	vm5 =	vgt.u32 v25, v12;
	vm3 =	vgt.u32 v26, v12;
	v30 =	vld.idx.msk [tilespmem:v62+s10+$0x0], $0xffff;
	v16 =	vadd.f32 v16, v40  }
.LBB2_43:
0x422: {  	p1 =	slt.u32 s23, $0x3F8;
	v34 =	vld.idx.msk [tilespmem:v34+s10+$0x0], $0xffff;
	v40 =	vxor.u32 s24, v2;
	v41 =	vnsel vm0, $0x0, v20;
	vm0 =	vgt.u32 v27, v12  }
0x423: {  	v21 =	vnsel vm1, $0x0, v21;
	v23 =	vnsel vm2, $0x0, v23;
	v35 =	vld.idx.msk [tilespmem:v35+s10+$0x0], $0xffff;
	vm1 =	vgt.u32 v28, v12  }
0x424: {  	v18 =	vadd.f32 v18, v17;
	v32 =	vadd.f32 v33, v32;
	v42 =	vld.idx.msk [tilespmem:v36+s10+$0x0], $0xffff;
	vm2 =	vgt.u32 v29, v12  }
0x425: {  	v33 =	vadd.f32 v41, v39;
	v36 =	vadd.f32 v23, v21;
	v20 =	vld.idx.msk [tilespmem:v37+s10+$0x0], $0xffff  }
0x426: {  	v17 =	vnsel vm7, $0x0, v30;
	v37 =	vadd.f32 v15, v13;
	v13 =	vadd.f32 v32, v18;
	v21 =	vld.idx.msk [tilespmem:v38+s10+$0x0], $0xffff  }
0x427: {  	v11 =	vadd.f32 v14, v11;
	v18 =	vnsel vm6, $0x0, v31;
	v15 =	vadd.f32 v36, v33;
	v23 =	vld.idx.msk [tilespmem:v40+s10+$0x0], $0xffff  }
0x428: {  	vm8 =	vlt.u32 v24, v7;
	vm7 =	vlt.u32 v22, v7;
	vm6 =	vlt.u32 v19, v7;
	v14 =	vmovc v37  }
0x429: {  	vm9 =	vlt.u32 v25, v7;
	vm10 =	vlt.u32 v26, v7;
	vm11 =	vlt.u32 v27, v7  }
0x42a: {  	s22 =	sadd.s32 $0x80, s22;
	vm12 =	vlt.u32 v28, v7;
	vm13 =	vlt.u32 v29, v7;
	v25 =	vnsel vm6, $0x0, v30  }
0x42b: {  	v26 =	vnsel vm7, $0x0, v31;
	v27 =	vnsel vm8, $0x0, v34;
	v28 =	vnsel vm9, $0x0, v35;
	v19 =	vld [tilespmem:s22+$0xFFFFFFC0]  }
0x42c: {  	v29 =	vnsel vm10, $0x0, v42;
	v30 =	vnsel vm11, $0x0, v20;
	v31 =	vnsel vm12, $0x0, v21;
	v22 =	vld [tilespmem:s22+$0xFFFFFFD0]  }
0x42d: {  	v36 =	vadd.f32 v26, v25;
	v28 =	vadd.f32 v28, v27;
	v32 =	vnsel vm13, $0x0, v23;
	v24 =	vld [tilespmem:s22+$0xFFFFFFE0]  }
0x42e: {  	s24 =	sadd.s32 $0x1, s23;
	v37 =	vxor.u32 s23, v2;
	v29 =	vadd.f32 v30, v29;
	v30 =	vadd.f32 v32, v31;
	v25 =	vld [tilespmem:s22+$0xFFFFFFF0]  }
0x42f: {  	v33 =	vnsel vm5, $0x0, v35;
	v31 =	vxor.u32 s24, v2;
	s24 =	sadd.s32 $0x2, s23;
	v32 =	vnsel vm4, $0x0, v34;
	v26 =	vld [tilespmem:s22+$0x0]  }
.Ltmp24:
0x430: {  	v38 =	vadd.f32 v28, v36;
	v34 =	vxor.u32 s24, v2;
	s24 =	sadd.s32 $0x3, s23;
	v30 =	vadd.f32 v30, v29;
	v27 =	vld [tilespmem:s22+$0x10];
	(pc) =	sbr.rel @p1 .LBB2_43-.Ltmp24, $4  }
0x431: {  	v35 =	vxor.u32 s24, v2;
	s24 =	sadd.s32 $0x4, s23;
	vm7 =	vgt.u32 v19, v12;
	v28 =	vld [tilespmem:s22+$0x20];
	vm6 =	vgt.u32 v22, v12  }
0x432: {  	v36 =	vxor.u32 s24, v2;
	s24 =	sadd.s32 $0x5, s23;
	v40 =	vadd.f32 v30, v38;
	v29 =	vld [tilespmem:s22+$0x30];
	vm4 =	vgt.u32 v24, v12  }
0x433: {  	v39 =	vnsel vm3, $0x0, v42;
	v30 =	vld.idx.msk [tilespmem:v37+s10+$0x0], $0xffff;
	v37 =	vxor.u32 s24, v2;
	s24 =	sadd.s32 $0x6, s23;
	vm5 =	vgt.u32 v25, v12  }
0x434: {  	v16 =	vadd.f32 v40, v16;
	v31 =	vld.idx.msk [tilespmem:v31+s10+$0x0], $0xffff;
	v38 =	vxor.u32 s24, v2;
	s24 =	sadd.s32 $0x7, s23;
	vm3 =	vgt.u32 v26, v12;
	s23 =	sadd.s32 $0x8, s23  }
0x435: {  	_ = 	snop  }
0x436: {  	v40 =	vxor.u32 s24, v2;
	vm8 =	vgt.u32 v27, v12  }
0x437: {  	v20 =	vnsel vm0, $0x0, v20;
	v21 =	vnsel vm1, $0x0, v21;
	v62 =	vadd.f32 v18, v17  }
0x438: {  	v23 =	vnsel vm2, $0x0, v23;
	v63 =	vadd.f32 v33, v32;
	v13 =	vadd.f32 v15, v13  }
0x439: {  	v34 =	vld.idx.msk [tilespmem:v34+s10+$0x0], $0xffff;
	v11 =	vadd.f32 v14, v11;
	vm2 =	vlt.u32 v19, v7;
	vm9 =	vlt.u32 v25, v7  }
0x43a: {  	v35 =	vld.idx.msk [tilespmem:v35+s10+$0x0], $0xffff;
	vm10 =	vlt.u32 v26, v7;
	vm11 =	vlt.u32 v27, v7;
	v5 =	vsub.s32 v5, v9  }
0x43b: {  	v36 =	vld.idx.msk [tilespmem:v36+s10+$0x0], $0xffff;
	v8 =	vsub.s32 v8, v10;
	vm14 =	vlt.s32 v6, $0x0;
	vm0 =	vgt.u32 v28, v12  }
0x43c: {  	v41 =	vld.idx.msk [tilespmem:v37+s10+$0x0], $0xffff;
	v20 =	vadd.f32 v20, v39;
	v21 =	vadd.f32 v23, v21;
	vm12 =	vlt.u32 v28, v7  }
0x43d: {  	v43 =	vld.idx.msk [tilespmem:v38+s10+$0x0], $0xffff;
	vm1 =	vgt.u32 v29, v12;
	v12 =	vadd.f32 v63, v62;
	vm13 =	vlt.u32 v29, v7  }
0x43e: {  	v11 =	vadd.f32 v13, v11;
	v39 =	vnsel vm7, $0x0, v30;
	v20 =	vadd.f32 v21, v20  }
0x43f: {  	vm7 =	vlt.u32 v24, v7;
	v42 =	vnsel vm6, $0x0, v31;
	vm6 =	vlt.u32 v22, v7  }
0x440: {  	v19 =	vnsel vm2, $0x0, v30;
	v45 =	vnsel vm6, $0x0, v31;
	v46 =	vnsel vm7, $0x0, v34  }
0x441: {  	v44 =	vld.idx.msk [tilespmem:v40+s10+$0x0], $0xffff;
	v47 =	vnsel vm9, $0x0, v35;
	v48 =	vnsel vm10, $0x0, v36;
	v49 =	vnsel vm11, $0x0, v41  }
0x442: {  	v50 =	vnsel vm12, $0x0, v43;
	v53 =	vnsel vm4, $0x0, v34;
	v54 =	vnsel vm5, $0x0, v35  }
0x443: {  	v18 =	vnsel vm3, $0x0, v36;
	v15 =	vadd.f32 v42, v39;
	v12 =	vadd.f32 v20, v12  }
0x444: {  	v55 =	vnsel vm8, $0x0, v41;
	v19 =	vadd.f32 v45, v19;
	v22 =	vadd.f32 v47, v46  }
0x445: {  	v17 =	vnsel vm0, $0x0, v43;
	v52 =	vadd.f32 v49, v48;
	v56 =	vadd.f32 v54, v53  }
0x446: {  	v18 =	vadd.f32 v55, v18;
	v51 =	vnsel vm13, $0x0, v44;
	v14 =	vnsel vm1, $0x0, v44  }
0x447: {  	vm15 =	vlt.s32 v7, $0x0;
	v21 =	vadd.f32 v51, v50;
	v14 =	vadd.f32 v14, v17  }
0x448: {  	v5 =	vcvt.s32.f32 v5;
	v57 =	vadd.f32 v22, v19;
	v15 =	vadd.f32 v56, v15  }
0x449: {  	v60 =	vsel vm14, $0x80000080, v4;
	v58 =	vadd.f32 v21, v52;
	v14 =	vadd.f32 v14, v18  }
0x44a: {  	v8 =	vcvt.s32.f32 v8;
	v61 =	vsel vm15, $0x80000080, v4;
	v11 =	vadd.f32 v12, v11  }
0x44b: {  	v6 =	vxor.u32 v6, v60;
	v59 =	vadd.f32 v58, v57;
	v14 =	vadd.f32 v14, v15  }
0x44c: {  	v5 =	vmul.f32 v6, v5;
	v7 =	vxor.u32 v7, v61  }
0x44d: {  	v6 =	vmul.f32 v7, v8;
	v62 =	vadd.f32 v59, v16;
	v63 =	vadd.f32 v14, v11;
	_ =	sdelay $0x1  }
0x44e: {  	v5 =	vadd.f32 v63, v5;
	v6 =	vadd.f32 v62, v6;
	_ =	sdelay $0x1  }
.Ltmp25:
0x44f: {  	v5 =	vmul.f32 $4.878048790e-03, v5;
	v6 =	vmul.f32 $2.926829270e-03, v6;
	(pc) =	sbr.rel @p0 .LBB2_46-.Ltmp25, $3  }
0x450: {  	_ = 	snop  }
0x451: {  	v5 =	vadd.f32 v6, v5;
	_ =	sdelay $0x1  }
0x452: {  	[tilespmem:s21+$0xE010] =	vst v5  }
.Ltmp26:
0x453: {  	s20 =	sadd.s32 s20, s7;
	(pc) =	sbr.rel .LBB2_4-.Ltmp26, $4  }
0x454: {  	s20 =	sshll.u32 s20, $0xB  }
0x455: {  	s20 =	sand.u32 $0x1FFFF800, s20  }
0x456: {  	s19 =	sadd.s32 $0x1, s19;
	s20 =	sadd.s32 s3, s20  }
0x457: {  	[tilespmem:s10], [sflag:$0x2] =	stream.linear.gather [hbm4b:s20+s2], $0x4000, $0x38;
	[tilespmem:$0xE300] =	vst v63  }
.LBB2_47:
0x458: {  	_ =	sfence.sel $0x180000  }
0x459: {  	[bflag:$0x0] =	sbarrier.arrive $0xFFFF  }
0x45a: {  	p0 =	sne.s32 s1, $0x0;
	_ =	strace $0x90000047  }
0x45b: {  	s0 =	sadd.s32 @!p0 $0x100000, s0;
	[bflag:$0x2] =	sbarrier.arrive $0xFFFF  }
0x45c: {  	[sflag:s0] =	ssyncadd.tile.s32 @!p0 $0x1;
	_ =	shalt  }
.Lfunc_end2:
_tile_overlayer_lowered:
.L_overlay_start_2:
0x45d: {  	(tag) =	ssettag $0x2  }
0x45e: {  	s0 =	rddreg [dreg:$0x0];
	s2 =	stileid.u32  }
0x45f: {  	s1 =	rddreg [dreg:$0x1];
	p0 =	sne.s32 s2, $0x0  }
0x460: {  	s3 =	rddreg [dreg:$0x2];
	[bflag:$0x3] =	sbarrier.arrive $0xFFFF;
	s2 =	simm.s32 @!p0 $0x1C03  }
0x461: {  	[timem:s3], [sflag:s2] =	dma.local @!p0 [hbm:s0], s1  }
0x462: {  	s0 =	simm.s32 @!p0 $0x3  }
0x463: {  	_ =	swait.ge @!p0 [sflag:s0], s1  }
0x464: {  	s1 =	ssub.s32 @!p0 $0x0, s1;
	[sflag:s0] =	ssyncset.done @!p0 $0x0  }
0x465: {  	[sflag:s0] =	ssyncadd.s32 @!p0 s1  }
0x466: {  	[bflag:$0x3] =	sbarrier.arrive $0xFFFF  }
0x467: {  	_ =	shalt  }

</sc_bundles>
